<compile_context>
chip_gen: v7x
topology: tpu7x:2x2x1
jax: 0.10.2.dev20260603
libtpu: 0.0.44.dev20260713+nightly
codegen_flags: <defaults>
</compile_context>

<pallas_src>
import functools

import jax
import jax.numpy as jnp
from jax import lax
from jax.experimental import pallas as pl
from jax.experimental.pallas import tpu as pltpu
from jax.experimental.pallas import tpu_sc as plsc

EPS = 1e-5
NC, NS, LANES = 2, 16, 16
CH = 128
FB = 64

_SC_PARAMS = pltpu.CompilerParams(use_tc_tiling_on_sc=False)
_TC_PARAMS = pltpu.CompilerParams(vmem_limit_bytes=100 * 1024 * 1024)


def _mesh():
    return plsc.VectorSubcoreMesh(
        core_axis_name="c", subcore_axis_name="s", num_cores=NC, num_subcores=NS
    )


def _make_deg(NP, CD):
    TPB = NP // NS
    DR = NP // 4

    @functools.partial(
        pl.kernel,
        mesh=_mesh(),
        out_type=jax.ShapeDtypeStruct((NC, NP, LANES), jnp.float32),
        scratch_types=[
            pltpu.VMEM((CD, CH), jnp.int32),
            pltpu.VMEM((CH, LANES), jnp.float32),
            pltpu.VMEM((TPB, LANES), jnp.float32),
            pltpu.VMEM((DR, LANES), jnp.float32),
            pltpu.VMEM_SHARED((NP, LANES), jnp.float32),
        ],
        compiler_params=_SC_PARAMS,
    )
    def deg_k(dst_hbm, out_hbm, dst_v, ones_v, zer_v, buf_v, acc):
        c = lax.axis_index("c")
        s = lax.axis_index("s")
        wid = c * NS + s
        one = jnp.full((LANES,), 1.0, jnp.float32)
        zero = jnp.zeros((LANES,), jnp.float32)

        @pl.loop(0, CH)
        def _(i):
            ones_v[i, :] = one

        @pl.loop(0, TPB)
        def _(i):
            zer_v[i, :] = zero

        pltpu.sync_copy(zer_v, acc.at[pl.ds(s * TPB, TPB)])
        pltpu.sync_copy(dst_hbm.at[wid], dst_v)
        plsc.subcore_barrier()

        @pl.loop(0, CD)
        def _(j):
            pltpu.sync_copy(ones_v, acc.at[dst_v.at[j]], add=True)

        plsc.subcore_barrier()

        @pl.when(s < 4)
        def _():
            pltpu.sync_copy(acc.at[pl.ds(s * DR, DR)], buf_v)
            pltpu.sync_copy(buf_v, out_hbm.at[c, pl.ds(s * DR, DR)])

    return deg_k


def _make_agg(NP, CT, NPH):
    TPB = NP // NS
    NFULL = TPB // CH
    REM = TPB - NFULL * CH

    @functools.partial(
        pl.kernel,
        mesh=_mesh(),
        out_type=jax.ShapeDtypeStruct((NPH, NP, NC * FB), jnp.float32),
        scratch_types=[
            pltpu.VMEM((CT, CH), jnp.int32),
            pltpu.VMEM((CT, CH), jnp.int32),
            pltpu.VMEM((2, CH, FB), jnp.float32),
            pltpu.VMEM((CH, FB), jnp.float32),
            pltpu.SemaphoreType.DMA,
            pltpu.SemaphoreType.DMA,
            pltpu.VMEM_SHARED((NP, FB), jnp.float32),
        ],
        compiler_params=_SC_PARAMS,
    )
    def agg_k(table_hbm, src_hbm, dst_hbm, out_hbm,
              src_v, dst_v, rows_v, buf_v, sem0, sem1, acc):
        c = lax.axis_index("c")
        s = lax.axis_index("s")
        base = s * TPB
        sems = (sem0, sem1)

        pltpu.sync_copy(dst_hbm.at[c, s], dst_v)

        for p in range(NPH):
            blk = p * NC + c
            trow = blk * NP + base
            for q in range(NFULL):
                pltpu.sync_copy(table_hbm.at[pl.ds(trow + q * CH, CH)], buf_v)
                pltpu.sync_copy(buf_v, acc.at[pl.ds(base + q * CH, CH)])
            pltpu.sync_copy(table_hbm.at[pl.ds(trow + NFULL * CH, REM)],
                            buf_v.at[pl.ds(0, REM)])
            pltpu.sync_copy(buf_v.at[pl.ds(0, REM)],
                            acc.at[pl.ds(base + NFULL * CH, REM)])
            pltpu.sync_copy(src_hbm.at[p, c, s], src_v)
            plsc.subcore_barrier()

            pltpu.async_copy(table_hbm.at[src_v.at[0]], rows_v.at[0], sem0)
            pltpu.async_copy(table_hbm.at[src_v.at[1]], rows_v.at[1], sem1)

            @pl.loop(0, CT, step=2)
            def _(g):
                for b in range(2):
                    j = g + b
                    pltpu.make_async_copy(
                        table_hbm.at[src_v.at[j]], rows_v.at[b],
                        sems[b]).wait()
                    pltpu.sync_copy(rows_v.at[b], acc.at[dst_v.at[j]],
                                    add=True)
                    jn = j + 2

                    @pl.when(jn < CT)
                    def _():
                        pltpu.async_copy(
                            table_hbm.at[src_v.at[jn]], rows_v.at[b], sems[b])

            plsc.subcore_barrier()
            for q in range(NFULL):
                pltpu.sync_copy(acc.at[pl.ds(base + q * CH, CH)], buf_v)
                pltpu.sync_copy(buf_v, out_hbm.at[p, pl.ds(base + q * CH, CH),
                                                  pl.ds(c * FB, FB)])
            pltpu.sync_copy(acc.at[pl.ds(base + NFULL * CH, REM)],
                            buf_v.at[pl.ds(0, REM)])
            pltpu.sync_copy(buf_v.at[pl.ds(0, REM)],
                            out_hbm.at[p, pl.ds(base + NFULL * CH, REM),
                                       pl.ds(c * FB, FB)])

    return agg_k


def _kb(NP, N):
    def body(deg_ref, x_ref, w1_ref, dinv_ref, t1_ref):
        deg = deg_ref[0] + deg_ref[1] + 1.0
        dinv_all = lax.rsqrt(deg)
        dinv_ref[...] = dinv_all[:, 0:1]
        dinv = dinv_all[0:N, 0:1]
        t1 = jnp.dot(x_ref[...], w1_ref[...],
                     preferred_element_type=jnp.float32) * dinv
        for b in range(NC):
            t1_ref[b, 0:N, :] = t1[:, b * FB:(b + 1) * FB]
            t1_ref[b, N:NP, :] = jnp.zeros((NP - N, FB), jnp.float32)
    return body


def _kd(NP, N):
    def body(agg_ref, dinv_ref, b1_ref, g1_ref, be1_ref, w2_ref, t2_ref):
        dinv = dinv_ref[0:N, :]
        sarr = agg_ref[0, 0:N, :] * dinv + b1_ref[...]
        h = jnp.maximum(sarr, 0.0)
        mu = jnp.mean(h, axis=0, keepdims=True)
        var = jnp.mean((h - mu) ** 2, axis=0, keepdims=True)
        hn = (h - mu) * lax.rsqrt(var + EPS) * g1_ref[...] + be1_ref[...]
        t2 = jnp.dot(hn, w2_ref[...], preferred_element_type=jnp.float32)
        t2 = t2 * dinv
        for b in range(4):
            t2_ref[b, 0:N, :] = t2[:, b * FB:(b + 1) * FB]
            t2_ref[b, N:NP, :] = jnp.zeros((NP - N, FB), jnp.float32)
    return body


def _kf(NP, N, B):
    def body(agg_ref, dinv_ref, b2_ref, g2_ref, be2_ref, batch_ref,
             rdkit_ref, w3e_ref, w3r_ref, b3_ref, g3_ref, be3_ref, w4_ref,
             b4_ref, g4_ref, be4_ref, w5_ref, b5_ref, out_ref):
        dinv = dinv_ref[0:N, :]
        onehot = (batch_ref[...] ==
                  lax.broadcasted_iota(jnp.int32, (B, N), 0)).astype(jnp.float32)
        counts = jnp.dot(onehot, jnp.ones((N, 1), jnp.float32),
                         preferred_element_type=jnp.float32)
        inv = 1.0 / jnp.maximum(counts, 1.0)
        z = jnp.dot(rdkit_ref[...], w3r_ref[...],
                    preferred_element_type=jnp.float32)
        for p in range(NC):
            sarr = agg_ref[p, 0:N, :] * dinv + b2_ref[p]
            h = jnp.maximum(sarr, 0.0)
            mu = jnp.mean(h, axis=0, keepdims=True)
            var = jnp.mean((h - mu) ** 2, axis=0, keepdims=True)
            seg = jnp.dot(onehot, h, preferred_element_type=jnp.float32)
            emb = ((seg * inv - mu) * lax.rsqrt(var + EPS) * g2_ref[p]
                   + be2_ref[p])
            z = z + jnp.dot(emb, w3e_ref[p],
                            preferred_element_type=jnp.float32)
        z = jnp.maximum(z + b3_ref[...], 0.0)
        mu = jnp.mean(z, axis=0, keepdims=True)
        var = jnp.mean((z - mu) ** 2, axis=0, keepdims=True)
        z = (z - mu) * lax.rsqrt(var + EPS) * g3_ref[...] + be3_ref[...]
        z = jnp.maximum(
            jnp.dot(z, w4_ref[...], preferred_element_type=jnp.float32)
            + b4_ref[...], 0.0)
        mu = jnp.mean(z, axis=0, keepdims=True)
        var = jnp.mean((z - mu) ** 2, axis=0, keepdims=True)
        z = (z - mu) * lax.rsqrt(var + EPS) * g4_ref[...] + be4_ref[...]
        out_ref[...] = (jnp.dot(z, w5_ref[...],
                                preferred_element_type=jnp.float32)
                        + b5_ref[...])
    return body


def kernel(x, edge_index, batch, rdkit_feats, W1, b1, gamma1, beta1, W2, b2,
           gamma2, beta2, W3, b3, gamma3, beta3, W4, b4, gamma4, beta4, W5,
           b5):
    N, D = x.shape
    E = edge_index.shape[1]
    B, R = rdkit_feats.shape
    H = W1.shape[1]
    NP = N + 16

    CT = -(-E // (NS * CH))
    CT = CT + (CT % 2)
    EP = NS * CH * CT
    CD = EP // (NC * NS * CH)

    src = edge_index[0].astype(jnp.int32)
    dst = edge_index[1].astype(jnp.int32)
    padv = jnp.full((EP - E,), N, jnp.int32)
    src_p = jnp.concatenate([src, padv])
    dst_p = jnp.concatenate([dst, padv])
    offs1 = jnp.arange(NC, dtype=jnp.int32) * NP
    offs2 = jnp.arange(2 * NC, dtype=jnp.int32) * NP
    src1 = (src_p[None, :] + offs1[:, None]).reshape(1, NC, NS, CT, CH)
    src2 = (src_p[None, :] + offs2[:, None]).reshape(2, NC, NS, CT, CH)
    dst_b = jnp.broadcast_to(dst_p, (NC, EP)).reshape(NC, NS, CT, CH)
    dst_deg = dst_p.reshape(NC * NS, CD, CH)
    batchT = batch.astype(jnp.int32).reshape(1, N)

    deg_parts = _make_deg(NP, CD)(dst_deg)

    dinv, t1 = pl.pallas_call(
        _kb(NP, N),
        out_shape=(
            jax.ShapeDtypeStruct((NP, 1), jnp.float32),
            jax.ShapeDtypeStruct((NC, NP, FB), jnp.float32),
        ),
        compiler_params=_TC_PARAMS,
    )(deg_parts, x, W1)

    agg1 = _make_agg(NP, CT, 1)(t1.reshape(NC * NP, FB), src1, dst_b)

    t2 = pl.pallas_call(
        _kd(NP, N),
        out_shape=jax.ShapeDtypeStruct((4, NP, FB), jnp.float32),
        compiler_params=_TC_PARAMS,
    )(agg1, dinv, b1.reshape(1, H), gamma1.reshape(1, H),
      beta1.reshape(1, H), W2)

    agg2 = _make_agg(NP, CT, 2)(t2.reshape(4 * NP, FB), src2, dst_b)

    out = pl.pallas_call(
        _kf(NP, N, B),
        out_shape=jax.ShapeDtypeStruct((B, 1), jnp.float32),
        compiler_params=_TC_PARAMS,
    )(agg2, dinv, b2.reshape(NC, 1, 2 * FB), gamma2.reshape(NC, 1, 2 * FB),
      beta2.reshape(NC, 1, 2 * FB), batchT, rdkit_feats,
      W3[:B].reshape(NC, 2 * FB, 2 * H), W3[B:], b3.reshape(1, 2 * H),
      gamma3.reshape(1, 2 * H), beta3.reshape(1, 2 * H), W4,
      b4.reshape(1, H), gamma4.reshape(1, H), beta4.reshape(1, H), W5,
      b5.reshape(1, 1))

    return out[:, 0]

# --- scband reference (transcript-rebuilt; emitter-appended) ---
"""Pipeline reference for scband-hybrid-gnn-33423435498155 (READ-ONLY COPY).

The authoritative reference and input builder live on the scoring server;
editing this copy changes nothing except your own understanding.
"""

import jax, jax.numpy as jnp
import numpy as np

EPS = 1e-5

def gcn_conv(x, edge_index, W, b):
    n = x.shape[0]
    h = x @ W
    loop = jnp.arange(n, dtype=edge_index.dtype)
    src = jnp.concatenate([edge_index[0], loop])
    dst = jnp.concatenate([edge_index[1], loop])
    deg = jnp.zeros((n,), dtype=h.dtype).at[dst].add(1.0)
    dinv = jnp.where(deg > 0, jax.lax.rsqrt(jnp.maximum(deg, 1.0)), 0.0)
    norm = dinv[src] * dinv[dst]
    out = jnp.zeros_like(h).at[dst].add(h[src] * norm[:, None])
    return out + b

def batch_norm(x, gamma, beta):
    mu = jnp.mean(x, axis=0)
    var = jnp.var(x, axis=0)
    return (x - mu) * jax.lax.rsqrt(var + EPS) * gamma + beta

def setup_inputs(seed: int = 0) -> dict:
    key = jax.random.key(seed)
    ks = jax.random.split(key, 24)
    N, E, D, B, R, H = 10000, 320000, 128, 256, 200, 128
    inp = {}
    inp['x'] = jax.random.normal(ks[0], (N, D), dtype=jnp.float32)
    inp['edge_index'] = jax.random.randint(ks[1], (2, E), 0, N, dtype=jnp.int64)
    inp['batch'] = jnp.sort(jax.random.randint(ks[2], (N,), 0, B, dtype=jnp.int64))
    inp['rdkit_feats'] = jax.random.normal(ks[3], (B, R), dtype=jnp.float32)
    def lin(k, i, o):
        s = 1.0 / np.sqrt(i)
        return jax.random.uniform(k, (i, o), jnp.float32, -s, s)
    inp['W1'] = lin(ks[4], D, H); inp['b1'] = jnp.zeros((H,), jnp.float32)
    inp['gamma1'] = jnp.ones((H,), jnp.float32); inp['beta1'] = jnp.zeros((H,), jnp.float32)
    inp['W2'] = lin(ks[5], H, 2 * H); inp['b2'] = jnp.zeros((2 * H,), jnp.float32)
    inp['gamma2'] = jnp.ones((2 * H,), jnp.float32); inp['beta2'] = jnp.zeros((2 * H,), jnp.float32)
    inp['W3'] = lin(ks[6], 2 * H + R, 2 * H); inp['b3'] = jnp.zeros((2 * H,), jnp.float32)
    inp['gamma3'] = jnp.ones((2 * H,), jnp.float32); inp['beta3'] = jnp.zeros((2 * H,), jnp.float32)
    inp['W4'] = lin(ks[7], 2 * H, H); inp['b4'] = jnp.zeros((H,), jnp.float32)
    inp['gamma4'] = jnp.ones((H,), jnp.float32); inp['beta4'] = jnp.zeros((H,), jnp.float32)
    inp['W5'] = lin(ks[8], H, 1); inp['b5'] = jnp.zeros((1,), jnp.float32)
    return inp

def reference(x, edge_index, batch, rdkit_feats, W1, b1, gamma1, beta1, W2, b2, gamma2, beta2, W3, b3, gamma3, beta3, W4, b4, gamma4, beta4, W5, b5):
    B = rdkit_feats.shape[0]
    h = jax.nn.relu(gcn_conv(x, edge_index, W1, b1))
    h = batch_norm(h, gamma1, beta1)
    h = jax.nn.relu(gcn_conv(h, edge_index, W2, b2))
    h = batch_norm(h, gamma2, beta2)
    seg_sum = jax.ops.segment_sum(h, batch, num_segments=B)
    counts = jax.ops.segment_sum(jnp.ones((h.shape[0],), h.dtype), batch, num_segments=B)
    graph_emb = seg_sum / jnp.maximum(counts, 1.0)[:, None]
    z = jnp.concatenate([graph_emb, rdkit_feats], axis=1)
    z = jax.nn.relu(z @ W3 + b3)
    z = batch_norm(z, gamma3, beta3)
    z = jax.nn.relu(z @ W4 + b4)
    z = batch_norm(z, gamma4, beta4)
    out = z @ W5 + b5
    return jnp.squeeze(out, axis=-1)

if __name__ == "__main__":
    import jax
    _d = setup_inputs()
    print(jax.jit(kernel)(*tuple(_d.values())))

</pallas_src>

<mosaic_0001>
#map = affine_map<(d0, d1) -> (0, 0, 0)>
module attributes {stable_mosaic.version = 14 : i64} {
  func.func @deg_k(%arg0: i32, %arg1: i32, %arg2: memref<32x79x128xi32, #tpu.memory_space<hbm>>, %arg3: memref<2x10016x16xf32, #tpu.memory_space<hbm>>, %arg4: memref<79x128xi32, #tpu.memory_space<vmem>>, %arg5: memref<128x16xf32, #tpu.memory_space<vmem>>, %arg6: memref<626x16xf32, #tpu.memory_space<vmem>>, %arg7: memref<2504x16xf32, #tpu.memory_space<vmem>>, %arg8: memref<10016x16xf32, #tpu.memory_space<vmem_shared>>) attributes {dimension_semantics = [#tpu.dimension_semantics<core_parallel>, #tpu.dimension_semantics<subcore_parallel>], iteration_bounds = array<i64: 2, 16>, scalar_prefetch = 0 : i64, scratch_operands = 5 : i64, tpu.core_type = #tpu.core_type<sc_vector_subcore>, window_params = [{transform_indices = #map}, {transform_indices = #map}]} {
    %mul3A = arith.constant 16 : i32
    %mul3A_0 = arith.muli %arg0, %mul3A : i32
    %add3A = arith.addi %mul3A_0, %arg1 : i32
    %broadcast_in_dim3A = arith.constant 1.000000e+00 : f32
    %broadcast_in_dim3A_1 = vector.broadcast %broadcast_in_dim3A : f32 to vector<16xf32>
    %broadcast_in_dim3A_2 = arith.constant 0.000000e+00 : f32
    %broadcast_in_dim3A_3 = vector.broadcast %broadcast_in_dim3A_2 : f32 to vector<16xf32>
    %scan3A = arith.constant 0 : i32
    %scan3A_4 = arith.constant 128 : i32
    %scan3A_5 = arith.addi %scan3A, %scan3A_4 : i32
    %scan3A_6 = arith.constant 1 : i32
    scf.for %scan3A_23 = %scan3A to %scan3A_5 step %scan3A_6  : i32 {
      %mul3A_24 = arith.constant 1 : i32
      %mul3A_25 = arith.muli %scan3A_23, %mul3A_24 : i32
      %add3A_26 = arith.constant 0 : i32
      %add3A_27 = arith.addi %add3A_26, %mul3A_25 : i32
      %swap3A = arith.index_cast %add3A_27 : i32 to index
      %swap3A_28 = arith.constant 0 : index
      %swap3A_29 = tpu.vector_load %arg5[%swap3A, %swap3A_28] {strides = array<i32>} : memref<128x16xf32, #tpu.memory_space<vmem>>, vector<1x16xf32>,
      %swap3A_30 = vector.shape_cast %swap3A_29 : vector<1x16xf32> to vector<16xf32>
      %swap3A_31 = vector.shape_cast %broadcast_in_dim3A_1 : vector<16xf32> to vector<1x16xf32>
      tpu.vector_store %arg5[%swap3A, %swap3A_28], %swap3A_31 {strides = array<i32>} : memref<128x16xf32, #tpu.memory_space<vmem>>, vector<1x16xf32>,
    }
    %scan3A_7 = arith.constant 128 : i32
    %scan3A_8 = arith.constant 0 : i32
    %scan3A_9 = arith.constant 626 : i32
    %scan3A_10 = arith.addi %scan3A_8, %scan3A_9 : i32
    %scan3A_11 = arith.constant 1 : i32
    scf.for %scan3A_23 = %scan3A_8 to %scan3A_10 step %scan3A_11  : i32 {
      %mul3A_24 = arith.constant 1 : i32
      %mul3A_25 = arith.muli %scan3A_23, %mul3A_24 : i32
      %add3A_26 = arith.constant 0 : i32
      %add3A_27 = arith.addi %add3A_26, %mul3A_25 : i32
      %swap3A = arith.index_cast %add3A_27 : i32 to index
      %swap3A_28 = arith.constant 0 : index
      %swap3A_29 = tpu.vector_load %arg6[%swap3A, %swap3A_28] {strides = array<i32>} : memref<626x16xf32, #tpu.memory_space<vmem>>, vector<1x16xf32>,
      %swap3A_30 = vector.shape_cast %swap3A_29 : vector<1x16xf32> to vector<16xf32>
      %swap3A_31 = vector.shape_cast %broadcast_in_dim3A_3 : vector<16xf32> to vector<1x16xf32>
      tpu.vector_store %arg6[%swap3A, %swap3A_28], %swap3A_31 {strides = array<i32>} : memref<626x16xf32, #tpu.memory_space<vmem>>, vector<1x16xf32>,
    }
    %scan3A_12 = arith.constant 626 : i32
    %mul3A_13 = arith.constant 626 : i32
    %mul3A_14 = arith.muli %arg1, %mul3A_13 : i32
    "tpu.region"() ({
      %run_scoped3A = tpu.sem_alloc : memref<!tpu.dma_semaphore, #tpu.memory_space<semaphore_mem>>
      %dma_start3A = arith.constant 0 : i32
      %dma_start3A_23 = tpu.memref_slice %arg8[%mul3A_14, %dma_start3A] : memref<10016x16xf32, #tpu.memory_space<vmem_shared>> -> memref<626x16xf32, #tpu.memory_space<vmem_shared>>
      %dma_start3A_24 = arith.constant 0 : i32
      %dma_start3A_25 = tpu.memref_slice %arg8[%mul3A_14, %dma_start3A_24] : memref<10016x16xf32, #tpu.memory_space<vmem_shared>> -> memref<626x16xf32, #tpu.memory_space<vmem_shared>>
      tpu.enqueue_dma source(%arg6 : memref<626x16xf32, #tpu.memory_space<vmem>>) target(%dma_start3A_25 : memref<626x16xf32, #tpu.memory_space<vmem_shared>>) target_semaphore(%run_scoped3A : memref<!tpu.dma_semaphore, #tpu.memory_space<semaphore_mem>>)
      %dma_wait3A = arith.constant 0 : i32
      %dma_wait3A_26 = tpu.memref_slice %arg8[%mul3A_14, %dma_wait3A] : memref<10016x16xf32, #tpu.memory_space<vmem_shared>> -> memref<626x16xf32, #tpu.memory_space<vmem_shared>>
      %dma_wait3A_27 = arith.constant 0 : i32
      %dma_wait3A_28 = tpu.memref_slice %arg8[%mul3A_14, %dma_wait3A_27] : memref<10016x16xf32, #tpu.memory_space<vmem_shared>> -> memref<626x16xf32, #tpu.memory_space<vmem_shared>>
      tpu.wait_dma2 semaphore(%run_scoped3A : memref<!tpu.dma_semaphore, #tpu.memory_space<semaphore_mem>>) src(%arg6 : memref<626x16xf32, #tpu.memory_space<vmem>>) dst(%dma_wait3A_28 : memref<626x16xf32, #tpu.memory_space<vmem_shared>>)
      tpu.yield
    }) : () -> ()
    "tpu.region"() ({
      %run_scoped3A = tpu.sem_alloc : memref<!tpu.dma_semaphore, #tpu.memory_space<semaphore_mem>>
      %dma_start3A = arith.constant 0 : i32
      %dma_start3A_23 = arith.constant 0 : i32
      %dma_start3A_24 = tpu.memref_slice %arg2[%add3A, %dma_start3A, %dma_start3A_23] : memref<32x79x128xi32, #tpu.memory_space<hbm>> -> memref<1x79x128xi32, #tpu.memory_space<hbm>>
      %dma_start3A_25 = tpu.memref_squeeze %dma_start3A_24 : memref<1x79x128xi32, #tpu.memory_space<hbm>> -> memref<79x128xi32, #tpu.memory_space<hbm>>
      %dma_start3A_26 = arith.constant 0 : i32
      %dma_start3A_27 = arith.constant 0 : i32
      %dma_start3A_28 = tpu.memref_slice %arg2[%add3A, %dma_start3A_26, %dma_start3A_27] : memref<32x79x128xi32, #tpu.memory_space<hbm>> -> memref<1x79x128xi32, #tpu.memory_space<hbm>>
      %dma_start3A_29 = tpu.memref_squeeze %dma_start3A_28 : memref<1x79x128xi32, #tpu.memory_space<hbm>> -> memref<79x128xi32, #tpu.memory_space<hbm>>
      tpu.enqueue_dma source(%dma_start3A_29 : memref<79x128xi32, #tpu.memory_space<hbm>>) target(%arg4 : memref<79x128xi32, #tpu.memory_space<vmem>>) target_semaphore(%run_scoped3A : memref<!tpu.dma_semaphore, #tpu.memory_space<semaphore_mem>>)
      %dma_wait3A = arith.constant 0 : i32
      %dma_wait3A_30 = arith.constant 0 : i32
      %dma_wait3A_31 = tpu.memref_slice %arg2[%add3A, %dma_wait3A, %dma_wait3A_30] : memref<32x79x128xi32, #tpu.memory_space<hbm>> -> memref<1x79x128xi32, #tpu.memory_space<hbm>>
      %dma_wait3A_32 = tpu.memref_squeeze %dma_wait3A_31 : memref<1x79x128xi32, #tpu.memory_space<hbm>> -> memref<79x128xi32, #tpu.memory_space<hbm>>
      %dma_wait3A_33 = arith.constant 0 : i32
      %dma_wait3A_34 = arith.constant 0 : i32
      %dma_wait3A_35 = tpu.memref_slice %arg2[%add3A, %dma_wait3A_33, %dma_wait3A_34] : memref<32x79x128xi32, #tpu.memory_space<hbm>> -> memref<1x79x128xi32, #tpu.memory_space<hbm>>
      %dma_wait3A_36 = tpu.memref_squeeze %dma_wait3A_35 : memref<1x79x128xi32, #tpu.memory_space<hbm>> -> memref<79x128xi32, #tpu.memory_space<hbm>>
      tpu.wait_dma2 semaphore(%run_scoped3A : memref<!tpu.dma_semaphore, #tpu.memory_space<semaphore_mem>>) src(%dma_wait3A_36 : memref<79x128xi32, #tpu.memory_space<hbm>>) dst(%arg4 : memref<79x128xi32, #tpu.memory_space<vmem>>)
      tpu.yield
    }) : () -> ()
    %barrier3A = arith.constant 0 : index
    tpu.barrier barrier_id(%barrier3A)
    %scan3A_15 = arith.constant 0 : i32
    %scan3A_16 = arith.constant 79 : i32
    %scan3A_17 = arith.addi %scan3A_15, %scan3A_16 : i32
    %scan3A_18 = arith.constant 1 : i32
    scf.for %scan3A_23 = %scan3A_15 to %scan3A_17 step %scan3A_18  : i32 {
      %mul3A_24 = arith.constant 1 : i32
      %mul3A_25 = arith.muli %scan3A_23, %mul3A_24 : i32
      %add3A_26 = arith.constant 0 : i32
      %add3A_27 = arith.addi %add3A_26, %mul3A_25 : i32
      "tpu.region"() ({
        %run_scoped3A = tpu.sem_alloc : memref<!tpu.dma_semaphore, #tpu.memory_space<semaphore_mem>>
        %dma_start3A = arith.constant 0 : i32
        %dma_start3A_28 = tpu.memref_slice %arg4[%add3A_27, %dma_start3A] : memref<79x128xi32, #tpu.memory_space<vmem>> -> memref<1x128xi32, #tpu.memory_space<vmem>>
        %dma_start3A_29 = tpu.memref_squeeze %dma_start3A_28 : memref<1x128xi32, #tpu.memory_space<vmem>> -> memref<128xi32, #tpu.memory_space<vmem>>
        %dma_start3A_30 = arith.constant 0 : i32
        %dma_start3A_31 = arith.constant 0 : i32
        %dma_start3A_32 = tpu.memref_slice %arg8[%dma_start3A_30, %dma_start3A_31] : memref<10016x16xf32, #tpu.memory_space<vmem_shared>> -> memref<10016x16xf32, #tpu.memory_space<vmem_shared>>
        tpu.enqueue_indirect_dma source(%arg5 : memref<128x16xf32, #tpu.memory_space<vmem>>) target(%dma_start3A_32 : memref<10016x16xf32, #tpu.memory_space<vmem_shared>>) offsets(%dma_start3A_29 : memref<128xi32, #tpu.memory_space<vmem>>) semaphore(%run_scoped3A : memref<!tpu.dma_semaphore, #tpu.memory_space<semaphore_mem>>) {add = true}
        %dma_wait3A = arith.constant 0 : i32
        %dma_wait3A_33 = tpu.memref_slice %arg4[%add3A_27, %dma_wait3A] : memref<79x128xi32, #tpu.memory_space<vmem>> -> memref<1x128xi32, #tpu.memory_space<vmem>>
        %dma_wait3A_34 = tpu.memref_squeeze %dma_wait3A_33 : memref<1x128xi32, #tpu.memory_space<vmem>> -> memref<128xi32, #tpu.memory_space<vmem>>
        %dma_wait3A_35 = arith.constant 0 : i32
        %dma_wait3A_36 = arith.constant 0 : i32
        %dma_wait3A_37 = tpu.memref_slice %arg8[%dma_wait3A_35, %dma_wait3A_36] : memref<10016x16xf32, #tpu.memory_space<vmem_shared>> -> memref<10016x16xf32, #tpu.memory_space<vmem_shared>>
        tpu.wait_indirect_dma semaphore(%run_scoped3A : memref<!tpu.dma_semaphore, #tpu.memory_space<semaphore_mem>>) src(%arg5 : memref<128x16xf32, #tpu.memory_space<vmem>>) dst(%dma_wait3A_37 : memref<10016x16xf32, #tpu.memory_space<vmem_shared>>)
        tpu.yield
      }) : () -> ()
    }
    %scan3A_19 = arith.constant 79 : i32
    %barrier3A_20 = arith.constant 0 : index
    tpu.barrier barrier_id(%barrier3A_20)
    %lt3A = arith.constant 4 : i32
    %lt3A_21 = arith.cmpi slt, %arg1, %lt3A : i32
    %convert_element_type3A = arith.extui %lt3A_21 : i1 to i32
    %cond3A = arith.constant 0 : i32
    %cond3A_22 = arith.cmpi ne, %convert_element_type3A, %cond3A : i32
    scf.if %cond3A_22 {
      %mul3A_23 = arith.constant 2504 : i32
      %mul3A_24 = arith.muli %arg1, %mul3A_23 : i32
      "tpu.region"() ({
        %run_scoped3A = tpu.sem_alloc : memref<!tpu.dma_semaphore, #tpu.memory_space<semaphore_mem>>
        %dma_start3A = arith.constant 0 : i32
        %dma_start3A_27 = tpu.memref_slice %arg8[%mul3A_24, %dma_start3A] : memref<10016x16xf32, #tpu.memory_space<vmem_shared>> -> memref<2504x16xf32, #tpu.memory_space<vmem_shared>>
        %dma_start3A_28 = arith.constant 0 : i32
        %dma_start3A_29 = tpu.memref_slice %arg8[%mul3A_24, %dma_start3A_28] : memref<10016x16xf32, #tpu.memory_space<vmem_shared>> -> memref<2504x16xf32, #tpu.memory_space<vmem_shared>>
        tpu.enqueue_dma source(%dma_start3A_29 : memref<2504x16xf32, #tpu.memory_space<vmem_shared>>) target(%arg7 : memref<2504x16xf32, #tpu.memory_space<vmem>>) target_semaphore(%run_scoped3A : memref<!tpu.dma_semaphore, #tpu.memory_space<semaphore_mem>>)
        %dma_wait3A = arith.constant 0 : i32
        %dma_wait3A_30 = tpu.memref_slice %arg8[%mul3A_24, %dma_wait3A] : memref<10016x16xf32, #tpu.memory_space<vmem_shared>> -> memref<2504x16xf32, #tpu.memory_space<vmem_shared>>
        %dma_wait3A_31 = arith.constant 0 : i32
        %dma_wait3A_32 = tpu.memref_slice %arg8[%mul3A_24, %dma_wait3A_31] : memref<10016x16xf32, #tpu.memory_space<vmem_shared>> -> memref<2504x16xf32, #tpu.memory_space<vmem_shared>>
        tpu.wait_dma2 semaphore(%run_scoped3A : memref<!tpu.dma_semaphore, #tpu.memory_space<semaphore_mem>>) src(%dma_wait3A_32 : memref<2504x16xf32, #tpu.memory_space<vmem_shared>>) dst(%arg7 : memref<2504x16xf32, #tpu.memory_space<vmem>>)
        tpu.yield
      }) : () -> ()
      %mul3A_25 = arith.constant 2504 : i32
      %mul3A_26 = arith.muli %arg1, %mul3A_25 : i32
      "tpu.region"() ({
        %run_scoped3A = tpu.sem_alloc : memref<!tpu.dma_semaphore, #tpu.memory_space<semaphore_mem>>
        %dma_start3A = arith.constant 0 : i32
        %dma_start3A_27 = tpu.memref_slice %arg3[%arg0, %mul3A_26, %dma_start3A] : memref<2x10016x16xf32, #tpu.memory_space<hbm>> -> memref<1x2504x16xf32, #tpu.memory_space<hbm>>
        %dma_start3A_28 = tpu.memref_squeeze %dma_start3A_27 : memref<1x2504x16xf32, #tpu.memory_space<hbm>> -> memref<2504x16xf32, #tpu.memory_space<hbm>>
        %dma_start3A_29 = arith.constant 0 : i32
        %dma_start3A_30 = tpu.memref_slice %arg3[%arg0, %mul3A_26, %dma_start3A_29] : memref<2x10016x16xf32, #tpu.memory_space<hbm>> -> memref<1x2504x16xf32, #tpu.memory_space<hbm>>
        %dma_start3A_31 = tpu.memref_squeeze %dma_start3A_30 : memref<1x2504x16xf32, #tpu.memory_space<hbm>> -> memref<2504x16xf32, #tpu.memory_space<hbm>>
        tpu.enqueue_dma source(%arg7 : memref<2504x16xf32, #tpu.memory_space<vmem>>) target(%dma_start3A_31 : memref<2504x16xf32, #tpu.memory_space<hbm>>) target_semaphore(%run_scoped3A : memref<!tpu.dma_semaphore, #tpu.memory_space<semaphore_mem>>)
        %dma_wait3A = arith.constant 0 : i32
        %dma_wait3A_32 = tpu.memref_slice %arg3[%arg0, %mul3A_26, %dma_wait3A] : memref<2x10016x16xf32, #tpu.memory_space<hbm>> -> memref<1x2504x16xf32, #tpu.memory_space<hbm>>
        %dma_wait3A_33 = tpu.memref_squeeze %dma_wait3A_32 : memref<1x2504x16xf32, #tpu.memory_space<hbm>> -> memref<2504x16xf32, #tpu.memory_space<hbm>>
        %dma_wait3A_34 = arith.constant 0 : i32
        %dma_wait3A_35 = tpu.memref_slice %arg3[%arg0, %mul3A_26, %dma_wait3A_34] : memref<2x10016x16xf32, #tpu.memory_space<hbm>> -> memref<1x2504x16xf32, #tpu.memory_space<hbm>>
        %dma_wait3A_36 = tpu.memref_squeeze %dma_wait3A_35 : memref<1x2504x16xf32, #tpu.memory_space<hbm>> -> memref<2504x16xf32, #tpu.memory_space<hbm>>
        tpu.wait_dma2 semaphore(%run_scoped3A : memref<!tpu.dma_semaphore, #tpu.memory_space<semaphore_mem>>) src(%arg7 : memref<2504x16xf32, #tpu.memory_space<vmem>>) dst(%dma_wait3A_36 : memref<2504x16xf32, #tpu.memory_space<hbm>>)
        tpu.yield
      }) : () -> ()
    } else {
    }
    return
  }
}

#map = affine_map<(d0, d1) -> (0, 0)>
#map1 = affine_map<(d0, d1) -> (0, 0, 0, 0, 0)>
#map2 = affine_map<(d0, d1) -> (0, 0, 0, 0)>
#map3 = affine_map<(d0, d1) -> (0, 0, 0)>
module attributes {stable_mosaic.version = 14 : i64} {
  func.func @agg_k(%arg0: i32, %arg1: i32, %arg2: memref<20032x64xf32, #tpu.memory_space<hbm>>, %arg3: memref<1x2x16x158x128xi32, #tpu.memory_space<hbm>>, %arg4: memref<2x16x158x128xi32, #tpu.memory_space<hbm>>, %arg5: memref<1x10016x128xf32, #tpu.memory_space<hbm>>, %arg6: memref<158x128xi32, #tpu.memory_space<vmem>>, %arg7: memref<158x128xi32, #tpu.memory_space<vmem>>, %arg8: memref<2x128x64xf32, #tpu.memory_space<vmem>>, %arg9: memref<128x64xf32, #tpu.memory_space<vmem>>, %arg10: memref<!tpu.dma_semaphore, #tpu.memory_space<semaphore_mem>>, %arg11: memref<!tpu.dma_semaphore, #tpu.memory_space<semaphore_mem>>, %arg12: memref<10016x64xf32, #tpu.memory_space<vmem_shared>>) attributes {dimension_semantics = [#tpu.dimension_semantics<core_parallel>, #tpu.dimension_semantics<subcore_parallel>], iteration_bounds = array<i64: 2, 16>, scalar_prefetch = 0 : i64, scratch_operands = 7 : i64, tpu.core_type = #tpu.core_type<sc_vector_subcore>, window_params = [{transform_indices = #map}, {transform_indices = #map1}, {transform_indices = #map2}, {transform_indices = #map3}]} {
    %mul3A = arith.constant 626 : i32
    %mul3A_0 = arith.muli %arg1, %mul3A : i32
    "tpu.region"() ({
      %run_scoped3A_88 = tpu.sem_alloc : memref<!tpu.dma_semaphore, #tpu.memory_space<semaphore_mem>>
      %dma_start3A_89 = arith.constant 0 : i32
      %dma_start3A_90 = arith.constant 0 : i32
      %dma_start3A_91 = tpu.memref_slice %arg4[%arg0, %arg1, %dma_start3A_89, %dma_start3A_90] : memref<2x16x158x128xi32, #tpu.memory_space<hbm>> -> memref<1x1x158x128xi32, #tpu.memory_space<hbm>>
      %dma_start3A_92 = tpu.memref_squeeze %dma_start3A_91 : memref<1x1x158x128xi32, #tpu.memory_space<hbm>> -> memref<158x128xi32, #tpu.memory_space<hbm>>
      %dma_start3A_93 = arith.constant 0 : i32
      %dma_start3A_94 = arith.constant 0 : i32
      %dma_start3A_95 = tpu.memref_slice %arg4[%arg0, %arg1, %dma_start3A_93, %dma_start3A_94] : memref<2x16x158x128xi32, #tpu.memory_space<hbm>> -> memref<1x1x158x128xi32, #tpu.memory_space<hbm>>
      %dma_start3A_96 = tpu.memref_squeeze %dma_start3A_95 : memref<1x1x158x128xi32, #tpu.memory_space<hbm>> -> memref<158x128xi32, #tpu.memory_space<hbm>>
      tpu.enqueue_dma source(%dma_start3A_96 : memref<158x128xi32, #tpu.memory_space<hbm>>) target(%arg7 : memref<158x128xi32, #tpu.memory_space<vmem>>) target_semaphore(%run_scoped3A_88 : memref<!tpu.dma_semaphore, #tpu.memory_space<semaphore_mem>>)
      %dma_wait3A = arith.constant 0 : i32
      %dma_wait3A_97 = arith.constant 0 : i32
      %dma_wait3A_98 = tpu.memref_slice %arg4[%arg0, %arg1, %dma_wait3A, %dma_wait3A_97] : memref<2x16x158x128xi32, #tpu.memory_space<hbm>> -> memref<1x1x158x128xi32, #tpu.memory_space<hbm>>
      %dma_wait3A_99 = tpu.memref_squeeze %dma_wait3A_98 : memref<1x1x158x128xi32, #tpu.memory_space<hbm>> -> memref<158x128xi32, #tpu.memory_space<hbm>>
      %dma_wait3A_100 = arith.constant 0 : i32
      %dma_wait3A_101 = arith.constant 0 : i32
      %dma_wait3A_102 = tpu.memref_slice %arg4[%arg0, %arg1, %dma_wait3A_100, %dma_wait3A_101] : memref<2x16x158x128xi32, #tpu.memory_space<hbm>> -> memref<1x1x158x128xi32, #tpu.memory_space<hbm>>
      %dma_wait3A_103 = tpu.memref_squeeze %dma_wait3A_102 : memref<1x1x158x128xi32, #tpu.memory_space<hbm>> -> memref<158x128xi32, #tpu.memory_space<hbm>>
      tpu.wait_dma2 semaphore(%run_scoped3A_88 : memref<!tpu.dma_semaphore, #tpu.memory_space<semaphore_mem>>) src(%dma_wait3A_103 : memref<158x128xi32, #tpu.memory_space<hbm>>) dst(%arg7 : memref<158x128xi32, #tpu.memory_space<vmem>>)
      tpu.yield
    }) : () -> ()
    %add3A = arith.constant 0 : i32
    %add3A_1 = arith.addi %add3A, %arg0 : i32
    %mul3A_2 = arith.constant 10016 : i32
    %mul3A_3 = arith.muli %add3A_1, %mul3A_2 : i32
    %add3A_4 = arith.addi %mul3A_3, %mul3A_0 : i32
    %add3A_5 = arith.constant 0 : i32
    %add3A_6 = arith.addi %add3A_4, %add3A_5 : i32
    "tpu.region"() ({
      %run_scoped3A_88 = tpu.sem_alloc : memref<!tpu.dma_semaphore, #tpu.memory_space<semaphore_mem>>
      %dma_start3A_89 = arith.constant 0 : i32
      %dma_start3A_90 = tpu.memref_slice %arg2[%add3A_6, %dma_start3A_89] : memref<20032x64xf32, #tpu.memory_space<hbm>> -> memref<128x64xf32, #tpu.memory_space<hbm>>
      %dma_start3A_91 = arith.constant 0 : i32
      %dma_start3A_92 = tpu.memref_slice %arg2[%add3A_6, %dma_start3A_91] : memref<20032x64xf32, #tpu.memory_space<hbm>> -> memref<128x64xf32, #tpu.memory_space<hbm>>
      tpu.enqueue_dma source(%dma_start3A_92 : memref<128x64xf32, #tpu.memory_space<hbm>>) target(%arg9 : memref<128x64xf32, #tpu.memory_space<vmem>>) target_semaphore(%run_scoped3A_88 : memref<!tpu.dma_semaphore, #tpu.memory_space<semaphore_mem>>)
      %dma_wait3A = arith.constant 0 : i32
      %dma_wait3A_93 = tpu.memref_slice %arg2[%add3A_6, %dma_wait3A] : memref<20032x64xf32, #tpu.memory_space<hbm>> -> memref<128x64xf32, #tpu.memory_space<hbm>>
      %dma_wait3A_94 = arith.constant 0 : i32
      %dma_wait3A_95 = tpu.memref_slice %arg2[%add3A_6, %dma_wait3A_94] : memref<20032x64xf32, #tpu.memory_space<hbm>> -> memref<128x64xf32, #tpu.memory_space<hbm>>
      tpu.wait_dma2 semaphore(%run_scoped3A_88 : memref<!tpu.dma_semaphore, #tpu.memory_space<semaphore_mem>>) src(%dma_wait3A_95 : memref<128x64xf32, #tpu.memory_space<hbm>>) dst(%arg9 : memref<128x64xf32, #tpu.memory_space<vmem>>)
      tpu.yield
    }) : () -> ()
    %add3A_7 = arith.constant 0 : i32
    %add3A_8 = arith.addi %mul3A_0, %add3A_7 : i32
    "tpu.region"() ({
      %run_scoped3A_88 = tpu.sem_alloc : memref<!tpu.dma_semaphore, #tpu.memory_space<semaphore_mem>>
      %dma_start3A_89 = arith.constant 0 : i32
      %dma_start3A_90 = tpu.memref_slice %arg12[%add3A_8, %dma_start3A_89] : memref<10016x64xf32, #tpu.memory_space<vmem_shared>> -> memref<128x64xf32, #tpu.memory_space<vmem_shared>>
      %dma_start3A_91 = arith.constant 0 : i32
      %dma_start3A_92 = tpu.memref_slice %arg12[%add3A_8, %dma_start3A_91] : memref<10016x64xf32, #tpu.memory_space<vmem_shared>> -> memref<128x64xf32, #tpu.memory_space<vmem_shared>>
      tpu.enqueue_dma source(%arg9 : memref<128x64xf32, #tpu.memory_space<vmem>>) target(%dma_start3A_92 : memref<128x64xf32, #tpu.memory_space<vmem_shared>>) target_semaphore(%run_scoped3A_88 : memref<!tpu.dma_semaphore, #tpu.memory_space<semaphore_mem>>)
      %dma_wait3A = arith.constant 0 : i32
      %dma_wait3A_93 = tpu.memref_slice %arg12[%add3A_8, %dma_wait3A] : memref<10016x64xf32, #tpu.memory_space<vmem_shared>> -> memref<128x64xf32, #tpu.memory_space<vmem_shared>>
      %dma_wait3A_94 = arith.constant 0 : i32
      %dma_wait3A_95 = tpu.memref_slice %arg12[%add3A_8, %dma_wait3A_94] : memref<10016x64xf32, #tpu.memory_space<vmem_shared>> -> memref<128x64xf32, #tpu.memory_space<vmem_shared>>
      tpu.wait_dma2 semaphore(%run_scoped3A_88 : memref<!tpu.dma_semaphore, #tpu.memory_space<semaphore_mem>>) src(%arg9 : memref<128x64xf32, #tpu.memory_space<vmem>>) dst(%dma_wait3A_95 : memref<128x64xf32, #tpu.memory_space<vmem_shared>>)
      tpu.yield
    }) : () -> ()
    %add3A_9 = arith.constant 128 : i32
    %add3A_10 = arith.addi %add3A_4, %add3A_9 : i32
    "tpu.region"() ({
      %run_scoped3A_88 = tpu.sem_alloc : memref<!tpu.dma_semaphore, #tpu.memory_space<semaphore_mem>>
      %dma_start3A_89 = arith.constant 0 : i32
      %dma_start3A_90 = tpu.memref_slice %arg2[%add3A_10, %dma_start3A_89] : memref<20032x64xf32, #tpu.memory_space<hbm>> -> memref<128x64xf32, #tpu.memory_space<hbm>>
      %dma_start3A_91 = arith.constant 0 : i32
      %dma_start3A_92 = tpu.memref_slice %arg2[%add3A_10, %dma_start3A_91] : memref<20032x64xf32, #tpu.memory_space<hbm>> -> memref<128x64xf32, #tpu.memory_space<hbm>>
      tpu.enqueue_dma source(%dma_start3A_92 : memref<128x64xf32, #tpu.memory_space<hbm>>) target(%arg9 : memref<128x64xf32, #tpu.memory_space<vmem>>) target_semaphore(%run_scoped3A_88 : memref<!tpu.dma_semaphore, #tpu.memory_space<semaphore_mem>>)
      %dma_wait3A = arith.constant 0 : i32
      %dma_wait3A_93 = tpu.memref_slice %arg2[%add3A_10, %dma_wait3A] : memref<20032x64xf32, #tpu.memory_space<hbm>> -> memref<128x64xf32, #tpu.memory_space<hbm>>
      %dma_wait3A_94 = arith.constant 0 : i32
      %dma_wait3A_95 = tpu.memref_slice %arg2[%add3A_10, %dma_wait3A_94] : memref<20032x64xf32, #tpu.memory_space<hbm>> -> memref<128x64xf32, #tpu.memory_space<hbm>>
      tpu.wait_dma2 semaphore(%run_scoped3A_88 : memref<!tpu.dma_semaphore, #tpu.memory_space<semaphore_mem>>) src(%dma_wait3A_95 : memref<128x64xf32, #tpu.memory_space<hbm>>) dst(%arg9 : memref<128x64xf32, #tpu.memory_space<vmem>>)
      tpu.yield
    }) : () -> ()
    %add3A_11 = arith.constant 128 : i32
    %add3A_12 = arith.addi %mul3A_0, %add3A_11 : i32
    "tpu.region"() ({
      %run_scoped3A_88 = tpu.sem_alloc : memref<!tpu.dma_semaphore, #tpu.memory_space<semaphore_mem>>
      %dma_start3A_89 = arith.constant 0 : i32
      %dma_start3A_90 = tpu.memref_slice %arg12[%add3A_12, %dma_start3A_89] : memref<10016x64xf32, #tpu.memory_space<vmem_shared>> -> memref<128x64xf32, #tpu.memory_space<vmem_shared>>
      %dma_start3A_91 = arith.constant 0 : i32
      %dma_start3A_92 = tpu.memref_slice %arg12[%add3A_12, %dma_start3A_91] : memref<10016x64xf32, #tpu.memory_space<vmem_shared>> -> memref<128x64xf32, #tpu.memory_space<vmem_shared>>
      tpu.enqueue_dma source(%arg9 : memref<128x64xf32, #tpu.memory_space<vmem>>) target(%dma_start3A_92 : memref<128x64xf32, #tpu.memory_space<vmem_shared>>) target_semaphore(%run_scoped3A_88 : memref<!tpu.dma_semaphore, #tpu.memory_space<semaphore_mem>>)
      %dma_wait3A = arith.constant 0 : i32
      %dma_wait3A_93 = tpu.memref_slice %arg12[%add3A_12, %dma_wait3A] : memref<10016x64xf32, #tpu.memory_space<vmem_shared>> -> memref<128x64xf32, #tpu.memory_space<vmem_shared>>
      %dma_wait3A_94 = arith.constant 0 : i32
      %dma_wait3A_95 = tpu.memref_slice %arg12[%add3A_12, %dma_wait3A_94] : memref<10016x64xf32, #tpu.memory_space<vmem_shared>> -> memref<128x64xf32, #tpu.memory_space<vmem_shared>>
      tpu.wait_dma2 semaphore(%run_scoped3A_88 : memref<!tpu.dma_semaphore, #tpu.memory_space<semaphore_mem>>) src(%arg9 : memref<128x64xf32, #tpu.memory_space<vmem>>) dst(%dma_wait3A_95 : memref<128x64xf32, #tpu.memory_space<vmem_shared>>)
      tpu.yield
    }) : () -> ()
    %add3A_13 = arith.constant 256 : i32
    %add3A_14 = arith.addi %add3A_4, %add3A_13 : i32
    "tpu.region"() ({
      %run_scoped3A_88 = tpu.sem_alloc : memref<!tpu.dma_semaphore, #tpu.memory_space<semaphore_mem>>
      %dma_start3A_89 = arith.constant 0 : i32
      %dma_start3A_90 = tpu.memref_slice %arg2[%add3A_14, %dma_start3A_89] : memref<20032x64xf32, #tpu.memory_space<hbm>> -> memref<128x64xf32, #tpu.memory_space<hbm>>
      %dma_start3A_91 = arith.constant 0 : i32
      %dma_start3A_92 = tpu.memref_slice %arg2[%add3A_14, %dma_start3A_91] : memref<20032x64xf32, #tpu.memory_space<hbm>> -> memref<128x64xf32, #tpu.memory_space<hbm>>
      tpu.enqueue_dma source(%dma_start3A_92 : memref<128x64xf32, #tpu.memory_space<hbm>>) target(%arg9 : memref<128x64xf32, #tpu.memory_space<vmem>>) target_semaphore(%run_scoped3A_88 : memref<!tpu.dma_semaphore, #tpu.memory_space<semaphore_mem>>)
      %dma_wait3A = arith.constant 0 : i32
      %dma_wait3A_93 = tpu.memref_slice %arg2[%add3A_14, %dma_wait3A] : memref<20032x64xf32, #tpu.memory_space<hbm>> -> memref<128x64xf32, #tpu.memory_space<hbm>>
      %dma_wait3A_94 = arith.constant 0 : i32
      %dma_wait3A_95 = tpu.memref_slice %arg2[%add3A_14, %dma_wait3A_94] : memref<20032x64xf32, #tpu.memory_space<hbm>> -> memref<128x64xf32, #tpu.memory_space<hbm>>
      tpu.wait_dma2 semaphore(%run_scoped3A_88 : memref<!tpu.dma_semaphore, #tpu.memory_space<semaphore_mem>>) src(%dma_wait3A_95 : memref<128x64xf32, #tpu.memory_space<hbm>>) dst(%arg9 : memref<128x64xf32, #tpu.memory_space<vmem>>)
      tpu.yield
    }) : () -> ()
    %add3A_15 = arith.constant 256 : i32
    %add3A_16 = arith.addi %mul3A_0, %add3A_15 : i32
    "tpu.region"() ({
      %run_scoped3A_88 = tpu.sem_alloc : memref<!tpu.dma_semaphore, #tpu.memory_space<semaphore_mem>>
      %dma_start3A_89 = arith.constant 0 : i32
      %dma_start3A_90 = tpu.memref_slice %arg12[%add3A_16, %dma_start3A_89] : memref<10016x64xf32, #tpu.memory_space<vmem_shared>> -> memref<128x64xf32, #tpu.memory_space<vmem_shared>>
      %dma_start3A_91 = arith.constant 0 : i32
      %dma_start3A_92 = tpu.memref_slice %arg12[%add3A_16, %dma_start3A_91] : memref<10016x64xf32, #tpu.memory_space<vmem_shared>> -> memref<128x64xf32, #tpu.memory_space<vmem_shared>>
      tpu.enqueue_dma source(%arg9 : memref<128x64xf32, #tpu.memory_space<vmem>>) target(%dma_start3A_92 : memref<128x64xf32, #tpu.memory_space<vmem_shared>>) target_semaphore(%run_scoped3A_88 : memref<!tpu.dma_semaphore, #tpu.memory_space<semaphore_mem>>)
      %dma_wait3A = arith.constant 0 : i32
      %dma_wait3A_93 = tpu.memref_slice %arg12[%add3A_16, %dma_wait3A] : memref<10016x64xf32, #tpu.memory_space<vmem_shared>> -> memref<128x64xf32, #tpu.memory_space<vmem_shared>>
      %dma_wait3A_94 = arith.constant 0 : i32
      %dma_wait3A_95 = tpu.memref_slice %arg12[%add3A_16, %dma_wait3A_94] : memref<10016x64xf32, #tpu.memory_space<vmem_shared>> -> memref<128x64xf32, #tpu.memory_space<vmem_shared>>
      tpu.wait_dma2 semaphore(%run_scoped3A_88 : memref<!tpu.dma_semaphore, #tpu.memory_space<semaphore_mem>>) src(%arg9 : memref<128x64xf32, #tpu.memory_space<vmem>>) dst(%dma_wait3A_95 : memref<128x64xf32, #tpu.memory_space<vmem_shared>>)
      tpu.yield
    }) : () -> ()
    %add3A_17 = arith.constant 384 : i32
    %add3A_18 = arith.addi %add3A_4, %add3A_17 : i32
    "tpu.region"() ({
      %run_scoped3A_88 = tpu.sem_alloc : memref<!tpu.dma_semaphore, #tpu.memory_space<semaphore_mem>>
      %dma_start3A_89 = arith.constant 0 : i32
      %dma_start3A_90 = tpu.memref_slice %arg2[%add3A_18, %dma_start3A_89] : memref<20032x64xf32, #tpu.memory_space<hbm>> -> memref<128x64xf32, #tpu.memory_space<hbm>>
      %dma_start3A_91 = arith.constant 0 : i32
      %dma_start3A_92 = tpu.memref_slice %arg2[%add3A_18, %dma_start3A_91] : memref<20032x64xf32, #tpu.memory_space<hbm>> -> memref<128x64xf32, #tpu.memory_space<hbm>>
      tpu.enqueue_dma source(%dma_start3A_92 : memref<128x64xf32, #tpu.memory_space<hbm>>) target(%arg9 : memref<128x64xf32, #tpu.memory_space<vmem>>) target_semaphore(%run_scoped3A_88 : memref<!tpu.dma_semaphore, #tpu.memory_space<semaphore_mem>>)
      %dma_wait3A = arith.constant 0 : i32
      %dma_wait3A_93 = tpu.memref_slice %arg2[%add3A_18, %dma_wait3A] : memref<20032x64xf32, #tpu.memory_space<hbm>> -> memref<128x64xf32, #tpu.memory_space<hbm>>
      %dma_wait3A_94 = arith.constant 0 : i32
      %dma_wait3A_95 = tpu.memref_slice %arg2[%add3A_18, %dma_wait3A_94] : memref<20032x64xf32, #tpu.memory_space<hbm>> -> memref<128x64xf32, #tpu.memory_space<hbm>>
      tpu.wait_dma2 semaphore(%run_scoped3A_88 : memref<!tpu.dma_semaphore, #tpu.memory_space<semaphore_mem>>) src(%dma_wait3A_95 : memref<128x64xf32, #tpu.memory_space<hbm>>) dst(%arg9 : memref<128x64xf32, #tpu.memory_space<vmem>>)
      tpu.yield
    }) : () -> ()
    %add3A_19 = arith.constant 384 : i32
    %add3A_20 = arith.addi %mul3A_0, %add3A_19 : i32
    "tpu.region"() ({
      %run_scoped3A_88 = tpu.sem_alloc : memref<!tpu.dma_semaphore, #tpu.memory_space<semaphore_mem>>
      %dma_start3A_89 = arith.constant 0 : i32
      %dma_start3A_90 = tpu.memref_slice %arg12[%add3A_20, %dma_start3A_89] : memref<10016x64xf32, #tpu.memory_space<vmem_shared>> -> memref<128x64xf32, #tpu.memory_space<vmem_shared>>
      %dma_start3A_91 = arith.constant 0 : i32
      %dma_start3A_92 = tpu.memref_slice %arg12[%add3A_20, %dma_start3A_91] : memref<10016x64xf32, #tpu.memory_space<vmem_shared>> -> memref<128x64xf32, #tpu.memory_space<vmem_shared>>
      tpu.enqueue_dma source(%arg9 : memref<128x64xf32, #tpu.memory_space<vmem>>) target(%dma_start3A_92 : memref<128x64xf32, #tpu.memory_space<vmem_shared>>) target_semaphore(%run_scoped3A_88 : memref<!tpu.dma_semaphore, #tpu.memory_space<semaphore_mem>>)
      %dma_wait3A = arith.constant 0 : i32
      %dma_wait3A_93 = tpu.memref_slice %arg12[%add3A_20, %dma_wait3A] : memref<10016x64xf32, #tpu.memory_space<vmem_shared>> -> memref<128x64xf32, #tpu.memory_space<vmem_shared>>
      %dma_wait3A_94 = arith.constant 0 : i32
      %dma_wait3A_95 = tpu.memref_slice %arg12[%add3A_20, %dma_wait3A_94] : memref<10016x64xf32, #tpu.memory_space<vmem_shared>> -> memref<128x64xf32, #tpu.memory_space<vmem_shared>>
      tpu.wait_dma2 semaphore(%run_scoped3A_88 : memref<!tpu.dma_semaphore, #tpu.memory_space<semaphore_mem>>) src(%arg9 : memref<128x64xf32, #tpu.memory_space<vmem>>) dst(%dma_wait3A_95 : memref<128x64xf32, #tpu.memory_space<vmem_shared>>)
      tpu.yield
    }) : () -> ()
    %add3A_21 = arith.constant 512 : i32
    %add3A_22 = arith.addi %add3A_4, %add3A_21 : i32
    "tpu.region"() ({
      %run_scoped3A_88 = tpu.sem_alloc : memref<!tpu.dma_semaphore, #tpu.memory_space<semaphore_mem>>
      %dma_start3A_89 = arith.constant 0 : i32
      %dma_start3A_90 = arith.constant 0 : i32
      %dma_start3A_91 = tpu.memref_slice %arg9[%dma_start3A_89, %dma_start3A_90] : memref<128x64xf32, #tpu.memory_space<vmem>> -> memref<114x64xf32, #tpu.memory_space<vmem>>
      %dma_start3A_92 = arith.constant 0 : i32
      %dma_start3A_93 = tpu.memref_slice %arg2[%add3A_22, %dma_start3A_92] : memref<20032x64xf32, #tpu.memory_space<hbm>> -> memref<114x64xf32, #tpu.memory_space<hbm>>
      %dma_start3A_94 = arith.constant 0 : i32
      %dma_start3A_95 = arith.constant 0 : i32
      %dma_start3A_96 = tpu.memref_slice %arg9[%dma_start3A_94, %dma_start3A_95] : memref<128x64xf32, #tpu.memory_space<vmem>> -> memref<114x64xf32, #tpu.memory_space<vmem>>
      %dma_start3A_97 = arith.constant 0 : i32
      %dma_start3A_98 = tpu.memref_slice %arg2[%add3A_22, %dma_start3A_97] : memref<20032x64xf32, #tpu.memory_space<hbm>> -> memref<114x64xf32, #tpu.memory_space<hbm>>
      tpu.enqueue_dma source(%dma_start3A_98 : memref<114x64xf32, #tpu.memory_space<hbm>>) target(%dma_start3A_96 : memref<114x64xf32, #tpu.memory_space<vmem>>) target_semaphore(%run_scoped3A_88 : memref<!tpu.dma_semaphore, #tpu.memory_space<semaphore_mem>>)
      %dma_wait3A = arith.constant 0 : i32
      %dma_wait3A_99 = arith.constant 0 : i32
      %dma_wait3A_100 = tpu.memref_slice %arg9[%dma_wait3A, %dma_wait3A_99] : memref<128x64xf32, #tpu.memory_space<vmem>> -> memref<114x64xf32, #tpu.memory_space<vmem>>
      %dma_wait3A_101 = arith.constant 0 : i32
      %dma_wait3A_102 = tpu.memref_slice %arg2[%add3A_22, %dma_wait3A_101] : memref<20032x64xf32, #tpu.memory_space<hbm>> -> memref<114x64xf32, #tpu.memory_space<hbm>>
      %dma_wait3A_103 = arith.constant 0 : i32
      %dma_wait3A_104 = arith.constant 0 : i32
      %dma_wait3A_105 = tpu.memref_slice %arg9[%dma_wait3A_103, %dma_wait3A_104] : memref<128x64xf32, #tpu.memory_space<vmem>> -> memref<114x64xf32, #tpu.memory_space<vmem>>
      %dma_wait3A_106 = arith.constant 0 : i32
      %dma_wait3A_107 = tpu.memref_slice %arg2[%add3A_22, %dma_wait3A_106] : memref<20032x64xf32, #tpu.memory_space<hbm>> -> memref<114x64xf32, #tpu.memory_space<hbm>>
      tpu.wait_dma2 semaphore(%run_scoped3A_88 : memref<!tpu.dma_semaphore, #tpu.memory_space<semaphore_mem>>) src(%dma_wait3A_107 : memref<114x64xf32, #tpu.memory_space<hbm>>) dst(%dma_wait3A_105 : memref<114x64xf32, #tpu.memory_space<vmem>>)
      tpu.yield
    }) : () -> ()
    %add3A_23 = arith.constant 512 : i32
    %add3A_24 = arith.addi %mul3A_0, %add3A_23 : i32
    "tpu.region"() ({
      %run_scoped3A_88 = tpu.sem_alloc : memref<!tpu.dma_semaphore, #tpu.memory_space<semaphore_mem>>
      %dma_start3A_89 = arith.constant 0 : i32
      %dma_start3A_90 = arith.constant 0 : i32
      %dma_start3A_91 = tpu.memref_slice %arg9[%dma_start3A_89, %dma_start3A_90] : memref<128x64xf32, #tpu.memory_space<vmem>> -> memref<114x64xf32, #tpu.memory_space<vmem>>
      %dma_start3A_92 = arith.constant 0 : i32
      %dma_start3A_93 = tpu.memref_slice %arg12[%add3A_24, %dma_start3A_92] : memref<10016x64xf32, #tpu.memory_space<vmem_shared>> -> memref<114x64xf32, #tpu.memory_space<vmem_shared>>
      %dma_start3A_94 = arith.constant 0 : i32
      %dma_start3A_95 = tpu.memref_slice %arg12[%add3A_24, %dma_start3A_94] : memref<10016x64xf32, #tpu.memory_space<vmem_shared>> -> memref<114x64xf32, #tpu.memory_space<vmem_shared>>
      %dma_start3A_96 = arith.constant 0 : i32
      %dma_start3A_97 = arith.constant 0 : i32
      %dma_start3A_98 = tpu.memref_slice %arg9[%dma_start3A_96, %dma_start3A_97] : memref<128x64xf32, #tpu.memory_space<vmem>> -> memref<114x64xf32, #tpu.memory_space<vmem>>
      tpu.enqueue_dma source(%dma_start3A_98 : memref<114x64xf32, #tpu.memory_space<vmem>>) target(%dma_start3A_95 : memref<114x64xf32, #tpu.memory_space<vmem_shared>>) target_semaphore(%run_scoped3A_88 : memref<!tpu.dma_semaphore, #tpu.memory_space<semaphore_mem>>)
      %dma_wait3A = arith.constant 0 : i32
      %dma_wait3A_99 = arith.constant 0 : i32
      %dma_wait3A_100 = tpu.memref_slice %arg9[%dma_wait3A, %dma_wait3A_99] : memref<128x64xf32, #tpu.memory_space<vmem>> -> memref<114x64xf32, #tpu.memory_space<vmem>>
      %dma_wait3A_101 = arith.constant 0 : i32
      %dma_wait3A_102 = tpu.memref_slice %arg12[%add3A_24, %dma_wait3A_101] : memref<10016x64xf32, #tpu.memory_space<vmem_shared>> -> memref<114x64xf32, #tpu.memory_space<vmem_shared>>
      %dma_wait3A_103 = arith.constant 0 : i32
      %dma_wait3A_104 = tpu.memref_slice %arg12[%add3A_24, %dma_wait3A_103] : memref<10016x64xf32, #tpu.memory_space<vmem_shared>> -> memref<114x64xf32, #tpu.memory_space<vmem_shared>>
      %dma_wait3A_105 = arith.constant 0 : i32
      %dma_wait3A_106 = arith.constant 0 : i32
      %dma_wait3A_107 = tpu.memref_slice %arg9[%dma_wait3A_105, %dma_wait3A_106] : memref<128x64xf32, #tpu.memory_space<vmem>> -> memref<114x64xf32, #tpu.memory_space<vmem>>
      tpu.wait_dma2 semaphore(%run_scoped3A_88 : memref<!tpu.dma_semaphore, #tpu.memory_space<semaphore_mem>>) src(%dma_wait3A_107 : memref<114x64xf32, #tpu.memory_space<vmem>>) dst(%dma_wait3A_104 : memref<114x64xf32, #tpu.memory_space<vmem_shared>>)
      tpu.yield
    }) : () -> ()
    %run_scoped3A = arith.constant 0 : i32
    "tpu.region"() ({
      %run_scoped3A_88 = tpu.sem_alloc : memref<!tpu.dma_semaphore, #tpu.memory_space<semaphore_mem>>
      %dma_start3A_89 = arith.constant 0 : i32
      %dma_start3A_90 = arith.constant 0 : i32
      %dma_start3A_91 = tpu.memref_slice %arg3[%run_scoped3A, %arg0, %arg1, %dma_start3A_89, %dma_start3A_90] : memref<1x2x16x158x128xi32, #tpu.memory_space<hbm>> -> memref<1x1x1x158x128xi32, #tpu.memory_space<hbm>>
      %dma_start3A_92 = tpu.memref_squeeze %dma_start3A_91 : memref<1x1x1x158x128xi32, #tpu.memory_space<hbm>> -> memref<158x128xi32, #tpu.memory_space<hbm>>
      %dma_start3A_93 = arith.constant 0 : i32
      %dma_start3A_94 = arith.constant 0 : i32
      %dma_start3A_95 = tpu.memref_slice %arg3[%run_scoped3A, %arg0, %arg1, %dma_start3A_93, %dma_start3A_94] : memref<1x2x16x158x128xi32, #tpu.memory_space<hbm>> -> memref<1x1x1x158x128xi32, #tpu.memory_space<hbm>>
      %dma_start3A_96 = tpu.memref_squeeze %dma_start3A_95 : memref<1x1x1x158x128xi32, #tpu.memory_space<hbm>> -> memref<158x128xi32, #tpu.memory_space<hbm>>
      tpu.enqueue_dma source(%dma_start3A_96 : memref<158x128xi32, #tpu.memory_space<hbm>>) target(%arg6 : memref<158x128xi32, #tpu.memory_space<vmem>>) target_semaphore(%run_scoped3A_88 : memref<!tpu.dma_semaphore, #tpu.memory_space<semaphore_mem>>)
      %dma_wait3A = arith.constant 0 : i32
      %dma_wait3A_97 = arith.constant 0 : i32
      %dma_wait3A_98 = tpu.memref_slice %arg3[%run_scoped3A, %arg0, %arg1, %dma_wait3A, %dma_wait3A_97] : memref<1x2x16x158x128xi32, #tpu.memory_space<hbm>> -> memref<1x1x1x158x128xi32, #tpu.memory_space<hbm>>
      %dma_wait3A_99 = tpu.memref_squeeze %dma_wait3A_98 : memref<1x1x1x158x128xi32, #tpu.memory_space<hbm>> -> memref<158x128xi32, #tpu.memory_space<hbm>>
      %dma_wait3A_100 = arith.constant 0 : i32
      %dma_wait3A_101 = arith.constant 0 : i32
      %dma_wait3A_102 = tpu.memref_slice %arg3[%run_scoped3A, %arg0, %arg1, %dma_wait3A_100, %dma_wait3A_101] : memref<1x2x16x158x128xi32, #tpu.memory_space<hbm>> -> memref<1x1x1x158x128xi32, #tpu.memory_space<hbm>>
      %dma_wait3A_103 = tpu.memref_squeeze %dma_wait3A_102 : memref<1x1x1x158x128xi32, #tpu.memory_space<hbm>> -> memref<158x128xi32, #tpu.memory_space<hbm>>
      tpu.wait_dma2 semaphore(%run_scoped3A_88 : memref<!tpu.dma_semaphore, #tpu.memory_space<semaphore_mem>>) src(%dma_wait3A_103 : memref<158x128xi32, #tpu.memory_space<hbm>>) dst(%arg6 : memref<158x128xi32, #tpu.memory_space<vmem>>)
      tpu.yield
    }) : () -> ()
    %barrier3A = arith.constant 0 : index
    tpu.barrier barrier_id(%barrier3A)
    %dma_start3A = arith.constant 0 : i32
    %dma_start3A_25 = arith.constant 0 : i32
    %dma_start3A_26 = arith.constant 0 : i32
    %dma_start3A_27 = arith.constant 0 : i32
    %dma_start3A_28 = tpu.memref_slice %arg8[%dma_start3A_25, %dma_start3A_26, %dma_start3A_27] : memref<2x128x64xf32, #tpu.memory_space<vmem>> -> memref<1x128x64xf32, #tpu.memory_space<vmem>>
    %dma_start3A_29 = tpu.memref_squeeze %dma_start3A_28 : memref<1x128x64xf32, #tpu.memory_space<vmem>> -> memref<128x64xf32, #tpu.memory_space<vmem>>
    %dma_start3A_30 = arith.constant 0 : i32
    %dma_start3A_31 = tpu.memref_slice %arg6[%dma_start3A, %dma_start3A_30] : memref<158x128xi32, #tpu.memory_space<vmem>> -> memref<1x128xi32, #tpu.memory_space<vmem>>
    %dma_start3A_32 = tpu.memref_squeeze %dma_start3A_31 : memref<1x128xi32, #tpu.memory_space<vmem>> -> memref<128xi32, #tpu.memory_space<vmem>>
    %dma_start3A_33 = arith.constant 0 : i32
    %dma_start3A_34 = arith.constant 0 : i32
    %dma_start3A_35 = tpu.memref_slice %arg2[%dma_start3A_33, %dma_start3A_34] : memref<20032x64xf32, #tpu.memory_space<hbm>> -> memref<20032x64xf32, #tpu.memory_space<hbm>>
    tpu.enqueue_indirect_dma source(%dma_start3A_35 : memref<20032x64xf32, #tpu.memory_space<hbm>>) target(%dma_start3A_29 : memref<128x64xf32, #tpu.memory_space<vmem>>) offsets(%dma_start3A_32 : memref<128xi32, #tpu.memory_space<vmem>>) semaphore(%arg10 : memref<!tpu.dma_semaphore, #tpu.memory_space<semaphore_mem>>)
    %dma_start3A_36 = arith.constant 1 : i32
    %dma_start3A_37 = arith.constant 1 : i32
    %dma_start3A_38 = arith.constant 0 : i32
    %dma_start3A_39 = arith.constant 0 : i32
    %dma_start3A_40 = tpu.memref_slice %arg8[%dma_start3A_37, %dma_start3A_38, %dma_start3A_39] : memref<2x128x64xf32, #tpu.memory_space<vmem>> -> memref<1x128x64xf32, #tpu.memory_space<vmem>>
    %dma_start3A_41 = tpu.memref_squeeze %dma_start3A_40 : memref<1x128x64xf32, #tpu.memory_space<vmem>> -> memref<128x64xf32, #tpu.memory_space<vmem>>
    %dma_start3A_42 = arith.constant 0 : i32
    %dma_start3A_43 = tpu.memref_slice %arg6[%dma_start3A_36, %dma_start3A_42] : memref<158x128xi32, #tpu.memory_space<vmem>> -> memref<1x128xi32, #tpu.memory_space<vmem>>
    %dma_start3A_44 = tpu.memref_squeeze %dma_start3A_43 : memref<1x128xi32, #tpu.memory_space<vmem>> -> memref<128xi32, #tpu.memory_space<vmem>>
    %dma_start3A_45 = arith.constant 0 : i32
    %dma_start3A_46 = arith.constant 0 : i32
    %dma_start3A_47 = tpu.memref_slice %arg2[%dma_start3A_45, %dma_start3A_46] : memref<20032x64xf32, #tpu.memory_space<hbm>> -> memref<20032x64xf32, #tpu.memory_space<hbm>>
    tpu.enqueue_indirect_dma source(%dma_start3A_47 : memref<20032x64xf32, #tpu.memory_space<hbm>>) target(%dma_start3A_41 : memref<128x64xf32, #tpu.memory_space<vmem>>) offsets(%dma_start3A_44 : memref<128xi32, #tpu.memory_space<vmem>>) semaphore(%arg11 : memref<!tpu.dma_semaphore, #tpu.memory_space<semaphore_mem>>)
    %scan3A = arith.constant 0 : i32
    %scan3A_48 = arith.constant 79 : i32
    %scan3A_49 = arith.addi %scan3A, %scan3A_48 : i32
    %scan3A_50 = arith.constant 1 : i32
    scf.for %scan3A_88 = %scan3A to %scan3A_49 step %scan3A_50  : i32 {
      %mul3A_89 = arith.constant 2 : i32
      %mul3A_90 = arith.muli %scan3A_88, %mul3A_89 : i32
      %add3A_91 = arith.constant 0 : i32
      %add3A_92 = arith.addi %add3A_91, %mul3A_90 : i32
      %add3A_93 = arith.constant 0 : i32
      %add3A_94 = arith.addi %add3A_92, %add3A_93 : i32
      %dma_wait3A = arith.constant 0 : i32
      %dma_wait3A_95 = arith.constant 0 : i32
      %dma_wait3A_96 = arith.constant 0 : i32
      %dma_wait3A_97 = tpu.memref_slice %arg8[%dma_wait3A, %dma_wait3A_95, %dma_wait3A_96] : memref<2x128x64xf32, #tpu.memory_space<vmem>> -> memref<1x128x64xf32, #tpu.memory_space<vmem>>
      %dma_wait3A_98 = tpu.memref_squeeze %dma_wait3A_97 : memref<1x128x64xf32, #tpu.memory_space<vmem>> -> memref<128x64xf32, #tpu.memory_space<vmem>>
      %dma_wait3A_99 = arith.constant 0 : i32
      %dma_wait3A_100 = tpu.memref_slice %arg6[%add3A_94, %dma_wait3A_99] : memref<158x128xi32, #tpu.memory_space<vmem>> -> memref<1x128xi32, #tpu.memory_space<vmem>>
      %dma_wait3A_101 = tpu.memref_squeeze %dma_wait3A_100 : memref<1x128xi32, #tpu.memory_space<vmem>> -> memref<128xi32, #tpu.memory_space<vmem>>
      %dma_wait3A_102 = arith.constant 0 : i32
      %dma_wait3A_103 = arith.constant 0 : i32
      %dma_wait3A_104 = tpu.memref_slice %arg2[%dma_wait3A_102, %dma_wait3A_103] : memref<20032x64xf32, #tpu.memory_space<hbm>> -> memref<20032x64xf32, #tpu.memory_space<hbm>>
      tpu.wait_indirect_dma semaphore(%arg10 : memref<!tpu.dma_semaphore, #tpu.memory_space<semaphore_mem>>) src(%dma_wait3A_104 : memref<20032x64xf32, #tpu.memory_space<hbm>>) dst(%dma_wait3A_98 : memref<128x64xf32, #tpu.memory_space<vmem>>)
      %run_scoped3A_105 = arith.constant 0 : i32
      "tpu.region"() ({
        %run_scoped3A_131 = tpu.sem_alloc : memref<!tpu.dma_semaphore, #tpu.memory_space<semaphore_mem>>
        %dma_start3A_132 = arith.constant 0 : i32
        %dma_start3A_133 = arith.constant 0 : i32
        %dma_start3A_134 = tpu.memref_slice %arg8[%run_scoped3A_105, %dma_start3A_132, %dma_start3A_133] : memref<2x128x64xf32, #tpu.memory_space<vmem>> -> memref<1x128x64xf32, #tpu.memory_space<vmem>>
        %dma_start3A_135 = tpu.memref_squeeze %dma_start3A_134 : memref<1x128x64xf32, #tpu.memory_space<vmem>> -> memref<128x64xf32, #tpu.memory_space<vmem>>
        %dma_start3A_136 = arith.constant 0 : i32
        %dma_start3A_137 = tpu.memref_slice %arg7[%add3A_94, %dma_start3A_136] : memref<158x128xi32, #tpu.memory_space<vmem>> -> memref<1x128xi32, #tpu.memory_space<vmem>>
        %dma_start3A_138 = tpu.memref_squeeze %dma_start3A_137 : memref<1x128xi32, #tpu.memory_space<vmem>> -> memref<128xi32, #tpu.memory_space<vmem>>
        %dma_start3A_139 = arith.constant 0 : i32
        %dma_start3A_140 = arith.constant 0 : i32
        %dma_start3A_141 = tpu.memref_slice %arg12[%dma_start3A_139, %dma_start3A_140] : memref<10016x64xf32, #tpu.memory_space<vmem_shared>> -> memref<10016x64xf32, #tpu.memory_space<vmem_shared>>
        tpu.enqueue_indirect_dma source(%dma_start3A_135 : memref<128x64xf32, #tpu.memory_space<vmem>>) target(%dma_start3A_141 : memref<10016x64xf32, #tpu.memory_space<vmem_shared>>) offsets(%dma_start3A_138 : memref<128xi32, #tpu.memory_space<vmem>>) semaphore(%run_scoped3A_131 : memref<!tpu.dma_semaphore, #tpu.memory_space<semaphore_mem>>) {add = true}
        %dma_wait3A_142 = arith.constant 0 : i32
        %dma_wait3A_143 = arith.constant 0 : i32
        %dma_wait3A_144 = tpu.memref_slice %arg8[%run_scoped3A_105, %dma_wait3A_142, %dma_wait3A_143] : memref<2x128x64xf32, #tpu.memory_space<vmem>> -> memref<1x128x64xf32, #tpu.memory_space<vmem>>
        %dma_wait3A_145 = tpu.memref_squeeze %dma_wait3A_144 : memref<1x128x64xf32, #tpu.memory_space<vmem>> -> memref<128x64xf32, #tpu.memory_space<vmem>>
        %dma_wait3A_146 = arith.constant 0 : i32
        %dma_wait3A_147 = tpu.memref_slice %arg7[%add3A_94, %dma_wait3A_146] : memref<158x128xi32, #tpu.memory_space<vmem>> -> memref<1x128xi32, #tpu.memory_space<vmem>>
        %dma_wait3A_148 = tpu.memref_squeeze %dma_wait3A_147 : memref<1x128xi32, #tpu.memory_space<vmem>> -> memref<128xi32, #tpu.memory_space<vmem>>
        %dma_wait3A_149 = arith.constant 0 : i32
        %dma_wait3A_150 = arith.constant 0 : i32
        %dma_wait3A_151 = tpu.memref_slice %arg12[%dma_wait3A_149, %dma_wait3A_150] : memref<10016x64xf32, #tpu.memory_space<vmem_shared>> -> memref<10016x64xf32, #tpu.memory_space<vmem_shared>>
        tpu.wait_indirect_dma semaphore(%run_scoped3A_131 : memref<!tpu.dma_semaphore, #tpu.memory_space<semaphore_mem>>) src(%dma_wait3A_145 : memref<128x64xf32, #tpu.memory_space<vmem>>) dst(%dma_wait3A_151 : memref<10016x64xf32, #tpu.memory_space<vmem_shared>>)
        tpu.yield
      }) : () -> ()
      %add3A_106 = arith.constant 2 : i32
      %add3A_107 = arith.addi %add3A_94, %add3A_106 : i32
      %lt3A = arith.constant 158 : i32
      %lt3A_108 = arith.cmpi slt, %add3A_107, %lt3A : i32
      %convert_element_type3A = arith.extui %lt3A_108 : i1 to i32
      %cond3A = arith.constant 0 : i32
      %cond3A_109 = arith.cmpi ne, %convert_element_type3A, %cond3A : i32
      scf.if %cond3A_109 {
        %dma_start3A_131 = arith.constant 0 : i32
        %dma_start3A_132 = arith.constant 0 : i32
        %dma_start3A_133 = arith.constant 0 : i32
        %dma_start3A_134 = tpu.memref_slice %arg8[%dma_start3A_131, %dma_start3A_132, %dma_start3A_133] : memref<2x128x64xf32, #tpu.memory_space<vmem>> -> memref<1x128x64xf32, #tpu.memory_space<vmem>>
        %dma_start3A_135 = tpu.memref_squeeze %dma_start3A_134 : memref<1x128x64xf32, #tpu.memory_space<vmem>> -> memref<128x64xf32, #tpu.memory_space<vmem>>
        %dma_start3A_136 = arith.constant 0 : i32
        %dma_start3A_137 = tpu.memref_slice %arg6[%add3A_107, %dma_start3A_136] : memref<158x128xi32, #tpu.memory_space<vmem>> -> memref<1x128xi32, #tpu.memory_space<vmem>>
        %dma_start3A_138 = tpu.memref_squeeze %dma_start3A_137 : memref<1x128xi32, #tpu.memory_space<vmem>> -> memref<128xi32, #tpu.memory_space<vmem>>
        %dma_start3A_139 = arith.constant 0 : i32
        %dma_start3A_140 = arith.constant 0 : i32
        %dma_start3A_141 = tpu.memref_slice %arg2[%dma_start3A_139, %dma_start3A_140] : memref<20032x64xf32, #tpu.memory_space<hbm>> -> memref<20032x64xf32, #tpu.memory_space<hbm>>
        tpu.enqueue_indirect_dma source(%dma_start3A_141 : memref<20032x64xf32, #tpu.memory_space<hbm>>) target(%dma_start3A_135 : memref<128x64xf32, #tpu.memory_space<vmem>>) offsets(%dma_start3A_138 : memref<128xi32, #tpu.memory_space<vmem>>) semaphore(%arg10 : memref<!tpu.dma_semaphore, #tpu.memory_space<semaphore_mem>>)
      } else {
      }
      %add3A_110 = arith.constant 1 : i32
      %add3A_111 = arith.addi %add3A_92, %add3A_110 : i32
      %dma_wait3A_112 = arith.constant 1 : i32
      %dma_wait3A_113 = arith.constant 0 : i32
      %dma_wait3A_114 = arith.constant 0 : i32
      %dma_wait3A_115 = tpu.memref_slice %arg8[%dma_wait3A_112, %dma_wait3A_113, %dma_wait3A_114] : memref<2x128x64xf32, #tpu.memory_space<vmem>> -> memref<1x128x64xf32, #tpu.memory_space<vmem>>
      %dma_wait3A_116 = tpu.memref_squeeze %dma_wait3A_115 : memref<1x128x64xf32, #tpu.memory_space<vmem>> -> memref<128x64xf32, #tpu.memory_space<vmem>>
      %dma_wait3A_117 = arith.constant 0 : i32
      %dma_wait3A_118 = tpu.memref_slice %arg6[%add3A_111, %dma_wait3A_117] : memref<158x128xi32, #tpu.memory_space<vmem>> -> memref<1x128xi32, #tpu.memory_space<vmem>>
      %dma_wait3A_119 = tpu.memref_squeeze %dma_wait3A_118 : memref<1x128xi32, #tpu.memory_space<vmem>> -> memref<128xi32, #tpu.memory_space<vmem>>
      %dma_wait3A_120 = arith.constant 0 : i32
      %dma_wait3A_121 = arith.constant 0 : i32
      %dma_wait3A_122 = tpu.memref_slice %arg2[%dma_wait3A_120, %dma_wait3A_121] : memref<20032x64xf32, #tpu.memory_space<hbm>> -> memref<20032x64xf32, #tpu.memory_space<hbm>>
      tpu.wait_indirect_dma semaphore(%arg11 : memref<!tpu.dma_semaphore, #tpu.memory_space<semaphore_mem>>) src(%dma_wait3A_122 : memref<20032x64xf32, #tpu.memory_space<hbm>>) dst(%dma_wait3A_116 : memref<128x64xf32, #tpu.memory_space<vmem>>)
      %run_scoped3A_123 = arith.constant 1 : i32
      "tpu.region"() ({
        %run_scoped3A_131 = tpu.sem_alloc : memref<!tpu.dma_semaphore, #tpu.memory_space<semaphore_mem>>
        %dma_start3A_132 = arith.constant 0 : i32
        %dma_start3A_133 = arith.constant 0 : i32
        %dma_start3A_134 = tpu.memref_slice %arg8[%run_scoped3A_123, %dma_start3A_132, %dma_start3A_133] : memref<2x128x64xf32, #tpu.memory_space<vmem>> -> memref<1x128x64xf32, #tpu.memory_space<vmem>>
        %dma_start3A_135 = tpu.memref_squeeze %dma_start3A_134 : memref<1x128x64xf32, #tpu.memory_space<vmem>> -> memref<128x64xf32, #tpu.memory_space<vmem>>
        %dma_start3A_136 = arith.constant 0 : i32
        %dma_start3A_137 = tpu.memref_slice %arg7[%add3A_111, %dma_start3A_136] : memref<158x128xi32, #tpu.memory_space<vmem>> -> memref<1x128xi32, #tpu.memory_space<vmem>>
        %dma_start3A_138 = tpu.memref_squeeze %dma_start3A_137 : memref<1x128xi32, #tpu.memory_space<vmem>> -> memref<128xi32, #tpu.memory_space<vmem>>
        %dma_start3A_139 = arith.constant 0 : i32
        %dma_start3A_140 = arith.constant 0 : i32
        %dma_start3A_141 = tpu.memref_slice %arg12[%dma_start3A_139, %dma_start3A_140] : memref<10016x64xf32, #tpu.memory_space<vmem_shared>> -> memref<10016x64xf32, #tpu.memory_space<vmem_shared>>
        tpu.enqueue_indirect_dma source(%dma_start3A_135 : memref<128x64xf32, #tpu.memory_space<vmem>>) target(%dma_start3A_141 : memref<10016x64xf32, #tpu.memory_space<vmem_shared>>) offsets(%dma_start3A_138 : memref<128xi32, #tpu.memory_space<vmem>>) semaphore(%run_scoped3A_131 : memref<!tpu.dma_semaphore, #tpu.memory_space<semaphore_mem>>) {add = true}
        %dma_wait3A_142 = arith.constant 0 : i32
        %dma_wait3A_143 = arith.constant 0 : i32
        %dma_wait3A_144 = tpu.memref_slice %arg8[%run_scoped3A_123, %dma_wait3A_142, %dma_wait3A_143] : memref<2x128x64xf32, #tpu.memory_space<vmem>> -> memref<1x128x64xf32, #tpu.memory_space<vmem>>
        %dma_wait3A_145 = tpu.memref_squeeze %dma_wait3A_144 : memref<1x128x64xf32, #tpu.memory_space<vmem>> -> memref<128x64xf32, #tpu.memory_space<vmem>>
        %dma_wait3A_146 = arith.constant 0 : i32
        %dma_wait3A_147 = tpu.memref_slice %arg7[%add3A_111, %dma_wait3A_146] : memref<158x128xi32, #tpu.memory_space<vmem>> -> memref<1x128xi32, #tpu.memory_space<vmem>>
        %dma_wait3A_148 = tpu.memref_squeeze %dma_wait3A_147 : memref<1x128xi32, #tpu.memory_space<vmem>> -> memref<128xi32, #tpu.memory_space<vmem>>
        %dma_wait3A_149 = arith.constant 0 : i32
        %dma_wait3A_150 = arith.constant 0 : i32
        %dma_wait3A_151 = tpu.memref_slice %arg12[%dma_wait3A_149, %dma_wait3A_150] : memref<10016x64xf32, #tpu.memory_space<vmem_shared>> -> memref<10016x64xf32, #tpu.memory_space<vmem_shared>>
        tpu.wait_indirect_dma semaphore(%run_scoped3A_131 : memref<!tpu.dma_semaphore, #tpu.memory_space<semaphore_mem>>) src(%dma_wait3A_145 : memref<128x64xf32, #tpu.memory_space<vmem>>) dst(%dma_wait3A_151 : memref<10016x64xf32, #tpu.memory_space<vmem_shared>>)
        tpu.yield
      }) : () -> ()
      %add3A_124 = arith.constant 2 : i32
      %add3A_125 = arith.addi %add3A_111, %add3A_124 : i32
      %lt3A_126 = arith.constant 158 : i32
      %lt3A_127 = arith.cmpi slt, %add3A_125, %lt3A_126 : i32
      %convert_element_type3A_128 = arith.extui %lt3A_127 : i1 to i32
      %cond3A_129 = arith.constant 0 : i32
      %cond3A_130 = arith.cmpi ne, %convert_element_type3A_128, %cond3A_129 : i32
      scf.if %cond3A_130 {
        %dma_start3A_131 = arith.constant 1 : i32
        %dma_start3A_132 = arith.constant 0 : i32
        %dma_start3A_133 = arith.constant 0 : i32
        %dma_start3A_134 = tpu.memref_slice %arg8[%dma_start3A_131, %dma_start3A_132, %dma_start3A_133] : memref<2x128x64xf32, #tpu.memory_space<vmem>> -> memref<1x128x64xf32, #tpu.memory_space<vmem>>
        %dma_start3A_135 = tpu.memref_squeeze %dma_start3A_134 : memref<1x128x64xf32, #tpu.memory_space<vmem>> -> memref<128x64xf32, #tpu.memory_space<vmem>>
        %dma_start3A_136 = arith.constant 0 : i32
        %dma_start3A_137 = tpu.memref_slice %arg6[%add3A_125, %dma_start3A_136] : memref<158x128xi32, #tpu.memory_space<vmem>> -> memref<1x128xi32, #tpu.memory_space<vmem>>
        %dma_start3A_138 = tpu.memref_squeeze %dma_start3A_137 : memref<1x128xi32, #tpu.memory_space<vmem>> -> memref<128xi32, #tpu.memory_space<vmem>>
        %dma_start3A_139 = arith.constant 0 : i32
        %dma_start3A_140 = arith.constant 0 : i32
        %dma_start3A_141 = tpu.memref_slice %arg2[%dma_start3A_139, %dma_start3A_140] : memref<20032x64xf32, #tpu.memory_space<hbm>> -> memref<20032x64xf32, #tpu.memory_space<hbm>>
        tpu.enqueue_indirect_dma source(%dma_start3A_141 : memref<20032x64xf32, #tpu.memory_space<hbm>>) target(%dma_start3A_135 : memref<128x64xf32, #tpu.memory_space<vmem>>) offsets(%dma_start3A_138 : memref<128xi32, #tpu.memory_space<vmem>>) semaphore(%arg11 : memref<!tpu.dma_semaphore, #tpu.memory_space<semaphore_mem>>)
      } else {
      }
    }
    %scan3A_51 = arith.constant 79 : i32
    %barrier3A_52 = arith.constant 0 : index
    tpu.barrier barrier_id(%barrier3A_52)
    %add3A_53 = arith.constant 0 : i32
    %add3A_54 = arith.addi %mul3A_0, %add3A_53 : i32
    "tpu.region"() ({
      %run_scoped3A_88 = tpu.sem_alloc : memref<!tpu.dma_semaphore, #tpu.memory_space<semaphore_mem>>
      %dma_start3A_89 = arith.constant 0 : i32
      %dma_start3A_90 = tpu.memref_slice %arg12[%add3A_54, %dma_start3A_89] : memref<10016x64xf32, #tpu.memory_space<vmem_shared>> -> memref<128x64xf32, #tpu.memory_space<vmem_shared>>
      %dma_start3A_91 = arith.constant 0 : i32
      %dma_start3A_92 = tpu.memref_slice %arg12[%add3A_54, %dma_start3A_91] : memref<10016x64xf32, #tpu.memory_space<vmem_shared>> -> memref<128x64xf32, #tpu.memory_space<vmem_shared>>
      tpu.enqueue_dma source(%dma_start3A_92 : memref<128x64xf32, #tpu.memory_space<vmem_shared>>) target(%arg9 : memref<128x64xf32, #tpu.memory_space<vmem>>) target_semaphore(%run_scoped3A_88 : memref<!tpu.dma_semaphore, #tpu.memory_space<semaphore_mem>>)
      %dma_wait3A = arith.constant 0 : i32
      %dma_wait3A_93 = tpu.memref_slice %arg12[%add3A_54, %dma_wait3A] : memref<10016x64xf32, #tpu.memory_space<vmem_shared>> -> memref<128x64xf32, #tpu.memory_space<vmem_shared>>
      %dma_wait3A_94 = arith.constant 0 : i32
      %dma_wait3A_95 = tpu.memref_slice %arg12[%add3A_54, %dma_wait3A_94] : memref<10016x64xf32, #tpu.memory_space<vmem_shared>> -> memref<128x64xf32, #tpu.memory_space<vmem_shared>>
      tpu.wait_dma2 semaphore(%run_scoped3A_88 : memref<!tpu.dma_semaphore, #tpu.memory_space<semaphore_mem>>) src(%dma_wait3A_95 : memref<128x64xf32, #tpu.memory_space<vmem_shared>>) dst(%arg9 : memref<128x64xf32, #tpu.memory_space<vmem>>)
      tpu.yield
    }) : () -> ()
    %add3A_55 = arith.constant 0 : i32
    %add3A_56 = arith.addi %mul3A_0, %add3A_55 : i32
    %mul3A_57 = arith.constant 64 : i32
    %mul3A_58 = arith.muli %arg0, %mul3A_57 : i32
    %run_scoped3A_59 = arith.constant 0 : i32
    "tpu.region"() ({
      %run_scoped3A_88 = tpu.sem_alloc : memref<!tpu.dma_semaphore, #tpu.memory_space<semaphore_mem>>
      %dma_start3A_89 = tpu.memref_slice %arg5[%run_scoped3A_59, %add3A_56, %mul3A_58] : memref<1x10016x128xf32, #tpu.memory_space<hbm>> -> memref<1x128x64xf32, #tpu.memory_space<hbm>>
      %dma_start3A_90 = tpu.memref_squeeze %dma_start3A_89 : memref<1x128x64xf32, #tpu.memory_space<hbm>> -> memref<128x64xf32, #tpu.memory_space<hbm>>
      %dma_start3A_91 = tpu.memref_slice %arg5[%run_scoped3A_59, %add3A_56, %mul3A_58] : memref<1x10016x128xf32, #tpu.memory_space<hbm>> -> memref<1x128x64xf32, #tpu.memory_space<hbm>>
      %dma_start3A_92 = tpu.memref_squeeze %dma_start3A_91 : memref<1x128x64xf32, #tpu.memory_space<hbm>> -> memref<128x64xf32, #tpu.memory_space<hbm>>
      tpu.enqueue_dma source(%arg9 : memref<128x64xf32, #tpu.memory_space<vmem>>) target(%dma_start3A_92 : memref<128x64xf32, #tpu.memory_space<hbm>>) target_semaphore(%run_scoped3A_88 : memref<!tpu.dma_semaphore, #tpu.memory_space<semaphore_mem>>)
      %dma_wait3A = tpu.memref_slice %arg5[%run_scoped3A_59, %add3A_56, %mul3A_58] : memref<1x10016x128xf32, #tpu.memory_space<hbm>> -> memref<1x128x64xf32, #tpu.memory_space<hbm>>
      %dma_wait3A_93 = tpu.memref_squeeze %dma_wait3A : memref<1x128x64xf32, #tpu.memory_space<hbm>> -> memref<128x64xf32, #tpu.memory_space<hbm>>
      %dma_wait3A_94 = tpu.memref_slice %arg5[%run_scoped3A_59, %add3A_56, %mul3A_58] : memref<1x10016x128xf32, #tpu.memory_space<hbm>> -> memref<1x128x64xf32, #tpu.memory_space<hbm>>
      %dma_wait3A_95 = tpu.memref_squeeze %dma_wait3A_94 : memref<1x128x64xf32, #tpu.memory_space<hbm>> -> memref<128x64xf32, #tpu.memory_space<hbm>>
      tpu.wait_dma2 semaphore(%run_scoped3A_88 : memref<!tpu.dma_semaphore, #tpu.memory_space<semaphore_mem>>) src(%arg9 : memref<128x64xf32, #tpu.memory_space<vmem>>) dst(%dma_wait3A_95 : memref<128x64xf32, #tpu.memory_space<hbm>>)
      tpu.yield
    }) : () -> ()
    %add3A_60 = arith.constant 128 : i32
    %add3A_61 = arith.addi %mul3A_0, %add3A_60 : i32
    "tpu.region"() ({
      %run_scoped3A_88 = tpu.sem_alloc : memref<!tpu.dma_semaphore, #tpu.memory_space<semaphore_mem>>
      %dma_start3A_89 = arith.constant 0 : i32
      %dma_start3A_90 = tpu.memref_slice %arg12[%add3A_61, %dma_start3A_89] : memref<10016x64xf32, #tpu.memory_space<vmem_shared>> -> memref<128x64xf32, #tpu.memory_space<vmem_shared>>
      %dma_start3A_91 = arith.constant 0 : i32
      %dma_start3A_92 = tpu.memref_slice %arg12[%add3A_61, %dma_start3A_91] : memref<10016x64xf32, #tpu.memory_space<vmem_shared>> -> memref<128x64xf32, #tpu.memory_space<vmem_shared>>
      tpu.enqueue_dma source(%dma_start3A_92 : memref<128x64xf32, #tpu.memory_space<vmem_shared>>) target(%arg9 : memref<128x64xf32, #tpu.memory_space<vmem>>) target_semaphore(%run_scoped3A_88 : memref<!tpu.dma_semaphore, #tpu.memory_space<semaphore_mem>>)
      %dma_wait3A = arith.constant 0 : i32
      %dma_wait3A_93 = tpu.memref_slice %arg12[%add3A_61, %dma_wait3A] : memref<10016x64xf32, #tpu.memory_space<vmem_shared>> -> memref<128x64xf32, #tpu.memory_space<vmem_shared>>
      %dma_wait3A_94 = arith.constant 0 : i32
      %dma_wait3A_95 = tpu.memref_slice %arg12[%add3A_61, %dma_wait3A_94] : memref<10016x64xf32, #tpu.memory_space<vmem_shared>> -> memref<128x64xf32, #tpu.memory_space<vmem_shared>>
      tpu.wait_dma2 semaphore(%run_scoped3A_88 : memref<!tpu.dma_semaphore, #tpu.memory_space<semaphore_mem>>) src(%dma_wait3A_95 : memref<128x64xf32, #tpu.memory_space<vmem_shared>>) dst(%arg9 : memref<128x64xf32, #tpu.memory_space<vmem>>)
      tpu.yield
    }) : () -> ()
    %add3A_62 = arith.constant 128 : i32
    %add3A_63 = arith.addi %mul3A_0, %add3A_62 : i32
    %mul3A_64 = arith.constant 64 : i32
    %mul3A_65 = arith.muli %arg0, %mul3A_64 : i32
    %run_scoped3A_66 = arith.constant 0 : i32
    "tpu.region"() ({
      %run_scoped3A_88 = tpu.sem_alloc : memref<!tpu.dma_semaphore, #tpu.memory_space<semaphore_mem>>
      %dma_start3A_89 = tpu.memref_slice %arg5[%run_scoped3A_66, %add3A_63, %mul3A_65] : memref<1x10016x128xf32, #tpu.memory_space<hbm>> -> memref<1x128x64xf32, #tpu.memory_space<hbm>>
      %dma_start3A_90 = tpu.memref_squeeze %dma_start3A_89 : memref<1x128x64xf32, #tpu.memory_space<hbm>> -> memref<128x64xf32, #tpu.memory_space<hbm>>
      %dma_start3A_91 = tpu.memref_slice %arg5[%run_scoped3A_66, %add3A_63, %mul3A_65] : memref<1x10016x128xf32, #tpu.memory_space<hbm>> -> memref<1x128x64xf32, #tpu.memory_space<hbm>>
      %dma_start3A_92 = tpu.memref_squeeze %dma_start3A_91 : memref<1x128x64xf32, #tpu.memory_space<hbm>> -> memref<128x64xf32, #tpu.memory_space<hbm>>
      tpu.enqueue_dma source(%arg9 : memref<128x64xf32, #tpu.memory_space<vmem>>) target(%dma_start3A_92 : memref<128x64xf32, #tpu.memory_space<hbm>>) target_semaphore(%run_scoped3A_88 : memref<!tpu.dma_semaphore, #tpu.memory_space<semaphore_mem>>)
      %dma_wait3A = tpu.memref_slice %arg5[%run_scoped3A_66, %add3A_63, %mul3A_65] : memref<1x10016x128xf32, #tpu.memory_space<hbm>> -> memref<1x128x64xf32, #tpu.memory_space<hbm>>
      %dma_wait3A_93 = tpu.memref_squeeze %dma_wait3A : memref<1x128x64xf32, #tpu.memory_space<hbm>> -> memref<128x64xf32, #tpu.memory_space<hbm>>
      %dma_wait3A_94 = tpu.memref_slice %arg5[%run_scoped3A_66, %add3A_63, %mul3A_65] : memref<1x10016x128xf32, #tpu.memory_space<hbm>> -> memref<1x128x64xf32, #tpu.memory_space<hbm>>
      %dma_wait3A_95 = tpu.memref_squeeze %dma_wait3A_94 : memref<1x128x64xf32, #tpu.memory_space<hbm>> -> memref<128x64xf32, #tpu.memory_space<hbm>>
      tpu.wait_dma2 semaphore(%run_scoped3A_88 : memref<!tpu.dma_semaphore, #tpu.memory_space<semaphore_mem>>) src(%arg9 : memref<128x64xf32, #tpu.memory_space<vmem>>) dst(%dma_wait3A_95 : memref<128x64xf32, #tpu.memory_space<hbm>>)
      tpu.yield
    }) : () -> ()
    %add3A_67 = arith.constant 256 : i32
    %add3A_68 = arith.addi %mul3A_0, %add3A_67 : i32
    "tpu.region"() ({
      %run_scoped3A_88 = tpu.sem_alloc : memref<!tpu.dma_semaphore, #tpu.memory_space<semaphore_mem>>
      %dma_start3A_89 = arith.constant 0 : i32
      %dma_start3A_90 = tpu.memref_slice %arg12[%add3A_68, %dma_start3A_89] : memref<10016x64xf32, #tpu.memory_space<vmem_shared>> -> memref<128x64xf32, #tpu.memory_space<vmem_shared>>
      %dma_start3A_91 = arith.constant 0 : i32
      %dma_start3A_92 = tpu.memref_slice %arg12[%add3A_68, %dma_start3A_91] : memref<10016x64xf32, #tpu.memory_space<vmem_shared>> -> memref<128x64xf32, #tpu.memory_space<vmem_shared>>
      tpu.enqueue_dma source(%dma_start3A_92 : memref<128x64xf32, #tpu.memory_space<vmem_shared>>) target(%arg9 : memref<128x64xf32, #tpu.memory_space<vmem>>) target_semaphore(%run_scoped3A_88 : memref<!tpu.dma_semaphore, #tpu.memory_space<semaphore_mem>>)
      %dma_wait3A = arith.constant 0 : i32
      %dma_wait3A_93 = tpu.memref_slice %arg12[%add3A_68, %dma_wait3A] : memref<10016x64xf32, #tpu.memory_space<vmem_shared>> -> memref<128x64xf32, #tpu.memory_space<vmem_shared>>
      %dma_wait3A_94 = arith.constant 0 : i32
      %dma_wait3A_95 = tpu.memref_slice %arg12[%add3A_68, %dma_wait3A_94] : memref<10016x64xf32, #tpu.memory_space<vmem_shared>> -> memref<128x64xf32, #tpu.memory_space<vmem_shared>>
      tpu.wait_dma2 semaphore(%run_scoped3A_88 : memref<!tpu.dma_semaphore, #tpu.memory_space<semaphore_mem>>) src(%dma_wait3A_95 : memref<128x64xf32, #tpu.memory_space<vmem_shared>>) dst(%arg9 : memref<128x64xf32, #tpu.memory_space<vmem>>)
      tpu.yield
    }) : () -> ()
    %add3A_69 = arith.constant 256 : i32
    %add3A_70 = arith.addi %mul3A_0, %add3A_69 : i32
    %mul3A_71 = arith.constant 64 : i32
    %mul3A_72 = arith.muli %arg0, %mul3A_71 : i32
    %run_scoped3A_73 = arith.constant 0 : i32
    "tpu.region"() ({
      %run_scoped3A_88 = tpu.sem_alloc : memref<!tpu.dma_semaphore, #tpu.memory_space<semaphore_mem>>
      %dma_start3A_89 = tpu.memref_slice %arg5[%run_scoped3A_73, %add3A_70, %mul3A_72] : memref<1x10016x128xf32, #tpu.memory_space<hbm>> -> memref<1x128x64xf32, #tpu.memory_space<hbm>>
      %dma_start3A_90 = tpu.memref_squeeze %dma_start3A_89 : memref<1x128x64xf32, #tpu.memory_space<hbm>> -> memref<128x64xf32, #tpu.memory_space<hbm>>
      %dma_start3A_91 = tpu.memref_slice %arg5[%run_scoped3A_73, %add3A_70, %mul3A_72] : memref<1x10016x128xf32, #tpu.memory_space<hbm>> -> memref<1x128x64xf32, #tpu.memory_space<hbm>>
      %dma_start3A_92 = tpu.memref_squeeze %dma_start3A_91 : memref<1x128x64xf32, #tpu.memory_space<hbm>> -> memref<128x64xf32, #tpu.memory_space<hbm>>
      tpu.enqueue_dma source(%arg9 : memref<128x64xf32, #tpu.memory_space<vmem>>) target(%dma_start3A_92 : memref<128x64xf32, #tpu.memory_space<hbm>>) target_semaphore(%run_scoped3A_88 : memref<!tpu.dma_semaphore, #tpu.memory_space<semaphore_mem>>)
      %dma_wait3A = tpu.memref_slice %arg5[%run_scoped3A_73, %add3A_70, %mul3A_72] : memref<1x10016x128xf32, #tpu.memory_space<hbm>> -> memref<1x128x64xf32, #tpu.memory_space<hbm>>
      %dma_wait3A_93 = tpu.memref_squeeze %dma_wait3A : memref<1x128x64xf32, #tpu.memory_space<hbm>> -> memref<128x64xf32, #tpu.memory_space<hbm>>
      %dma_wait3A_94 = tpu.memref_slice %arg5[%run_scoped3A_73, %add3A_70, %mul3A_72] : memref<1x10016x128xf32, #tpu.memory_space<hbm>> -> memref<1x128x64xf32, #tpu.memory_space<hbm>>
      %dma_wait3A_95 = tpu.memref_squeeze %dma_wait3A_94 : memref<1x128x64xf32, #tpu.memory_space<hbm>> -> memref<128x64xf32, #tpu.memory_space<hbm>>
      tpu.wait_dma2 semaphore(%run_scoped3A_88 : memref<!tpu.dma_semaphore, #tpu.memory_space<semaphore_mem>>) src(%arg9 : memref<128x64xf32, #tpu.memory_space<vmem>>) dst(%dma_wait3A_95 : memref<128x64xf32, #tpu.memory_space<hbm>>)
      tpu.yield
    }) : () -> ()
    %add3A_74 = arith.constant 384 : i32
    %add3A_75 = arith.addi %mul3A_0, %add3A_74 : i32
    "tpu.region"() ({
      %run_scoped3A_88 = tpu.sem_alloc : memref<!tpu.dma_semaphore, #tpu.memory_space<semaphore_mem>>
      %dma_start3A_89 = arith.constant 0 : i32
      %dma_start3A_90 = tpu.memref_slice %arg12[%add3A_75, %dma_start3A_89] : memref<10016x64xf32, #tpu.memory_space<vmem_shared>> -> memref<128x64xf32, #tpu.memory_space<vmem_shared>>
      %dma_start3A_91 = arith.constant 0 : i32
      %dma_start3A_92 = tpu.memref_slice %arg12[%add3A_75, %dma_start3A_91] : memref<10016x64xf32, #tpu.memory_space<vmem_shared>> -> memref<128x64xf32, #tpu.memory_space<vmem_shared>>
      tpu.enqueue_dma source(%dma_start3A_92 : memref<128x64xf32, #tpu.memory_space<vmem_shared>>) target(%arg9 : memref<128x64xf32, #tpu.memory_space<vmem>>) target_semaphore(%run_scoped3A_88 : memref<!tpu.dma_semaphore, #tpu.memory_space<semaphore_mem>>)
      %dma_wait3A = arith.constant 0 : i32
      %dma_wait3A_93 = tpu.memref_slice %arg12[%add3A_75, %dma_wait3A] : memref<10016x64xf32, #tpu.memory_space<vmem_shared>> -> memref<128x64xf32, #tpu.memory_space<vmem_shared>>
      %dma_wait3A_94 = arith.constant 0 : i32
      %dma_wait3A_95 = tpu.memref_slice %arg12[%add3A_75, %dma_wait3A_94] : memref<10016x64xf32, #tpu.memory_space<vmem_shared>> -> memref<128x64xf32, #tpu.memory_space<vmem_shared>>
      tpu.wait_dma2 semaphore(%run_scoped3A_88 : memref<!tpu.dma_semaphore, #tpu.memory_space<semaphore_mem>>) src(%dma_wait3A_95 : memref<128x64xf32, #tpu.memory_space<vmem_shared>>) dst(%arg9 : memref<128x64xf32, #tpu.memory_space<vmem>>)
      tpu.yield
    }) : () -> ()
    %add3A_76 = arith.constant 384 : i32
    %add3A_77 = arith.addi %mul3A_0, %add3A_76 : i32
    %mul3A_78 = arith.constant 64 : i32
    %mul3A_79 = arith.muli %arg0, %mul3A_78 : i32
    %run_scoped3A_80 = arith.constant 0 : i32
    "tpu.region"() ({
      %run_scoped3A_88 = tpu.sem_alloc : memref<!tpu.dma_semaphore, #tpu.memory_space<semaphore_mem>>
      %dma_start3A_89 = tpu.memref_slice %arg5[%run_scoped3A_80, %add3A_77, %mul3A_79] : memref<1x10016x128xf32, #tpu.memory_space<hbm>> -> memref<1x128x64xf32, #tpu.memory_space<hbm>>
      %dma_start3A_90 = tpu.memref_squeeze %dma_start3A_89 : memref<1x128x64xf32, #tpu.memory_space<hbm>> -> memref<128x64xf32, #tpu.memory_space<hbm>>
      %dma_start3A_91 = tpu.memref_slice %arg5[%run_scoped3A_80, %add3A_77, %mul3A_79] : memref<1x10016x128xf32, #tpu.memory_space<hbm>> -> memref<1x128x64xf32, #tpu.memory_space<hbm>>
      %dma_start3A_92 = tpu.memref_squeeze %dma_start3A_91 : memref<1x128x64xf32, #tpu.memory_space<hbm>> -> memref<128x64xf32, #tpu.memory_space<hbm>>
      tpu.enqueue_dma source(%arg9 : memref<128x64xf32, #tpu.memory_space<vmem>>) target(%dma_start3A_92 : memref<128x64xf32, #tpu.memory_space<hbm>>) target_semaphore(%run_scoped3A_88 : memref<!tpu.dma_semaphore, #tpu.memory_space<semaphore_mem>>)
      %dma_wait3A = tpu.memref_slice %arg5[%run_scoped3A_80, %add3A_77, %mul3A_79] : memref<1x10016x128xf32, #tpu.memory_space<hbm>> -> memref<1x128x64xf32, #tpu.memory_space<hbm>>
      %dma_wait3A_93 = tpu.memref_squeeze %dma_wait3A : memref<1x128x64xf32, #tpu.memory_space<hbm>> -> memref<128x64xf32, #tpu.memory_space<hbm>>
      %dma_wait3A_94 = tpu.memref_slice %arg5[%run_scoped3A_80, %add3A_77, %mul3A_79] : memref<1x10016x128xf32, #tpu.memory_space<hbm>> -> memref<1x128x64xf32, #tpu.memory_space<hbm>>
      %dma_wait3A_95 = tpu.memref_squeeze %dma_wait3A_94 : memref<1x128x64xf32, #tpu.memory_space<hbm>> -> memref<128x64xf32, #tpu.memory_space<hbm>>
      tpu.wait_dma2 semaphore(%run_scoped3A_88 : memref<!tpu.dma_semaphore, #tpu.memory_space<semaphore_mem>>) src(%arg9 : memref<128x64xf32, #tpu.memory_space<vmem>>) dst(%dma_wait3A_95 : memref<128x64xf32, #tpu.memory_space<hbm>>)
      tpu.yield
    }) : () -> ()
    %add3A_81 = arith.constant 512 : i32
    %add3A_82 = arith.addi %mul3A_0, %add3A_81 : i32
    "tpu.region"() ({
      %run_scoped3A_88 = tpu.sem_alloc : memref<!tpu.dma_semaphore, #tpu.memory_space<semaphore_mem>>
      %dma_start3A_89 = arith.constant 0 : i32
      %dma_start3A_90 = arith.constant 0 : i32
      %dma_start3A_91 = tpu.memref_slice %arg9[%dma_start3A_89, %dma_start3A_90] : memref<128x64xf32, #tpu.memory_space<vmem>> -> memref<114x64xf32, #tpu.memory_space<vmem>>
      %dma_start3A_92 = arith.constant 0 : i32
      %dma_start3A_93 = tpu.memref_slice %arg12[%add3A_82, %dma_start3A_92] : memref<10016x64xf32, #tpu.memory_space<vmem_shared>> -> memref<114x64xf32, #tpu.memory_space<vmem_shared>>
      %dma_start3A_94 = arith.constant 0 : i32
      %dma_start3A_95 = arith.constant 0 : i32
      %dma_start3A_96 = tpu.memref_slice %arg9[%dma_start3A_94, %dma_start3A_95] : memref<128x64xf32, #tpu.memory_space<vmem>> -> memref<114x64xf32, #tpu.memory_space<vmem>>
      %dma_start3A_97 = arith.constant 0 : i32
      %dma_start3A_98 = tpu.memref_slice %arg12[%add3A_82, %dma_start3A_97] : memref<10016x64xf32, #tpu.memory_space<vmem_shared>> -> memref<114x64xf32, #tpu.memory_space<vmem_shared>>
      tpu.enqueue_dma source(%dma_start3A_98 : memref<114x64xf32, #tpu.memory_space<vmem_shared>>) target(%dma_start3A_96 : memref<114x64xf32, #tpu.memory_space<vmem>>) target_semaphore(%run_scoped3A_88 : memref<!tpu.dma_semaphore, #tpu.memory_space<semaphore_mem>>)
      %dma_wait3A = arith.constant 0 : i32
      %dma_wait3A_99 = arith.constant 0 : i32
      %dma_wait3A_100 = tpu.memref_slice %arg9[%dma_wait3A, %dma_wait3A_99] : memref<128x64xf32, #tpu.memory_space<vmem>> -> memref<114x64xf32, #tpu.memory_space<vmem>>
      %dma_wait3A_101 = arith.constant 0 : i32
      %dma_wait3A_102 = tpu.memref_slice %arg12[%add3A_82, %dma_wait3A_101] : memref<10016x64xf32, #tpu.memory_space<vmem_shared>> -> memref<114x64xf32, #tpu.memory_space<vmem_shared>>
      %dma_wait3A_103 = arith.constant 0 : i32
      %dma_wait3A_104 = arith.constant 0 : i32
      %dma_wait3A_105 = tpu.memref_slice %arg9[%dma_wait3A_103, %dma_wait3A_104] : memref<128x64xf32, #tpu.memory_space<vmem>> -> memref<114x64xf32, #tpu.memory_space<vmem>>
      %dma_wait3A_106 = arith.constant 0 : i32
      %dma_wait3A_107 = tpu.memref_slice %arg12[%add3A_82, %dma_wait3A_106] : memref<10016x64xf32, #tpu.memory_space<vmem_shared>> -> memref<114x64xf32, #tpu.memory_space<vmem_shared>>
      tpu.wait_dma2 semaphore(%run_scoped3A_88 : memref<!tpu.dma_semaphore, #tpu.memory_space<semaphore_mem>>) src(%dma_wait3A_107 : memref<114x64xf32, #tpu.memory_space<vmem_shared>>) dst(%dma_wait3A_105 : memref<114x64xf32, #tpu.memory_space<vmem>>)
      tpu.yield
    }) : () -> ()
    %add3A_83 = arith.constant 512 : i32
    %add3A_84 = arith.addi %mul3A_0, %add3A_83 : i32
    %mul3A_85 = arith.constant 64 : i32
    %mul3A_86 = arith.muli %arg0, %mul3A_85 : i32
    %run_scoped3A_87 = arith.constant 0 : i32
    "tpu.region"() ({
      %run_scoped3A_88 = tpu.sem_alloc : memref<!tpu.dma_semaphore, #tpu.memory_space<semaphore_mem>>
      %dma_start3A_89 = arith.constant 0 : i32
      %dma_start3A_90 = arith.constant 0 : i32
      %dma_start3A_91 = tpu.memref_slice %arg9[%dma_start3A_89, %dma_start3A_90] : memref<128x64xf32, #tpu.memory_space<vmem>> -> memref<114x64xf32, #tpu.memory_space<vmem>>
      %dma_start3A_92 = tpu.memref_slice %arg5[%run_scoped3A_87, %add3A_84, %mul3A_86] : memref<1x10016x128xf32, #tpu.memory_space<hbm>> -> memref<1x114x64xf32, #tpu.memory_space<hbm>>
      %dma_start3A_93 = tpu.memref_squeeze %dma_start3A_92 : memref<1x114x64xf32, #tpu.memory_space<hbm>> -> memref<114x64xf32, #tpu.memory_space<hbm>>
      %dma_start3A_94 = tpu.memref_slice %arg5[%run_scoped3A_87, %add3A_84, %mul3A_86] : memref<1x10016x128xf32, #tpu.memory_space<hbm>> -> memref<1x114x64xf32, #tpu.memory_space<hbm>>
      %dma_start3A_95 = tpu.memref_squeeze %dma_start3A_94 : memref<1x114x64xf32, #tpu.memory_space<hbm>> -> memref<114x64xf32, #tpu.memory_space<hbm>>
      %dma_start3A_96 = arith.constant 0 : i32
      %dma_start3A_97 = arith.constant 0 : i32
      %dma_start3A_98 = tpu.memref_slice %arg9[%dma_start3A_96, %dma_start3A_97] : memref<128x64xf32, #tpu.memory_space<vmem>> -> memref<114x64xf32, #tpu.memory_space<vmem>>
      tpu.enqueue_dma source(%dma_start3A_98 : memref<114x64xf32, #tpu.memory_space<vmem>>) target(%dma_start3A_95 : memref<114x64xf32, #tpu.memory_space<hbm>>) target_semaphore(%run_scoped3A_88 : memref<!tpu.dma_semaphore, #tpu.memory_space<semaphore_mem>>)
      %dma_wait3A = arith.constant 0 : i32
      %dma_wait3A_99 = arith.constant 0 : i32
      %dma_wait3A_100 = tpu.memref_slice %arg9[%dma_wait3A, %dma_wait3A_99] : memref<128x64xf32, #tpu.memory_space<vmem>> -> memref<114x64xf32, #tpu.memory_space<vmem>>
      %dma_wait3A_101 = tpu.memref_slice %arg5[%run_scoped3A_87, %add3A_84, %mul3A_86] : memref<1x10016x128xf32, #tpu.memory_space<hbm>> -> memref<1x114x64xf32, #tpu.memory_space<hbm>>
      %dma_wait3A_102 = tpu.memref_squeeze %dma_wait3A_101 : memref<1x114x64xf32, #tpu.memory_space<hbm>> -> memref<114x64xf32, #tpu.memory_space<hbm>>
      %dma_wait3A_103 = tpu.memref_slice %arg5[%run_scoped3A_87, %add3A_84, %mul3A_86] : memref<1x10016x128xf32, #tpu.memory_space<hbm>> -> memref<1x114x64xf32, #tpu.memory_space<hbm>>
      %dma_wait3A_104 = tpu.memref_squeeze %dma_wait3A_103 : memref<1x114x64xf32, #tpu.memory_space<hbm>> -> memref<114x64xf32, #tpu.memory_space<hbm>>
      %dma_wait3A_105 = arith.constant 0 : i32
      %dma_wait3A_106 = arith.constant 0 : i32
      %dma_wait3A_107 = tpu.memref_slice %arg9[%dma_wait3A_105, %dma_wait3A_106] : memref<128x64xf32, #tpu.memory_space<vmem>> -> memref<114x64xf32, #tpu.memory_space<vmem>>
      tpu.wait_dma2 semaphore(%run_scoped3A_88 : memref<!tpu.dma_semaphore, #tpu.memory_space<semaphore_mem>>) src(%dma_wait3A_107 : memref<114x64xf32, #tpu.memory_space<vmem>>) dst(%dma_wait3A_104 : memref<114x64xf32, #tpu.memory_space<hbm>>)
      tpu.yield
    }) : () -> ()
    return
  }
}

#map = affine_map<(d0, d1) -> (0, 0)>
#map1 = affine_map<(d0, d1) -> (0, 0, 0, 0, 0)>
#map2 = affine_map<(d0, d1) -> (0, 0, 0, 0)>
#map3 = affine_map<(d0, d1) -> (0, 0, 0)>
module attributes {stable_mosaic.version = 14 : i64} {
  func.func @agg_k(%arg0: i32, %arg1: i32, %arg2: memref<40064x64xf32, #tpu.memory_space<hbm>>, %arg3: memref<2x2x16x158x128xi32, #tpu.memory_space<hbm>>, %arg4: memref<2x16x158x128xi32, #tpu.memory_space<hbm>>, %arg5: memref<2x10016x128xf32, #tpu.memory_space<hbm>>, %arg6: memref<158x128xi32, #tpu.memory_space<vmem>>, %arg7: memref<158x128xi32, #tpu.memory_space<vmem>>, %arg8: memref<2x128x64xf32, #tpu.memory_space<vmem>>, %arg9: memref<128x64xf32, #tpu.memory_space<vmem>>, %arg10: memref<!tpu.dma_semaphore, #tpu.memory_space<semaphore_mem>>, %arg11: memref<!tpu.dma_semaphore, #tpu.memory_space<semaphore_mem>>, %arg12: memref<10016x64xf32, #tpu.memory_space<vmem_shared>>) attributes {dimension_semantics = [#tpu.dimension_semantics<core_parallel>, #tpu.dimension_semantics<subcore_parallel>], iteration_bounds = array<i64: 2, 16>, scalar_prefetch = 0 : i64, scratch_operands = 7 : i64, tpu.core_type = #tpu.core_type<sc_vector_subcore>, window_params = [{transform_indices = #map}, {transform_indices = #map1}, {transform_indices = #map2}, {transform_indices = #map3}]} {
    %mul3A = arith.constant 626 : i32
    %mul3A_0 = arith.muli %arg1, %mul3A : i32
    "tpu.region"() ({
      %run_scoped3A_180 = tpu.sem_alloc : memref<!tpu.dma_semaphore, #tpu.memory_space<semaphore_mem>>
      %dma_start3A_181 = arith.constant 0 : i32
      %dma_start3A_182 = arith.constant 0 : i32
      %dma_start3A_183 = tpu.memref_slice %arg4[%arg0, %arg1, %dma_start3A_181, %dma_start3A_182] : memref<2x16x158x128xi32, #tpu.memory_space<hbm>> -> memref<1x1x158x128xi32, #tpu.memory_space<hbm>>
      %dma_start3A_184 = tpu.memref_squeeze %dma_start3A_183 : memref<1x1x158x128xi32, #tpu.memory_space<hbm>> -> memref<158x128xi32, #tpu.memory_space<hbm>>
      %dma_start3A_185 = arith.constant 0 : i32
      %dma_start3A_186 = arith.constant 0 : i32
      %dma_start3A_187 = tpu.memref_slice %arg4[%arg0, %arg1, %dma_start3A_185, %dma_start3A_186] : memref<2x16x158x128xi32, #tpu.memory_space<hbm>> -> memref<1x1x158x128xi32, #tpu.memory_space<hbm>>
      %dma_start3A_188 = tpu.memref_squeeze %dma_start3A_187 : memref<1x1x158x128xi32, #tpu.memory_space<hbm>> -> memref<158x128xi32, #tpu.memory_space<hbm>>
      tpu.enqueue_dma source(%dma_start3A_188 : memref<158x128xi32, #tpu.memory_space<hbm>>) target(%arg7 : memref<158x128xi32, #tpu.memory_space<vmem>>) target_semaphore(%run_scoped3A_180 : memref<!tpu.dma_semaphore, #tpu.memory_space<semaphore_mem>>)
      %dma_wait3A = arith.constant 0 : i32
      %dma_wait3A_189 = arith.constant 0 : i32
      %dma_wait3A_190 = tpu.memref_slice %arg4[%arg0, %arg1, %dma_wait3A, %dma_wait3A_189] : memref<2x16x158x128xi32, #tpu.memory_space<hbm>> -> memref<1x1x158x128xi32, #tpu.memory_space<hbm>>
      %dma_wait3A_191 = tpu.memref_squeeze %dma_wait3A_190 : memref<1x1x158x128xi32, #tpu.memory_space<hbm>> -> memref<158x128xi32, #tpu.memory_space<hbm>>
      %dma_wait3A_192 = arith.constant 0 : i32
      %dma_wait3A_193 = arith.constant 0 : i32
      %dma_wait3A_194 = tpu.memref_slice %arg4[%arg0, %arg1, %dma_wait3A_192, %dma_wait3A_193] : memref<2x16x158x128xi32, #tpu.memory_space<hbm>> -> memref<1x1x158x128xi32, #tpu.memory_space<hbm>>
      %dma_wait3A_195 = tpu.memref_squeeze %dma_wait3A_194 : memref<1x1x158x128xi32, #tpu.memory_space<hbm>> -> memref<158x128xi32, #tpu.memory_space<hbm>>
      tpu.wait_dma2 semaphore(%run_scoped3A_180 : memref<!tpu.dma_semaphore, #tpu.memory_space<semaphore_mem>>) src(%dma_wait3A_195 : memref<158x128xi32, #tpu.memory_space<hbm>>) dst(%arg7 : memref<158x128xi32, #tpu.memory_space<vmem>>)
      tpu.yield
    }) : () -> ()
    %add3A = arith.constant 0 : i32
    %add3A_1 = arith.addi %add3A, %arg0 : i32
    %mul3A_2 = arith.constant 10016 : i32
    %mul3A_3 = arith.muli %add3A_1, %mul3A_2 : i32
    %add3A_4 = arith.addi %mul3A_3, %mul3A_0 : i32
    %add3A_5 = arith.constant 0 : i32
    %add3A_6 = arith.addi %add3A_4, %add3A_5 : i32
    "tpu.region"() ({
      %run_scoped3A_180 = tpu.sem_alloc : memref<!tpu.dma_semaphore, #tpu.memory_space<semaphore_mem>>
      %dma_start3A_181 = arith.constant 0 : i32
      %dma_start3A_182 = tpu.memref_slice %arg2[%add3A_6, %dma_start3A_181] : memref<40064x64xf32, #tpu.memory_space<hbm>> -> memref<128x64xf32, #tpu.memory_space<hbm>>
      %dma_start3A_183 = arith.constant 0 : i32
      %dma_start3A_184 = tpu.memref_slice %arg2[%add3A_6, %dma_start3A_183] : memref<40064x64xf32, #tpu.memory_space<hbm>> -> memref<128x64xf32, #tpu.memory_space<hbm>>
      tpu.enqueue_dma source(%dma_start3A_184 : memref<128x64xf32, #tpu.memory_space<hbm>>) target(%arg9 : memref<128x64xf32, #tpu.memory_space<vmem>>) target_semaphore(%run_scoped3A_180 : memref<!tpu.dma_semaphore, #tpu.memory_space<semaphore_mem>>)
      %dma_wait3A = arith.constant 0 : i32
      %dma_wait3A_185 = tpu.memref_slice %arg2[%add3A_6, %dma_wait3A] : memref<40064x64xf32, #tpu.memory_space<hbm>> -> memref<128x64xf32, #tpu.memory_space<hbm>>
      %dma_wait3A_186 = arith.constant 0 : i32
      %dma_wait3A_187 = tpu.memref_slice %arg2[%add3A_6, %dma_wait3A_186] : memref<40064x64xf32, #tpu.memory_space<hbm>> -> memref<128x64xf32, #tpu.memory_space<hbm>>
      tpu.wait_dma2 semaphore(%run_scoped3A_180 : memref<!tpu.dma_semaphore, #tpu.memory_space<semaphore_mem>>) src(%dma_wait3A_187 : memref<128x64xf32, #tpu.memory_space<hbm>>) dst(%arg9 : memref<128x64xf32, #tpu.memory_space<vmem>>)
      tpu.yield
    }) : () -> ()
    %add3A_7 = arith.constant 0 : i32
    %add3A_8 = arith.addi %mul3A_0, %add3A_7 : i32
    "tpu.region"() ({
      %run_scoped3A_180 = tpu.sem_alloc : memref<!tpu.dma_semaphore, #tpu.memory_space<semaphore_mem>>
      %dma_start3A_181 = arith.constant 0 : i32
      %dma_start3A_182 = tpu.memref_slice %arg12[%add3A_8, %dma_start3A_181] : memref<10016x64xf32, #tpu.memory_space<vmem_shared>> -> memref<128x64xf32, #tpu.memory_space<vmem_shared>>
      %dma_start3A_183 = arith.constant 0 : i32
      %dma_start3A_184 = tpu.memref_slice %arg12[%add3A_8, %dma_start3A_183] : memref<10016x64xf32, #tpu.memory_space<vmem_shared>> -> memref<128x64xf32, #tpu.memory_space<vmem_shared>>
      tpu.enqueue_dma source(%arg9 : memref<128x64xf32, #tpu.memory_space<vmem>>) target(%dma_start3A_184 : memref<128x64xf32, #tpu.memory_space<vmem_shared>>) target_semaphore(%run_scoped3A_180 : memref<!tpu.dma_semaphore, #tpu.memory_space<semaphore_mem>>)
      %dma_wait3A = arith.constant 0 : i32
      %dma_wait3A_185 = tpu.memref_slice %arg12[%add3A_8, %dma_wait3A] : memref<10016x64xf32, #tpu.memory_space<vmem_shared>> -> memref<128x64xf32, #tpu.memory_space<vmem_shared>>
      %dma_wait3A_186 = arith.constant 0 : i32
      %dma_wait3A_187 = tpu.memref_slice %arg12[%add3A_8, %dma_wait3A_186] : memref<10016x64xf32, #tpu.memory_space<vmem_shared>> -> memref<128x64xf32, #tpu.memory_space<vmem_shared>>
      tpu.wait_dma2 semaphore(%run_scoped3A_180 : memref<!tpu.dma_semaphore, #tpu.memory_space<semaphore_mem>>) src(%arg9 : memref<128x64xf32, #tpu.memory_space<vmem>>) dst(%dma_wait3A_187 : memref<128x64xf32, #tpu.memory_space<vmem_shared>>)
      tpu.yield
    }) : () -> ()
    %add3A_9 = arith.constant 128 : i32
    %add3A_10 = arith.addi %add3A_4, %add3A_9 : i32
    "tpu.region"() ({
      %run_scoped3A_180 = tpu.sem_alloc : memref<!tpu.dma_semaphore, #tpu.memory_space<semaphore_mem>>
      %dma_start3A_181 = arith.constant 0 : i32
      %dma_start3A_182 = tpu.memref_slice %arg2[%add3A_10, %dma_start3A_181] : memref<40064x64xf32, #tpu.memory_space<hbm>> -> memref<128x64xf32, #tpu.memory_space<hbm>>
      %dma_start3A_183 = arith.constant 0 : i32
      %dma_start3A_184 = tpu.memref_slice %arg2[%add3A_10, %dma_start3A_183] : memref<40064x64xf32, #tpu.memory_space<hbm>> -> memref<128x64xf32, #tpu.memory_space<hbm>>
      tpu.enqueue_dma source(%dma_start3A_184 : memref<128x64xf32, #tpu.memory_space<hbm>>) target(%arg9 : memref<128x64xf32, #tpu.memory_space<vmem>>) target_semaphore(%run_scoped3A_180 : memref<!tpu.dma_semaphore, #tpu.memory_space<semaphore_mem>>)
      %dma_wait3A = arith.constant 0 : i32
      %dma_wait3A_185 = tpu.memref_slice %arg2[%add3A_10, %dma_wait3A] : memref<40064x64xf32, #tpu.memory_space<hbm>> -> memref<128x64xf32, #tpu.memory_space<hbm>>
      %dma_wait3A_186 = arith.constant 0 : i32
      %dma_wait3A_187 = tpu.memref_slice %arg2[%add3A_10, %dma_wait3A_186] : memref<40064x64xf32, #tpu.memory_space<hbm>> -> memref<128x64xf32, #tpu.memory_space<hbm>>
      tpu.wait_dma2 semaphore(%run_scoped3A_180 : memref<!tpu.dma_semaphore, #tpu.memory_space<semaphore_mem>>) src(%dma_wait3A_187 : memref<128x64xf32, #tpu.memory_space<hbm>>) dst(%arg9 : memref<128x64xf32, #tpu.memory_space<vmem>>)
      tpu.yield
    }) : () -> ()
    %add3A_11 = arith.constant 128 : i32
    %add3A_12 = arith.addi %mul3A_0, %add3A_11 : i32
    "tpu.region"() ({
      %run_scoped3A_180 = tpu.sem_alloc : memref<!tpu.dma_semaphore, #tpu.memory_space<semaphore_mem>>
      %dma_start3A_181 = arith.constant 0 : i32
      %dma_start3A_182 = tpu.memref_slice %arg12[%add3A_12, %dma_start3A_181] : memref<10016x64xf32, #tpu.memory_space<vmem_shared>> -> memref<128x64xf32, #tpu.memory_space<vmem_shared>>
      %dma_start3A_183 = arith.constant 0 : i32
      %dma_start3A_184 = tpu.memref_slice %arg12[%add3A_12, %dma_start3A_183] : memref<10016x64xf32, #tpu.memory_space<vmem_shared>> -> memref<128x64xf32, #tpu.memory_space<vmem_shared>>
      tpu.enqueue_dma source(%arg9 : memref<128x64xf32, #tpu.memory_space<vmem>>) target(%dma_start3A_184 : memref<128x64xf32, #tpu.memory_space<vmem_shared>>) target_semaphore(%run_scoped3A_180 : memref<!tpu.dma_semaphore, #tpu.memory_space<semaphore_mem>>)
      %dma_wait3A = arith.constant 0 : i32
      %dma_wait3A_185 = tpu.memref_slice %arg12[%add3A_12, %dma_wait3A] : memref<10016x64xf32, #tpu.memory_space<vmem_shared>> -> memref<128x64xf32, #tpu.memory_space<vmem_shared>>
      %dma_wait3A_186 = arith.constant 0 : i32
      %dma_wait3A_187 = tpu.memref_slice %arg12[%add3A_12, %dma_wait3A_186] : memref<10016x64xf32, #tpu.memory_space<vmem_shared>> -> memref<128x64xf32, #tpu.memory_space<vmem_shared>>
      tpu.wait_dma2 semaphore(%run_scoped3A_180 : memref<!tpu.dma_semaphore, #tpu.memory_space<semaphore_mem>>) src(%arg9 : memref<128x64xf32, #tpu.memory_space<vmem>>) dst(%dma_wait3A_187 : memref<128x64xf32, #tpu.memory_space<vmem_shared>>)
      tpu.yield
    }) : () -> ()
    %add3A_13 = arith.constant 256 : i32
    %add3A_14 = arith.addi %add3A_4, %add3A_13 : i32
    "tpu.region"() ({
      %run_scoped3A_180 = tpu.sem_alloc : memref<!tpu.dma_semaphore, #tpu.memory_space<semaphore_mem>>
      %dma_start3A_181 = arith.constant 0 : i32
      %dma_start3A_182 = tpu.memref_slice %arg2[%add3A_14, %dma_start3A_181] : memref<40064x64xf32, #tpu.memory_space<hbm>> -> memref<128x64xf32, #tpu.memory_space<hbm>>
      %dma_start3A_183 = arith.constant 0 : i32
      %dma_start3A_184 = tpu.memref_slice %arg2[%add3A_14, %dma_start3A_183] : memref<40064x64xf32, #tpu.memory_space<hbm>> -> memref<128x64xf32, #tpu.memory_space<hbm>>
      tpu.enqueue_dma source(%dma_start3A_184 : memref<128x64xf32, #tpu.memory_space<hbm>>) target(%arg9 : memref<128x64xf32, #tpu.memory_space<vmem>>) target_semaphore(%run_scoped3A_180 : memref<!tpu.dma_semaphore, #tpu.memory_space<semaphore_mem>>)
      %dma_wait3A = arith.constant 0 : i32
      %dma_wait3A_185 = tpu.memref_slice %arg2[%add3A_14, %dma_wait3A] : memref<40064x64xf32, #tpu.memory_space<hbm>> -> memref<128x64xf32, #tpu.memory_space<hbm>>
      %dma_wait3A_186 = arith.constant 0 : i32
      %dma_wait3A_187 = tpu.memref_slice %arg2[%add3A_14, %dma_wait3A_186] : memref<40064x64xf32, #tpu.memory_space<hbm>> -> memref<128x64xf32, #tpu.memory_space<hbm>>
      tpu.wait_dma2 semaphore(%run_scoped3A_180 : memref<!tpu.dma_semaphore, #tpu.memory_space<semaphore_mem>>) src(%dma_wait3A_187 : memref<128x64xf32, #tpu.memory_space<hbm>>) dst(%arg9 : memref<128x64xf32, #tpu.memory_space<vmem>>)
      tpu.yield
    }) : () -> ()
    %add3A_15 = arith.constant 256 : i32
    %add3A_16 = arith.addi %mul3A_0, %add3A_15 : i32
    "tpu.region"() ({
      %run_scoped3A_180 = tpu.sem_alloc : memref<!tpu.dma_semaphore, #tpu.memory_space<semaphore_mem>>
      %dma_start3A_181 = arith.constant 0 : i32
      %dma_start3A_182 = tpu.memref_slice %arg12[%add3A_16, %dma_start3A_181] : memref<10016x64xf32, #tpu.memory_space<vmem_shared>> -> memref<128x64xf32, #tpu.memory_space<vmem_shared>>
      %dma_start3A_183 = arith.constant 0 : i32
      %dma_start3A_184 = tpu.memref_slice %arg12[%add3A_16, %dma_start3A_183] : memref<10016x64xf32, #tpu.memory_space<vmem_shared>> -> memref<128x64xf32, #tpu.memory_space<vmem_shared>>
      tpu.enqueue_dma source(%arg9 : memref<128x64xf32, #tpu.memory_space<vmem>>) target(%dma_start3A_184 : memref<128x64xf32, #tpu.memory_space<vmem_shared>>) target_semaphore(%run_scoped3A_180 : memref<!tpu.dma_semaphore, #tpu.memory_space<semaphore_mem>>)
      %dma_wait3A = arith.constant 0 : i32
      %dma_wait3A_185 = tpu.memref_slice %arg12[%add3A_16, %dma_wait3A] : memref<10016x64xf32, #tpu.memory_space<vmem_shared>> -> memref<128x64xf32, #tpu.memory_space<vmem_shared>>
      %dma_wait3A_186 = arith.constant 0 : i32
      %dma_wait3A_187 = tpu.memref_slice %arg12[%add3A_16, %dma_wait3A_186] : memref<10016x64xf32, #tpu.memory_space<vmem_shared>> -> memref<128x64xf32, #tpu.memory_space<vmem_shared>>
      tpu.wait_dma2 semaphore(%run_scoped3A_180 : memref<!tpu.dma_semaphore, #tpu.memory_space<semaphore_mem>>) src(%arg9 : memref<128x64xf32, #tpu.memory_space<vmem>>) dst(%dma_wait3A_187 : memref<128x64xf32, #tpu.memory_space<vmem_shared>>)
      tpu.yield
    }) : () -> ()
    %add3A_17 = arith.constant 384 : i32
    %add3A_18 = arith.addi %add3A_4, %add3A_17 : i32
    "tpu.region"() ({
      %run_scoped3A_180 = tpu.sem_alloc : memref<!tpu.dma_semaphore, #tpu.memory_space<semaphore_mem>>
      %dma_start3A_181 = arith.constant 0 : i32
      %dma_start3A_182 = tpu.memref_slice %arg2[%add3A_18, %dma_start3A_181] : memref<40064x64xf32, #tpu.memory_space<hbm>> -> memref<128x64xf32, #tpu.memory_space<hbm>>
      %dma_start3A_183 = arith.constant 0 : i32
      %dma_start3A_184 = tpu.memref_slice %arg2[%add3A_18, %dma_start3A_183] : memref<40064x64xf32, #tpu.memory_space<hbm>> -> memref<128x64xf32, #tpu.memory_space<hbm>>
      tpu.enqueue_dma source(%dma_start3A_184 : memref<128x64xf32, #tpu.memory_space<hbm>>) target(%arg9 : memref<128x64xf32, #tpu.memory_space<vmem>>) target_semaphore(%run_scoped3A_180 : memref<!tpu.dma_semaphore, #tpu.memory_space<semaphore_mem>>)
      %dma_wait3A = arith.constant 0 : i32
      %dma_wait3A_185 = tpu.memref_slice %arg2[%add3A_18, %dma_wait3A] : memref<40064x64xf32, #tpu.memory_space<hbm>> -> memref<128x64xf32, #tpu.memory_space<hbm>>
      %dma_wait3A_186 = arith.constant 0 : i32
      %dma_wait3A_187 = tpu.memref_slice %arg2[%add3A_18, %dma_wait3A_186] : memref<40064x64xf32, #tpu.memory_space<hbm>> -> memref<128x64xf32, #tpu.memory_space<hbm>>
      tpu.wait_dma2 semaphore(%run_scoped3A_180 : memref<!tpu.dma_semaphore, #tpu.memory_space<semaphore_mem>>) src(%dma_wait3A_187 : memref<128x64xf32, #tpu.memory_space<hbm>>) dst(%arg9 : memref<128x64xf32, #tpu.memory_space<vmem>>)
      tpu.yield
    }) : () -> ()
    %add3A_19 = arith.constant 384 : i32
    %add3A_20 = arith.addi %mul3A_0, %add3A_19 : i32
    "tpu.region"() ({
      %run_scoped3A_180 = tpu.sem_alloc : memref<!tpu.dma_semaphore, #tpu.memory_space<semaphore_mem>>
      %dma_start3A_181 = arith.constant 0 : i32
      %dma_start3A_182 = tpu.memref_slice %arg12[%add3A_20, %dma_start3A_181] : memref<10016x64xf32, #tpu.memory_space<vmem_shared>> -> memref<128x64xf32, #tpu.memory_space<vmem_shared>>
      %dma_start3A_183 = arith.constant 0 : i32
      %dma_start3A_184 = tpu.memref_slice %arg12[%add3A_20, %dma_start3A_183] : memref<10016x64xf32, #tpu.memory_space<vmem_shared>> -> memref<128x64xf32, #tpu.memory_space<vmem_shared>>
      tpu.enqueue_dma source(%arg9 : memref<128x64xf32, #tpu.memory_space<vmem>>) target(%dma_start3A_184 : memref<128x64xf32, #tpu.memory_space<vmem_shared>>) target_semaphore(%run_scoped3A_180 : memref<!tpu.dma_semaphore, #tpu.memory_space<semaphore_mem>>)
      %dma_wait3A = arith.constant 0 : i32
      %dma_wait3A_185 = tpu.memref_slice %arg12[%add3A_20, %dma_wait3A] : memref<10016x64xf32, #tpu.memory_space<vmem_shared>> -> memref<128x64xf32, #tpu.memory_space<vmem_shared>>
      %dma_wait3A_186 = arith.constant 0 : i32
      %dma_wait3A_187 = tpu.memref_slice %arg12[%add3A_20, %dma_wait3A_186] : memref<10016x64xf32, #tpu.memory_space<vmem_shared>> -> memref<128x64xf32, #tpu.memory_space<vmem_shared>>
      tpu.wait_dma2 semaphore(%run_scoped3A_180 : memref<!tpu.dma_semaphore, #tpu.memory_space<semaphore_mem>>) src(%arg9 : memref<128x64xf32, #tpu.memory_space<vmem>>) dst(%dma_wait3A_187 : memref<128x64xf32, #tpu.memory_space<vmem_shared>>)
      tpu.yield
    }) : () -> ()
    %add3A_21 = arith.constant 512 : i32
    %add3A_22 = arith.addi %add3A_4, %add3A_21 : i32
    "tpu.region"() ({
      %run_scoped3A_180 = tpu.sem_alloc : memref<!tpu.dma_semaphore, #tpu.memory_space<semaphore_mem>>
      %dma_start3A_181 = arith.constant 0 : i32
      %dma_start3A_182 = arith.constant 0 : i32
      %dma_start3A_183 = tpu.memref_slice %arg9[%dma_start3A_181, %dma_start3A_182] : memref<128x64xf32, #tpu.memory_space<vmem>> -> memref<114x64xf32, #tpu.memory_space<vmem>>
      %dma_start3A_184 = arith.constant 0 : i32
      %dma_start3A_185 = tpu.memref_slice %arg2[%add3A_22, %dma_start3A_184] : memref<40064x64xf32, #tpu.memory_space<hbm>> -> memref<114x64xf32, #tpu.memory_space<hbm>>
      %dma_start3A_186 = arith.constant 0 : i32
      %dma_start3A_187 = arith.constant 0 : i32
      %dma_start3A_188 = tpu.memref_slice %arg9[%dma_start3A_186, %dma_start3A_187] : memref<128x64xf32, #tpu.memory_space<vmem>> -> memref<114x64xf32, #tpu.memory_space<vmem>>
      %dma_start3A_189 = arith.constant 0 : i32
      %dma_start3A_190 = tpu.memref_slice %arg2[%add3A_22, %dma_start3A_189] : memref<40064x64xf32, #tpu.memory_space<hbm>> -> memref<114x64xf32, #tpu.memory_space<hbm>>
      tpu.enqueue_dma source(%dma_start3A_190 : memref<114x64xf32, #tpu.memory_space<hbm>>) target(%dma_start3A_188 : memref<114x64xf32, #tpu.memory_space<vmem>>) target_semaphore(%run_scoped3A_180 : memref<!tpu.dma_semaphore, #tpu.memory_space<semaphore_mem>>)
      %dma_wait3A = arith.constant 0 : i32
      %dma_wait3A_191 = arith.constant 0 : i32
      %dma_wait3A_192 = tpu.memref_slice %arg9[%dma_wait3A, %dma_wait3A_191] : memref<128x64xf32, #tpu.memory_space<vmem>> -> memref<114x64xf32, #tpu.memory_space<vmem>>
      %dma_wait3A_193 = arith.constant 0 : i32
      %dma_wait3A_194 = tpu.memref_slice %arg2[%add3A_22, %dma_wait3A_193] : memref<40064x64xf32, #tpu.memory_space<hbm>> -> memref<114x64xf32, #tpu.memory_space<hbm>>
      %dma_wait3A_195 = arith.constant 0 : i32
      %dma_wait3A_196 = arith.constant 0 : i32
      %dma_wait3A_197 = tpu.memref_slice %arg9[%dma_wait3A_195, %dma_wait3A_196] : memref<128x64xf32, #tpu.memory_space<vmem>> -> memref<114x64xf32, #tpu.memory_space<vmem>>
      %dma_wait3A_198 = arith.constant 0 : i32
      %dma_wait3A_199 = tpu.memref_slice %arg2[%add3A_22, %dma_wait3A_198] : memref<40064x64xf32, #tpu.memory_space<hbm>> -> memref<114x64xf32, #tpu.memory_space<hbm>>
      tpu.wait_dma2 semaphore(%run_scoped3A_180 : memref<!tpu.dma_semaphore, #tpu.memory_space<semaphore_mem>>) src(%dma_wait3A_199 : memref<114x64xf32, #tpu.memory_space<hbm>>) dst(%dma_wait3A_197 : memref<114x64xf32, #tpu.memory_space<vmem>>)
      tpu.yield
    }) : () -> ()
    %add3A_23 = arith.constant 512 : i32
    %add3A_24 = arith.addi %mul3A_0, %add3A_23 : i32
    "tpu.region"() ({
      %run_scoped3A_180 = tpu.sem_alloc : memref<!tpu.dma_semaphore, #tpu.memory_space<semaphore_mem>>
      %dma_start3A_181 = arith.constant 0 : i32
      %dma_start3A_182 = arith.constant 0 : i32
      %dma_start3A_183 = tpu.memref_slice %arg9[%dma_start3A_181, %dma_start3A_182] : memref<128x64xf32, #tpu.memory_space<vmem>> -> memref<114x64xf32, #tpu.memory_space<vmem>>
      %dma_start3A_184 = arith.constant 0 : i32
      %dma_start3A_185 = tpu.memref_slice %arg12[%add3A_24, %dma_start3A_184] : memref<10016x64xf32, #tpu.memory_space<vmem_shared>> -> memref<114x64xf32, #tpu.memory_space<vmem_shared>>
      %dma_start3A_186 = arith.constant 0 : i32
      %dma_start3A_187 = tpu.memref_slice %arg12[%add3A_24, %dma_start3A_186] : memref<10016x64xf32, #tpu.memory_space<vmem_shared>> -> memref<114x64xf32, #tpu.memory_space<vmem_shared>>
      %dma_start3A_188 = arith.constant 0 : i32
      %dma_start3A_189 = arith.constant 0 : i32
      %dma_start3A_190 = tpu.memref_slice %arg9[%dma_start3A_188, %dma_start3A_189] : memref<128x64xf32, #tpu.memory_space<vmem>> -> memref<114x64xf32, #tpu.memory_space<vmem>>
      tpu.enqueue_dma source(%dma_start3A_190 : memref<114x64xf32, #tpu.memory_space<vmem>>) target(%dma_start3A_187 : memref<114x64xf32, #tpu.memory_space<vmem_shared>>) target_semaphore(%run_scoped3A_180 : memref<!tpu.dma_semaphore, #tpu.memory_space<semaphore_mem>>)
      %dma_wait3A = arith.constant 0 : i32
      %dma_wait3A_191 = arith.constant 0 : i32
      %dma_wait3A_192 = tpu.memref_slice %arg9[%dma_wait3A, %dma_wait3A_191] : memref<128x64xf32, #tpu.memory_space<vmem>> -> memref<114x64xf32, #tpu.memory_space<vmem>>
      %dma_wait3A_193 = arith.constant 0 : i32
      %dma_wait3A_194 = tpu.memref_slice %arg12[%add3A_24, %dma_wait3A_193] : memref<10016x64xf32, #tpu.memory_space<vmem_shared>> -> memref<114x64xf32, #tpu.memory_space<vmem_shared>>
      %dma_wait3A_195 = arith.constant 0 : i32
      %dma_wait3A_196 = tpu.memref_slice %arg12[%add3A_24, %dma_wait3A_195] : memref<10016x64xf32, #tpu.memory_space<vmem_shared>> -> memref<114x64xf32, #tpu.memory_space<vmem_shared>>
      %dma_wait3A_197 = arith.constant 0 : i32
      %dma_wait3A_198 = arith.constant 0 : i32
      %dma_wait3A_199 = tpu.memref_slice %arg9[%dma_wait3A_197, %dma_wait3A_198] : memref<128x64xf32, #tpu.memory_space<vmem>> -> memref<114x64xf32, #tpu.memory_space<vmem>>
      tpu.wait_dma2 semaphore(%run_scoped3A_180 : memref<!tpu.dma_semaphore, #tpu.memory_space<semaphore_mem>>) src(%dma_wait3A_199 : memref<114x64xf32, #tpu.memory_space<vmem>>) dst(%dma_wait3A_196 : memref<114x64xf32, #tpu.memory_space<vmem_shared>>)
      tpu.yield
    }) : () -> ()
    %run_scoped3A = arith.constant 0 : i32
    "tpu.region"() ({
      %run_scoped3A_180 = tpu.sem_alloc : memref<!tpu.dma_semaphore, #tpu.memory_space<semaphore_mem>>
      %dma_start3A_181 = arith.constant 0 : i32
      %dma_start3A_182 = arith.constant 0 : i32
      %dma_start3A_183 = tpu.memref_slice %arg3[%run_scoped3A, %arg0, %arg1, %dma_start3A_181, %dma_start3A_182] : memref<2x2x16x158x128xi32, #tpu.memory_space<hbm>> -> memref<1x1x1x158x128xi32, #tpu.memory_space<hbm>>
      %dma_start3A_184 = tpu.memref_squeeze %dma_start3A_183 : memref<1x1x1x158x128xi32, #tpu.memory_space<hbm>> -> memref<158x128xi32, #tpu.memory_space<hbm>>
      %dma_start3A_185 = arith.constant 0 : i32
      %dma_start3A_186 = arith.constant 0 : i32
      %dma_start3A_187 = tpu.memref_slice %arg3[%run_scoped3A, %arg0, %arg1, %dma_start3A_185, %dma_start3A_186] : memref<2x2x16x158x128xi32, #tpu.memory_space<hbm>> -> memref<1x1x1x158x128xi32, #tpu.memory_space<hbm>>
      %dma_start3A_188 = tpu.memref_squeeze %dma_start3A_187 : memref<1x1x1x158x128xi32, #tpu.memory_space<hbm>> -> memref<158x128xi32, #tpu.memory_space<hbm>>
      tpu.enqueue_dma source(%dma_start3A_188 : memref<158x128xi32, #tpu.memory_space<hbm>>) target(%arg6 : memref<158x128xi32, #tpu.memory_space<vmem>>) target_semaphore(%run_scoped3A_180 : memref<!tpu.dma_semaphore, #tpu.memory_space<semaphore_mem>>)
      %dma_wait3A = arith.constant 0 : i32
      %dma_wait3A_189 = arith.constant 0 : i32
      %dma_wait3A_190 = tpu.memref_slice %arg3[%run_scoped3A, %arg0, %arg1, %dma_wait3A, %dma_wait3A_189] : memref<2x2x16x158x128xi32, #tpu.memory_space<hbm>> -> memref<1x1x1x158x128xi32, #tpu.memory_space<hbm>>
      %dma_wait3A_191 = tpu.memref_squeeze %dma_wait3A_190 : memref<1x1x1x158x128xi32, #tpu.memory_space<hbm>> -> memref<158x128xi32, #tpu.memory_space<hbm>>
      %dma_wait3A_192 = arith.constant 0 : i32
      %dma_wait3A_193 = arith.constant 0 : i32
      %dma_wait3A_194 = tpu.memref_slice %arg3[%run_scoped3A, %arg0, %arg1, %dma_wait3A_192, %dma_wait3A_193] : memref<2x2x16x158x128xi32, #tpu.memory_space<hbm>> -> memref<1x1x1x158x128xi32, #tpu.memory_space<hbm>>
      %dma_wait3A_195 = tpu.memref_squeeze %dma_wait3A_194 : memref<1x1x1x158x128xi32, #tpu.memory_space<hbm>> -> memref<158x128xi32, #tpu.memory_space<hbm>>
      tpu.wait_dma2 semaphore(%run_scoped3A_180 : memref<!tpu.dma_semaphore, #tpu.memory_space<semaphore_mem>>) src(%dma_wait3A_195 : memref<158x128xi32, #tpu.memory_space<hbm>>) dst(%arg6 : memref<158x128xi32, #tpu.memory_space<vmem>>)
      tpu.yield
    }) : () -> ()
    %barrier3A = arith.constant 0 : index
    tpu.barrier barrier_id(%barrier3A)
    %dma_start3A = arith.constant 0 : i32
    %dma_start3A_25 = arith.constant 0 : i32
    %dma_start3A_26 = arith.constant 0 : i32
    %dma_start3A_27 = arith.constant 0 : i32
    %dma_start3A_28 = tpu.memref_slice %arg8[%dma_start3A_25, %dma_start3A_26, %dma_start3A_27] : memref<2x128x64xf32, #tpu.memory_space<vmem>> -> memref<1x128x64xf32, #tpu.memory_space<vmem>>
    %dma_start3A_29 = tpu.memref_squeeze %dma_start3A_28 : memref<1x128x64xf32, #tpu.memory_space<vmem>> -> memref<128x64xf32, #tpu.memory_space<vmem>>
    %dma_start3A_30 = arith.constant 0 : i32
    %dma_start3A_31 = tpu.memref_slice %arg6[%dma_start3A, %dma_start3A_30] : memref<158x128xi32, #tpu.memory_space<vmem>> -> memref<1x128xi32, #tpu.memory_space<vmem>>
    %dma_start3A_32 = tpu.memref_squeeze %dma_start3A_31 : memref<1x128xi32, #tpu.memory_space<vmem>> -> memref<128xi32, #tpu.memory_space<vmem>>
    %dma_start3A_33 = arith.constant 0 : i32
    %dma_start3A_34 = arith.constant 0 : i32
    %dma_start3A_35 = tpu.memref_slice %arg2[%dma_start3A_33, %dma_start3A_34] : memref<40064x64xf32, #tpu.memory_space<hbm>> -> memref<40064x64xf32, #tpu.memory_space<hbm>>
    tpu.enqueue_indirect_dma source(%dma_start3A_35 : memref<40064x64xf32, #tpu.memory_space<hbm>>) target(%dma_start3A_29 : memref<128x64xf32, #tpu.memory_space<vmem>>) offsets(%dma_start3A_32 : memref<128xi32, #tpu.memory_space<vmem>>) semaphore(%arg10 : memref<!tpu.dma_semaphore, #tpu.memory_space<semaphore_mem>>)
    %dma_start3A_36 = arith.constant 1 : i32
    %dma_start3A_37 = arith.constant 1 : i32
    %dma_start3A_38 = arith.constant 0 : i32
    %dma_start3A_39 = arith.constant 0 : i32
    %dma_start3A_40 = tpu.memref_slice %arg8[%dma_start3A_37, %dma_start3A_38, %dma_start3A_39] : memref<2x128x64xf32, #tpu.memory_space<vmem>> -> memref<1x128x64xf32, #tpu.memory_space<vmem>>
    %dma_start3A_41 = tpu.memref_squeeze %dma_start3A_40 : memref<1x128x64xf32, #tpu.memory_space<vmem>> -> memref<128x64xf32, #tpu.memory_space<vmem>>
    %dma_start3A_42 = arith.constant 0 : i32
    %dma_start3A_43 = tpu.memref_slice %arg6[%dma_start3A_36, %dma_start3A_42] : memref<158x128xi32, #tpu.memory_space<vmem>> -> memref<1x128xi32, #tpu.memory_space<vmem>>
    %dma_start3A_44 = tpu.memref_squeeze %dma_start3A_43 : memref<1x128xi32, #tpu.memory_space<vmem>> -> memref<128xi32, #tpu.memory_space<vmem>>
    %dma_start3A_45 = arith.constant 0 : i32
    %dma_start3A_46 = arith.constant 0 : i32
    %dma_start3A_47 = tpu.memref_slice %arg2[%dma_start3A_45, %dma_start3A_46] : memref<40064x64xf32, #tpu.memory_space<hbm>> -> memref<40064x64xf32, #tpu.memory_space<hbm>>
    tpu.enqueue_indirect_dma source(%dma_start3A_47 : memref<40064x64xf32, #tpu.memory_space<hbm>>) target(%dma_start3A_41 : memref<128x64xf32, #tpu.memory_space<vmem>>) offsets(%dma_start3A_44 : memref<128xi32, #tpu.memory_space<vmem>>) semaphore(%arg11 : memref<!tpu.dma_semaphore, #tpu.memory_space<semaphore_mem>>)
    %scan3A = arith.constant 0 : i32
    %scan3A_48 = arith.constant 79 : i32
    %scan3A_49 = arith.addi %scan3A, %scan3A_48 : i32
    %scan3A_50 = arith.constant 1 : i32
    scf.for %scan3A_180 = %scan3A to %scan3A_49 step %scan3A_50  : i32 {
      %mul3A_181 = arith.constant 2 : i32
      %mul3A_182 = arith.muli %scan3A_180, %mul3A_181 : i32
      %add3A_183 = arith.constant 0 : i32
      %add3A_184 = arith.addi %add3A_183, %mul3A_182 : i32
      %add3A_185 = arith.constant 0 : i32
      %add3A_186 = arith.addi %add3A_184, %add3A_185 : i32
      %dma_wait3A = arith.constant 0 : i32
      %dma_wait3A_187 = arith.constant 0 : i32
      %dma_wait3A_188 = arith.constant 0 : i32
      %dma_wait3A_189 = tpu.memref_slice %arg8[%dma_wait3A, %dma_wait3A_187, %dma_wait3A_188] : memref<2x128x64xf32, #tpu.memory_space<vmem>> -> memref<1x128x64xf32, #tpu.memory_space<vmem>>
      %dma_wait3A_190 = tpu.memref_squeeze %dma_wait3A_189 : memref<1x128x64xf32, #tpu.memory_space<vmem>> -> memref<128x64xf32, #tpu.memory_space<vmem>>
      %dma_wait3A_191 = arith.constant 0 : i32
      %dma_wait3A_192 = tpu.memref_slice %arg6[%add3A_186, %dma_wait3A_191] : memref<158x128xi32, #tpu.memory_space<vmem>> -> memref<1x128xi32, #tpu.memory_space<vmem>>
      %dma_wait3A_193 = tpu.memref_squeeze %dma_wait3A_192 : memref<1x128xi32, #tpu.memory_space<vmem>> -> memref<128xi32, #tpu.memory_space<vmem>>
      %dma_wait3A_194 = arith.constant 0 : i32
      %dma_wait3A_195 = arith.constant 0 : i32
      %dma_wait3A_196 = tpu.memref_slice %arg2[%dma_wait3A_194, %dma_wait3A_195] : memref<40064x64xf32, #tpu.memory_space<hbm>> -> memref<40064x64xf32, #tpu.memory_space<hbm>>
      tpu.wait_indirect_dma semaphore(%arg10 : memref<!tpu.dma_semaphore, #tpu.memory_space<semaphore_mem>>) src(%dma_wait3A_196 : memref<40064x64xf32, #tpu.memory_space<hbm>>) dst(%dma_wait3A_190 : memref<128x64xf32, #tpu.memory_space<vmem>>)
      %run_scoped3A_197 = arith.constant 0 : i32
      "tpu.region"() ({
        %run_scoped3A_223 = tpu.sem_alloc : memref<!tpu.dma_semaphore, #tpu.memory_space<semaphore_mem>>
        %dma_start3A_224 = arith.constant 0 : i32
        %dma_start3A_225 = arith.constant 0 : i32
        %dma_start3A_226 = tpu.memref_slice %arg8[%run_scoped3A_197, %dma_start3A_224, %dma_start3A_225] : memref<2x128x64xf32, #tpu.memory_space<vmem>> -> memref<1x128x64xf32, #tpu.memory_space<vmem>>
        %dma_start3A_227 = tpu.memref_squeeze %dma_start3A_226 : memref<1x128x64xf32, #tpu.memory_space<vmem>> -> memref<128x64xf32, #tpu.memory_space<vmem>>
        %dma_start3A_228 = arith.constant 0 : i32
        %dma_start3A_229 = tpu.memref_slice %arg7[%add3A_186, %dma_start3A_228] : memref<158x128xi32, #tpu.memory_space<vmem>> -> memref<1x128xi32, #tpu.memory_space<vmem>>
        %dma_start3A_230 = tpu.memref_squeeze %dma_start3A_229 : memref<1x128xi32, #tpu.memory_space<vmem>> -> memref<128xi32, #tpu.memory_space<vmem>>
        %dma_start3A_231 = arith.constant 0 : i32
        %dma_start3A_232 = arith.constant 0 : i32
        %dma_start3A_233 = tpu.memref_slice %arg12[%dma_start3A_231, %dma_start3A_232] : memref<10016x64xf32, #tpu.memory_space<vmem_shared>> -> memref<10016x64xf32, #tpu.memory_space<vmem_shared>>
        tpu.enqueue_indirect_dma source(%dma_start3A_227 : memref<128x64xf32, #tpu.memory_space<vmem>>) target(%dma_start3A_233 : memref<10016x64xf32, #tpu.memory_space<vmem_shared>>) offsets(%dma_start3A_230 : memref<128xi32, #tpu.memory_space<vmem>>) semaphore(%run_scoped3A_223 : memref<!tpu.dma_semaphore, #tpu.memory_space<semaphore_mem>>) {add = true}
        %dma_wait3A_234 = arith.constant 0 : i32
        %dma_wait3A_235 = arith.constant 0 : i32
        %dma_wait3A_236 = tpu.memref_slice %arg8[%run_scoped3A_197, %dma_wait3A_234, %dma_wait3A_235] : memref<2x128x64xf32, #tpu.memory_space<vmem>> -> memref<1x128x64xf32, #tpu.memory_space<vmem>>
        %dma_wait3A_237 = tpu.memref_squeeze %dma_wait3A_236 : memref<1x128x64xf32, #tpu.memory_space<vmem>> -> memref<128x64xf32, #tpu.memory_space<vmem>>
        %dma_wait3A_238 = arith.constant 0 : i32
        %dma_wait3A_239 = tpu.memref_slice %arg7[%add3A_186, %dma_wait3A_238] : memref<158x128xi32, #tpu.memory_space<vmem>> -> memref<1x128xi32, #tpu.memory_space<vmem>>
        %dma_wait3A_240 = tpu.memref_squeeze %dma_wait3A_239 : memref<1x128xi32, #tpu.memory_space<vmem>> -> memref<128xi32, #tpu.memory_space<vmem>>
        %dma_wait3A_241 = arith.constant 0 : i32
        %dma_wait3A_242 = arith.constant 0 : i32
        %dma_wait3A_243 = tpu.memref_slice %arg12[%dma_wait3A_241, %dma_wait3A_242] : memref<10016x64xf32, #tpu.memory_space<vmem_shared>> -> memref<10016x64xf32, #tpu.memory_space<vmem_shared>>
        tpu.wait_indirect_dma semaphore(%run_scoped3A_223 : memref<!tpu.dma_semaphore, #tpu.memory_space<semaphore_mem>>) src(%dma_wait3A_237 : memref<128x64xf32, #tpu.memory_space<vmem>>) dst(%dma_wait3A_243 : memref<10016x64xf32, #tpu.memory_space<vmem_shared>>)
        tpu.yield
      }) : () -> ()
      %add3A_198 = arith.constant 2 : i32
      %add3A_199 = arith.addi %add3A_186, %add3A_198 : i32
      %lt3A = arith.constant 158 : i32
      %lt3A_200 = arith.cmpi slt, %add3A_199, %lt3A : i32
      %convert_element_type3A = arith.extui %lt3A_200 : i1 to i32
      %cond3A = arith.constant 0 : i32
      %cond3A_201 = arith.cmpi ne, %convert_element_type3A, %cond3A : i32
      scf.if %cond3A_201 {
        %dma_start3A_223 = arith.constant 0 : i32
        %dma_start3A_224 = arith.constant 0 : i32
        %dma_start3A_225 = arith.constant 0 : i32
        %dma_start3A_226 = tpu.memref_slice %arg8[%dma_start3A_223, %dma_start3A_224, %dma_start3A_225] : memref<2x128x64xf32, #tpu.memory_space<vmem>> -> memref<1x128x64xf32, #tpu.memory_space<vmem>>
        %dma_start3A_227 = tpu.memref_squeeze %dma_start3A_226 : memref<1x128x64xf32, #tpu.memory_space<vmem>> -> memref<128x64xf32, #tpu.memory_space<vmem>>
        %dma_start3A_228 = arith.constant 0 : i32
        %dma_start3A_229 = tpu.memref_slice %arg6[%add3A_199, %dma_start3A_228] : memref<158x128xi32, #tpu.memory_space<vmem>> -> memref<1x128xi32, #tpu.memory_space<vmem>>
        %dma_start3A_230 = tpu.memref_squeeze %dma_start3A_229 : memref<1x128xi32, #tpu.memory_space<vmem>> -> memref<128xi32, #tpu.memory_space<vmem>>
        %dma_start3A_231 = arith.constant 0 : i32
        %dma_start3A_232 = arith.constant 0 : i32
        %dma_start3A_233 = tpu.memref_slice %arg2[%dma_start3A_231, %dma_start3A_232] : memref<40064x64xf32, #tpu.memory_space<hbm>> -> memref<40064x64xf32, #tpu.memory_space<hbm>>
        tpu.enqueue_indirect_dma source(%dma_start3A_233 : memref<40064x64xf32, #tpu.memory_space<hbm>>) target(%dma_start3A_227 : memref<128x64xf32, #tpu.memory_space<vmem>>) offsets(%dma_start3A_230 : memref<128xi32, #tpu.memory_space<vmem>>) semaphore(%arg10 : memref<!tpu.dma_semaphore, #tpu.memory_space<semaphore_mem>>)
      } else {
      }
      %add3A_202 = arith.constant 1 : i32
      %add3A_203 = arith.addi %add3A_184, %add3A_202 : i32
      %dma_wait3A_204 = arith.constant 1 : i32
      %dma_wait3A_205 = arith.constant 0 : i32
      %dma_wait3A_206 = arith.constant 0 : i32
      %dma_wait3A_207 = tpu.memref_slice %arg8[%dma_wait3A_204, %dma_wait3A_205, %dma_wait3A_206] : memref<2x128x64xf32, #tpu.memory_space<vmem>> -> memref<1x128x64xf32, #tpu.memory_space<vmem>>
      %dma_wait3A_208 = tpu.memref_squeeze %dma_wait3A_207 : memref<1x128x64xf32, #tpu.memory_space<vmem>> -> memref<128x64xf32, #tpu.memory_space<vmem>>
      %dma_wait3A_209 = arith.constant 0 : i32
      %dma_wait3A_210 = tpu.memref_slice %arg6[%add3A_203, %dma_wait3A_209] : memref<158x128xi32, #tpu.memory_space<vmem>> -> memref<1x128xi32, #tpu.memory_space<vmem>>
      %dma_wait3A_211 = tpu.memref_squeeze %dma_wait3A_210 : memref<1x128xi32, #tpu.memory_space<vmem>> -> memref<128xi32, #tpu.memory_space<vmem>>
      %dma_wait3A_212 = arith.constant 0 : i32
      %dma_wait3A_213 = arith.constant 0 : i32
      %dma_wait3A_214 = tpu.memref_slice %arg2[%dma_wait3A_212, %dma_wait3A_213] : memref<40064x64xf32, #tpu.memory_space<hbm>> -> memref<40064x64xf32, #tpu.memory_space<hbm>>
      tpu.wait_indirect_dma semaphore(%arg11 : memref<!tpu.dma_semaphore, #tpu.memory_space<semaphore_mem>>) src(%dma_wait3A_214 : memref<40064x64xf32, #tpu.memory_space<hbm>>) dst(%dma_wait3A_208 : memref<128x64xf32, #tpu.memory_space<vmem>>)
      %run_scoped3A_215 = arith.constant 1 : i32
      "tpu.region"() ({
        %run_scoped3A_223 = tpu.sem_alloc : memref<!tpu.dma_semaphore, #tpu.memory_space<semaphore_mem>>
        %dma_start3A_224 = arith.constant 0 : i32
        %dma_start3A_225 = arith.constant 0 : i32
        %dma_start3A_226 = tpu.memref_slice %arg8[%run_scoped3A_215, %dma_start3A_224, %dma_start3A_225] : memref<2x128x64xf32, #tpu.memory_space<vmem>> -> memref<1x128x64xf32, #tpu.memory_space<vmem>>
        %dma_start3A_227 = tpu.memref_squeeze %dma_start3A_226 : memref<1x128x64xf32, #tpu.memory_space<vmem>> -> memref<128x64xf32, #tpu.memory_space<vmem>>
        %dma_start3A_228 = arith.constant 0 : i32
        %dma_start3A_229 = tpu.memref_slice %arg7[%add3A_203, %dma_start3A_228] : memref<158x128xi32, #tpu.memory_space<vmem>> -> memref<1x128xi32, #tpu.memory_space<vmem>>
        %dma_start3A_230 = tpu.memref_squeeze %dma_start3A_229 : memref<1x128xi32, #tpu.memory_space<vmem>> -> memref<128xi32, #tpu.memory_space<vmem>>
        %dma_start3A_231 = arith.constant 0 : i32
        %dma_start3A_232 = arith.constant 0 : i32
        %dma_start3A_233 = tpu.memref_slice %arg12[%dma_start3A_231, %dma_start3A_232] : memref<10016x64xf32, #tpu.memory_space<vmem_shared>> -> memref<10016x64xf32, #tpu.memory_space<vmem_shared>>
        tpu.enqueue_indirect_dma source(%dma_start3A_227 : memref<128x64xf32, #tpu.memory_space<vmem>>) target(%dma_start3A_233 : memref<10016x64xf32, #tpu.memory_space<vmem_shared>>) offsets(%dma_start3A_230 : memref<128xi32, #tpu.memory_space<vmem>>) semaphore(%run_scoped3A_223 : memref<!tpu.dma_semaphore, #tpu.memory_space<semaphore_mem>>) {add = true}
        %dma_wait3A_234 = arith.constant 0 : i32
        %dma_wait3A_235 = arith.constant 0 : i32
        %dma_wait3A_236 = tpu.memref_slice %arg8[%run_scoped3A_215, %dma_wait3A_234, %dma_wait3A_235] : memref<2x128x64xf32, #tpu.memory_space<vmem>> -> memref<1x128x64xf32, #tpu.memory_space<vmem>>
        %dma_wait3A_237 = tpu.memref_squeeze %dma_wait3A_236 : memref<1x128x64xf32, #tpu.memory_space<vmem>> -> memref<128x64xf32, #tpu.memory_space<vmem>>
        %dma_wait3A_238 = arith.constant 0 : i32
        %dma_wait3A_239 = tpu.memref_slice %arg7[%add3A_203, %dma_wait3A_238] : memref<158x128xi32, #tpu.memory_space<vmem>> -> memref<1x128xi32, #tpu.memory_space<vmem>>
        %dma_wait3A_240 = tpu.memref_squeeze %dma_wait3A_239 : memref<1x128xi32, #tpu.memory_space<vmem>> -> memref<128xi32, #tpu.memory_space<vmem>>
        %dma_wait3A_241 = arith.constant 0 : i32
        %dma_wait3A_242 = arith.constant 0 : i32
        %dma_wait3A_243 = tpu.memref_slice %arg12[%dma_wait3A_241, %dma_wait3A_242] : memref<10016x64xf32, #tpu.memory_space<vmem_shared>> -> memref<10016x64xf32, #tpu.memory_space<vmem_shared>>
        tpu.wait_indirect_dma semaphore(%run_scoped3A_223 : memref<!tpu.dma_semaphore, #tpu.memory_space<semaphore_mem>>) src(%dma_wait3A_237 : memref<128x64xf32, #tpu.memory_space<vmem>>) dst(%dma_wait3A_243 : memref<10016x64xf32, #tpu.memory_space<vmem_shared>>)
        tpu.yield
      }) : () -> ()
      %add3A_216 = arith.constant 2 : i32
      %add3A_217 = arith.addi %add3A_203, %add3A_216 : i32
      %lt3A_218 = arith.constant 158 : i32
      %lt3A_219 = arith.cmpi slt, %add3A_217, %lt3A_218 : i32
      %convert_element_type3A_220 = arith.extui %lt3A_219 : i1 to i32
      %cond3A_221 = arith.constant 0 : i32
      %cond3A_222 = arith.cmpi ne, %convert_element_type3A_220, %cond3A_221 : i32
      scf.if %cond3A_222 {
        %dma_start3A_223 = arith.constant 1 : i32
        %dma_start3A_224 = arith.constant 0 : i32
        %dma_start3A_225 = arith.constant 0 : i32
        %dma_start3A_226 = tpu.memref_slice %arg8[%dma_start3A_223, %dma_start3A_224, %dma_start3A_225] : memref<2x128x64xf32, #tpu.memory_space<vmem>> -> memref<1x128x64xf32, #tpu.memory_space<vmem>>
        %dma_start3A_227 = tpu.memref_squeeze %dma_start3A_226 : memref<1x128x64xf32, #tpu.memory_space<vmem>> -> memref<128x64xf32, #tpu.memory_space<vmem>>
        %dma_start3A_228 = arith.constant 0 : i32
        %dma_start3A_229 = tpu.memref_slice %arg6[%add3A_217, %dma_start3A_228] : memref<158x128xi32, #tpu.memory_space<vmem>> -> memref<1x128xi32, #tpu.memory_space<vmem>>
        %dma_start3A_230 = tpu.memref_squeeze %dma_start3A_229 : memref<1x128xi32, #tpu.memory_space<vmem>> -> memref<128xi32, #tpu.memory_space<vmem>>
        %dma_start3A_231 = arith.constant 0 : i32
        %dma_start3A_232 = arith.constant 0 : i32
        %dma_start3A_233 = tpu.memref_slice %arg2[%dma_start3A_231, %dma_start3A_232] : memref<40064x64xf32, #tpu.memory_space<hbm>> -> memref<40064x64xf32, #tpu.memory_space<hbm>>
        tpu.enqueue_indirect_dma source(%dma_start3A_233 : memref<40064x64xf32, #tpu.memory_space<hbm>>) target(%dma_start3A_227 : memref<128x64xf32, #tpu.memory_space<vmem>>) offsets(%dma_start3A_230 : memref<128xi32, #tpu.memory_space<vmem>>) semaphore(%arg11 : memref<!tpu.dma_semaphore, #tpu.memory_space<semaphore_mem>>)
      } else {
      }
    }
    %scan3A_51 = arith.constant 79 : i32
    %barrier3A_52 = arith.constant 0 : index
    tpu.barrier barrier_id(%barrier3A_52)
    %add3A_53 = arith.constant 0 : i32
    %add3A_54 = arith.addi %mul3A_0, %add3A_53 : i32
    "tpu.region"() ({
      %run_scoped3A_180 = tpu.sem_alloc : memref<!tpu.dma_semaphore, #tpu.memory_space<semaphore_mem>>
      %dma_start3A_181 = arith.constant 0 : i32
      %dma_start3A_182 = tpu.memref_slice %arg12[%add3A_54, %dma_start3A_181] : memref<10016x64xf32, #tpu.memory_space<vmem_shared>> -> memref<128x64xf32, #tpu.memory_space<vmem_shared>>
      %dma_start3A_183 = arith.constant 0 : i32
      %dma_start3A_184 = tpu.memref_slice %arg12[%add3A_54, %dma_start3A_183] : memref<10016x64xf32, #tpu.memory_space<vmem_shared>> -> memref<128x64xf32, #tpu.memory_space<vmem_shared>>
      tpu.enqueue_dma source(%dma_start3A_184 : memref<128x64xf32, #tpu.memory_space<vmem_shared>>) target(%arg9 : memref<128x64xf32, #tpu.memory_space<vmem>>) target_semaphore(%run_scoped3A_180 : memref<!tpu.dma_semaphore, #tpu.memory_space<semaphore_mem>>)
      %dma_wait3A = arith.constant 0 : i32
      %dma_wait3A_185 = tpu.memref_slice %arg12[%add3A_54, %dma_wait3A] : memref<10016x64xf32, #tpu.memory_space<vmem_shared>> -> memref<128x64xf32, #tpu.memory_space<vmem_shared>>
      %dma_wait3A_186 = arith.constant 0 : i32
      %dma_wait3A_187 = tpu.memref_slice %arg12[%add3A_54, %dma_wait3A_186] : memref<10016x64xf32, #tpu.memory_space<vmem_shared>> -> memref<128x64xf32, #tpu.memory_space<vmem_shared>>
      tpu.wait_dma2 semaphore(%run_scoped3A_180 : memref<!tpu.dma_semaphore, #tpu.memory_space<semaphore_mem>>) src(%dma_wait3A_187 : memref<128x64xf32, #tpu.memory_space<vmem_shared>>) dst(%arg9 : memref<128x64xf32, #tpu.memory_space<vmem>>)
      tpu.yield
    }) : () -> ()
    %add3A_55 = arith.constant 0 : i32
    %add3A_56 = arith.addi %mul3A_0, %add3A_55 : i32
    %mul3A_57 = arith.constant 64 : i32
    %mul3A_58 = arith.muli %arg0, %mul3A_57 : i32
    %run_scoped3A_59 = arith.constant 0 : i32
    "tpu.region"() ({
      %run_scoped3A_180 = tpu.sem_alloc : memref<!tpu.dma_semaphore, #tpu.memory_space<semaphore_mem>>
      %dma_start3A_181 = tpu.memref_slice %arg5[%run_scoped3A_59, %add3A_56, %mul3A_58] : memref<2x10016x128xf32, #tpu.memory_space<hbm>> -> memref<1x128x64xf32, #tpu.memory_space<hbm>>
      %dma_start3A_182 = tpu.memref_squeeze %dma_start3A_181 : memref<1x128x64xf32, #tpu.memory_space<hbm>> -> memref<128x64xf32, #tpu.memory_space<hbm>>
      %dma_start3A_183 = tpu.memref_slice %arg5[%run_scoped3A_59, %add3A_56, %mul3A_58] : memref<2x10016x128xf32, #tpu.memory_space<hbm>> -> memref<1x128x64xf32, #tpu.memory_space<hbm>>
      %dma_start3A_184 = tpu.memref_squeeze %dma_start3A_183 : memref<1x128x64xf32, #tpu.memory_space<hbm>> -> memref<128x64xf32, #tpu.memory_space<hbm>>
      tpu.enqueue_dma source(%arg9 : memref<128x64xf32, #tpu.memory_space<vmem>>) target(%dma_start3A_184 : memref<128x64xf32, #tpu.memory_space<hbm>>) target_semaphore(%run_scoped3A_180 : memref<!tpu.dma_semaphore, #tpu.memory_space<semaphore_mem>>)
      %dma_wait3A = tpu.memref_slice %arg5[%run_scoped3A_59, %add3A_56, %mul3A_58] : memref<2x10016x128xf32, #tpu.memory_space<hbm>> -> memref<1x128x64xf32, #tpu.memory_space<hbm>>
      %dma_wait3A_185 = tpu.memref_squeeze %dma_wait3A : memref<1x128x64xf32, #tpu.memory_space<hbm>> -> memref<128x64xf32, #tpu.memory_space<hbm>>
      %dma_wait3A_186 = tpu.memref_slice %arg5[%run_scoped3A_59, %add3A_56, %mul3A_58] : memref<2x10016x128xf32, #tpu.memory_space<hbm>> -> memref<1x128x64xf32, #tpu.memory_space<hbm>>
      %dma_wait3A_187 = tpu.memref_squeeze %dma_wait3A_186 : memref<1x128x64xf32, #tpu.memory_space<hbm>> -> memref<128x64xf32, #tpu.memory_space<hbm>>
      tpu.wait_dma2 semaphore(%run_scoped3A_180 : memref<!tpu.dma_semaphore, #tpu.memory_space<semaphore_mem>>) src(%arg9 : memref<128x64xf32, #tpu.memory_space<vmem>>) dst(%dma_wait3A_187 : memref<128x64xf32, #tpu.memory_space<hbm>>)
      tpu.yield
    }) : () -> ()
    %add3A_60 = arith.constant 128 : i32
    %add3A_61 = arith.addi %mul3A_0, %add3A_60 : i32
    "tpu.region"() ({
      %run_scoped3A_180 = tpu.sem_alloc : memref<!tpu.dma_semaphore, #tpu.memory_space<semaphore_mem>>
      %dma_start3A_181 = arith.constant 0 : i32
      %dma_start3A_182 = tpu.memref_slice %arg12[%add3A_61, %dma_start3A_181] : memref<10016x64xf32, #tpu.memory_space<vmem_shared>> -> memref<128x64xf32, #tpu.memory_space<vmem_shared>>
      %dma_start3A_183 = arith.constant 0 : i32
      %dma_start3A_184 = tpu.memref_slice %arg12[%add3A_61, %dma_start3A_183] : memref<10016x64xf32, #tpu.memory_space<vmem_shared>> -> memref<128x64xf32, #tpu.memory_space<vmem_shared>>
      tpu.enqueue_dma source(%dma_start3A_184 : memref<128x64xf32, #tpu.memory_space<vmem_shared>>) target(%arg9 : memref<128x64xf32, #tpu.memory_space<vmem>>) target_semaphore(%run_scoped3A_180 : memref<!tpu.dma_semaphore, #tpu.memory_space<semaphore_mem>>)
      %dma_wait3A = arith.constant 0 : i32
      %dma_wait3A_185 = tpu.memref_slice %arg12[%add3A_61, %dma_wait3A] : memref<10016x64xf32, #tpu.memory_space<vmem_shared>> -> memref<128x64xf32, #tpu.memory_space<vmem_shared>>
      %dma_wait3A_186 = arith.constant 0 : i32
      %dma_wait3A_187 = tpu.memref_slice %arg12[%add3A_61, %dma_wait3A_186] : memref<10016x64xf32, #tpu.memory_space<vmem_shared>> -> memref<128x64xf32, #tpu.memory_space<vmem_shared>>
      tpu.wait_dma2 semaphore(%run_scoped3A_180 : memref<!tpu.dma_semaphore, #tpu.memory_space<semaphore_mem>>) src(%dma_wait3A_187 : memref<128x64xf32, #tpu.memory_space<vmem_shared>>) dst(%arg9 : memref<128x64xf32, #tpu.memory_space<vmem>>)
      tpu.yield
    }) : () -> ()
    %add3A_62 = arith.constant 128 : i32
    %add3A_63 = arith.addi %mul3A_0, %add3A_62 : i32
    %mul3A_64 = arith.constant 64 : i32
    %mul3A_65 = arith.muli %arg0, %mul3A_64 : i32
    %run_scoped3A_66 = arith.constant 0 : i32
    "tpu.region"() ({
      %run_scoped3A_180 = tpu.sem_alloc : memref<!tpu.dma_semaphore, #tpu.memory_space<semaphore_mem>>
      %dma_start3A_181 = tpu.memref_slice %arg5[%run_scoped3A_66, %add3A_63, %mul3A_65] : memref<2x10016x128xf32, #tpu.memory_space<hbm>> -> memref<1x128x64xf32, #tpu.memory_space<hbm>>
      %dma_start3A_182 = tpu.memref_squeeze %dma_start3A_181 : memref<1x128x64xf32, #tpu.memory_space<hbm>> -> memref<128x64xf32, #tpu.memory_space<hbm>>
      %dma_start3A_183 = tpu.memref_slice %arg5[%run_scoped3A_66, %add3A_63, %mul3A_65] : memref<2x10016x128xf32, #tpu.memory_space<hbm>> -> memref<1x128x64xf32, #tpu.memory_space<hbm>>
      %dma_start3A_184 = tpu.memref_squeeze %dma_start3A_183 : memref<1x128x64xf32, #tpu.memory_space<hbm>> -> memref<128x64xf32, #tpu.memory_space<hbm>>
      tpu.enqueue_dma source(%arg9 : memref<128x64xf32, #tpu.memory_space<vmem>>) target(%dma_start3A_184 : memref<128x64xf32, #tpu.memory_space<hbm>>) target_semaphore(%run_scoped3A_180 : memref<!tpu.dma_semaphore, #tpu.memory_space<semaphore_mem>>)
      %dma_wait3A = tpu.memref_slice %arg5[%run_scoped3A_66, %add3A_63, %mul3A_65] : memref<2x10016x128xf32, #tpu.memory_space<hbm>> -> memref<1x128x64xf32, #tpu.memory_space<hbm>>
      %dma_wait3A_185 = tpu.memref_squeeze %dma_wait3A : memref<1x128x64xf32, #tpu.memory_space<hbm>> -> memref<128x64xf32, #tpu.memory_space<hbm>>
      %dma_wait3A_186 = tpu.memref_slice %arg5[%run_scoped3A_66, %add3A_63, %mul3A_65] : memref<2x10016x128xf32, #tpu.memory_space<hbm>> -> memref<1x128x64xf32, #tpu.memory_space<hbm>>
      %dma_wait3A_187 = tpu.memref_squeeze %dma_wait3A_186 : memref<1x128x64xf32, #tpu.memory_space<hbm>> -> memref<128x64xf32, #tpu.memory_space<hbm>>
      tpu.wait_dma2 semaphore(%run_scoped3A_180 : memref<!tpu.dma_semaphore, #tpu.memory_space<semaphore_mem>>) src(%arg9 : memref<128x64xf32, #tpu.memory_space<vmem>>) dst(%dma_wait3A_187 : memref<128x64xf32, #tpu.memory_space<hbm>>)
      tpu.yield
    }) : () -> ()
    %add3A_67 = arith.constant 256 : i32
    %add3A_68 = arith.addi %mul3A_0, %add3A_67 : i32
    "tpu.region"() ({
      %run_scoped3A_180 = tpu.sem_alloc : memref<!tpu.dma_semaphore, #tpu.memory_space<semaphore_mem>>
      %dma_start3A_181 = arith.constant 0 : i32
      %dma_start3A_182 = tpu.memref_slice %arg12[%add3A_68, %dma_start3A_181] : memref<10016x64xf32, #tpu.memory_space<vmem_shared>> -> memref<128x64xf32, #tpu.memory_space<vmem_shared>>
      %dma_start3A_183 = arith.constant 0 : i32
      %dma_start3A_184 = tpu.memref_slice %arg12[%add3A_68, %dma_start3A_183] : memref<10016x64xf32, #tpu.memory_space<vmem_shared>> -> memref<128x64xf32, #tpu.memory_space<vmem_shared>>
      tpu.enqueue_dma source(%dma_start3A_184 : memref<128x64xf32, #tpu.memory_space<vmem_shared>>) target(%arg9 : memref<128x64xf32, #tpu.memory_space<vmem>>) target_semaphore(%run_scoped3A_180 : memref<!tpu.dma_semaphore, #tpu.memory_space<semaphore_mem>>)
      %dma_wait3A = arith.constant 0 : i32
      %dma_wait3A_185 = tpu.memref_slice %arg12[%add3A_68, %dma_wait3A] : memref<10016x64xf32, #tpu.memory_space<vmem_shared>> -> memref<128x64xf32, #tpu.memory_space<vmem_shared>>
      %dma_wait3A_186 = arith.constant 0 : i32
      %dma_wait3A_187 = tpu.memref_slice %arg12[%add3A_68, %dma_wait3A_186] : memref<10016x64xf32, #tpu.memory_space<vmem_shared>> -> memref<128x64xf32, #tpu.memory_space<vmem_shared>>
      tpu.wait_dma2 semaphore(%run_scoped3A_180 : memref<!tpu.dma_semaphore, #tpu.memory_space<semaphore_mem>>) src(%dma_wait3A_187 : memref<128x64xf32, #tpu.memory_space<vmem_shared>>) dst(%arg9 : memref<128x64xf32, #tpu.memory_space<vmem>>)
      tpu.yield
    }) : () -> ()
    %add3A_69 = arith.constant 256 : i32
    %add3A_70 = arith.addi %mul3A_0, %add3A_69 : i32
    %mul3A_71 = arith.constant 64 : i32
    %mul3A_72 = arith.muli %arg0, %mul3A_71 : i32
    %run_scoped3A_73 = arith.constant 0 : i32
    "tpu.region"() ({
      %run_scoped3A_180 = tpu.sem_alloc : memref<!tpu.dma_semaphore, #tpu.memory_space<semaphore_mem>>
      %dma_start3A_181 = tpu.memref_slice %arg5[%run_scoped3A_73, %add3A_70, %mul3A_72] : memref<2x10016x128xf32, #tpu.memory_space<hbm>> -> memref<1x128x64xf32, #tpu.memory_space<hbm>>
      %dma_start3A_182 = tpu.memref_squeeze %dma_start3A_181 : memref<1x128x64xf32, #tpu.memory_space<hbm>> -> memref<128x64xf32, #tpu.memory_space<hbm>>
      %dma_start3A_183 = tpu.memref_slice %arg5[%run_scoped3A_73, %add3A_70, %mul3A_72] : memref<2x10016x128xf32, #tpu.memory_space<hbm>> -> memref<1x128x64xf32, #tpu.memory_space<hbm>>
      %dma_start3A_184 = tpu.memref_squeeze %dma_start3A_183 : memref<1x128x64xf32, #tpu.memory_space<hbm>> -> memref<128x64xf32, #tpu.memory_space<hbm>>
      tpu.enqueue_dma source(%arg9 : memref<128x64xf32, #tpu.memory_space<vmem>>) target(%dma_start3A_184 : memref<128x64xf32, #tpu.memory_space<hbm>>) target_semaphore(%run_scoped3A_180 : memref<!tpu.dma_semaphore, #tpu.memory_space<semaphore_mem>>)
      %dma_wait3A = tpu.memref_slice %arg5[%run_scoped3A_73, %add3A_70, %mul3A_72] : memref<2x10016x128xf32, #tpu.memory_space<hbm>> -> memref<1x128x64xf32, #tpu.memory_space<hbm>>
      %dma_wait3A_185 = tpu.memref_squeeze %dma_wait3A : memref<1x128x64xf32, #tpu.memory_space<hbm>> -> memref<128x64xf32, #tpu.memory_space<hbm>>
      %dma_wait3A_186 = tpu.memref_slice %arg5[%run_scoped3A_73, %add3A_70, %mul3A_72] : memref<2x10016x128xf32, #tpu.memory_space<hbm>> -> memref<1x128x64xf32, #tpu.memory_space<hbm>>
      %dma_wait3A_187 = tpu.memref_squeeze %dma_wait3A_186 : memref<1x128x64xf32, #tpu.memory_space<hbm>> -> memref<128x64xf32, #tpu.memory_space<hbm>>
      tpu.wait_dma2 semaphore(%run_scoped3A_180 : memref<!tpu.dma_semaphore, #tpu.memory_space<semaphore_mem>>) src(%arg9 : memref<128x64xf32, #tpu.memory_space<vmem>>) dst(%dma_wait3A_187 : memref<128x64xf32, #tpu.memory_space<hbm>>)
      tpu.yield
    }) : () -> ()
    %add3A_74 = arith.constant 384 : i32
    %add3A_75 = arith.addi %mul3A_0, %add3A_74 : i32
    "tpu.region"() ({
      %run_scoped3A_180 = tpu.sem_alloc : memref<!tpu.dma_semaphore, #tpu.memory_space<semaphore_mem>>
      %dma_start3A_181 = arith.constant 0 : i32
      %dma_start3A_182 = tpu.memref_slice %arg12[%add3A_75, %dma_start3A_181] : memref<10016x64xf32, #tpu.memory_space<vmem_shared>> -> memref<128x64xf32, #tpu.memory_space<vmem_shared>>
      %dma_start3A_183 = arith.constant 0 : i32
      %dma_start3A_184 = tpu.memref_slice %arg12[%add3A_75, %dma_start3A_183] : memref<10016x64xf32, #tpu.memory_space<vmem_shared>> -> memref<128x64xf32, #tpu.memory_space<vmem_shared>>
      tpu.enqueue_dma source(%dma_start3A_184 : memref<128x64xf32, #tpu.memory_space<vmem_shared>>) target(%arg9 : memref<128x64xf32, #tpu.memory_space<vmem>>) target_semaphore(%run_scoped3A_180 : memref<!tpu.dma_semaphore, #tpu.memory_space<semaphore_mem>>)
      %dma_wait3A = arith.constant 0 : i32
      %dma_wait3A_185 = tpu.memref_slice %arg12[%add3A_75, %dma_wait3A] : memref<10016x64xf32, #tpu.memory_space<vmem_shared>> -> memref<128x64xf32, #tpu.memory_space<vmem_shared>>
      %dma_wait3A_186 = arith.constant 0 : i32
      %dma_wait3A_187 = tpu.memref_slice %arg12[%add3A_75, %dma_wait3A_186] : memref<10016x64xf32, #tpu.memory_space<vmem_shared>> -> memref<128x64xf32, #tpu.memory_space<vmem_shared>>
      tpu.wait_dma2 semaphore(%run_scoped3A_180 : memref<!tpu.dma_semaphore, #tpu.memory_space<semaphore_mem>>) src(%dma_wait3A_187 : memref<128x64xf32, #tpu.memory_space<vmem_shared>>) dst(%arg9 : memref<128x64xf32, #tpu.memory_space<vmem>>)
      tpu.yield
    }) : () -> ()
    %add3A_76 = arith.constant 384 : i32
    %add3A_77 = arith.addi %mul3A_0, %add3A_76 : i32
    %mul3A_78 = arith.constant 64 : i32
    %mul3A_79 = arith.muli %arg0, %mul3A_78 : i32
    %run_scoped3A_80 = arith.constant 0 : i32
    "tpu.region"() ({
      %run_scoped3A_180 = tpu.sem_alloc : memref<!tpu.dma_semaphore, #tpu.memory_space<semaphore_mem>>
      %dma_start3A_181 = tpu.memref_slice %arg5[%run_scoped3A_80, %add3A_77, %mul3A_79] : memref<2x10016x128xf32, #tpu.memory_space<hbm>> -> memref<1x128x64xf32, #tpu.memory_space<hbm>>
      %dma_start3A_182 = tpu.memref_squeeze %dma_start3A_181 : memref<1x128x64xf32, #tpu.memory_space<hbm>> -> memref<128x64xf32, #tpu.memory_space<hbm>>
      %dma_start3A_183 = tpu.memref_slice %arg5[%run_scoped3A_80, %add3A_77, %mul3A_79] : memref<2x10016x128xf32, #tpu.memory_space<hbm>> -> memref<1x128x64xf32, #tpu.memory_space<hbm>>
      %dma_start3A_184 = tpu.memref_squeeze %dma_start3A_183 : memref<1x128x64xf32, #tpu.memory_space<hbm>> -> memref<128x64xf32, #tpu.memory_space<hbm>>
      tpu.enqueue_dma source(%arg9 : memref<128x64xf32, #tpu.memory_space<vmem>>) target(%dma_start3A_184 : memref<128x64xf32, #tpu.memory_space<hbm>>) target_semaphore(%run_scoped3A_180 : memref<!tpu.dma_semaphore, #tpu.memory_space<semaphore_mem>>)
      %dma_wait3A = tpu.memref_slice %arg5[%run_scoped3A_80, %add3A_77, %mul3A_79] : memref<2x10016x128xf32, #tpu.memory_space<hbm>> -> memref<1x128x64xf32, #tpu.memory_space<hbm>>
      %dma_wait3A_185 = tpu.memref_squeeze %dma_wait3A : memref<1x128x64xf32, #tpu.memory_space<hbm>> -> memref<128x64xf32, #tpu.memory_space<hbm>>
      %dma_wait3A_186 = tpu.memref_slice %arg5[%run_scoped3A_80, %add3A_77, %mul3A_79] : memref<2x10016x128xf32, #tpu.memory_space<hbm>> -> memref<1x128x64xf32, #tpu.memory_space<hbm>>
      %dma_wait3A_187 = tpu.memref_squeeze %dma_wait3A_186 : memref<1x128x64xf32, #tpu.memory_space<hbm>> -> memref<128x64xf32, #tpu.memory_space<hbm>>
      tpu.wait_dma2 semaphore(%run_scoped3A_180 : memref<!tpu.dma_semaphore, #tpu.memory_space<semaphore_mem>>) src(%arg9 : memref<128x64xf32, #tpu.memory_space<vmem>>) dst(%dma_wait3A_187 : memref<128x64xf32, #tpu.memory_space<hbm>>)
      tpu.yield
    }) : () -> ()
    %add3A_81 = arith.constant 512 : i32
    %add3A_82 = arith.addi %mul3A_0, %add3A_81 : i32
    "tpu.region"() ({
      %run_scoped3A_180 = tpu.sem_alloc : memref<!tpu.dma_semaphore, #tpu.memory_space<semaphore_mem>>
      %dma_start3A_181 = arith.constant 0 : i32
      %dma_start3A_182 = arith.constant 0 : i32
      %dma_start3A_183 = tpu.memref_slice %arg9[%dma_start3A_181, %dma_start3A_182] : memref<128x64xf32, #tpu.memory_space<vmem>> -> memref<114x64xf32, #tpu.memory_space<vmem>>
      %dma_start3A_184 = arith.constant 0 : i32
      %dma_start3A_185 = tpu.memref_slice %arg12[%add3A_82, %dma_start3A_184] : memref<10016x64xf32, #tpu.memory_space<vmem_shared>> -> memref<114x64xf32, #tpu.memory_space<vmem_shared>>
      %dma_start3A_186 = arith.constant 0 : i32
      %dma_start3A_187 = arith.constant 0 : i32
      %dma_start3A_188 = tpu.memref_slice %arg9[%dma_start3A_186, %dma_start3A_187] : memref<128x64xf32, #tpu.memory_space<vmem>> -> memref<114x64xf32, #tpu.memory_space<vmem>>
      %dma_start3A_189 = arith.constant 0 : i32
      %dma_start3A_190 = tpu.memref_slice %arg12[%add3A_82, %dma_start3A_189] : memref<10016x64xf32, #tpu.memory_space<vmem_shared>> -> memref<114x64xf32, #tpu.memory_space<vmem_shared>>
      tpu.enqueue_dma source(%dma_start3A_190 : memref<114x64xf32, #tpu.memory_space<vmem_shared>>) target(%dma_start3A_188 : memref<114x64xf32, #tpu.memory_space<vmem>>) target_semaphore(%run_scoped3A_180 : memref<!tpu.dma_semaphore, #tpu.memory_space<semaphore_mem>>)
      %dma_wait3A = arith.constant 0 : i32
      %dma_wait3A_191 = arith.constant 0 : i32
      %dma_wait3A_192 = tpu.memref_slice %arg9[%dma_wait3A, %dma_wait3A_191] : memref<128x64xf32, #tpu.memory_space<vmem>> -> memref<114x64xf32, #tpu.memory_space<vmem>>
      %dma_wait3A_193 = arith.constant 0 : i32
      %dma_wait3A_194 = tpu.memref_slice %arg12[%add3A_82, %dma_wait3A_193] : memref<10016x64xf32, #tpu.memory_space<vmem_shared>> -> memref<114x64xf32, #tpu.memory_space<vmem_shared>>
      %dma_wait3A_195 = arith.constant 0 : i32
      %dma_wait3A_196 = arith.constant 0 : i32
      %dma_wait3A_197 = tpu.memref_slice %arg9[%dma_wait3A_195, %dma_wait3A_196] : memref<128x64xf32, #tpu.memory_space<vmem>> -> memref<114x64xf32, #tpu.memory_space<vmem>>
      %dma_wait3A_198 = arith.constant 0 : i32
      %dma_wait3A_199 = tpu.memref_slice %arg12[%add3A_82, %dma_wait3A_198] : memref<10016x64xf32, #tpu.memory_space<vmem_shared>> -> memref<114x64xf32, #tpu.memory_space<vmem_shared>>
      tpu.wait_dma2 semaphore(%run_scoped3A_180 : memref<!tpu.dma_semaphore, #tpu.memory_space<semaphore_mem>>) src(%dma_wait3A_199 : memref<114x64xf32, #tpu.memory_space<vmem_shared>>) dst(%dma_wait3A_197 : memref<114x64xf32, #tpu.memory_space<vmem>>)
      tpu.yield
    }) : () -> ()
    %add3A_83 = arith.constant 512 : i32
    %add3A_84 = arith.addi %mul3A_0, %add3A_83 : i32
    %mul3A_85 = arith.constant 64 : i32
    %mul3A_86 = arith.muli %arg0, %mul3A_85 : i32
    %run_scoped3A_87 = arith.constant 0 : i32
    "tpu.region"() ({
      %run_scoped3A_180 = tpu.sem_alloc : memref<!tpu.dma_semaphore, #tpu.memory_space<semaphore_mem>>
      %dma_start3A_181 = arith.constant 0 : i32
      %dma_start3A_182 = arith.constant 0 : i32
      %dma_start3A_183 = tpu.memref_slice %arg9[%dma_start3A_181, %dma_start3A_182] : memref<128x64xf32, #tpu.memory_space<vmem>> -> memref<114x64xf32, #tpu.memory_space<vmem>>
      %dma_start3A_184 = tpu.memref_slice %arg5[%run_scoped3A_87, %add3A_84, %mul3A_86] : memref<2x10016x128xf32, #tpu.memory_space<hbm>> -> memref<1x114x64xf32, #tpu.memory_space<hbm>>
      %dma_start3A_185 = tpu.memref_squeeze %dma_start3A_184 : memref<1x114x64xf32, #tpu.memory_space<hbm>> -> memref<114x64xf32, #tpu.memory_space<hbm>>
      %dma_start3A_186 = tpu.memref_slice %arg5[%run_scoped3A_87, %add3A_84, %mul3A_86] : memref<2x10016x128xf32, #tpu.memory_space<hbm>> -> memref<1x114x64xf32, #tpu.memory_space<hbm>>
      %dma_start3A_187 = tpu.memref_squeeze %dma_start3A_186 : memref<1x114x64xf32, #tpu.memory_space<hbm>> -> memref<114x64xf32, #tpu.memory_space<hbm>>
      %dma_start3A_188 = arith.constant 0 : i32
      %dma_start3A_189 = arith.constant 0 : i32
      %dma_start3A_190 = tpu.memref_slice %arg9[%dma_start3A_188, %dma_start3A_189] : memref<128x64xf32, #tpu.memory_space<vmem>> -> memref<114x64xf32, #tpu.memory_space<vmem>>
      tpu.enqueue_dma source(%dma_start3A_190 : memref<114x64xf32, #tpu.memory_space<vmem>>) target(%dma_start3A_187 : memref<114x64xf32, #tpu.memory_space<hbm>>) target_semaphore(%run_scoped3A_180 : memref<!tpu.dma_semaphore, #tpu.memory_space<semaphore_mem>>)
      %dma_wait3A = arith.constant 0 : i32
      %dma_wait3A_191 = arith.constant 0 : i32
      %dma_wait3A_192 = tpu.memref_slice %arg9[%dma_wait3A, %dma_wait3A_191] : memref<128x64xf32, #tpu.memory_space<vmem>> -> memref<114x64xf32, #tpu.memory_space<vmem>>
      %dma_wait3A_193 = tpu.memref_slice %arg5[%run_scoped3A_87, %add3A_84, %mul3A_86] : memref<2x10016x128xf32, #tpu.memory_space<hbm>> -> memref<1x114x64xf32, #tpu.memory_space<hbm>>
      %dma_wait3A_194 = tpu.memref_squeeze %dma_wait3A_193 : memref<1x114x64xf32, #tpu.memory_space<hbm>> -> memref<114x64xf32, #tpu.memory_space<hbm>>
      %dma_wait3A_195 = tpu.memref_slice %arg5[%run_scoped3A_87, %add3A_84, %mul3A_86] : memref<2x10016x128xf32, #tpu.memory_space<hbm>> -> memref<1x114x64xf32, #tpu.memory_space<hbm>>
      %dma_wait3A_196 = tpu.memref_squeeze %dma_wait3A_195 : memref<1x114x64xf32, #tpu.memory_space<hbm>> -> memref<114x64xf32, #tpu.memory_space<hbm>>
      %dma_wait3A_197 = arith.constant 0 : i32
      %dma_wait3A_198 = arith.constant 0 : i32
      %dma_wait3A_199 = tpu.memref_slice %arg9[%dma_wait3A_197, %dma_wait3A_198] : memref<128x64xf32, #tpu.memory_space<vmem>> -> memref<114x64xf32, #tpu.memory_space<vmem>>
      tpu.wait_dma2 semaphore(%run_scoped3A_180 : memref<!tpu.dma_semaphore, #tpu.memory_space<semaphore_mem>>) src(%dma_wait3A_199 : memref<114x64xf32, #tpu.memory_space<vmem>>) dst(%dma_wait3A_196 : memref<114x64xf32, #tpu.memory_space<hbm>>)
      tpu.yield
    }) : () -> ()
    %add3A_88 = arith.constant 2 : i32
    %add3A_89 = arith.addi %add3A_88, %arg0 : i32
    %mul3A_90 = arith.constant 10016 : i32
    %mul3A_91 = arith.muli %add3A_89, %mul3A_90 : i32
    %add3A_92 = arith.addi %mul3A_91, %mul3A_0 : i32
    %add3A_93 = arith.constant 0 : i32
    %add3A_94 = arith.addi %add3A_92, %add3A_93 : i32
    "tpu.region"() ({
      %run_scoped3A_180 = tpu.sem_alloc : memref<!tpu.dma_semaphore, #tpu.memory_space<semaphore_mem>>
      %dma_start3A_181 = arith.constant 0 : i32
      %dma_start3A_182 = tpu.memref_slice %arg2[%add3A_94, %dma_start3A_181] : memref<40064x64xf32, #tpu.memory_space<hbm>> -> memref<128x64xf32, #tpu.memory_space<hbm>>
      %dma_start3A_183 = arith.constant 0 : i32
      %dma_start3A_184 = tpu.memref_slice %arg2[%add3A_94, %dma_start3A_183] : memref<40064x64xf32, #tpu.memory_space<hbm>> -> memref<128x64xf32, #tpu.memory_space<hbm>>
      tpu.enqueue_dma source(%dma_start3A_184 : memref<128x64xf32, #tpu.memory_space<hbm>>) target(%arg9 : memref<128x64xf32, #tpu.memory_space<vmem>>) target_semaphore(%run_scoped3A_180 : memref<!tpu.dma_semaphore, #tpu.memory_space<semaphore_mem>>)
      %dma_wait3A = arith.constant 0 : i32
      %dma_wait3A_185 = tpu.memref_slice %arg2[%add3A_94, %dma_wait3A] : memref<40064x64xf32, #tpu.memory_space<hbm>> -> memref<128x64xf32, #tpu.memory_space<hbm>>
      %dma_wait3A_186 = arith.constant 0 : i32
      %dma_wait3A_187 = tpu.memref_slice %arg2[%add3A_94, %dma_wait3A_186] : memref<40064x64xf32, #tpu.memory_space<hbm>> -> memref<128x64xf32, #tpu.memory_space<hbm>>
      tpu.wait_dma2 semaphore(%run_scoped3A_180 : memref<!tpu.dma_semaphore, #tpu.memory_space<semaphore_mem>>) src(%dma_wait3A_187 : memref<128x64xf32, #tpu.memory_space<hbm>>) dst(%arg9 : memref<128x64xf32, #tpu.memory_space<vmem>>)
      tpu.yield
    }) : () -> ()
    %add3A_95 = arith.constant 0 : i32
    %add3A_96 = arith.addi %mul3A_0, %add3A_95 : i32
    "tpu.region"() ({
      %run_scoped3A_180 = tpu.sem_alloc : memref<!tpu.dma_semaphore, #tpu.memory_space<semaphore_mem>>
      %dma_start3A_181 = arith.constant 0 : i32
      %dma_start3A_182 = tpu.memref_slice %arg12[%add3A_96, %dma_start3A_181] : memref<10016x64xf32, #tpu.memory_space<vmem_shared>> -> memref<128x64xf32, #tpu.memory_space<vmem_shared>>
      %dma_start3A_183 = arith.constant 0 : i32
      %dma_start3A_184 = tpu.memref_slice %arg12[%add3A_96, %dma_start3A_183] : memref<10016x64xf32, #tpu.memory_space<vmem_shared>> -> memref<128x64xf32, #tpu.memory_space<vmem_shared>>
      tpu.enqueue_dma source(%arg9 : memref<128x64xf32, #tpu.memory_space<vmem>>) target(%dma_start3A_184 : memref<128x64xf32, #tpu.memory_space<vmem_shared>>) target_semaphore(%run_scoped3A_180 : memref<!tpu.dma_semaphore, #tpu.memory_space<semaphore_mem>>)
      %dma_wait3A = arith.constant 0 : i32
      %dma_wait3A_185 = tpu.memref_slice %arg12[%add3A_96, %dma_wait3A] : memref<10016x64xf32, #tpu.memory_space<vmem_shared>> -> memref<128x64xf32, #tpu.memory_space<vmem_shared>>
      %dma_wait3A_186 = arith.constant 0 : i32
      %dma_wait3A_187 = tpu.memref_slice %arg12[%add3A_96, %dma_wait3A_186] : memref<10016x64xf32, #tpu.memory_space<vmem_shared>> -> memref<128x64xf32, #tpu.memory_space<vmem_shared>>
      tpu.wait_dma2 semaphore(%run_scoped3A_180 : memref<!tpu.dma_semaphore, #tpu.memory_space<semaphore_mem>>) src(%arg9 : memref<128x64xf32, #tpu.memory_space<vmem>>) dst(%dma_wait3A_187 : memref<128x64xf32, #tpu.memory_space<vmem_shared>>)
      tpu.yield
    }) : () -> ()
    %add3A_97 = arith.constant 128 : i32
    %add3A_98 = arith.addi %add3A_92, %add3A_97 : i32
    "tpu.region"() ({
      %run_scoped3A_180 = tpu.sem_alloc : memref<!tpu.dma_semaphore, #tpu.memory_space<semaphore_mem>>
      %dma_start3A_181 = arith.constant 0 : i32
      %dma_start3A_182 = tpu.memref_slice %arg2[%add3A_98, %dma_start3A_181] : memref<40064x64xf32, #tpu.memory_space<hbm>> -> memref<128x64xf32, #tpu.memory_space<hbm>>
      %dma_start3A_183 = arith.constant 0 : i32
      %dma_start3A_184 = tpu.memref_slice %arg2[%add3A_98, %dma_start3A_183] : memref<40064x64xf32, #tpu.memory_space<hbm>> -> memref<128x64xf32, #tpu.memory_space<hbm>>
      tpu.enqueue_dma source(%dma_start3A_184 : memref<128x64xf32, #tpu.memory_space<hbm>>) target(%arg9 : memref<128x64xf32, #tpu.memory_space<vmem>>) target_semaphore(%run_scoped3A_180 : memref<!tpu.dma_semaphore, #tpu.memory_space<semaphore_mem>>)
      %dma_wait3A = arith.constant 0 : i32
      %dma_wait3A_185 = tpu.memref_slice %arg2[%add3A_98, %dma_wait3A] : memref<40064x64xf32, #tpu.memory_space<hbm>> -> memref<128x64xf32, #tpu.memory_space<hbm>>
      %dma_wait3A_186 = arith.constant 0 : i32
      %dma_wait3A_187 = tpu.memref_slice %arg2[%add3A_98, %dma_wait3A_186] : memref<40064x64xf32, #tpu.memory_space<hbm>> -> memref<128x64xf32, #tpu.memory_space<hbm>>
      tpu.wait_dma2 semaphore(%run_scoped3A_180 : memref<!tpu.dma_semaphore, #tpu.memory_space<semaphore_mem>>) src(%dma_wait3A_187 : memref<128x64xf32, #tpu.memory_space<hbm>>) dst(%arg9 : memref<128x64xf32, #tpu.memory_space<vmem>>)
      tpu.yield
    }) : () -> ()
    %add3A_99 = arith.constant 128 : i32
    %add3A_100 = arith.addi %mul3A_0, %add3A_99 : i32
    "tpu.region"() ({
      %run_scoped3A_180 = tpu.sem_alloc : memref<!tpu.dma_semaphore, #tpu.memory_space<semaphore_mem>>
      %dma_start3A_181 = arith.constant 0 : i32
      %dma_start3A_182 = tpu.memref_slice %arg12[%add3A_100, %dma_start3A_181] : memref<10016x64xf32, #tpu.memory_space<vmem_shared>> -> memref<128x64xf32, #tpu.memory_space<vmem_shared>>
      %dma_start3A_183 = arith.constant 0 : i32
      %dma_start3A_184 = tpu.memref_slice %arg12[%add3A_100, %dma_start3A_183] : memref<10016x64xf32, #tpu.memory_space<vmem_shared>> -> memref<128x64xf32, #tpu.memory_space<vmem_shared>>
      tpu.enqueue_dma source(%arg9 : memref<128x64xf32, #tpu.memory_space<vmem>>) target(%dma_start3A_184 : memref<128x64xf32, #tpu.memory_space<vmem_shared>>) target_semaphore(%run_scoped3A_180 : memref<!tpu.dma_semaphore, #tpu.memory_space<semaphore_mem>>)
      %dma_wait3A = arith.constant 0 : i32
      %dma_wait3A_185 = tpu.memref_slice %arg12[%add3A_100, %dma_wait3A] : memref<10016x64xf32, #tpu.memory_space<vmem_shared>> -> memref<128x64xf32, #tpu.memory_space<vmem_shared>>
      %dma_wait3A_186 = arith.constant 0 : i32
      %dma_wait3A_187 = tpu.memref_slice %arg12[%add3A_100, %dma_wait3A_186] : memref<10016x64xf32, #tpu.memory_space<vmem_shared>> -> memref<128x64xf32, #tpu.memory_space<vmem_shared>>
      tpu.wait_dma2 semaphore(%run_scoped3A_180 : memref<!tpu.dma_semaphore, #tpu.memory_space<semaphore_mem>>) src(%arg9 : memref<128x64xf32, #tpu.memory_space<vmem>>) dst(%dma_wait3A_187 : memref<128x64xf32, #tpu.memory_space<vmem_shared>>)
      tpu.yield
    }) : () -> ()
    %add3A_101 = arith.constant 256 : i32
    %add3A_102 = arith.addi %add3A_92, %add3A_101 : i32
    "tpu.region"() ({
      %run_scoped3A_180 = tpu.sem_alloc : memref<!tpu.dma_semaphore, #tpu.memory_space<semaphore_mem>>
      %dma_start3A_181 = arith.constant 0 : i32
      %dma_start3A_182 = tpu.memref_slice %arg2[%add3A_102, %dma_start3A_181] : memref<40064x64xf32, #tpu.memory_space<hbm>> -> memref<128x64xf32, #tpu.memory_space<hbm>>
      %dma_start3A_183 = arith.constant 0 : i32
      %dma_start3A_184 = tpu.memref_slice %arg2[%add3A_102, %dma_start3A_183] : memref<40064x64xf32, #tpu.memory_space<hbm>> -> memref<128x64xf32, #tpu.memory_space<hbm>>
      tpu.enqueue_dma source(%dma_start3A_184 : memref<128x64xf32, #tpu.memory_space<hbm>>) target(%arg9 : memref<128x64xf32, #tpu.memory_space<vmem>>) target_semaphore(%run_scoped3A_180 : memref<!tpu.dma_semaphore, #tpu.memory_space<semaphore_mem>>)
      %dma_wait3A = arith.constant 0 : i32
      %dma_wait3A_185 = tpu.memref_slice %arg2[%add3A_102, %dma_wait3A] : memref<40064x64xf32, #tpu.memory_space<hbm>> -> memref<128x64xf32, #tpu.memory_space<hbm>>
      %dma_wait3A_186 = arith.constant 0 : i32
      %dma_wait3A_187 = tpu.memref_slice %arg2[%add3A_102, %dma_wait3A_186] : memref<40064x64xf32, #tpu.memory_space<hbm>> -> memref<128x64xf32, #tpu.memory_space<hbm>>
      tpu.wait_dma2 semaphore(%run_scoped3A_180 : memref<!tpu.dma_semaphore, #tpu.memory_space<semaphore_mem>>) src(%dma_wait3A_187 : memref<128x64xf32, #tpu.memory_space<hbm>>) dst(%arg9 : memref<128x64xf32, #tpu.memory_space<vmem>>)
      tpu.yield
    }) : () -> ()
    %add3A_103 = arith.constant 256 : i32
    %add3A_104 = arith.addi %mul3A_0, %add3A_103 : i32
    "tpu.region"() ({
      %run_scoped3A_180 = tpu.sem_alloc : memref<!tpu.dma_semaphore, #tpu.memory_space<semaphore_mem>>
      %dma_start3A_181 = arith.constant 0 : i32
      %dma_start3A_182 = tpu.memref_slice %arg12[%add3A_104, %dma_start3A_181] : memref<10016x64xf32, #tpu.memory_space<vmem_shared>> -> memref<128x64xf32, #tpu.memory_space<vmem_shared>>
      %dma_start3A_183 = arith.constant 0 : i32
      %dma_start3A_184 = tpu.memref_slice %arg12[%add3A_104, %dma_start3A_183] : memref<10016x64xf32, #tpu.memory_space<vmem_shared>> -> memref<128x64xf32, #tpu.memory_space<vmem_shared>>
      tpu.enqueue_dma source(%arg9 : memref<128x64xf32, #tpu.memory_space<vmem>>) target(%dma_start3A_184 : memref<128x64xf32, #tpu.memory_space<vmem_shared>>) target_semaphore(%run_scoped3A_180 : memref<!tpu.dma_semaphore, #tpu.memory_space<semaphore_mem>>)
      %dma_wait3A = arith.constant 0 : i32
      %dma_wait3A_185 = tpu.memref_slice %arg12[%add3A_104, %dma_wait3A] : memref<10016x64xf32, #tpu.memory_space<vmem_shared>> -> memref<128x64xf32, #tpu.memory_space<vmem_shared>>
      %dma_wait3A_186 = arith.constant 0 : i32
      %dma_wait3A_187 = tpu.memref_slice %arg12[%add3A_104, %dma_wait3A_186] : memref<10016x64xf32, #tpu.memory_space<vmem_shared>> -> memref<128x64xf32, #tpu.memory_space<vmem_shared>>
      tpu.wait_dma2 semaphore(%run_scoped3A_180 : memref<!tpu.dma_semaphore, #tpu.memory_space<semaphore_mem>>) src(%arg9 : memref<128x64xf32, #tpu.memory_space<vmem>>) dst(%dma_wait3A_187 : memref<128x64xf32, #tpu.memory_space<vmem_shared>>)
      tpu.yield
    }) : () -> ()
    %add3A_105 = arith.constant 384 : i32
    %add3A_106 = arith.addi %add3A_92, %add3A_105 : i32
    "tpu.region"() ({
      %run_scoped3A_180 = tpu.sem_alloc : memref<!tpu.dma_semaphore, #tpu.memory_space<semaphore_mem>>
      %dma_start3A_181 = arith.constant 0 : i32
      %dma_start3A_182 = tpu.memref_slice %arg2[%add3A_106, %dma_start3A_181] : memref<40064x64xf32, #tpu.memory_space<hbm>> -> memref<128x64xf32, #tpu.memory_space<hbm>>
      %dma_start3A_183 = arith.constant 0 : i32
      %dma_start3A_184 = tpu.memref_slice %arg2[%add3A_106, %dma_start3A_183] : memref<40064x64xf32, #tpu.memory_space<hbm>> -> memref<128x64xf32, #tpu.memory_space<hbm>>
      tpu.enqueue_dma source(%dma_start3A_184 : memref<128x64xf32, #tpu.memory_space<hbm>>) target(%arg9 : memref<128x64xf32, #tpu.memory_space<vmem>>) target_semaphore(%run_scoped3A_180 : memref<!tpu.dma_semaphore, #tpu.memory_space<semaphore_mem>>)
      %dma_wait3A = arith.constant 0 : i32
      %dma_wait3A_185 = tpu.memref_slice %arg2[%add3A_106, %dma_wait3A] : memref<40064x64xf32, #tpu.memory_space<hbm>> -> memref<128x64xf32, #tpu.memory_space<hbm>>
      %dma_wait3A_186 = arith.constant 0 : i32
      %dma_wait3A_187 = tpu.memref_slice %arg2[%add3A_106, %dma_wait3A_186] : memref<40064x64xf32, #tpu.memory_space<hbm>> -> memref<128x64xf32, #tpu.memory_space<hbm>>
      tpu.wait_dma2 semaphore(%run_scoped3A_180 : memref<!tpu.dma_semaphore, #tpu.memory_space<semaphore_mem>>) src(%dma_wait3A_187 : memref<128x64xf32, #tpu.memory_space<hbm>>) dst(%arg9 : memref<128x64xf32, #tpu.memory_space<vmem>>)
      tpu.yield
    }) : () -> ()
    %add3A_107 = arith.constant 384 : i32
    %add3A_108 = arith.addi %mul3A_0, %add3A_107 : i32
    "tpu.region"() ({
      %run_scoped3A_180 = tpu.sem_alloc : memref<!tpu.dma_semaphore, #tpu.memory_space<semaphore_mem>>
      %dma_start3A_181 = arith.constant 0 : i32
      %dma_start3A_182 = tpu.memref_slice %arg12[%add3A_108, %dma_start3A_181] : memref<10016x64xf32, #tpu.memory_space<vmem_shared>> -> memref<128x64xf32, #tpu.memory_space<vmem_shared>>
      %dma_start3A_183 = arith.constant 0 : i32
      %dma_start3A_184 = tpu.memref_slice %arg12[%add3A_108, %dma_start3A_183] : memref<10016x64xf32, #tpu.memory_space<vmem_shared>> -> memref<128x64xf32, #tpu.memory_space<vmem_shared>>
      tpu.enqueue_dma source(%arg9 : memref<128x64xf32, #tpu.memory_space<vmem>>) target(%dma_start3A_184 : memref<128x64xf32, #tpu.memory_space<vmem_shared>>) target_semaphore(%run_scoped3A_180 : memref<!tpu.dma_semaphore, #tpu.memory_space<semaphore_mem>>)
      %dma_wait3A = arith.constant 0 : i32
      %dma_wait3A_185 = tpu.memref_slice %arg12[%add3A_108, %dma_wait3A] : memref<10016x64xf32, #tpu.memory_space<vmem_shared>> -> memref<128x64xf32, #tpu.memory_space<vmem_shared>>
      %dma_wait3A_186 = arith.constant 0 : i32
      %dma_wait3A_187 = tpu.memref_slice %arg12[%add3A_108, %dma_wait3A_186] : memref<10016x64xf32, #tpu.memory_space<vmem_shared>> -> memref<128x64xf32, #tpu.memory_space<vmem_shared>>
      tpu.wait_dma2 semaphore(%run_scoped3A_180 : memref<!tpu.dma_semaphore, #tpu.memory_space<semaphore_mem>>) src(%arg9 : memref<128x64xf32, #tpu.memory_space<vmem>>) dst(%dma_wait3A_187 : memref<128x64xf32, #tpu.memory_space<vmem_shared>>)
      tpu.yield
    }) : () -> ()
    %add3A_109 = arith.constant 512 : i32
    %add3A_110 = arith.addi %add3A_92, %add3A_109 : i32
    "tpu.region"() ({
      %run_scoped3A_180 = tpu.sem_alloc : memref<!tpu.dma_semaphore, #tpu.memory_space<semaphore_mem>>
      %dma_start3A_181 = arith.constant 0 : i32
      %dma_start3A_182 = arith.constant 0 : i32
      %dma_start3A_183 = tpu.memref_slice %arg9[%dma_start3A_181, %dma_start3A_182] : memref<128x64xf32, #tpu.memory_space<vmem>> -> memref<114x64xf32, #tpu.memory_space<vmem>>
      %dma_start3A_184 = arith.constant 0 : i32
      %dma_start3A_185 = tpu.memref_slice %arg2[%add3A_110, %dma_start3A_184] : memref<40064x64xf32, #tpu.memory_space<hbm>> -> memref<114x64xf32, #tpu.memory_space<hbm>>
      %dma_start3A_186 = arith.constant 0 : i32
      %dma_start3A_187 = arith.constant 0 : i32
      %dma_start3A_188 = tpu.memref_slice %arg9[%dma_start3A_186, %dma_start3A_187] : memref<128x64xf32, #tpu.memory_space<vmem>> -> memref<114x64xf32, #tpu.memory_space<vmem>>
      %dma_start3A_189 = arith.constant 0 : i32
      %dma_start3A_190 = tpu.memref_slice %arg2[%add3A_110, %dma_start3A_189] : memref<40064x64xf32, #tpu.memory_space<hbm>> -> memref<114x64xf32, #tpu.memory_space<hbm>>
      tpu.enqueue_dma source(%dma_start3A_190 : memref<114x64xf32, #tpu.memory_space<hbm>>) target(%dma_start3A_188 : memref<114x64xf32, #tpu.memory_space<vmem>>) target_semaphore(%run_scoped3A_180 : memref<!tpu.dma_semaphore, #tpu.memory_space<semaphore_mem>>)
      %dma_wait3A = arith.constant 0 : i32
      %dma_wait3A_191 = arith.constant 0 : i32
      %dma_wait3A_192 = tpu.memref_slice %arg9[%dma_wait3A, %dma_wait3A_191] : memref<128x64xf32, #tpu.memory_space<vmem>> -> memref<114x64xf32, #tpu.memory_space<vmem>>
      %dma_wait3A_193 = arith.constant 0 : i32
      %dma_wait3A_194 = tpu.memref_slice %arg2[%add3A_110, %dma_wait3A_193] : memref<40064x64xf32, #tpu.memory_space<hbm>> -> memref<114x64xf32, #tpu.memory_space<hbm>>
      %dma_wait3A_195 = arith.constant 0 : i32
      %dma_wait3A_196 = arith.constant 0 : i32
      %dma_wait3A_197 = tpu.memref_slice %arg9[%dma_wait3A_195, %dma_wait3A_196] : memref<128x64xf32, #tpu.memory_space<vmem>> -> memref<114x64xf32, #tpu.memory_space<vmem>>
      %dma_wait3A_198 = arith.constant 0 : i32
      %dma_wait3A_199 = tpu.memref_slice %arg2[%add3A_110, %dma_wait3A_198] : memref<40064x64xf32, #tpu.memory_space<hbm>> -> memref<114x64xf32, #tpu.memory_space<hbm>>
      tpu.wait_dma2 semaphore(%run_scoped3A_180 : memref<!tpu.dma_semaphore, #tpu.memory_space<semaphore_mem>>) src(%dma_wait3A_199 : memref<114x64xf32, #tpu.memory_space<hbm>>) dst(%dma_wait3A_197 : memref<114x64xf32, #tpu.memory_space<vmem>>)
      tpu.yield
    }) : () -> ()
    %add3A_111 = arith.constant 512 : i32
    %add3A_112 = arith.addi %mul3A_0, %add3A_111 : i32
    "tpu.region"() ({
      %run_scoped3A_180 = tpu.sem_alloc : memref<!tpu.dma_semaphore, #tpu.memory_space<semaphore_mem>>
      %dma_start3A_181 = arith.constant 0 : i32
      %dma_start3A_182 = arith.constant 0 : i32
      %dma_start3A_183 = tpu.memref_slice %arg9[%dma_start3A_181, %dma_start3A_182] : memref<128x64xf32, #tpu.memory_space<vmem>> -> memref<114x64xf32, #tpu.memory_space<vmem>>
      %dma_start3A_184 = arith.constant 0 : i32
      %dma_start3A_185 = tpu.memref_slice %arg12[%add3A_112, %dma_start3A_184] : memref<10016x64xf32, #tpu.memory_space<vmem_shared>> -> memref<114x64xf32, #tpu.memory_space<vmem_shared>>
      %dma_start3A_186 = arith.constant 0 : i32
      %dma_start3A_187 = tpu.memref_slice %arg12[%add3A_112, %dma_start3A_186] : memref<10016x64xf32, #tpu.memory_space<vmem_shared>> -> memref<114x64xf32, #tpu.memory_space<vmem_shared>>
      %dma_start3A_188 = arith.constant 0 : i32
      %dma_start3A_189 = arith.constant 0 : i32
      %dma_start3A_190 = tpu.memref_slice %arg9[%dma_start3A_188, %dma_start3A_189] : memref<128x64xf32, #tpu.memory_space<vmem>> -> memref<114x64xf32, #tpu.memory_space<vmem>>
      tpu.enqueue_dma source(%dma_start3A_190 : memref<114x64xf32, #tpu.memory_space<vmem>>) target(%dma_start3A_187 : memref<114x64xf32, #tpu.memory_space<vmem_shared>>) target_semaphore(%run_scoped3A_180 : memref<!tpu.dma_semaphore, #tpu.memory_space<semaphore_mem>>)
      %dma_wait3A = arith.constant 0 : i32
      %dma_wait3A_191 = arith.constant 0 : i32
      %dma_wait3A_192 = tpu.memref_slice %arg9[%dma_wait3A, %dma_wait3A_191] : memref<128x64xf32, #tpu.memory_space<vmem>> -> memref<114x64xf32, #tpu.memory_space<vmem>>
      %dma_wait3A_193 = arith.constant 0 : i32
      %dma_wait3A_194 = tpu.memref_slice %arg12[%add3A_112, %dma_wait3A_193] : memref<10016x64xf32, #tpu.memory_space<vmem_shared>> -> memref<114x64xf32, #tpu.memory_space<vmem_shared>>
      %dma_wait3A_195 = arith.constant 0 : i32
      %dma_wait3A_196 = tpu.memref_slice %arg12[%add3A_112, %dma_wait3A_195] : memref<10016x64xf32, #tpu.memory_space<vmem_shared>> -> memref<114x64xf32, #tpu.memory_space<vmem_shared>>
      %dma_wait3A_197 = arith.constant 0 : i32
      %dma_wait3A_198 = arith.constant 0 : i32
      %dma_wait3A_199 = tpu.memref_slice %arg9[%dma_wait3A_197, %dma_wait3A_198] : memref<128x64xf32, #tpu.memory_space<vmem>> -> memref<114x64xf32, #tpu.memory_space<vmem>>
      tpu.wait_dma2 semaphore(%run_scoped3A_180 : memref<!tpu.dma_semaphore, #tpu.memory_space<semaphore_mem>>) src(%dma_wait3A_199 : memref<114x64xf32, #tpu.memory_space<vmem>>) dst(%dma_wait3A_196 : memref<114x64xf32, #tpu.memory_space<vmem_shared>>)
      tpu.yield
    }) : () -> ()
    %run_scoped3A_113 = arith.constant 1 : i32
    "tpu.region"() ({
      %run_scoped3A_180 = tpu.sem_alloc : memref<!tpu.dma_semaphore, #tpu.memory_space<semaphore_mem>>
      %dma_start3A_181 = arith.constant 0 : i32
      %dma_start3A_182 = arith.constant 0 : i32
      %dma_start3A_183 = tpu.memref_slice %arg3[%run_scoped3A_113, %arg0, %arg1, %dma_start3A_181, %dma_start3A_182] : memref<2x2x16x158x128xi32, #tpu.memory_space<hbm>> -> memref<1x1x1x158x128xi32, #tpu.memory_space<hbm>>
      %dma_start3A_184 = tpu.memref_squeeze %dma_start3A_183 : memref<1x1x1x158x128xi32, #tpu.memory_space<hbm>> -> memref<158x128xi32, #tpu.memory_space<hbm>>
      %dma_start3A_185 = arith.constant 0 : i32
      %dma_start3A_186 = arith.constant 0 : i32
      %dma_start3A_187 = tpu.memref_slice %arg3[%run_scoped3A_113, %arg0, %arg1, %dma_start3A_185, %dma_start3A_186] : memref<2x2x16x158x128xi32, #tpu.memory_space<hbm>> -> memref<1x1x1x158x128xi32, #tpu.memory_space<hbm>>
      %dma_start3A_188 = tpu.memref_squeeze %dma_start3A_187 : memref<1x1x1x158x128xi32, #tpu.memory_space<hbm>> -> memref<158x128xi32, #tpu.memory_space<hbm>>
      tpu.enqueue_dma source(%dma_start3A_188 : memref<158x128xi32, #tpu.memory_space<hbm>>) target(%arg6 : memref<158x128xi32, #tpu.memory_space<vmem>>) target_semaphore(%run_scoped3A_180 : memref<!tpu.dma_semaphore, #tpu.memory_space<semaphore_mem>>)
      %dma_wait3A = arith.constant 0 : i32
      %dma_wait3A_189 = arith.constant 0 : i32
      %dma_wait3A_190 = tpu.memref_slice %arg3[%run_scoped3A_113, %arg0, %arg1, %dma_wait3A, %dma_wait3A_189] : memref<2x2x16x158x128xi32, #tpu.memory_space<hbm>> -> memref<1x1x1x158x128xi32, #tpu.memory_space<hbm>>
      %dma_wait3A_191 = tpu.memref_squeeze %dma_wait3A_190 : memref<1x1x1x158x128xi32, #tpu.memory_space<hbm>> -> memref<158x128xi32, #tpu.memory_space<hbm>>
      %dma_wait3A_192 = arith.constant 0 : i32
      %dma_wait3A_193 = arith.constant 0 : i32
      %dma_wait3A_194 = tpu.memref_slice %arg3[%run_scoped3A_113, %arg0, %arg1, %dma_wait3A_192, %dma_wait3A_193] : memref<2x2x16x158x128xi32, #tpu.memory_space<hbm>> -> memref<1x1x1x158x128xi32, #tpu.memory_space<hbm>>
      %dma_wait3A_195 = tpu.memref_squeeze %dma_wait3A_194 : memref<1x1x1x158x128xi32, #tpu.memory_space<hbm>> -> memref<158x128xi32, #tpu.memory_space<hbm>>
      tpu.wait_dma2 semaphore(%run_scoped3A_180 : memref<!tpu.dma_semaphore, #tpu.memory_space<semaphore_mem>>) src(%dma_wait3A_195 : memref<158x128xi32, #tpu.memory_space<hbm>>) dst(%arg6 : memref<158x128xi32, #tpu.memory_space<vmem>>)
      tpu.yield
    }) : () -> ()
    %barrier3A_114 = arith.constant 0 : index
    tpu.barrier barrier_id(%barrier3A_114)
    %dma_start3A_115 = arith.constant 0 : i32
    %dma_start3A_116 = arith.constant 0 : i32
    %dma_start3A_117 = arith.constant 0 : i32
    %dma_start3A_118 = arith.constant 0 : i32
    %dma_start3A_119 = tpu.memref_slice %arg8[%dma_start3A_116, %dma_start3A_117, %dma_start3A_118] : memref<2x128x64xf32, #tpu.memory_space<vmem>> -> memref<1x128x64xf32, #tpu.memory_space<vmem>>
    %dma_start3A_120 = tpu.memref_squeeze %dma_start3A_119 : memref<1x128x64xf32, #tpu.memory_space<vmem>> -> memref<128x64xf32, #tpu.memory_space<vmem>>
    %dma_start3A_121 = arith.constant 0 : i32
    %dma_start3A_122 = tpu.memref_slice %arg6[%dma_start3A_115, %dma_start3A_121] : memref<158x128xi32, #tpu.memory_space<vmem>> -> memref<1x128xi32, #tpu.memory_space<vmem>>
    %dma_start3A_123 = tpu.memref_squeeze %dma_start3A_122 : memref<1x128xi32, #tpu.memory_space<vmem>> -> memref<128xi32, #tpu.memory_space<vmem>>
    %dma_start3A_124 = arith.constant 0 : i32
    %dma_start3A_125 = arith.constant 0 : i32
    %dma_start3A_126 = tpu.memref_slice %arg2[%dma_start3A_124, %dma_start3A_125] : memref<40064x64xf32, #tpu.memory_space<hbm>> -> memref<40064x64xf32, #tpu.memory_space<hbm>>
    tpu.enqueue_indirect_dma source(%dma_start3A_126 : memref<40064x64xf32, #tpu.memory_space<hbm>>) target(%dma_start3A_120 : memref<128x64xf32, #tpu.memory_space<vmem>>) offsets(%dma_start3A_123 : memref<128xi32, #tpu.memory_space<vmem>>) semaphore(%arg10 : memref<!tpu.dma_semaphore, #tpu.memory_space<semaphore_mem>>)
    %dma_start3A_127 = arith.constant 1 : i32
    %dma_start3A_128 = arith.constant 1 : i32
    %dma_start3A_129 = arith.constant 0 : i32
    %dma_start3A_130 = arith.constant 0 : i32
    %dma_start3A_131 = tpu.memref_slice %arg8[%dma_start3A_128, %dma_start3A_129, %dma_start3A_130] : memref<2x128x64xf32, #tpu.memory_space<vmem>> -> memref<1x128x64xf32, #tpu.memory_space<vmem>>
    %dma_start3A_132 = tpu.memref_squeeze %dma_start3A_131 : memref<1x128x64xf32, #tpu.memory_space<vmem>> -> memref<128x64xf32, #tpu.memory_space<vmem>>
    %dma_start3A_133 = arith.constant 0 : i32
    %dma_start3A_134 = tpu.memref_slice %arg6[%dma_start3A_127, %dma_start3A_133] : memref<158x128xi32, #tpu.memory_space<vmem>> -> memref<1x128xi32, #tpu.memory_space<vmem>>
    %dma_start3A_135 = tpu.memref_squeeze %dma_start3A_134 : memref<1x128xi32, #tpu.memory_space<vmem>> -> memref<128xi32, #tpu.memory_space<vmem>>
    %dma_start3A_136 = arith.constant 0 : i32
    %dma_start3A_137 = arith.constant 0 : i32
    %dma_start3A_138 = tpu.memref_slice %arg2[%dma_start3A_136, %dma_start3A_137] : memref<40064x64xf32, #tpu.memory_space<hbm>> -> memref<40064x64xf32, #tpu.memory_space<hbm>>
    tpu.enqueue_indirect_dma source(%dma_start3A_138 : memref<40064x64xf32, #tpu.memory_space<hbm>>) target(%dma_start3A_132 : memref<128x64xf32, #tpu.memory_space<vmem>>) offsets(%dma_start3A_135 : memref<128xi32, #tpu.memory_space<vmem>>) semaphore(%arg11 : memref<!tpu.dma_semaphore, #tpu.memory_space<semaphore_mem>>)
    %scan3A_139 = arith.constant 0 : i32
    %scan3A_140 = arith.constant 79 : i32
    %scan3A_141 = arith.addi %scan3A_139, %scan3A_140 : i32
    %scan3A_142 = arith.constant 1 : i32
    scf.for %scan3A_180 = %scan3A_139 to %scan3A_141 step %scan3A_142  : i32 {
      %mul3A_181 = arith.constant 2 : i32
      %mul3A_182 = arith.muli %scan3A_180, %mul3A_181 : i32
      %add3A_183 = arith.constant 0 : i32
      %add3A_184 = arith.addi %add3A_183, %mul3A_182 : i32
      %add3A_185 = arith.constant 0 : i32
      %add3A_186 = arith.addi %add3A_184, %add3A_185 : i32
      %dma_wait3A = arith.constant 0 : i32
      %dma_wait3A_187 = arith.constant 0 : i32
      %dma_wait3A_188 = arith.constant 0 : i32
      %dma_wait3A_189 = tpu.memref_slice %arg8[%dma_wait3A, %dma_wait3A_187, %dma_wait3A_188] : memref<2x128x64xf32, #tpu.memory_space<vmem>> -> memref<1x128x64xf32, #tpu.memory_space<vmem>>
      %dma_wait3A_190 = tpu.memref_squeeze %dma_wait3A_189 : memref<1x128x64xf32, #tpu.memory_space<vmem>> -> memref<128x64xf32, #tpu.memory_space<vmem>>
      %dma_wait3A_191 = arith.constant 0 : i32
      %dma_wait3A_192 = tpu.memref_slice %arg6[%add3A_186, %dma_wait3A_191] : memref<158x128xi32, #tpu.memory_space<vmem>> -> memref<1x128xi32, #tpu.memory_space<vmem>>
      %dma_wait3A_193 = tpu.memref_squeeze %dma_wait3A_192 : memref<1x128xi32, #tpu.memory_space<vmem>> -> memref<128xi32, #tpu.memory_space<vmem>>
      %dma_wait3A_194 = arith.constant 0 : i32
      %dma_wait3A_195 = arith.constant 0 : i32
      %dma_wait3A_196 = tpu.memref_slice %arg2[%dma_wait3A_194, %dma_wait3A_195] : memref<40064x64xf32, #tpu.memory_space<hbm>> -> memref<40064x64xf32, #tpu.memory_space<hbm>>
      tpu.wait_indirect_dma semaphore(%arg10 : memref<!tpu.dma_semaphore, #tpu.memory_space<semaphore_mem>>) src(%dma_wait3A_196 : memref<40064x64xf32, #tpu.memory_space<hbm>>) dst(%dma_wait3A_190 : memref<128x64xf32, #tpu.memory_space<vmem>>)
      %run_scoped3A_197 = arith.constant 0 : i32
      "tpu.region"() ({
        %run_scoped3A_223 = tpu.sem_alloc : memref<!tpu.dma_semaphore, #tpu.memory_space<semaphore_mem>>
        %dma_start3A_224 = arith.constant 0 : i32
        %dma_start3A_225 = arith.constant 0 : i32
        %dma_start3A_226 = tpu.memref_slice %arg8[%run_scoped3A_197, %dma_start3A_224, %dma_start3A_225] : memref<2x128x64xf32, #tpu.memory_space<vmem>> -> memref<1x128x64xf32, #tpu.memory_space<vmem>>
        %dma_start3A_227 = tpu.memref_squeeze %dma_start3A_226 : memref<1x128x64xf32, #tpu.memory_space<vmem>> -> memref<128x64xf32, #tpu.memory_space<vmem>>
        %dma_start3A_228 = arith.constant 0 : i32
        %dma_start3A_229 = tpu.memref_slice %arg7[%add3A_186, %dma_start3A_228] : memref<158x128xi32, #tpu.memory_space<vmem>> -> memref<1x128xi32, #tpu.memory_space<vmem>>
        %dma_start3A_230 = tpu.memref_squeeze %dma_start3A_229 : memref<1x128xi32, #tpu.memory_space<vmem>> -> memref<128xi32, #tpu.memory_space<vmem>>
        %dma_start3A_231 = arith.constant 0 : i32
        %dma_start3A_232 = arith.constant 0 : i32
        %dma_start3A_233 = tpu.memref_slice %arg12[%dma_start3A_231, %dma_start3A_232] : memref<10016x64xf32, #tpu.memory_space<vmem_shared>> -> memref<10016x64xf32, #tpu.memory_space<vmem_shared>>
        tpu.enqueue_indirect_dma source(%dma_start3A_227 : memref<128x64xf32, #tpu.memory_space<vmem>>) target(%dma_start3A_233 : memref<10016x64xf32, #tpu.memory_space<vmem_shared>>) offsets(%dma_start3A_230 : memref<128xi32, #tpu.memory_space<vmem>>) semaphore(%run_scoped3A_223 : memref<!tpu.dma_semaphore, #tpu.memory_space<semaphore_mem>>) {add = true}
        %dma_wait3A_234 = arith.constant 0 : i32
        %dma_wait3A_235 = arith.constant 0 : i32
        %dma_wait3A_236 = tpu.memref_slice %arg8[%run_scoped3A_197, %dma_wait3A_234, %dma_wait3A_235] : memref<2x128x64xf32, #tpu.memory_space<vmem>> -> memref<1x128x64xf32, #tpu.memory_space<vmem>>
        %dma_wait3A_237 = tpu.memref_squeeze %dma_wait3A_236 : memref<1x128x64xf32, #tpu.memory_space<vmem>> -> memref<128x64xf32, #tpu.memory_space<vmem>>
        %dma_wait3A_238 = arith.constant 0 : i32
        %dma_wait3A_239 = tpu.memref_slice %arg7[%add3A_186, %dma_wait3A_238] : memref<158x128xi32, #tpu.memory_space<vmem>> -> memref<1x128xi32, #tpu.memory_space<vmem>>
        %dma_wait3A_240 = tpu.memref_squeeze %dma_wait3A_239 : memref<1x128xi32, #tpu.memory_space<vmem>> -> memref<128xi32, #tpu.memory_space<vmem>>
        %dma_wait3A_241 = arith.constant 0 : i32
        %dma_wait3A_242 = arith.constant 0 : i32
        %dma_wait3A_243 = tpu.memref_slice %arg12[%dma_wait3A_241, %dma_wait3A_242] : memref<10016x64xf32, #tpu.memory_space<vmem_shared>> -> memref<10016x64xf32, #tpu.memory_space<vmem_shared>>
        tpu.wait_indirect_dma semaphore(%run_scoped3A_223 : memref<!tpu.dma_semaphore, #tpu.memory_space<semaphore_mem>>) src(%dma_wait3A_237 : memref<128x64xf32, #tpu.memory_space<vmem>>) dst(%dma_wait3A_243 : memref<10016x64xf32, #tpu.memory_space<vmem_shared>>)
        tpu.yield
      }) : () -> ()
      %add3A_198 = arith.constant 2 : i32
      %add3A_199 = arith.addi %add3A_186, %add3A_198 : i32
      %lt3A = arith.constant 158 : i32
      %lt3A_200 = arith.cmpi slt, %add3A_199, %lt3A : i32
      %convert_element_type3A = arith.extui %lt3A_200 : i1 to i32
      %cond3A = arith.constant 0 : i32
      %cond3A_201 = arith.cmpi ne, %convert_element_type3A, %cond3A : i32
      scf.if %cond3A_201 {
        %dma_start3A_223 = arith.constant 0 : i32
        %dma_start3A_224 = arith.constant 0 : i32
        %dma_start3A_225 = arith.constant 0 : i32
        %dma_start3A_226 = tpu.memref_slice %arg8[%dma_start3A_223, %dma_start3A_224, %dma_start3A_225] : memref<2x128x64xf32, #tpu.memory_space<vmem>> -> memref<1x128x64xf32, #tpu.memory_space<vmem>>
        %dma_start3A_227 = tpu.memref_squeeze %dma_start3A_226 : memref<1x128x64xf32, #tpu.memory_space<vmem>> -> memref<128x64xf32, #tpu.memory_space<vmem>>
        %dma_start3A_228 = arith.constant 0 : i32
        %dma_start3A_229 = tpu.memref_slice %arg6[%add3A_199, %dma_start3A_228] : memref<158x128xi32, #tpu.memory_space<vmem>> -> memref<1x128xi32, #tpu.memory_space<vmem>>
        %dma_start3A_230 = tpu.memref_squeeze %dma_start3A_229 : memref<1x128xi32, #tpu.memory_space<vmem>> -> memref<128xi32, #tpu.memory_space<vmem>>
        %dma_start3A_231 = arith.constant 0 : i32
        %dma_start3A_232 = arith.constant 0 : i32
        %dma_start3A_233 = tpu.memref_slice %arg2[%dma_start3A_231, %dma_start3A_232] : memref<40064x64xf32, #tpu.memory_space<hbm>> -> memref<40064x64xf32, #tpu.memory_space<hbm>>
        tpu.enqueue_indirect_dma source(%dma_start3A_233 : memref<40064x64xf32, #tpu.memory_space<hbm>>) target(%dma_start3A_227 : memref<128x64xf32, #tpu.memory_space<vmem>>) offsets(%dma_start3A_230 : memref<128xi32, #tpu.memory_space<vmem>>) semaphore(%arg10 : memref<!tpu.dma_semaphore, #tpu.memory_space<semaphore_mem>>)
      } else {
      }
      %add3A_202 = arith.constant 1 : i32
      %add3A_203 = arith.addi %add3A_184, %add3A_202 : i32
      %dma_wait3A_204 = arith.constant 1 : i32
      %dma_wait3A_205 = arith.constant 0 : i32
      %dma_wait3A_206 = arith.constant 0 : i32
      %dma_wait3A_207 = tpu.memref_slice %arg8[%dma_wait3A_204, %dma_wait3A_205, %dma_wait3A_206] : memref<2x128x64xf32, #tpu.memory_space<vmem>> -> memref<1x128x64xf32, #tpu.memory_space<vmem>>
      %dma_wait3A_208 = tpu.memref_squeeze %dma_wait3A_207 : memref<1x128x64xf32, #tpu.memory_space<vmem>> -> memref<128x64xf32, #tpu.memory_space<vmem>>
      %dma_wait3A_209 = arith.constant 0 : i32
      %dma_wait3A_210 = tpu.memref_slice %arg6[%add3A_203, %dma_wait3A_209] : memref<158x128xi32, #tpu.memory_space<vmem>> -> memref<1x128xi32, #tpu.memory_space<vmem>>
      %dma_wait3A_211 = tpu.memref_squeeze %dma_wait3A_210 : memref<1x128xi32, #tpu.memory_space<vmem>> -> memref<128xi32, #tpu.memory_space<vmem>>
      %dma_wait3A_212 = arith.constant 0 : i32
      %dma_wait3A_213 = arith.constant 0 : i32
      %dma_wait3A_214 = tpu.memref_slice %arg2[%dma_wait3A_212, %dma_wait3A_213] : memref<40064x64xf32, #tpu.memory_space<hbm>> -> memref<40064x64xf32, #tpu.memory_space<hbm>>
      tpu.wait_indirect_dma semaphore(%arg11 : memref<!tpu.dma_semaphore, #tpu.memory_space<semaphore_mem>>) src(%dma_wait3A_214 : memref<40064x64xf32, #tpu.memory_space<hbm>>) dst(%dma_wait3A_208 : memref<128x64xf32, #tpu.memory_space<vmem>>)
      %run_scoped3A_215 = arith.constant 1 : i32
      "tpu.region"() ({
        %run_scoped3A_223 = tpu.sem_alloc : memref<!tpu.dma_semaphore, #tpu.memory_space<semaphore_mem>>
        %dma_start3A_224 = arith.constant 0 : i32
        %dma_start3A_225 = arith.constant 0 : i32
        %dma_start3A_226 = tpu.memref_slice %arg8[%run_scoped3A_215, %dma_start3A_224, %dma_start3A_225] : memref<2x128x64xf32, #tpu.memory_space<vmem>> -> memref<1x128x64xf32, #tpu.memory_space<vmem>>
        %dma_start3A_227 = tpu.memref_squeeze %dma_start3A_226 : memref<1x128x64xf32, #tpu.memory_space<vmem>> -> memref<128x64xf32, #tpu.memory_space<vmem>>
        %dma_start3A_228 = arith.constant 0 : i32
        %dma_start3A_229 = tpu.memref_slice %arg7[%add3A_203, %dma_start3A_228] : memref<158x128xi32, #tpu.memory_space<vmem>> -> memref<1x128xi32, #tpu.memory_space<vmem>>
        %dma_start3A_230 = tpu.memref_squeeze %dma_start3A_229 : memref<1x128xi32, #tpu.memory_space<vmem>> -> memref<128xi32, #tpu.memory_space<vmem>>
        %dma_start3A_231 = arith.constant 0 : i32
        %dma_start3A_232 = arith.constant 0 : i32
        %dma_start3A_233 = tpu.memref_slice %arg12[%dma_start3A_231, %dma_start3A_232] : memref<10016x64xf32, #tpu.memory_space<vmem_shared>> -> memref<10016x64xf32, #tpu.memory_space<vmem_shared>>
        tpu.enqueue_indirect_dma source(%dma_start3A_227 : memref<128x64xf32, #tpu.memory_space<vmem>>) target(%dma_start3A_233 : memref<10016x64xf32, #tpu.memory_space<vmem_shared>>) offsets(%dma_start3A_230 : memref<128xi32, #tpu.memory_space<vmem>>) semaphore(%run_scoped3A_223 : memref<!tpu.dma_semaphore, #tpu.memory_space<semaphore_mem>>) {add = true}
        %dma_wait3A_234 = arith.constant 0 : i32
        %dma_wait3A_235 = arith.constant 0 : i32
        %dma_wait3A_236 = tpu.memref_slice %arg8[%run_scoped3A_215, %dma_wait3A_234, %dma_wait3A_235] : memref<2x128x64xf32, #tpu.memory_space<vmem>> -> memref<1x128x64xf32, #tpu.memory_space<vmem>>
        %dma_wait3A_237 = tpu.memref_squeeze %dma_wait3A_236 : memref<1x128x64xf32, #tpu.memory_space<vmem>> -> memref<128x64xf32, #tpu.memory_space<vmem>>
        %dma_wait3A_238 = arith.constant 0 : i32
        %dma_wait3A_239 = tpu.memref_slice %arg7[%add3A_203, %dma_wait3A_238] : memref<158x128xi32, #tpu.memory_space<vmem>> -> memref<1x128xi32, #tpu.memory_space<vmem>>
        %dma_wait3A_240 = tpu.memref_squeeze %dma_wait3A_239 : memref<1x128xi32, #tpu.memory_space<vmem>> -> memref<128xi32, #tpu.memory_space<vmem>>
        %dma_wait3A_241 = arith.constant 0 : i32
        %dma_wait3A_242 = arith.constant 0 : i32
        %dma_wait3A_243 = tpu.memref_slice %arg12[%dma_wait3A_241, %dma_wait3A_242] : memref<10016x64xf32, #tpu.memory_space<vmem_shared>> -> memref<10016x64xf32, #tpu.memory_space<vmem_shared>>
        tpu.wait_indirect_dma semaphore(%run_scoped3A_223 : memref<!tpu.dma_semaphore, #tpu.memory_space<semaphore_mem>>) src(%dma_wait3A_237 : memref<128x64xf32, #tpu.memory_space<vmem>>) dst(%dma_wait3A_243 : memref<10016x64xf32, #tpu.memory_space<vmem_shared>>)
        tpu.yield
      }) : () -> ()
      %add3A_216 = arith.constant 2 : i32
      %add3A_217 = arith.addi %add3A_203, %add3A_216 : i32
      %lt3A_218 = arith.constant 158 : i32
      %lt3A_219 = arith.cmpi slt, %add3A_217, %lt3A_218 : i32
      %convert_element_type3A_220 = arith.extui %lt3A_219 : i1 to i32
      %cond3A_221 = arith.constant 0 : i32
      %cond3A_222 = arith.cmpi ne, %convert_element_type3A_220, %cond3A_221 : i32
      scf.if %cond3A_222 {
        %dma_start3A_223 = arith.constant 1 : i32
        %dma_start3A_224 = arith.constant 0 : i32
        %dma_start3A_225 = arith.constant 0 : i32
        %dma_start3A_226 = tpu.memref_slice %arg8[%dma_start3A_223, %dma_start3A_224, %dma_start3A_225] : memref<2x128x64xf32, #tpu.memory_space<vmem>> -> memref<1x128x64xf32, #tpu.memory_space<vmem>>
        %dma_start3A_227 = tpu.memref_squeeze %dma_start3A_226 : memref<1x128x64xf32, #tpu.memory_space<vmem>> -> memref<128x64xf32, #tpu.memory_space<vmem>>
        %dma_start3A_228 = arith.constant 0 : i32
        %dma_start3A_229 = tpu.memref_slice %arg6[%add3A_217, %dma_start3A_228] : memref<158x128xi32, #tpu.memory_space<vmem>> -> memref<1x128xi32, #tpu.memory_space<vmem>>
        %dma_start3A_230 = tpu.memref_squeeze %dma_start3A_229 : memref<1x128xi32, #tpu.memory_space<vmem>> -> memref<128xi32, #tpu.memory_space<vmem>>
        %dma_start3A_231 = arith.constant 0 : i32
        %dma_start3A_232 = arith.constant 0 : i32
        %dma_start3A_233 = tpu.memref_slice %arg2[%dma_start3A_231, %dma_start3A_232] : memref<40064x64xf32, #tpu.memory_space<hbm>> -> memref<40064x64xf32, #tpu.memory_space<hbm>>
        tpu.enqueue_indirect_dma source(%dma_start3A_233 : memref<40064x64xf32, #tpu.memory_space<hbm>>) target(%dma_start3A_227 : memref<128x64xf32, #tpu.memory_space<vmem>>) offsets(%dma_start3A_230 : memref<128xi32, #tpu.memory_space<vmem>>) semaphore(%arg11 : memref<!tpu.dma_semaphore, #tpu.memory_space<semaphore_mem>>)
      } else {
      }
    }
    %scan3A_143 = arith.constant 79 : i32
    %barrier3A_144 = arith.constant 0 : index
    tpu.barrier barrier_id(%barrier3A_144)
    %add3A_145 = arith.constant 0 : i32
    %add3A_146 = arith.addi %mul3A_0, %add3A_145 : i32
    "tpu.region"() ({
      %run_scoped3A_180 = tpu.sem_alloc : memref<!tpu.dma_semaphore, #tpu.memory_space<semaphore_mem>>
      %dma_start3A_181 = arith.constant 0 : i32
      %dma_start3A_182 = tpu.memref_slice %arg12[%add3A_146, %dma_start3A_181] : memref<10016x64xf32, #tpu.memory_space<vmem_shared>> -> memref<128x64xf32, #tpu.memory_space<vmem_shared>>
      %dma_start3A_183 = arith.constant 0 : i32
      %dma_start3A_184 = tpu.memref_slice %arg12[%add3A_146, %dma_start3A_183] : memref<10016x64xf32, #tpu.memory_space<vmem_shared>> -> memref<128x64xf32, #tpu.memory_space<vmem_shared>>
      tpu.enqueue_dma source(%dma_start3A_184 : memref<128x64xf32, #tpu.memory_space<vmem_shared>>) target(%arg9 : memref<128x64xf32, #tpu.memory_space<vmem>>) target_semaphore(%run_scoped3A_180 : memref<!tpu.dma_semaphore, #tpu.memory_space<semaphore_mem>>)
      %dma_wait3A = arith.constant 0 : i32
      %dma_wait3A_185 = tpu.memref_slice %arg12[%add3A_146, %dma_wait3A] : memref<10016x64xf32, #tpu.memory_space<vmem_shared>> -> memref<128x64xf32, #tpu.memory_space<vmem_shared>>
      %dma_wait3A_186 = arith.constant 0 : i32
      %dma_wait3A_187 = tpu.memref_slice %arg12[%add3A_146, %dma_wait3A_186] : memref<10016x64xf32, #tpu.memory_space<vmem_shared>> -> memref<128x64xf32, #tpu.memory_space<vmem_shared>>
      tpu.wait_dma2 semaphore(%run_scoped3A_180 : memref<!tpu.dma_semaphore, #tpu.memory_space<semaphore_mem>>) src(%dma_wait3A_187 : memref<128x64xf32, #tpu.memory_space<vmem_shared>>) dst(%arg9 : memref<128x64xf32, #tpu.memory_space<vmem>>)
      tpu.yield
    }) : () -> ()
    %add3A_147 = arith.constant 0 : i32
    %add3A_148 = arith.addi %mul3A_0, %add3A_147 : i32
    %mul3A_149 = arith.constant 64 : i32
    %mul3A_150 = arith.muli %arg0, %mul3A_149 : i32
    %run_scoped3A_151 = arith.constant 1 : i32
    "tpu.region"() ({
      %run_scoped3A_180 = tpu.sem_alloc : memref<!tpu.dma_semaphore, #tpu.memory_space<semaphore_mem>>
      %dma_start3A_181 = tpu.memref_slice %arg5[%run_scoped3A_151, %add3A_148, %mul3A_150] : memref<2x10016x128xf32, #tpu.memory_space<hbm>> -> memref<1x128x64xf32, #tpu.memory_space<hbm>>
      %dma_start3A_182 = tpu.memref_squeeze %dma_start3A_181 : memref<1x128x64xf32, #tpu.memory_space<hbm>> -> memref<128x64xf32, #tpu.memory_space<hbm>>
      %dma_start3A_183 = tpu.memref_slice %arg5[%run_scoped3A_151, %add3A_148, %mul3A_150] : memref<2x10016x128xf32, #tpu.memory_space<hbm>> -> memref<1x128x64xf32, #tpu.memory_space<hbm>>
      %dma_start3A_184 = tpu.memref_squeeze %dma_start3A_183 : memref<1x128x64xf32, #tpu.memory_space<hbm>> -> memref<128x64xf32, #tpu.memory_space<hbm>>
      tpu.enqueue_dma source(%arg9 : memref<128x64xf32, #tpu.memory_space<vmem>>) target(%dma_start3A_184 : memref<128x64xf32, #tpu.memory_space<hbm>>) target_semaphore(%run_scoped3A_180 : memref<!tpu.dma_semaphore, #tpu.memory_space<semaphore_mem>>)
      %dma_wait3A = tpu.memref_slice %arg5[%run_scoped3A_151, %add3A_148, %mul3A_150] : memref<2x10016x128xf32, #tpu.memory_space<hbm>> -> memref<1x128x64xf32, #tpu.memory_space<hbm>>
      %dma_wait3A_185 = tpu.memref_squeeze %dma_wait3A : memref<1x128x64xf32, #tpu.memory_space<hbm>> -> memref<128x64xf32, #tpu.memory_space<hbm>>
      %dma_wait3A_186 = tpu.memref_slice %arg5[%run_scoped3A_151, %add3A_148, %mul3A_150] : memref<2x10016x128xf32, #tpu.memory_space<hbm>> -> memref<1x128x64xf32, #tpu.memory_space<hbm>>
      %dma_wait3A_187 = tpu.memref_squeeze %dma_wait3A_186 : memref<1x128x64xf32, #tpu.memory_space<hbm>> -> memref<128x64xf32, #tpu.memory_space<hbm>>
      tpu.wait_dma2 semaphore(%run_scoped3A_180 : memref<!tpu.dma_semaphore, #tpu.memory_space<semaphore_mem>>) src(%arg9 : memref<128x64xf32, #tpu.memory_space<vmem>>) dst(%dma_wait3A_187 : memref<128x64xf32, #tpu.memory_space<hbm>>)
      tpu.yield
    }) : () -> ()
    %add3A_152 = arith.constant 128 : i32
    %add3A_153 = arith.addi %mul3A_0, %add3A_152 : i32
    "tpu.region"() ({
      %run_scoped3A_180 = tpu.sem_alloc : memref<!tpu.dma_semaphore, #tpu.memory_space<semaphore_mem>>
      %dma_start3A_181 = arith.constant 0 : i32
      %dma_start3A_182 = tpu.memref_slice %arg12[%add3A_153, %dma_start3A_181] : memref<10016x64xf32, #tpu.memory_space<vmem_shared>> -> memref<128x64xf32, #tpu.memory_space<vmem_shared>>
      %dma_start3A_183 = arith.constant 0 : i32
      %dma_start3A_184 = tpu.memref_slice %arg12[%add3A_153, %dma_start3A_183] : memref<10016x64xf32, #tpu.memory_space<vmem_shared>> -> memref<128x64xf32, #tpu.memory_space<vmem_shared>>
      tpu.enqueue_dma source(%dma_start3A_184 : memref<128x64xf32, #tpu.memory_space<vmem_shared>>) target(%arg9 : memref<128x64xf32, #tpu.memory_space<vmem>>) target_semaphore(%run_scoped3A_180 : memref<!tpu.dma_semaphore, #tpu.memory_space<semaphore_mem>>)
      %dma_wait3A = arith.constant 0 : i32
      %dma_wait3A_185 = tpu.memref_slice %arg12[%add3A_153, %dma_wait3A] : memref<10016x64xf32, #tpu.memory_space<vmem_shared>> -> memref<128x64xf32, #tpu.memory_space<vmem_shared>>
      %dma_wait3A_186 = arith.constant 0 : i32
      %dma_wait3A_187 = tpu.memref_slice %arg12[%add3A_153, %dma_wait3A_186] : memref<10016x64xf32, #tpu.memory_space<vmem_shared>> -> memref<128x64xf32, #tpu.memory_space<vmem_shared>>
      tpu.wait_dma2 semaphore(%run_scoped3A_180 : memref<!tpu.dma_semaphore, #tpu.memory_space<semaphore_mem>>) src(%dma_wait3A_187 : memref<128x64xf32, #tpu.memory_space<vmem_shared>>) dst(%arg9 : memref<128x64xf32, #tpu.memory_space<vmem>>)
      tpu.yield
    }) : () -> ()
    %add3A_154 = arith.constant 128 : i32
    %add3A_155 = arith.addi %mul3A_0, %add3A_154 : i32
    %mul3A_156 = arith.constant 64 : i32
    %mul3A_157 = arith.muli %arg0, %mul3A_156 : i32
    %run_scoped3A_158 = arith.constant 1 : i32
    "tpu.region"() ({
      %run_scoped3A_180 = tpu.sem_alloc : memref<!tpu.dma_semaphore, #tpu.memory_space<semaphore_mem>>
      %dma_start3A_181 = tpu.memref_slice %arg5[%run_scoped3A_158, %add3A_155, %mul3A_157] : memref<2x10016x128xf32, #tpu.memory_space<hbm>> -> memref<1x128x64xf32, #tpu.memory_space<hbm>>
      %dma_start3A_182 = tpu.memref_squeeze %dma_start3A_181 : memref<1x128x64xf32, #tpu.memory_space<hbm>> -> memref<128x64xf32, #tpu.memory_space<hbm>>
      %dma_start3A_183 = tpu.memref_slice %arg5[%run_scoped3A_158, %add3A_155, %mul3A_157] : memref<2x10016x128xf32, #tpu.memory_space<hbm>> -> memref<1x128x64xf32, #tpu.memory_space<hbm>>
      %dma_start3A_184 = tpu.memref_squeeze %dma_start3A_183 : memref<1x128x64xf32, #tpu.memory_space<hbm>> -> memref<128x64xf32, #tpu.memory_space<hbm>>
      tpu.enqueue_dma source(%arg9 : memref<128x64xf32, #tpu.memory_space<vmem>>) target(%dma_start3A_184 : memref<128x64xf32, #tpu.memory_space<hbm>>) target_semaphore(%run_scoped3A_180 : memref<!tpu.dma_semaphore, #tpu.memory_space<semaphore_mem>>)
      %dma_wait3A = tpu.memref_slice %arg5[%run_scoped3A_158, %add3A_155, %mul3A_157] : memref<2x10016x128xf32, #tpu.memory_space<hbm>> -> memref<1x128x64xf32, #tpu.memory_space<hbm>>
      %dma_wait3A_185 = tpu.memref_squeeze %dma_wait3A : memref<1x128x64xf32, #tpu.memory_space<hbm>> -> memref<128x64xf32, #tpu.memory_space<hbm>>
      %dma_wait3A_186 = tpu.memref_slice %arg5[%run_scoped3A_158, %add3A_155, %mul3A_157] : memref<2x10016x128xf32, #tpu.memory_space<hbm>> -> memref<1x128x64xf32, #tpu.memory_space<hbm>>
      %dma_wait3A_187 = tpu.memref_squeeze %dma_wait3A_186 : memref<1x128x64xf32, #tpu.memory_space<hbm>> -> memref<128x64xf32, #tpu.memory_space<hbm>>
      tpu.wait_dma2 semaphore(%run_scoped3A_180 : memref<!tpu.dma_semaphore, #tpu.memory_space<semaphore_mem>>) src(%arg9 : memref<128x64xf32, #tpu.memory_space<vmem>>) dst(%dma_wait3A_187 : memref<128x64xf32, #tpu.memory_space<hbm>>)
      tpu.yield
    }) : () -> ()
    %add3A_159 = arith.constant 256 : i32
    %add3A_160 = arith.addi %mul3A_0, %add3A_159 : i32
    "tpu.region"() ({
      %run_scoped3A_180 = tpu.sem_alloc : memref<!tpu.dma_semaphore, #tpu.memory_space<semaphore_mem>>
      %dma_start3A_181 = arith.constant 0 : i32
      %dma_start3A_182 = tpu.memref_slice %arg12[%add3A_160, %dma_start3A_181] : memref<10016x64xf32, #tpu.memory_space<vmem_shared>> -> memref<128x64xf32, #tpu.memory_space<vmem_shared>>
      %dma_start3A_183 = arith.constant 0 : i32
      %dma_start3A_184 = tpu.memref_slice %arg12[%add3A_160, %dma_start3A_183] : memref<10016x64xf32, #tpu.memory_space<vmem_shared>> -> memref<128x64xf32, #tpu.memory_space<vmem_shared>>
      tpu.enqueue_dma source(%dma_start3A_184 : memref<128x64xf32, #tpu.memory_space<vmem_shared>>) target(%arg9 : memref<128x64xf32, #tpu.memory_space<vmem>>) target_semaphore(%run_scoped3A_180 : memref<!tpu.dma_semaphore, #tpu.memory_space<semaphore_mem>>)
      %dma_wait3A = arith.constant 0 : i32
      %dma_wait3A_185 = tpu.memref_slice %arg12[%add3A_160, %dma_wait3A] : memref<10016x64xf32, #tpu.memory_space<vmem_shared>> -> memref<128x64xf32, #tpu.memory_space<vmem_shared>>
      %dma_wait3A_186 = arith.constant 0 : i32
      %dma_wait3A_187 = tpu.memref_slice %arg12[%add3A_160, %dma_wait3A_186] : memref<10016x64xf32, #tpu.memory_space<vmem_shared>> -> memref<128x64xf32, #tpu.memory_space<vmem_shared>>
      tpu.wait_dma2 semaphore(%run_scoped3A_180 : memref<!tpu.dma_semaphore, #tpu.memory_space<semaphore_mem>>) src(%dma_wait3A_187 : memref<128x64xf32, #tpu.memory_space<vmem_shared>>) dst(%arg9 : memref<128x64xf32, #tpu.memory_space<vmem>>)
      tpu.yield
    }) : () -> ()
    %add3A_161 = arith.constant 256 : i32
    %add3A_162 = arith.addi %mul3A_0, %add3A_161 : i32
    %mul3A_163 = arith.constant 64 : i32
    %mul3A_164 = arith.muli %arg0, %mul3A_163 : i32
    %run_scoped3A_165 = arith.constant 1 : i32
    "tpu.region"() ({
      %run_scoped3A_180 = tpu.sem_alloc : memref<!tpu.dma_semaphore, #tpu.memory_space<semaphore_mem>>
      %dma_start3A_181 = tpu.memref_slice %arg5[%run_scoped3A_165, %add3A_162, %mul3A_164] : memref<2x10016x128xf32, #tpu.memory_space<hbm>> -> memref<1x128x64xf32, #tpu.memory_space<hbm>>
      %dma_start3A_182 = tpu.memref_squeeze %dma_start3A_181 : memref<1x128x64xf32, #tpu.memory_space<hbm>> -> memref<128x64xf32, #tpu.memory_space<hbm>>
      %dma_start3A_183 = tpu.memref_slice %arg5[%run_scoped3A_165, %add3A_162, %mul3A_164] : memref<2x10016x128xf32, #tpu.memory_space<hbm>> -> memref<1x128x64xf32, #tpu.memory_space<hbm>>
      %dma_start3A_184 = tpu.memref_squeeze %dma_start3A_183 : memref<1x128x64xf32, #tpu.memory_space<hbm>> -> memref<128x64xf32, #tpu.memory_space<hbm>>
      tpu.enqueue_dma source(%arg9 : memref<128x64xf32, #tpu.memory_space<vmem>>) target(%dma_start3A_184 : memref<128x64xf32, #tpu.memory_space<hbm>>) target_semaphore(%run_scoped3A_180 : memref<!tpu.dma_semaphore, #tpu.memory_space<semaphore_mem>>)
      %dma_wait3A = tpu.memref_slice %arg5[%run_scoped3A_165, %add3A_162, %mul3A_164] : memref<2x10016x128xf32, #tpu.memory_space<hbm>> -> memref<1x128x64xf32, #tpu.memory_space<hbm>>
      %dma_wait3A_185 = tpu.memref_squeeze %dma_wait3A : memref<1x128x64xf32, #tpu.memory_space<hbm>> -> memref<128x64xf32, #tpu.memory_space<hbm>>
      %dma_wait3A_186 = tpu.memref_slice %arg5[%run_scoped3A_165, %add3A_162, %mul3A_164] : memref<2x10016x128xf32, #tpu.memory_space<hbm>> -> memref<1x128x64xf32, #tpu.memory_space<hbm>>
      %dma_wait3A_187 = tpu.memref_squeeze %dma_wait3A_186 : memref<1x128x64xf32, #tpu.memory_space<hbm>> -> memref<128x64xf32, #tpu.memory_space<hbm>>
      tpu.wait_dma2 semaphore(%run_scoped3A_180 : memref<!tpu.dma_semaphore, #tpu.memory_space<semaphore_mem>>) src(%arg9 : memref<128x64xf32, #tpu.memory_space<vmem>>) dst(%dma_wait3A_187 : memref<128x64xf32, #tpu.memory_space<hbm>>)
      tpu.yield
    }) : () -> ()
    %add3A_166 = arith.constant 384 : i32
    %add3A_167 = arith.addi %mul3A_0, %add3A_166 : i32
    "tpu.region"() ({
      %run_scoped3A_180 = tpu.sem_alloc : memref<!tpu.dma_semaphore, #tpu.memory_space<semaphore_mem>>
      %dma_start3A_181 = arith.constant 0 : i32
      %dma_start3A_182 = tpu.memref_slice %arg12[%add3A_167, %dma_start3A_181] : memref<10016x64xf32, #tpu.memory_space<vmem_shared>> -> memref<128x64xf32, #tpu.memory_space<vmem_shared>>
      %dma_start3A_183 = arith.constant 0 : i32
      %dma_start3A_184 = tpu.memref_slice %arg12[%add3A_167, %dma_start3A_183] : memref<10016x64xf32, #tpu.memory_space<vmem_shared>> -> memref<128x64xf32, #tpu.memory_space<vmem_shared>>
      tpu.enqueue_dma source(%dma_start3A_184 : memref<128x64xf32, #tpu.memory_space<vmem_shared>>) target(%arg9 : memref<128x64xf32, #tpu.memory_space<vmem>>) target_semaphore(%run_scoped3A_180 : memref<!tpu.dma_semaphore, #tpu.memory_space<semaphore_mem>>)
      %dma_wait3A = arith.constant 0 : i32
      %dma_wait3A_185 = tpu.memref_slice %arg12[%add3A_167, %dma_wait3A] : memref<10016x64xf32, #tpu.memory_space<vmem_shared>> -> memref<128x64xf32, #tpu.memory_space<vmem_shared>>
      %dma_wait3A_186 = arith.constant 0 : i32
      %dma_wait3A_187 = tpu.memref_slice %arg12[%add3A_167, %dma_wait3A_186] : memref<10016x64xf32, #tpu.memory_space<vmem_shared>> -> memref<128x64xf32, #tpu.memory_space<vmem_shared>>
      tpu.wait_dma2 semaphore(%run_scoped3A_180 : memref<!tpu.dma_semaphore, #tpu.memory_space<semaphore_mem>>) src(%dma_wait3A_187 : memref<128x64xf32, #tpu.memory_space<vmem_shared>>) dst(%arg9 : memref<128x64xf32, #tpu.memory_space<vmem>>)
      tpu.yield
    }) : () -> ()
    %add3A_168 = arith.constant 384 : i32
    %add3A_169 = arith.addi %mul3A_0, %add3A_168 : i32
    %mul3A_170 = arith.constant 64 : i32
    %mul3A_171 = arith.muli %arg0, %mul3A_170 : i32
    %run_scoped3A_172 = arith.constant 1 : i32
    "tpu.region"() ({
      %run_scoped3A_180 = tpu.sem_alloc : memref<!tpu.dma_semaphore, #tpu.memory_space<semaphore_mem>>
      %dma_start3A_181 = tpu.memref_slice %arg5[%run_scoped3A_172, %add3A_169, %mul3A_171] : memref<2x10016x128xf32, #tpu.memory_space<hbm>> -> memref<1x128x64xf32, #tpu.memory_space<hbm>>
      %dma_start3A_182 = tpu.memref_squeeze %dma_start3A_181 : memref<1x128x64xf32, #tpu.memory_space<hbm>> -> memref<128x64xf32, #tpu.memory_space<hbm>>
      %dma_start3A_183 = tpu.memref_slice %arg5[%run_scoped3A_172, %add3A_169, %mul3A_171] : memref<2x10016x128xf32, #tpu.memory_space<hbm>> -> memref<1x128x64xf32, #tpu.memory_space<hbm>>
      %dma_start3A_184 = tpu.memref_squeeze %dma_start3A_183 : memref<1x128x64xf32, #tpu.memory_space<hbm>> -> memref<128x64xf32, #tpu.memory_space<hbm>>
      tpu.enqueue_dma source(%arg9 : memref<128x64xf32, #tpu.memory_space<vmem>>) target(%dma_start3A_184 : memref<128x64xf32, #tpu.memory_space<hbm>>) target_semaphore(%run_scoped3A_180 : memref<!tpu.dma_semaphore, #tpu.memory_space<semaphore_mem>>)
      %dma_wait3A = tpu.memref_slice %arg5[%run_scoped3A_172, %add3A_169, %mul3A_171] : memref<2x10016x128xf32, #tpu.memory_space<hbm>> -> memref<1x128x64xf32, #tpu.memory_space<hbm>>
      %dma_wait3A_185 = tpu.memref_squeeze %dma_wait3A : memref<1x128x64xf32, #tpu.memory_space<hbm>> -> memref<128x64xf32, #tpu.memory_space<hbm>>
      %dma_wait3A_186 = tpu.memref_slice %arg5[%run_scoped3A_172, %add3A_169, %mul3A_171] : memref<2x10016x128xf32, #tpu.memory_space<hbm>> -> memref<1x128x64xf32, #tpu.memory_space<hbm>>
      %dma_wait3A_187 = tpu.memref_squeeze %dma_wait3A_186 : memref<1x128x64xf32, #tpu.memory_space<hbm>> -> memref<128x64xf32, #tpu.memory_space<hbm>>
      tpu.wait_dma2 semaphore(%run_scoped3A_180 : memref<!tpu.dma_semaphore, #tpu.memory_space<semaphore_mem>>) src(%arg9 : memref<128x64xf32, #tpu.memory_space<vmem>>) dst(%dma_wait3A_187 : memref<128x64xf32, #tpu.memory_space<hbm>>)
      tpu.yield
    }) : () -> ()
    %add3A_173 = arith.constant 512 : i32
    %add3A_174 = arith.addi %mul3A_0, %add3A_173 : i32
    "tpu.region"() ({
      %run_scoped3A_180 = tpu.sem_alloc : memref<!tpu.dma_semaphore, #tpu.memory_space<semaphore_mem>>
      %dma_start3A_181 = arith.constant 0 : i32
      %dma_start3A_182 = arith.constant 0 : i32
      %dma_start3A_183 = tpu.memref_slice %arg9[%dma_start3A_181, %dma_start3A_182] : memref<128x64xf32, #tpu.memory_space<vmem>> -> memref<114x64xf32, #tpu.memory_space<vmem>>
      %dma_start3A_184 = arith.constant 0 : i32
      %dma_start3A_185 = tpu.memref_slice %arg12[%add3A_174, %dma_start3A_184] : memref<10016x64xf32, #tpu.memory_space<vmem_shared>> -> memref<114x64xf32, #tpu.memory_space<vmem_shared>>
      %dma_start3A_186 = arith.constant 0 : i32
      %dma_start3A_187 = arith.constant 0 : i32
      %dma_start3A_188 = tpu.memref_slice %arg9[%dma_start3A_186, %dma_start3A_187] : memref<128x64xf32, #tpu.memory_space<vmem>> -> memref<114x64xf32, #tpu.memory_space<vmem>>
      %dma_start3A_189 = arith.constant 0 : i32
      %dma_start3A_190 = tpu.memref_slice %arg12[%add3A_174, %dma_start3A_189] : memref<10016x64xf32, #tpu.memory_space<vmem_shared>> -> memref<114x64xf32, #tpu.memory_space<vmem_shared>>
      tpu.enqueue_dma source(%dma_start3A_190 : memref<114x64xf32, #tpu.memory_space<vmem_shared>>) target(%dma_start3A_188 : memref<114x64xf32, #tpu.memory_space<vmem>>) target_semaphore(%run_scoped3A_180 : memref<!tpu.dma_semaphore, #tpu.memory_space<semaphore_mem>>)
      %dma_wait3A = arith.constant 0 : i32
      %dma_wait3A_191 = arith.constant 0 : i32
      %dma_wait3A_192 = tpu.memref_slice %arg9[%dma_wait3A, %dma_wait3A_191] : memref<128x64xf32, #tpu.memory_space<vmem>> -> memref<114x64xf32, #tpu.memory_space<vmem>>
      %dma_wait3A_193 = arith.constant 0 : i32
      %dma_wait3A_194 = tpu.memref_slice %arg12[%add3A_174, %dma_wait3A_193] : memref<10016x64xf32, #tpu.memory_space<vmem_shared>> -> memref<114x64xf32, #tpu.memory_space<vmem_shared>>
      %dma_wait3A_195 = arith.constant 0 : i32
      %dma_wait3A_196 = arith.constant 0 : i32
      %dma_wait3A_197 = tpu.memref_slice %arg9[%dma_wait3A_195, %dma_wait3A_196] : memref<128x64xf32, #tpu.memory_space<vmem>> -> memref<114x64xf32, #tpu.memory_space<vmem>>
      %dma_wait3A_198 = arith.constant 0 : i32
      %dma_wait3A_199 = tpu.memref_slice %arg12[%add3A_174, %dma_wait3A_198] : memref<10016x64xf32, #tpu.memory_space<vmem_shared>> -> memref<114x64xf32, #tpu.memory_space<vmem_shared>>
      tpu.wait_dma2 semaphore(%run_scoped3A_180 : memref<!tpu.dma_semaphore, #tpu.memory_space<semaphore_mem>>) src(%dma_wait3A_199 : memref<114x64xf32, #tpu.memory_space<vmem_shared>>) dst(%dma_wait3A_197 : memref<114x64xf32, #tpu.memory_space<vmem>>)
      tpu.yield
    }) : () -> ()
    %add3A_175 = arith.constant 512 : i32
    %add3A_176 = arith.addi %mul3A_0, %add3A_175 : i32
    %mul3A_177 = arith.constant 64 : i32
    %mul3A_178 = arith.muli %arg0, %mul3A_177 : i32
    %run_scoped3A_179 = arith.constant 1 : i32
    "tpu.region"() ({
      %run_scoped3A_180 = tpu.sem_alloc : memref<!tpu.dma_semaphore, #tpu.memory_space<semaphore_mem>>
      %dma_start3A_181 = arith.constant 0 : i32
      %dma_start3A_182 = arith.constant 0 : i32
      %dma_start3A_183 = tpu.memref_slice %arg9[%dma_start3A_181, %dma_start3A_182] : memref<128x64xf32, #tpu.memory_space<vmem>> -> memref<114x64xf32, #tpu.memory_space<vmem>>
      %dma_start3A_184 = tpu.memref_slice %arg5[%run_scoped3A_179, %add3A_176, %mul3A_178] : memref<2x10016x128xf32, #tpu.memory_space<hbm>> -> memref<1x114x64xf32, #tpu.memory_space<hbm>>
      %dma_start3A_185 = tpu.memref_squeeze %dma_start3A_184 : memref<1x114x64xf32, #tpu.memory_space<hbm>> -> memref<114x64xf32, #tpu.memory_space<hbm>>
      %dma_start3A_186 = tpu.memref_slice %arg5[%run_scoped3A_179, %add3A_176, %mul3A_178] : memref<2x10016x128xf32, #tpu.memory_space<hbm>> -> memref<1x114x64xf32, #tpu.memory_space<hbm>>
      %dma_start3A_187 = tpu.memref_squeeze %dma_start3A_186 : memref<1x114x64xf32, #tpu.memory_space<hbm>> -> memref<114x64xf32, #tpu.memory_space<hbm>>
      %dma_start3A_188 = arith.constant 0 : i32
      %dma_start3A_189 = arith.constant 0 : i32
      %dma_start3A_190 = tpu.memref_slice %arg9[%dma_start3A_188, %dma_start3A_189] : memref<128x64xf32, #tpu.memory_space<vmem>> -> memref<114x64xf32, #tpu.memory_space<vmem>>
      tpu.enqueue_dma source(%dma_start3A_190 : memref<114x64xf32, #tpu.memory_space<vmem>>) target(%dma_start3A_187 : memref<114x64xf32, #tpu.memory_space<hbm>>) target_semaphore(%run_scoped3A_180 : memref<!tpu.dma_semaphore, #tpu.memory_space<semaphore_mem>>)
      %dma_wait3A = arith.constant 0 : i32
      %dma_wait3A_191 = arith.constant 0 : i32
      %dma_wait3A_192 = tpu.memref_slice %arg9[%dma_wait3A, %dma_wait3A_191] : memref<128x64xf32, #tpu.memory_space<vmem>> -> memref<114x64xf32, #tpu.memory_space<vmem>>
      %dma_wait3A_193 = tpu.memref_slice %arg5[%run_scoped3A_179, %add3A_176, %mul3A_178] : memref<2x10016x128xf32, #tpu.memory_space<hbm>> -> memref<1x114x64xf32, #tpu.memory_space<hbm>>
      %dma_wait3A_194 = tpu.memref_squeeze %dma_wait3A_193 : memref<1x114x64xf32, #tpu.memory_space<hbm>> -> memref<114x64xf32, #tpu.memory_space<hbm>>
      %dma_wait3A_195 = tpu.memref_slice %arg5[%run_scoped3A_179, %add3A_176, %mul3A_178] : memref<2x10016x128xf32, #tpu.memory_space<hbm>> -> memref<1x114x64xf32, #tpu.memory_space<hbm>>
      %dma_wait3A_196 = tpu.memref_squeeze %dma_wait3A_195 : memref<1x114x64xf32, #tpu.memory_space<hbm>> -> memref<114x64xf32, #tpu.memory_space<hbm>>
      %dma_wait3A_197 = arith.constant 0 : i32
      %dma_wait3A_198 = arith.constant 0 : i32
      %dma_wait3A_199 = tpu.memref_slice %arg9[%dma_wait3A_197, %dma_wait3A_198] : memref<128x64xf32, #tpu.memory_space<vmem>> -> memref<114x64xf32, #tpu.memory_space<vmem>>
      tpu.wait_dma2 semaphore(%run_scoped3A_180 : memref<!tpu.dma_semaphore, #tpu.memory_space<semaphore_mem>>) src(%dma_wait3A_199 : memref<114x64xf32, #tpu.memory_space<vmem>>) dst(%dma_wait3A_196 : memref<114x64xf32, #tpu.memory_space<hbm>>)
      tpu.yield
    }) : () -> ()
    return
  }
}

module attributes {stable_mosaic.version = 14 : i64} {
  func.func @body(%arg0: memref<2x10016x16xf32, #tpu.memory_space<vmem>>, %arg1: memref<10000x128xf32, #tpu.memory_space<vmem>>, %arg2: memref<128x128xf32, #tpu.memory_space<vmem>>, %arg3: memref<10016x1xf32, #tpu.memory_space<vmem>>, %arg4: memref<2x10016x64xf32, #tpu.memory_space<vmem>>) attributes {dimension_semantics = [], scalar_prefetch = 0 : i64, scratch_operands = 0 : i64, tpu.core_type = #tpu.core_type<tc>} {
    %get3A = arith.constant 0 : index
    %get3A_0 = arith.constant 0 : index
    %get3A_1 = arith.constant 0 : index
    %get3A_2 = vector.load %arg0[%get3A, %get3A_0, %get3A_1] : memref<2x10016x16xf32, #tpu.memory_space<vmem>>, vector<1x10016x16xf32>
    %get3A_3 = vector.shape_cast %get3A_2 : vector<1x10016x16xf32> to vector<10016x16xf32>
    %get3A_4 = arith.constant 1 : index
    %get3A_5 = arith.constant 0 : index
    %get3A_6 = arith.constant 0 : index
    %get3A_7 = vector.load %arg0[%get3A_4, %get3A_5, %get3A_6] : memref<2x10016x16xf32, #tpu.memory_space<vmem>>, vector<1x10016x16xf32>
    %get3A_8 = vector.shape_cast %get3A_7 : vector<1x10016x16xf32> to vector<10016x16xf32>
    %add3A = arith.addf %get3A_3, %get3A_8 : vector<10016x16xf32>
    %add3A_9 = arith.constant 1.000000e+00 : f32
    %add3A_10 = vector.broadcast %add3A_9 : f32 to vector<10016x16xf32>
    %add3A_11 = arith.addf %add3A, %add3A_10 : vector<10016x16xf32>
    %rsqrt3A = math.rsqrt %add3A_11 : vector<10016x16xf32>
    %slice3A = vector.extract_strided_slice %rsqrt3A {offsets = [0, 0], sizes = [10016, 1], strides = [1, 1]} : vector<10016x16xf32> to vector<10016x1xf32>
    %swap3A = arith.constant 0 : index
    %swap3A_12 = arith.constant 0 : index
    %swap3A_13 = vector.load %arg3[%swap3A, %swap3A_12] : memref<10016x1xf32, #tpu.memory_space<vmem>>, vector<10016x1xf32>
    tpu.vector_store %arg3[%swap3A, %swap3A_12], %slice3A {strides = array<i32>} : memref<10016x1xf32, #tpu.memory_space<vmem>>, vector<10016x1xf32>,
    %slice3A_14 = vector.extract_strided_slice %rsqrt3A {offsets = [0, 0], sizes = [10000, 1], strides = [1, 1]} : vector<10016x16xf32> to vector<10000x1xf32>
    %get3A_15 = arith.constant 0 : index
    %get3A_16 = arith.constant 0 : index
    %get3A_17 = vector.load %arg1[%get3A_15, %get3A_16] : memref<10000x128xf32, #tpu.memory_space<vmem>>, vector<10000x128xf32>
    %get3A_18 = arith.constant 0 : index
    %get3A_19 = arith.constant 0 : index
    %get3A_20 = vector.load %arg2[%get3A_18, %get3A_19] : memref<128x128xf32, #tpu.memory_space<vmem>>, vector<128x128xf32>
    %dot_general3A = arith.constant dense<0.000000e+00> : vector<10000x128xf32>
    %dot_general3A_21 = tpu.matmul %get3A_17, %get3A_20, %dot_general3A {dimension_numbers = #tpu.dot_dimension_numbers<[1], [0], [0], [1], [0, 0, 1, 1], [], []>, transpose_lhs_hint = false} : vector<10000x128xf32>, vector<128x128xf32>, vector<10000x128xf32> -> vector<10000x128xf32>
    %mul3A = vector.broadcast %slice3A_14 : vector<10000x1xf32> to vector<10000x128xf32>
    %mul3A_22 = arith.mulf %dot_general3A_21, %mul3A : vector<10000x128xf32>
    %slice3A_23 = vector.extract_strided_slice %mul3A_22 {offsets = [0, 0], sizes = [10000, 64], strides = [1, 1]} : vector<10000x128xf32> to vector<10000x64xf32>
    %swap3A_24 = arith.constant 0 : index
    %swap3A_25 = arith.constant 0 : index
    %swap3A_26 = arith.constant 0 : index
    %swap3A_27 = vector.load %arg4[%swap3A_24, %swap3A_25, %swap3A_26] : memref<2x10016x64xf32, #tpu.memory_space<vmem>>, vector<1x10000x64xf32>
    %swap3A_28 = vector.shape_cast %swap3A_27 : vector<1x10000x64xf32> to vector<10000x64xf32>
    %swap3A_29 = vector.shape_cast %slice3A_23 : vector<10000x64xf32> to vector<1x10000x64xf32>
    tpu.vector_store %arg4[%swap3A_24, %swap3A_25, %swap3A_26], %swap3A_29 {strides = array<i32>} : memref<2x10016x64xf32, #tpu.memory_space<vmem>>, vector<1x10000x64xf32>,
    %broadcast_in_dim3A = arith.constant 0.000000e+00 : f32
    %broadcast_in_dim3A_30 = vector.broadcast %broadcast_in_dim3A : f32 to vector<16x64xf32>
    %swap3A_31 = arith.constant 0 : index
    %swap3A_32 = arith.constant 10000 : index
    %swap3A_33 = arith.constant 0 : index
    %swap3A_34 = vector.load %arg4[%swap3A_31, %swap3A_32, %swap3A_33] : memref<2x10016x64xf32, #tpu.memory_space<vmem>>, vector<1x16x64xf32>
    %swap3A_35 = vector.shape_cast %swap3A_34 : vector<1x16x64xf32> to vector<16x64xf32>
    %swap3A_36 = vector.shape_cast %broadcast_in_dim3A_30 : vector<16x64xf32> to vector<1x16x64xf32>
    tpu.vector_store %arg4[%swap3A_31, %swap3A_32, %swap3A_33], %swap3A_36 {strides = array<i32>} : memref<2x10016x64xf32, #tpu.memory_space<vmem>>, vector<1x16x64xf32>,
    %slice3A_37 = vector.extract_strided_slice %mul3A_22 {offsets = [0, 64], sizes = [10000, 64], strides = [1, 1]} : vector<10000x128xf32> to vector<10000x64xf32>
    %swap3A_38 = arith.constant 1 : index
    %swap3A_39 = arith.constant 0 : index
    %swap3A_40 = arith.constant 0 : index
    %swap3A_41 = vector.load %arg4[%swap3A_38, %swap3A_39, %swap3A_40] : memref<2x10016x64xf32, #tpu.memory_space<vmem>>, vector<1x10000x64xf32>
    %swap3A_42 = vector.shape_cast %swap3A_41 : vector<1x10000x64xf32> to vector<10000x64xf32>
    %swap3A_43 = vector.shape_cast %slice3A_37 : vector<10000x64xf32> to vector<1x10000x64xf32>
    tpu.vector_store %arg4[%swap3A_38, %swap3A_39, %swap3A_40], %swap3A_43 {strides = array<i32>} : memref<2x10016x64xf32, #tpu.memory_space<vmem>>, vector<1x10000x64xf32>,
    %broadcast_in_dim3A_44 = arith.constant 0.000000e+00 : f32
    %broadcast_in_dim3A_45 = vector.broadcast %broadcast_in_dim3A_44 : f32 to vector<16x64xf32>
    %swap3A_46 = arith.constant 1 : index
    %swap3A_47 = arith.constant 10000 : index
    %swap3A_48 = arith.constant 0 : index
    %swap3A_49 = vector.load %arg4[%swap3A_46, %swap3A_47, %swap3A_48] : memref<2x10016x64xf32, #tpu.memory_space<vmem>>, vector<1x16x64xf32>
    %swap3A_50 = vector.shape_cast %swap3A_49 : vector<1x16x64xf32> to vector<16x64xf32>
    %swap3A_51 = vector.shape_cast %broadcast_in_dim3A_45 : vector<16x64xf32> to vector<1x16x64xf32>
    tpu.vector_store %arg4[%swap3A_46, %swap3A_47, %swap3A_48], %swap3A_51 {strides = array<i32>} : memref<2x10016x64xf32, #tpu.memory_space<vmem>>, vector<1x16x64xf32>,
    return
  }
}

module attributes {stable_mosaic.version = 14 : i64} {
  func.func @body(%arg0: memref<1x10016x128xf32, #tpu.memory_space<vmem>>, %arg1: memref<10016x1xf32, #tpu.memory_space<vmem>>, %arg2: memref<1x128xf32, #tpu.memory_space<vmem>>, %arg3: memref<1x128xf32, #tpu.memory_space<vmem>>, %arg4: memref<1x128xf32, #tpu.memory_space<vmem>>, %arg5: memref<128x256xf32, #tpu.memory_space<vmem>>, %arg6: memref<4x10016x64xf32, #tpu.memory_space<vmem>>) attributes {dimension_semantics = [], scalar_prefetch = 0 : i64, scratch_operands = 0 : i64, tpu.core_type = #tpu.core_type<tc>} {
    %get3A = arith.constant 0 : index
    %get3A_0 = arith.constant 0 : index
    %get3A_1 = vector.load %arg1[%get3A, %get3A_0] : memref<10016x1xf32, #tpu.memory_space<vmem>>, vector<10000x1xf32>
    %get3A_2 = arith.constant 0 : index
    %get3A_3 = arith.constant 0 : index
    %get3A_4 = arith.constant 0 : index
    %get3A_5 = vector.load %arg0[%get3A_2, %get3A_3, %get3A_4] : memref<1x10016x128xf32, #tpu.memory_space<vmem>>, vector<1x10000x128xf32>
    %get3A_6 = vector.shape_cast %get3A_5 : vector<1x10000x128xf32> to vector<10000x128xf32>
    %mul3A = vector.broadcast %get3A_1 : vector<10000x1xf32> to vector<10000x128xf32>
    %mul3A_7 = arith.mulf %get3A_6, %mul3A : vector<10000x128xf32>
    %get3A_8 = arith.constant 0 : index
    %get3A_9 = arith.constant 0 : index
    %get3A_10 = vector.load %arg2[%get3A_8, %get3A_9] : memref<1x128xf32, #tpu.memory_space<vmem>>, vector<1x128xf32>
    %add3A = vector.broadcast %get3A_10 : vector<1x128xf32> to vector<10000x128xf32>
    %add3A_11 = arith.addf %mul3A_7, %add3A : vector<10000x128xf32>
    %max3A = arith.constant 0.000000e+00 : f32
    %max3A_12 = vector.broadcast %max3A : f32 to vector<10000x128xf32>
    %max3A_13 = arith.maximumf %add3A_11, %max3A_12 : vector<10000x128xf32>
    %reduce_sum3A = arith.constant dense<0.000000e+00> : vector<128xf32>
    %reduce_sum3A_14 = vector.multi_reduction <add>, %max3A_13, %reduce_sum3A [0] : vector<10000x128xf32> to vector<128xf32>
    %broadcast_in_dim3A = vector.shape_cast %reduce_sum3A_14 : vector<128xf32> to vector<1x128xf32>
    %div3A = arith.constant 1.000000e+04 : f32
    %div3A_15 = vector.broadcast %div3A : f32 to vector<1x128xf32>
    %div3A_16 = arith.divf %broadcast_in_dim3A, %div3A_15 : vector<1x128xf32>
    %sub3A = vector.broadcast %div3A_16 : vector<1x128xf32> to vector<10000x128xf32>
    %sub3A_17 = arith.subf %max3A_13, %sub3A : vector<10000x128xf32>
    %integer_pow3A = arith.mulf %sub3A_17, %sub3A_17 : vector<10000x128xf32>
    %reduce_sum3A_18 = arith.constant dense<0.000000e+00> : vector<128xf32>
    %reduce_sum3A_19 = vector.multi_reduction <add>, %integer_pow3A, %reduce_sum3A_18 [0] : vector<10000x128xf32> to vector<128xf32>
    %broadcast_in_dim3A_20 = vector.shape_cast %reduce_sum3A_19 : vector<128xf32> to vector<1x128xf32>
    %div3A_21 = arith.constant 1.000000e+04 : f32
    %div3A_22 = vector.broadcast %div3A_21 : f32 to vector<1x128xf32>
    %div3A_23 = arith.divf %broadcast_in_dim3A_20, %div3A_22 : vector<1x128xf32>
    %sub3A_24 = vector.broadcast %div3A_16 : vector<1x128xf32> to vector<10000x128xf32>
    %sub3A_25 = arith.subf %max3A_13, %sub3A_24 : vector<10000x128xf32>
    %add3A_26 = arith.constant 9.99999974E-6 : f32
    %add3A_27 = vector.broadcast %add3A_26 : f32 to vector<1x128xf32>
    %add3A_28 = arith.addf %div3A_23, %add3A_27 : vector<1x128xf32>
    %rsqrt3A = math.rsqrt %add3A_28 : vector<1x128xf32>
    %mul3A_29 = vector.broadcast %rsqrt3A : vector<1x128xf32> to vector<10000x128xf32>
    %mul3A_30 = arith.mulf %sub3A_25, %mul3A_29 : vector<10000x128xf32>
    %get3A_31 = arith.constant 0 : index
    %get3A_32 = arith.constant 0 : index
    %get3A_33 = vector.load %arg3[%get3A_31, %get3A_32] : memref<1x128xf32, #tpu.memory_space<vmem>>, vector<1x128xf32>
    %mul3A_34 = vector.broadcast %get3A_33 : vector<1x128xf32> to vector<10000x128xf32>
    %mul3A_35 = arith.mulf %mul3A_30, %mul3A_34 : vector<10000x128xf32>
    %get3A_36 = arith.constant 0 : index
    %get3A_37 = arith.constant 0 : index
    %get3A_38 = vector.load %arg4[%get3A_36, %get3A_37] : memref<1x128xf32, #tpu.memory_space<vmem>>, vector<1x128xf32>
    %add3A_39 = vector.broadcast %get3A_38 : vector<1x128xf32> to vector<10000x128xf32>
    %add3A_40 = arith.addf %mul3A_35, %add3A_39 : vector<10000x128xf32>
    %get3A_41 = arith.constant 0 : index
    %get3A_42 = arith.constant 0 : index
    %get3A_43 = vector.load %arg5[%get3A_41, %get3A_42] : memref<128x256xf32, #tpu.memory_space<vmem>>, vector<128x256xf32>
    %dot_general3A = arith.constant dense<0.000000e+00> : vector<10000x256xf32>
    %dot_general3A_44 = tpu.matmul %add3A_40, %get3A_43, %dot_general3A {dimension_numbers = #tpu.dot_dimension_numbers<[1], [0], [0], [1], [0, 0, 1, 1], [], []>, transpose_lhs_hint = false} : vector<10000x128xf32>, vector<128x256xf32>, vector<10000x256xf32> -> vector<10000x256xf32>
    %mul3A_45 = vector.broadcast %get3A_1 : vector<10000x1xf32> to vector<10000x256xf32>
    %mul3A_46 = arith.mulf %dot_general3A_44, %mul3A_45 : vector<10000x256xf32>
    %slice3A = vector.extract_strided_slice %mul3A_46 {offsets = [0, 0], sizes = [10000, 64], strides = [1, 1]} : vector<10000x256xf32> to vector<10000x64xf32>
    %swap3A = arith.constant 0 : index
    %swap3A_47 = arith.constant 0 : index
    %swap3A_48 = arith.constant 0 : index
    %swap3A_49 = vector.load %arg6[%swap3A, %swap3A_47, %swap3A_48] : memref<4x10016x64xf32, #tpu.memory_space<vmem>>, vector<1x10000x64xf32>
    %swap3A_50 = vector.shape_cast %swap3A_49 : vector<1x10000x64xf32> to vector<10000x64xf32>
    %swap3A_51 = vector.shape_cast %slice3A : vector<10000x64xf32> to vector<1x10000x64xf32>
    tpu.vector_store %arg6[%swap3A, %swap3A_47, %swap3A_48], %swap3A_51 {strides = array<i32>} : memref<4x10016x64xf32, #tpu.memory_space<vmem>>, vector<1x10000x64xf32>,
    %broadcast_in_dim3A_52 = arith.constant 0.000000e+00 : f32
    %broadcast_in_dim3A_53 = vector.broadcast %broadcast_in_dim3A_52 : f32 to vector<16x64xf32>
    %swap3A_54 = arith.constant 0 : index
    %swap3A_55 = arith.constant 10000 : index
    %swap3A_56 = arith.constant 0 : index
    %swap3A_57 = vector.load %arg6[%swap3A_54, %swap3A_55, %swap3A_56] : memref<4x10016x64xf32, #tpu.memory_space<vmem>>, vector<1x16x64xf32>
    %swap3A_58 = vector.shape_cast %swap3A_57 : vector<1x16x64xf32> to vector<16x64xf32>
    %swap3A_59 = vector.shape_cast %broadcast_in_dim3A_53 : vector<16x64xf32> to vector<1x16x64xf32>
    tpu.vector_store %arg6[%swap3A_54, %swap3A_55, %swap3A_56], %swap3A_59 {strides = array<i32>} : memref<4x10016x64xf32, #tpu.memory_space<vmem>>, vector<1x16x64xf32>,
    %slice3A_60 = vector.extract_strided_slice %mul3A_46 {offsets = [0, 64], sizes = [10000, 64], strides = [1, 1]} : vector<10000x256xf32> to vector<10000x64xf32>
    %swap3A_61 = arith.constant 1 : index
    %swap3A_62 = arith.constant 0 : index
    %swap3A_63 = arith.constant 0 : index
    %swap3A_64 = vector.load %arg6[%swap3A_61, %swap3A_62, %swap3A_63] : memref<4x10016x64xf32, #tpu.memory_space<vmem>>, vector<1x10000x64xf32>
    %swap3A_65 = vector.shape_cast %swap3A_64 : vector<1x10000x64xf32> to vector<10000x64xf32>
    %swap3A_66 = vector.shape_cast %slice3A_60 : vector<10000x64xf32> to vector<1x10000x64xf32>
    tpu.vector_store %arg6[%swap3A_61, %swap3A_62, %swap3A_63], %swap3A_66 {strides = array<i32>} : memref<4x10016x64xf32, #tpu.memory_space<vmem>>, vector<1x10000x64xf32>,
    %broadcast_in_dim3A_67 = arith.constant 0.000000e+00 : f32
    %broadcast_in_dim3A_68 = vector.broadcast %broadcast_in_dim3A_67 : f32 to vector<16x64xf32>
    %swap3A_69 = arith.constant 1 : index
    %swap3A_70 = arith.constant 10000 : index
    %swap3A_71 = arith.constant 0 : index
    %swap3A_72 = vector.load %arg6[%swap3A_69, %swap3A_70, %swap3A_71] : memref<4x10016x64xf32, #tpu.memory_space<vmem>>, vector<1x16x64xf32>
    %swap3A_73 = vector.shape_cast %swap3A_72 : vector<1x16x64xf32> to vector<16x64xf32>
    %swap3A_74 = vector.shape_cast %broadcast_in_dim3A_68 : vector<16x64xf32> to vector<1x16x64xf32>
    tpu.vector_store %arg6[%swap3A_69, %swap3A_70, %swap3A_71], %swap3A_74 {strides = array<i32>} : memref<4x10016x64xf32, #tpu.memory_space<vmem>>, vector<1x16x64xf32>,
    %slice3A_75 = vector.extract_strided_slice %mul3A_46 {offsets = [0, 128], sizes = [10000, 64], strides = [1, 1]} : vector<10000x256xf32> to vector<10000x64xf32>
    %swap3A_76 = arith.constant 2 : index
    %swap3A_77 = arith.constant 0 : index
    %swap3A_78 = arith.constant 0 : index
    %swap3A_79 = vector.load %arg6[%swap3A_76, %swap3A_77, %swap3A_78] : memref<4x10016x64xf32, #tpu.memory_space<vmem>>, vector<1x10000x64xf32>
    %swap3A_80 = vector.shape_cast %swap3A_79 : vector<1x10000x64xf32> to vector<10000x64xf32>
    %swap3A_81 = vector.shape_cast %slice3A_75 : vector<10000x64xf32> to vector<1x10000x64xf32>
    tpu.vector_store %arg6[%swap3A_76, %swap3A_77, %swap3A_78], %swap3A_81 {strides = array<i32>} : memref<4x10016x64xf32, #tpu.memory_space<vmem>>, vector<1x10000x64xf32>,
    %broadcast_in_dim3A_82 = arith.constant 0.000000e+00 : f32
    %broadcast_in_dim3A_83 = vector.broadcast %broadcast_in_dim3A_82 : f32 to vector<16x64xf32>
    %swap3A_84 = arith.constant 2 : index
    %swap3A_85 = arith.constant 10000 : index
    %swap3A_86 = arith.constant 0 : index
    %swap3A_87 = vector.load %arg6[%swap3A_84, %swap3A_85, %swap3A_86] : memref<4x10016x64xf32, #tpu.memory_space<vmem>>, vector<1x16x64xf32>
    %swap3A_88 = vector.shape_cast %swap3A_87 : vector<1x16x64xf32> to vector<16x64xf32>
    %swap3A_89 = vector.shape_cast %broadcast_in_dim3A_83 : vector<16x64xf32> to vector<1x16x64xf32>
    tpu.vector_store %arg6[%swap3A_84, %swap3A_85, %swap3A_86], %swap3A_89 {strides = array<i32>} : memref<4x10016x64xf32, #tpu.memory_space<vmem>>, vector<1x16x64xf32>,
    %slice3A_90 = vector.extract_strided_slice %mul3A_46 {offsets = [0, 192], sizes = [10000, 64], strides = [1, 1]} : vector<10000x256xf32> to vector<10000x64xf32>
    %swap3A_91 = arith.constant 3 : index
    %swap3A_92 = arith.constant 0 : index
    %swap3A_93 = arith.constant 0 : index
    %swap3A_94 = vector.load %arg6[%swap3A_91, %swap3A_92, %swap3A_93] : memref<4x10016x64xf32, #tpu.memory_space<vmem>>, vector<1x10000x64xf32>
    %swap3A_95 = vector.shape_cast %swap3A_94 : vector<1x10000x64xf32> to vector<10000x64xf32>
    %swap3A_96 = vector.shape_cast %slice3A_90 : vector<10000x64xf32> to vector<1x10000x64xf32>
    tpu.vector_store %arg6[%swap3A_91, %swap3A_92, %swap3A_93], %swap3A_96 {strides = array<i32>} : memref<4x10016x64xf32, #tpu.memory_space<vmem>>, vector<1x10000x64xf32>,
    %broadcast_in_dim3A_97 = arith.constant 0.000000e+00 : f32
    %broadcast_in_dim3A_98 = vector.broadcast %broadcast_in_dim3A_97 : f32 to vector<16x64xf32>
    %swap3A_99 = arith.constant 3 : index
    %swap3A_100 = arith.constant 10000 : index
    %swap3A_101 = arith.constant 0 : index
    %swap3A_102 = vector.load %arg6[%swap3A_99, %swap3A_100, %swap3A_101] : memref<4x10016x64xf32, #tpu.memory_space<vmem>>, vector<1x16x64xf32>
    %swap3A_103 = vector.shape_cast %swap3A_102 : vector<1x16x64xf32> to vector<16x64xf32>
    %swap3A_104 = vector.shape_cast %broadcast_in_dim3A_98 : vector<16x64xf32> to vector<1x16x64xf32>
    tpu.vector_store %arg6[%swap3A_99, %swap3A_100, %swap3A_101], %swap3A_104 {strides = array<i32>} : memref<4x10016x64xf32, #tpu.memory_space<vmem>>, vector<1x16x64xf32>,
    return
  }
}

module attributes {stable_mosaic.version = 14 : i64} {
  func.func @body(%arg0: memref<2x10016x128xf32, #tpu.memory_space<vmem>>, %arg1: memref<10016x1xf32, #tpu.memory_space<vmem>>, %arg2: memref<2x1x128xf32, #tpu.memory_space<vmem>>, %arg3: memref<2x1x128xf32, #tpu.memory_space<vmem>>, %arg4: memref<2x1x128xf32, #tpu.memory_space<vmem>>, %arg5: memref<1x10000xi32, #tpu.memory_space<vmem>>, %arg6: memref<256x200xf32, #tpu.memory_space<vmem>>, %arg7: memref<2x128x256xf32, #tpu.memory_space<vmem>>, %arg8: memref<200x256xf32, #tpu.memory_space<vmem>>, %arg9: memref<1x256xf32, #tpu.memory_space<vmem>>, %arg10: memref<1x256xf32, #tpu.memory_space<vmem>>, %arg11: memref<1x256xf32, #tpu.memory_space<vmem>>, %arg12: memref<256x128xf32, #tpu.memory_space<vmem>>, %arg13: memref<1x128xf32, #tpu.memory_space<vmem>>, %arg14: memref<1x128xf32, #tpu.memory_space<vmem>>, %arg15: memref<1x128xf32, #tpu.memory_space<vmem>>, %arg16: memref<128x1xf32, #tpu.memory_space<vmem>>, %arg17: memref<1x1xf32, #tpu.memory_space<vmem>>, %arg18: memref<256x1xf32, #tpu.memory_space<vmem>>) attributes {dimension_semantics = [], scalar_prefetch = 0 : i64, scratch_operands = 0 : i64, tpu.core_type = #tpu.core_type<tc>} {
    %get3A = arith.constant 0 : index
    %get3A_0 = arith.constant 0 : index
    %get3A_1 = vector.load %arg1[%get3A, %get3A_0] : memref<10016x1xf32, #tpu.memory_space<vmem>>, vector<10000x1xf32>
    %get3A_2 = arith.constant 0 : index
    %get3A_3 = arith.constant 0 : index
    %get3A_4 = vector.load %arg5[%get3A_2, %get3A_3] : memref<1x10000xi32, #tpu.memory_space<vmem>>, vector<1x10000xi32>
    %iota3A = tpu.iota {dimensions = array<i32: 0>} : vector<256x10000xi32>
    %eq3A = vector.broadcast %get3A_4 : vector<1x10000xi32> to vector<256x10000xi32>
    %eq3A_5 = arith.cmpi eq, %eq3A, %iota3A : vector<256x10000xi32>
    %convert_element_type3A = arith.extui %eq3A_5 : vector<256x10000xi1> to vector<256x10000xi32>
    %convert_element_type3A_6 = arith.sitofp %convert_element_type3A : vector<256x10000xi32> to vector<256x10000xf32>
    %broadcast_in_dim3A = arith.constant 1.000000e+00 : f32
    %broadcast_in_dim3A_7 = vector.broadcast %broadcast_in_dim3A : f32 to vector<10000x1xf32>
    %dot_general3A = arith.constant dense<0.000000e+00> : vector<256x1xf32>
    %dot_general3A_8 = tpu.matmul %convert_element_type3A_6, %broadcast_in_dim3A_7, %dot_general3A {dimension_numbers = #tpu.dot_dimension_numbers<[1], [0], [0], [1], [0, 0, 1, 1], [], []>, transpose_lhs_hint = false} : vector<256x10000xf32>, vector<10000x1xf32>, vector<256x1xf32> -> vector<256x1xf32>
    %max3A = arith.constant 1.000000e+00 : f32
    %max3A_9 = vector.broadcast %max3A : f32 to vector<256x1xf32>
    %max3A_10 = arith.maximumf %dot_general3A_8, %max3A_9 : vector<256x1xf32>
    %div3A = arith.constant 1.000000e+00 : f32
    %div3A_11 = vector.broadcast %div3A : f32 to vector<256x1xf32>
    %div3A_12 = arith.divf %div3A_11, %max3A_10 : vector<256x1xf32>
    %get3A_13 = arith.constant 0 : index
    %get3A_14 = arith.constant 0 : index
    %get3A_15 = vector.load %arg6[%get3A_13, %get3A_14] : memref<256x200xf32, #tpu.memory_space<vmem>>, vector<256x200xf32>
    %get3A_16 = arith.constant 0 : index
    %get3A_17 = arith.constant 0 : index
    %get3A_18 = vector.load %arg8[%get3A_16, %get3A_17] : memref<200x256xf32, #tpu.memory_space<vmem>>, vector<200x256xf32>
    %dot_general3A_19 = arith.constant dense<0.000000e+00> : vector<256x256xf32>
    %dot_general3A_20 = tpu.matmul %get3A_15, %get3A_18, %dot_general3A_19 {dimension_numbers = #tpu.dot_dimension_numbers<[1], [0], [0], [1], [0, 0, 1, 1], [], []>, transpose_lhs_hint = false} : vector<256x200xf32>, vector<200x256xf32>, vector<256x256xf32> -> vector<256x256xf32>
    %get3A_21 = arith.constant 0 : index
    %get3A_22 = arith.constant 0 : index
    %get3A_23 = arith.constant 0 : index
    %get3A_24 = vector.load %arg0[%get3A_21, %get3A_22, %get3A_23] : memref<2x10016x128xf32, #tpu.memory_space<vmem>>, vector<1x10000x128xf32>
    %get3A_25 = vector.shape_cast %get3A_24 : vector<1x10000x128xf32> to vector<10000x128xf32>
    %mul3A = vector.broadcast %get3A_1 : vector<10000x1xf32> to vector<10000x128xf32>
    %mul3A_26 = arith.mulf %get3A_25, %mul3A : vector<10000x128xf32>
    %get3A_27 = arith.constant 0 : index
    %get3A_28 = arith.constant 0 : index
    %get3A_29 = arith.constant 0 : index
    %get3A_30 = vector.load %arg2[%get3A_27, %get3A_28, %get3A_29] : memref<2x1x128xf32, #tpu.memory_space<vmem>>, vector<1x1x128xf32>
    %get3A_31 = vector.shape_cast %get3A_30 : vector<1x1x128xf32> to vector<1x128xf32>
    %add3A = vector.broadcast %get3A_31 : vector<1x128xf32> to vector<10000x128xf32>
    %add3A_32 = arith.addf %mul3A_26, %add3A : vector<10000x128xf32>
    %max3A_33 = arith.constant 0.000000e+00 : f32
    %max3A_34 = vector.broadcast %max3A_33 : f32 to vector<10000x128xf32>
    %max3A_35 = arith.maximumf %add3A_32, %max3A_34 : vector<10000x128xf32>
    %reduce_sum3A = arith.constant dense<0.000000e+00> : vector<128xf32>
    %reduce_sum3A_36 = vector.multi_reduction <add>, %max3A_35, %reduce_sum3A [0] : vector<10000x128xf32> to vector<128xf32>
    %broadcast_in_dim3A_37 = vector.shape_cast %reduce_sum3A_36 : vector<128xf32> to vector<1x128xf32>
    %div3A_38 = arith.constant 1.000000e+04 : f32
    %div3A_39 = vector.broadcast %div3A_38 : f32 to vector<1x128xf32>
    %div3A_40 = arith.divf %broadcast_in_dim3A_37, %div3A_39 : vector<1x128xf32>
    %sub3A = vector.broadcast %div3A_40 : vector<1x128xf32> to vector<10000x128xf32>
    %sub3A_41 = arith.subf %max3A_35, %sub3A : vector<10000x128xf32>
    %integer_pow3A = arith.mulf %sub3A_41, %sub3A_41 : vector<10000x128xf32>
    %reduce_sum3A_42 = arith.constant dense<0.000000e+00> : vector<128xf32>
    %reduce_sum3A_43 = vector.multi_reduction <add>, %integer_pow3A, %reduce_sum3A_42 [0] : vector<10000x128xf32> to vector<128xf32>
    %broadcast_in_dim3A_44 = vector.shape_cast %reduce_sum3A_43 : vector<128xf32> to vector<1x128xf32>
    %div3A_45 = arith.constant 1.000000e+04 : f32
    %div3A_46 = vector.broadcast %div3A_45 : f32 to vector<1x128xf32>
    %div3A_47 = arith.divf %broadcast_in_dim3A_44, %div3A_46 : vector<1x128xf32>
    %dot_general3A_48 = arith.constant dense<0.000000e+00> : vector<256x128xf32>
    %dot_general3A_49 = tpu.matmul %convert_element_type3A_6, %max3A_35, %dot_general3A_48 {dimension_numbers = #tpu.dot_dimension_numbers<[1], [0], [0], [1], [0, 0, 1, 1], [], []>, transpose_lhs_hint = false} : vector<256x10000xf32>, vector<10000x128xf32>, vector<256x128xf32> -> vector<256x128xf32>
    %mul3A_50 = vector.broadcast %div3A_12 : vector<256x1xf32> to vector<256x128xf32>
    %mul3A_51 = arith.mulf %dot_general3A_49, %mul3A_50 : vector<256x128xf32>
    %sub3A_52 = vector.broadcast %div3A_40 : vector<1x128xf32> to vector<256x128xf32>
    %sub3A_53 = arith.subf %mul3A_51, %sub3A_52 : vector<256x128xf32>
    %add3A_54 = arith.constant 9.99999974E-6 : f32
    %add3A_55 = vector.broadcast %add3A_54 : f32 to vector<1x128xf32>
    %add3A_56 = arith.addf %div3A_47, %add3A_55 : vector<1x128xf32>
    %rsqrt3A = math.rsqrt %add3A_56 : vector<1x128xf32>
    %mul3A_57 = vector.broadcast %rsqrt3A : vector<1x128xf32> to vector<256x128xf32>
    %mul3A_58 = arith.mulf %sub3A_53, %mul3A_57 : vector<256x128xf32>
    %get3A_59 = arith.constant 0 : index
    %get3A_60 = arith.constant 0 : index
    %get3A_61 = arith.constant 0 : index
    %get3A_62 = vector.load %arg3[%get3A_59, %get3A_60, %get3A_61] : memref<2x1x128xf32, #tpu.memory_space<vmem>>, vector<1x1x128xf32>
    %get3A_63 = vector.shape_cast %get3A_62 : vector<1x1x128xf32> to vector<1x128xf32>
    %mul3A_64 = vector.broadcast %get3A_63 : vector<1x128xf32> to vector<256x128xf32>
    %mul3A_65 = arith.mulf %mul3A_58, %mul3A_64 : vector<256x128xf32>
    %get3A_66 = arith.constant 0 : index
    %get3A_67 = arith.constant 0 : index
    %get3A_68 = arith.constant 0 : index
    %get3A_69 = vector.load %arg4[%get3A_66, %get3A_67, %get3A_68] : memref<2x1x128xf32, #tpu.memory_space<vmem>>, vector<1x1x128xf32>
    %get3A_70 = vector.shape_cast %get3A_69 : vector<1x1x128xf32> to vector<1x128xf32>
    %add3A_71 = vector.broadcast %get3A_70 : vector<1x128xf32> to vector<256x128xf32>
    %add3A_72 = arith.addf %mul3A_65, %add3A_71 : vector<256x128xf32>
    %get3A_73 = arith.constant 0 : index
    %get3A_74 = arith.constant 0 : index
    %get3A_75 = arith.constant 0 : index
    %get3A_76 = vector.load %arg7[%get3A_73, %get3A_74, %get3A_75] : memref<2x128x256xf32, #tpu.memory_space<vmem>>, vector<1x128x256xf32>
    %get3A_77 = vector.shape_cast %get3A_76 : vector<1x128x256xf32> to vector<128x256xf32>
    %dot_general3A_78 = arith.constant dense<0.000000e+00> : vector<256x256xf32>
    %dot_general3A_79 = tpu.matmul %add3A_72, %get3A_77, %dot_general3A_78 {dimension_numbers = #tpu.dot_dimension_numbers<[1], [0], [0], [1], [0, 0, 1, 1], [], []>, transpose_lhs_hint = false} : vector<256x128xf32>, vector<128x256xf32>, vector<256x256xf32> -> vector<256x256xf32>
    %add3A_80 = arith.addf %dot_general3A_20, %dot_general3A_79 : vector<256x256xf32>
    %get3A_81 = arith.constant 1 : index
    %get3A_82 = arith.constant 0 : index
    %get3A_83 = arith.constant 0 : index
    %get3A_84 = vector.load %arg0[%get3A_81, %get3A_82, %get3A_83] : memref<2x10016x128xf32, #tpu.memory_space<vmem>>, vector<1x10000x128xf32>
    %get3A_85 = vector.shape_cast %get3A_84 : vector<1x10000x128xf32> to vector<10000x128xf32>
    %mul3A_86 = vector.broadcast %get3A_1 : vector<10000x1xf32> to vector<10000x128xf32>
    %mul3A_87 = arith.mulf %get3A_85, %mul3A_86 : vector<10000x128xf32>
    %get3A_88 = arith.constant 1 : index
    %get3A_89 = arith.constant 0 : index
    %get3A_90 = arith.constant 0 : index
    %get3A_91 = vector.load %arg2[%get3A_88, %get3A_89, %get3A_90] : memref<2x1x128xf32, #tpu.memory_space<vmem>>, vector<1x1x128xf32>
    %get3A_92 = vector.shape_cast %get3A_91 : vector<1x1x128xf32> to vector<1x128xf32>
    %add3A_93 = vector.broadcast %get3A_92 : vector<1x128xf32> to vector<10000x128xf32>
    %add3A_94 = arith.addf %mul3A_87, %add3A_93 : vector<10000x128xf32>
    %max3A_95 = arith.constant 0.000000e+00 : f32
    %max3A_96 = vector.broadcast %max3A_95 : f32 to vector<10000x128xf32>
    %max3A_97 = arith.maximumf %add3A_94, %max3A_96 : vector<10000x128xf32>
    %reduce_sum3A_98 = arith.constant dense<0.000000e+00> : vector<128xf32>
    %reduce_sum3A_99 = vector.multi_reduction <add>, %max3A_97, %reduce_sum3A_98 [0] : vector<10000x128xf32> to vector<128xf32>
    %broadcast_in_dim3A_100 = vector.shape_cast %reduce_sum3A_99 : vector<128xf32> to vector<1x128xf32>
    %div3A_101 = arith.constant 1.000000e+04 : f32
    %div3A_102 = vector.broadcast %div3A_101 : f32 to vector<1x128xf32>
    %div3A_103 = arith.divf %broadcast_in_dim3A_100, %div3A_102 : vector<1x128xf32>
    %sub3A_104 = vector.broadcast %div3A_103 : vector<1x128xf32> to vector<10000x128xf32>
    %sub3A_105 = arith.subf %max3A_97, %sub3A_104 : vector<10000x128xf32>
    %integer_pow3A_106 = arith.mulf %sub3A_105, %sub3A_105 : vector<10000x128xf32>
    %reduce_sum3A_107 = arith.constant dense<0.000000e+00> : vector<128xf32>
    %reduce_sum3A_108 = vector.multi_reduction <add>, %integer_pow3A_106, %reduce_sum3A_107 [0] : vector<10000x128xf32> to vector<128xf32>
    %broadcast_in_dim3A_109 = vector.shape_cast %reduce_sum3A_108 : vector<128xf32> to vector<1x128xf32>
    %div3A_110 = arith.constant 1.000000e+04 : f32
    %div3A_111 = vector.broadcast %div3A_110 : f32 to vector<1x128xf32>
    %div3A_112 = arith.divf %broadcast_in_dim3A_109, %div3A_111 : vector<1x128xf32>
    %dot_general3A_113 = arith.constant dense<0.000000e+00> : vector<256x128xf32>
    %dot_general3A_114 = tpu.matmul %convert_element_type3A_6, %max3A_97, %dot_general3A_113 {dimension_numbers = #tpu.dot_dimension_numbers<[1], [0], [0], [1], [0, 0, 1, 1], [], []>, transpose_lhs_hint = false} : vector<256x10000xf32>, vector<10000x128xf32>, vector<256x128xf32> -> vector<256x128xf32>
    %mul3A_115 = vector.broadcast %div3A_12 : vector<256x1xf32> to vector<256x128xf32>
    %mul3A_116 = arith.mulf %dot_general3A_114, %mul3A_115 : vector<256x128xf32>
    %sub3A_117 = vector.broadcast %div3A_103 : vector<1x128xf32> to vector<256x128xf32>
    %sub3A_118 = arith.subf %mul3A_116, %sub3A_117 : vector<256x128xf32>
    %add3A_119 = arith.constant 9.99999974E-6 : f32
    %add3A_120 = vector.broadcast %add3A_119 : f32 to vector<1x128xf32>
    %add3A_121 = arith.addf %div3A_112, %add3A_120 : vector<1x128xf32>
    %rsqrt3A_122 = math.rsqrt %add3A_121 : vector<1x128xf32>
    %mul3A_123 = vector.broadcast %rsqrt3A_122 : vector<1x128xf32> to vector<256x128xf32>
    %mul3A_124 = arith.mulf %sub3A_118, %mul3A_123 : vector<256x128xf32>
    %get3A_125 = arith.constant 1 : index
    %get3A_126 = arith.constant 0 : index
    %get3A_127 = arith.constant 0 : index
    %get3A_128 = vector.load %arg3[%get3A_125, %get3A_126, %get3A_127] : memref<2x1x128xf32, #tpu.memory_space<vmem>>, vector<1x1x128xf32>
    %get3A_129 = vector.shape_cast %get3A_128 : vector<1x1x128xf32> to vector<1x128xf32>
    %mul3A_130 = vector.broadcast %get3A_129 : vector<1x128xf32> to vector<256x128xf32>
    %mul3A_131 = arith.mulf %mul3A_124, %mul3A_130 : vector<256x128xf32>
    %get3A_132 = arith.constant 1 : index
    %get3A_133 = arith.constant 0 : index
    %get3A_134 = arith.constant 0 : index
    %get3A_135 = vector.load %arg4[%get3A_132, %get3A_133, %get3A_134] : memref<2x1x128xf32, #tpu.memory_space<vmem>>, vector<1x1x128xf32>
    %get3A_136 = vector.shape_cast %get3A_135 : vector<1x1x128xf32> to vector<1x128xf32>
    %add3A_137 = vector.broadcast %get3A_136 : vector<1x128xf32> to vector<256x128xf32>
    %add3A_138 = arith.addf %mul3A_131, %add3A_137 : vector<256x128xf32>
    %get3A_139 = arith.constant 1 : index
    %get3A_140 = arith.constant 0 : index
    %get3A_141 = arith.constant 0 : index
    %get3A_142 = vector.load %arg7[%get3A_139, %get3A_140, %get3A_141] : memref<2x128x256xf32, #tpu.memory_space<vmem>>, vector<1x128x256xf32>
    %get3A_143 = vector.shape_cast %get3A_142 : vector<1x128x256xf32> to vector<128x256xf32>
    %dot_general3A_144 = arith.constant dense<0.000000e+00> : vector<256x256xf32>
    %dot_general3A_145 = tpu.matmul %add3A_138, %get3A_143, %dot_general3A_144 {dimension_numbers = #tpu.dot_dimension_numbers<[1], [0], [0], [1], [0, 0, 1, 1], [], []>, transpose_lhs_hint = false} : vector<256x128xf32>, vector<128x256xf32>, vector<256x256xf32> -> vector<256x256xf32>
    %add3A_146 = arith.addf %add3A_80, %dot_general3A_145 : vector<256x256xf32>
    %get3A_147 = arith.constant 0 : index
    %get3A_148 = arith.constant 0 : index
    %get3A_149 = vector.load %arg9[%get3A_147, %get3A_148] : memref<1x256xf32, #tpu.memory_space<vmem>>, vector<1x256xf32>
    %add3A_150 = vector.broadcast %get3A_149 : vector<1x256xf32> to vector<256x256xf32>
    %add3A_151 = arith.addf %add3A_146, %add3A_150 : vector<256x256xf32>
    %max3A_152 = arith.constant 0.000000e+00 : f32
    %max3A_153 = vector.broadcast %max3A_152 : f32 to vector<256x256xf32>
    %max3A_154 = arith.maximumf %add3A_151, %max3A_153 : vector<256x256xf32>
    %reduce_sum3A_155 = arith.constant dense<0.000000e+00> : vector<256xf32>
    %reduce_sum3A_156 = vector.multi_reduction <add>, %max3A_154, %reduce_sum3A_155 [0] : vector<256x256xf32> to vector<256xf32>
    %broadcast_in_dim3A_157 = vector.shape_cast %reduce_sum3A_156 : vector<256xf32> to vector<1x256xf32>
    %div3A_158 = arith.constant 2.560000e+02 : f32
    %div3A_159 = vector.broadcast %div3A_158 : f32 to vector<1x256xf32>
    %div3A_160 = arith.divf %broadcast_in_dim3A_157, %div3A_159 : vector<1x256xf32>
    %sub3A_161 = vector.broadcast %div3A_160 : vector<1x256xf32> to vector<256x256xf32>
    %sub3A_162 = arith.subf %max3A_154, %sub3A_161 : vector<256x256xf32>
    %integer_pow3A_163 = arith.mulf %sub3A_162, %sub3A_162 : vector<256x256xf32>
    %reduce_sum3A_164 = arith.constant dense<0.000000e+00> : vector<256xf32>
    %reduce_sum3A_165 = vector.multi_reduction <add>, %integer_pow3A_163, %reduce_sum3A_164 [0] : vector<256x256xf32> to vector<256xf32>
    %broadcast_in_dim3A_166 = vector.shape_cast %reduce_sum3A_165 : vector<256xf32> to vector<1x256xf32>
    %div3A_167 = arith.constant 2.560000e+02 : f32
    %div3A_168 = vector.broadcast %div3A_167 : f32 to vector<1x256xf32>
    %div3A_169 = arith.divf %broadcast_in_dim3A_166, %div3A_168 : vector<1x256xf32>
    %sub3A_170 = vector.broadcast %div3A_160 : vector<1x256xf32> to vector<256x256xf32>
    %sub3A_171 = arith.subf %max3A_154, %sub3A_170 : vector<256x256xf32>
    %add3A_172 = arith.constant 9.99999974E-6 : f32
    %add3A_173 = vector.broadcast %add3A_172 : f32 to vector<1x256xf32>
    %add3A_174 = arith.addf %div3A_169, %add3A_173 : vector<1x256xf32>
    %rsqrt3A_175 = math.rsqrt %add3A_174 : vector<1x256xf32>
    %mul3A_176 = vector.broadcast %rsqrt3A_175 : vector<1x256xf32> to vector<256x256xf32>
    %mul3A_177 = arith.mulf %sub3A_171, %mul3A_176 : vector<256x256xf32>
    %get3A_178 = arith.constant 0 : index
    %get3A_179 = arith.constant 0 : index
    %get3A_180 = vector.load %arg10[%get3A_178, %get3A_179] : memref<1x256xf32, #tpu.memory_space<vmem>>, vector<1x256xf32>
    %mul3A_181 = vector.broadcast %get3A_180 : vector<1x256xf32> to vector<256x256xf32>
    %mul3A_182 = arith.mulf %mul3A_177, %mul3A_181 : vector<256x256xf32>
    %get3A_183 = arith.constant 0 : index
    %get3A_184 = arith.constant 0 : index
    %get3A_185 = vector.load %arg11[%get3A_183, %get3A_184] : memref<1x256xf32, #tpu.memory_space<vmem>>, vector<1x256xf32>
    %add3A_186 = vector.broadcast %get3A_185 : vector<1x256xf32> to vector<256x256xf32>
    %add3A_187 = arith.addf %mul3A_182, %add3A_186 : vector<256x256xf32>
    %get3A_188 = arith.constant 0 : index
    %get3A_189 = arith.constant 0 : index
    %get3A_190 = vector.load %arg12[%get3A_188, %get3A_189] : memref<256x128xf32, #tpu.memory_space<vmem>>, vector<256x128xf32>
    %dot_general3A_191 = arith.constant dense<0.000000e+00> : vector<256x128xf32>
    %dot_general3A_192 = tpu.matmul %add3A_187, %get3A_190, %dot_general3A_191 {dimension_numbers = #tpu.dot_dimension_numbers<[1], [0], [0], [1], [0, 0, 1, 1], [], []>, transpose_lhs_hint = false} : vector<256x256xf32>, vector<256x128xf32>, vector<256x128xf32> -> vector<256x128xf32>
    %get3A_193 = arith.constant 0 : index
    %get3A_194 = arith.constant 0 : index
    %get3A_195 = vector.load %arg13[%get3A_193, %get3A_194] : memref<1x128xf32, #tpu.memory_space<vmem>>, vector<1x128xf32>
    %add3A_196 = vector.broadcast %get3A_195 : vector<1x128xf32> to vector<256x128xf32>
    %add3A_197 = arith.addf %dot_general3A_192, %add3A_196 : vector<256x128xf32>
    %max3A_198 = arith.constant 0.000000e+00 : f32
    %max3A_199 = vector.broadcast %max3A_198 : f32 to vector<256x128xf32>
    %max3A_200 = arith.maximumf %add3A_197, %max3A_199 : vector<256x128xf32>
    %reduce_sum3A_201 = arith.constant dense<0.000000e+00> : vector<128xf32>
    %reduce_sum3A_202 = vector.multi_reduction <add>, %max3A_200, %reduce_sum3A_201 [0] : vector<256x128xf32> to vector<128xf32>
    %broadcast_in_dim3A_203 = vector.shape_cast %reduce_sum3A_202 : vector<128xf32> to vector<1x128xf32>
    %div3A_204 = arith.constant 2.560000e+02 : f32
    %div3A_205 = vector.broadcast %div3A_204 : f32 to vector<1x128xf32>
    %div3A_206 = arith.divf %broadcast_in_dim3A_203, %div3A_205 : vector<1x128xf32>
    %sub3A_207 = vector.broadcast %div3A_206 : vector<1x128xf32> to vector<256x128xf32>
    %sub3A_208 = arith.subf %max3A_200, %sub3A_207 : vector<256x128xf32>
    %integer_pow3A_209 = arith.mulf %sub3A_208, %sub3A_208 : vector<256x128xf32>
    %reduce_sum3A_210 = arith.constant dense<0.000000e+00> : vector<128xf32>
    %reduce_sum3A_211 = vector.multi_reduction <add>, %integer_pow3A_209, %reduce_sum3A_210 [0] : vector<256x128xf32> to vector<128xf32>
    %broadcast_in_dim3A_212 = vector.shape_cast %reduce_sum3A_211 : vector<128xf32> to vector<1x128xf32>
    %div3A_213 = arith.constant 2.560000e+02 : f32
    %div3A_214 = vector.broadcast %div3A_213 : f32 to vector<1x128xf32>
    %div3A_215 = arith.divf %broadcast_in_dim3A_212, %div3A_214 : vector<1x128xf32>
    %sub3A_216 = vector.broadcast %div3A_206 : vector<1x128xf32> to vector<256x128xf32>
    %sub3A_217 = arith.subf %max3A_200, %sub3A_216 : vector<256x128xf32>
    %add3A_218 = arith.constant 9.99999974E-6 : f32
    %add3A_219 = vector.broadcast %add3A_218 : f32 to vector<1x128xf32>
    %add3A_220 = arith.addf %div3A_215, %add3A_219 : vector<1x128xf32>
    %rsqrt3A_221 = math.rsqrt %add3A_220 : vector<1x128xf32>
    %mul3A_222 = vector.broadcast %rsqrt3A_221 : vector<1x128xf32> to vector<256x128xf32>
    %mul3A_223 = arith.mulf %sub3A_217, %mul3A_222 : vector<256x128xf32>
    %get3A_224 = arith.constant 0 : index
    %get3A_225 = arith.constant 0 : index
    %get3A_226 = vector.load %arg14[%get3A_224, %get3A_225] : memref<1x128xf32, #tpu.memory_space<vmem>>, vector<1x128xf32>
    %mul3A_227 = vector.broadcast %get3A_226 : vector<1x128xf32> to vector<256x128xf32>
    %mul3A_228 = arith.mulf %mul3A_223, %mul3A_227 : vector<256x128xf32>
    %get3A_229 = arith.constant 0 : index
    %get3A_230 = arith.constant 0 : index
    %get3A_231 = vector.load %arg15[%get3A_229, %get3A_230] : memref<1x128xf32, #tpu.memory_space<vmem>>, vector<1x128xf32>
    %add3A_232 = vector.broadcast %get3A_231 : vector<1x128xf32> to vector<256x128xf32>
    %add3A_233 = arith.addf %mul3A_228, %add3A_232 : vector<256x128xf32>
    %get3A_234 = arith.constant 0 : index
    %get3A_235 = arith.constant 0 : index
    %get3A_236 = vector.load %arg16[%get3A_234, %get3A_235] : memref<128x1xf32, #tpu.memory_space<vmem>>, vector<128x1xf32>
    %dot_general3A_237 = arith.constant dense<0.000000e+00> : vector<256x1xf32>
    %dot_general3A_238 = tpu.matmul %add3A_233, %get3A_236, %dot_general3A_237 {dimension_numbers = #tpu.dot_dimension_numbers<[1], [0], [0], [1], [0, 0, 1, 1], [], []>, transpose_lhs_hint = false} : vector<256x128xf32>, vector<128x1xf32>, vector<256x1xf32> -> vector<256x1xf32>
    %get3A_239 = arith.constant 0 : index
    %get3A_240 = arith.constant 0 : index
    %get3A_241 = vector.load %arg17[%get3A_239, %get3A_240] : memref<1x1xf32, #tpu.memory_space<vmem>>, vector<1x1xf32>
    %add3A_242 = vector.broadcast %get3A_241 : vector<1x1xf32> to vector<256x1xf32>
    %add3A_243 = arith.addf %dot_general3A_238, %add3A_242 : vector<256x1xf32>
    %swap3A = arith.constant 0 : index
    %swap3A_244 = arith.constant 0 : index
    %swap3A_245 = vector.load %arg18[%swap3A, %swap3A_244] : memref<256x1xf32, #tpu.memory_space<vmem>>, vector<256x1xf32>
    tpu.vector_store %arg18[%swap3A, %swap3A_244], %add3A_243 {strides = array<i32>} : memref<256x1xf32, #tpu.memory_space<vmem>>, vector<256x1xf32>,
    return
  }
}

</mosaic_0001>

<sc_bundles>
// kernel: kernel.11.cloned.1.call-start
scs
__scs_entry_jumppad:
0x0: {  	(pc) =	sbr.rel $0x88, $3  }
0x1: {  	(tag) =	ssettag $0x0;
	lr =	simm.s32 $0x1  }
0x2: {  	[smem:$0x3F8B] =	sst lr;
	_ =	strace $0xD0000000  }
0x3: {  	_ = 	snop  }
0x4: {  	_ = 	snop  }
0x5: {  	_ = 	snop  }
0x6: {  	_ = 	snop  }
0x7: {  	_ = 	snop  }
__scs_overlays_trampoline_lowered:
0x8: {  	[smem:$0x3F9A] =	sst s0  }
0x9: {  	[smem:$0x3F9B] =	sst s1  }
0xa: {  	[smem:$0x3F9C] =	sst s2  }
0xb: {  	[smem:$0x3F9D] =	sst s3  }
0xc: {  	[smem:$0x3F9E] =	sst s4  }
0xd: {  	[smem:$0x3F9F] =	sst s5  }
0xe: {  	[smem:$0x3FA0] =	sst s6  }
0xf: {  	[smem:$0x3FA1] =	sst s7  }
0x10: {  	[smem:$0x3FA2] =	sst s8  }
0x11: {  	[smem:$0x3FA3] =	sst s9;
	s0 =	simm.s32 @!p0 $0x0  }
0x12: {  	s1 =	sld [smem:$0x3F89];
	s0 =	simm.s32 @p0 $0x1  }
0x13: {  	[smem:$0x3FA4] =	sst s0;
	s0 =	simm.s32 @!p1 $0x0  }
0x14: {  	s2 =	sld [smem:$0x3F88];
	s0 =	simm.s32 @p1 $0x1  }
0x15: {  	[smem:$0x3FA5] =	sst s0;
	s0 =	simm.s32 @!p2 $0x0  }
0x16: {  	s3 =	sld [smem:$0x3FDB];
	s0 =	simm.s32 @p2 $0x1  }
0x17: {  	s4 =	simm.s32 $0x1BF5;
	[smem:$0x3FA7] =	sst s0  }
0x18: {  	s0 =	sld [smem:$0x3F8A];
	_ =	swait.ge [sflag:s4], $0x0  }
0x19: {  	s7 =	sld [smem:$0x3F8B]  }
0x1a: {  	s8 =	sadd.s32 $0xFFFFE003, lr  }
0x1b: {  	s9 =	sadd.s32 $0xFFFFFEF7, lr;
	s5 =	simm.s32 $0xFFFFFFFF;
	p2 =	slt.u32 s8, $0xFFFFF086  }
0x1c: {  	p1 =	slt.u32 s9, $0xF7A;
	s5 =	simm.s32 @!p2 $0x0  }
0x1d: {  	s5 =	simm.s32 @p1 $0x1;
	p0 =	seq.s32 s7, s2  }
0x1e: {  	s7 =	smul.u32 @!p0 $0xF7A, s2;
	p2 =	seq.s32 @!p0 s5, $0x0  }
0x1f: {  	s9 =	smul.u32 $0xF7A, s1;
	s8 =	simm.s32 @!p0 $0x1BF5;
	p2 =	por !p2, p0  }
0x20: {  	[sflag:s8] =	ssyncset.s32 @!p0 $0xFFFFF086;
	s6 =	sadd.s32 @!p0 s3, s7;
	s7 =	simm.s32 @!p0 $0x108  }
0x21: {  	s3 =	sadd.s32 s3, s9;
	s6 =	sadd.s32 @!p0 $0x88, s6;
	s7 =	simm.s32 @p2 $0x1082  }
0x22: {  	[simem:s7], [sflag:s8] =	dma.local @!p0 [hbm:s6], $0xF7A  }
0x23: {  	s9 =	sor.u32 $0xD0000000, s2;
	s6 =	simm.s32 $0x108;
	_ =	swait.ge @!p0 [sflag:s8], $0x0  }
0x24: {  	s3 =	sadd.s32 $0x88, s3;
	s6 =	simm.s32 @!p1 $0x1082;
	[sflag:s4] =	ssyncset.s32 $0xFFFFF086  }
0x25: {  	[simem:s6], [sflag:s4] =	dma.local [hbm:s3], $0xF7A  }
0x26: {  	[smem:$0x3F8B] =	sst s1;
	(tag) =	ssettag s2;
	_ =	strace s9  }
0x27: {  	s1 =	sld [smem:$0x3F9B]  }
0x28: {  	s2 =	sld [smem:$0x3F9C]  }
0x29: {  	s4 =	sld [smem:$0x3F9E]  }
0x2a: {  	p0 =	seq.s32 s5, $0x0;
	s5 =	sld [smem:$0x3F9F]  }
0x2b: {  	s6 =	sld [smem:$0x3FA0]  }
0x2c: {  	s7 =	sld [smem:$0x3FA1]  }
0x2d: {  	s3 =	simm.s32 $0x108;
	s8 =	sld [smem:$0x3FA2]  }
0x2e: {  	s3 =	simm.s32 @!p0 $0x1082;
	s9 =	sld [smem:$0x3FA3]  }
0x2f: {  	lr =	sadd.s32 s0, s3;
	s0 =	sld [smem:$0x3F9A]  }
0x30: {  	s3 =	sld [smem:$0x3F9D]  }
0x31: {  	[smem:$0x3FA6] =	sst s10  }
0x32: {  	s10 =	sld [smem:$0x3FA4];
	_ =	sdelay $0x3  }
0x33: {  	p0 =	seq.s32 s10, $0x1;
	s10 =	sld [smem:$0x3FA6];
	_ =	sdelay $0x3  }
0x34: {  	[smem:$0x3FA6] =	sst s10  }
0x35: {  	s10 =	sld [smem:$0x3FA5];
	_ =	sdelay $0x3  }
0x36: {  	p1 =	seq.s32 s10, $0x1;
	s10 =	sld [smem:$0x3FA6];
	_ =	sdelay $0x3  }
0x37: {  	[smem:$0x3FA6] =	sst s10  }
0x38: {  	s10 =	sld [smem:$0x3FA7]  }
0x39: {  	_ = 	snop;
	(pc) =	sbr.ind lr, $3  }
0x3a: {  	_ = 	snop  }
0x3b: {  	_ = 	snop  }
0x3c: {  	p2 =	seq.s32 s10, $0x1;
	s10 =	sld [smem:$0x3FA6]  }
0x3d: {  	_ =	shalt  }
0x3e: {  	_ =	shalt  }
0x3f: {  	_ =	shalt  }
0x40: {  	_ =	shalt  }
0x41: {  	_ =	shalt  }
0x42: {  	_ =	shalt  }
0x43: {  	_ =	shalt  }
0x44: {  	_ =	shalt  }
0x45: {  	_ =	shalt  }
0x46: {  	_ =	shalt  }
0x47: {  	_ =	shalt  }
0x48: {  	_ =	shalt  }
0x49: {  	_ =	shalt  }
0x4a: {  	_ =	shalt  }
0x4b: {  	_ =	shalt  }
0x4c: {  	_ =	shalt  }
0x4d: {  	_ =	shalt  }
0x4e: {  	_ =	shalt  }
0x4f: {  	_ =	shalt  }
0x50: {  	_ =	shalt  }
0x51: {  	_ =	shalt  }
0x52: {  	_ =	shalt  }
0x53: {  	_ =	shalt  }
0x54: {  	_ =	shalt  }
0x55: {  	_ =	shalt  }
0x56: {  	_ =	shalt  }
0x57: {  	_ =	shalt  }
0x58: {  	_ =	shalt  }
0x59: {  	_ =	shalt  }
0x5a: {  	_ =	shalt  }
0x5b: {  	_ =	shalt  }
0x5c: {  	_ =	shalt  }
0x5d: {  	_ =	shalt  }
0x5e: {  	_ =	shalt  }
0x5f: {  	_ =	shalt  }
0x60: {  	_ =	shalt  }
0x61: {  	_ =	shalt  }
0x62: {  	_ =	shalt  }
0x63: {  	_ =	shalt  }
0x64: {  	_ =	shalt  }
0x65: {  	_ =	shalt  }
0x66: {  	_ =	shalt  }
0x67: {  	_ =	shalt  }
0x68: {  	_ =	shalt  }
0x69: {  	_ =	shalt  }
0x6a: {  	_ =	shalt  }
0x6b: {  	_ =	shalt  }
0x6c: {  	_ =	shalt  }
0x6d: {  	_ =	shalt  }
0x6e: {  	_ =	shalt  }
0x6f: {  	_ =	shalt  }
0x70: {  	_ =	shalt  }
0x71: {  	_ =	shalt  }
0x72: {  	_ =	shalt  }
0x73: {  	_ =	shalt  }
0x74: {  	_ =	shalt  }
0x75: {  	_ =	shalt  }
0x76: {  	_ =	shalt  }
0x77: {  	_ =	shalt  }
0x78: {  	_ =	shalt  }
0x79: {  	_ =	shalt  }
0x7a: {  	_ =	shalt  }
0x7b: {  	_ =	shalt  }
0x7c: {  	_ =	shalt  }
0x7d: {  	_ =	shalt  }
0x7e: {  	_ =	shalt  }
0x7f: {  	_ =	shalt  }
0x80: {  	_ =	shalt  }
0x81: {  	_ =	shalt  }
0x82: {  	_ =	shalt  }
0x83: {  	_ =	shalt  }
0x84: {  	_ =	shalt  }
0x85: {  	_ =	shalt  }
0x86: {  	_ =	shalt  }
0x87: {  	_ =	shalt  }
.Lfunc_end0:
.L_simem_size_0:
called_computation.1_lowered:
.L_overlay_start_0:
0x88: {  	s2 =	sld [smem:$0x3FD9]  }
0x89: {  	s3 =	sld [smem:$0x3FFE];
	_ =	sdelay $0x1  }
0x8a: {  	s1 =	srdreg.scid  }
0x8b: {  	s0 =	sand.u32 $0x1, s1  }
0x8c: {  	s16 =	sshll.u32 s0, $0xA;
	s2 =	sadd.s32 s3, s2  }
0x8d: {  	s2 =	sadd.s32 s2, s16  }
0x8e: {  	[smem:$0x3FB2] =	sst s2  }
0x8f: {  	_ = 	snop  }
0x90: {  	(tm) =	ssettm $0x1  }
0x91: {  	s17 =	sld [smem:$0x3FFB];
	_ =	sdelay $0x3  }
0x92: {  	_ =	strace s17  }
0x93: {  	s2 =	sld [smem:$0x3FFC];
	_ =	sdelay $0x3  }
0x94: {  	_ =	strace s2  }
0x95: {  	s2 =	sld [smem:$0x3FFD];
	_ =	sdelay $0x3  }
0x96: {  	_ =	strace s2  }
0x97: {  	_ =	strace $0x8FFFFFFF  }
0x98: {  	s18 =	sld [smem:$0x3FDB];
	_ =	sdelay $0x1  }
0x99: {  	s19 =	simm.s32 $_scs_section_size  }
0x9a: {  	s4 =	simm.s32 $_size__tile_overlayer_lowered;
	s5 =	simm.s32 $_tile_overlayer_lowered  }
0x9b: {  	s22 =	simm.s32 $0x1BFF;
	s21 =	sshll.u32 s5, $0x1;
	s2 =	sadd.s32 s19, s18  }
0x9c: {  	s6 =	simm.s32 $0x0;
	s20 =	sshll.u32 s4, $0x1;
	s4 =	sadd.s32 s21, s2  }
0x9d: {  	[timem:s6], [sflag:s22] =	dma.local [hbm:s4], s20  }
0x9e: {  	_ =	swait.ge [sflag:s22], s20  }
0x9f: {  	s3 =	ssub.s32 $0x0, s20;
	[sflag:s22] =	ssyncset.done $0x0  }
0xa0: {  	[sflag:s22] =	ssyncadd.s32 s3;
	_ =	sdelay $0x1  }
0xa1: {  	s23 =	simm.s32 $0x1B8B  }
0xa2: {  	_ =	swait.ge [sflag:s23], $0x1  }
0xa3: {  	[sflag:s23] =	ssyncset.done $0x0  }
0xa4: {  	s25 =	simm.s32 $0x1B8E;
	s24 =	sld [smem:$0x3FFE];
	[sflag:s23] =	ssyncadd.s32 $0xFFFFFFFF  }
0xa5: {  	s26 =	simm.s32 $execute0_lowered;
	[smem:$0x3FD2] =	sst s25  }
0xa6: {  	s4 =	sshll.u32 s26, $0x1;
	_ =	strace $0x80000049;
	[dreg:$0x1] =	wrdreg $0xFFFFFFFF  }
0xa7: {  	s28 =	simm.s32 $_size_execute0_lowered;
	s2 =	sadd.s32 s2, s4;
	[dreg:$0x0] =	wrdreg $0x0  }
0xa8: {  	s4 =	sshll.u32 s28, $0x1;
	[dreg:$0x2] =	wrdreg s2  }
0xa9: {  	[dreg:$0x3] =	wrdreg s4  }
0xaa: {  	[dreg:$0x4] =	wrdreg $0xC0  }
0xab: {  	_ =	task [dreg:s6], $0x5FFFF  }
0xac: {  	[dreg:$0x1] =	wrdreg $0xFFFFFFFF  }
0xad: {  	[dreg:$0x0] =	wrdreg $0x60  }
0xae: {  	[dreg:$0x2] =	wrdreg s24  }
0xaf: {  	[dreg:$0x3] =	wrdreg $0xFE000  }
0xb0: {  	[dreg:$0x4] =	wrdreg $0x9  }
0xb1: {  	_ =	task.clear_ibuf [dreg:s6], $0x5FFFF;
	_ =	strace $0x90000049  }
0xb2: {  	s29 =	simm.s32 $0x9;
	_ =	strace $0x8000004B  }
0xb3: {  	_ =	swait.ge [sflag:s29], $0x1  }
0xb4: {  	[sflag:s29] =	ssyncadd.s32 $0xFFFFFFFF  }
0xb5: {  	_ =	strace $0x9000004B  }
0xb6: {  	_ =	sfence  }
0xb7: {  	s30 =	sld [smem:$0x0];
	_ =	sdelay $0x2  }
0xb8: {  	s31 =	sshll.u32 s1, $0xD;
	s1 =	sshrl.u32 s1, $0x2  }
0xb9: {  	s3 =	sand.u32 $0x4000, s31;
	s1 =	sadd.s32 s1, s30  }
0xba: {  	s0 =	sor.u32 s3, s0;
	s1 =	sshll.u32 s1, $0x11  }
0xbb: {  	s0 =	sor.u32 s1, s0  }
0xbc: {  	s0 =	sadd.s32 $0x8F2B, s0  }
0xbd: {  	[sflag:s0] =	ssyncadd.remote.s32 $0x1  }
0xbe: {  	_ =	sfence.sel $0xFFFF  }
0xbf: {  	[dreg:$0x0] =	wrdreg $0xFFFFFFFF;
	(pc) =	sbr.abs _section_cstart, $3  }
0xc0: {  	[dreg:$0x1] =	wrdreg $0xFFFFFFFF  }
0xc1: {  	_ =	task.clear_ibuf [dreg:s6], $0x2FFFF;
	_ =	strace $0x9FFFFFFF  }
0xc2: {  	(tm) =	ssettm $0x7FFFFFFF  }
0xc3: {  	_ =	shalt  }
tec
execute0_lowered:
.L_overlay_start_1:
0x0: {  	(tag) =	ssettag $0x1  }
0x1: {  	s0 =	rddreg [dreg:$0x0]  }
0x2: {  	s1 =	srdreg.scid;
	s17 =	stileid.u32  }
0x3: {  	s2 =	rddreg [dreg:$0x1];
	s5 =	smul.u32 $0x4F00, s17  }
0x4: {  	s3 =	simm.s32 $0x0;
	s28 =	simm.s32 $0x9E00;
	s15 =	smul.u32 $0x272, s17  }
0x5: {  	s29 =	simm.s32 $0xBE00;
	s30 =	simm.s32 $0x1;
	s9 =	smul.u32 $0x27200, s17  }
0x6: {  	s1 =	sand.u32 $0x1, s1;
	[smem:$0x7FF] =	sst s3;
	s17 =	smul.u32 $0x13900, s17  }
0x7: {  	s31 =	simm.s32 $0x2;
	s4 =	smul.u32 $0x4F000, s1;
	_ =	strace $0x8000004A  }
0x8: {  	s6 =	smul.u32 $0x2720, s1;
	s7 =	ssub.s32 $0x2, s1;
	s1 =	sshll.u32 s1, $0x6  }
0x9: {  	s8 =	sshrl.u32 s7, $0x1;
	s12 =	sshrl.u32 s9, $0x2;
	s16 =	sadd.s32 $0x80, s15  }
0xa: {  	s19 =	sadd.s32 $0x100, s15;
	s20 =	sadd.s32 $0x180, s15;
	s21 =	sadd.s32 $0x200, s15  }
0xb: {  	s17 =	sor.u32 s1, s17;
	s5 =	sadd.s32 s5, s4;
	s4 =	sadd.s32 $0x46200, s0  }
0xc: {  	s6 =	sadd.s32 s15, s6;
	s22 =	ssub.s32 s7, s8;
	s7 =	sadd.s32 s12, s2  }
0xd: {  	s14 =	sshll.u32 s16, $0x6;
	s15 =	sshll.u32 s21, $0x6;
	s16 =	sshll.u32 s16, $0x7  }
0xe: {  	s17 =	sshrl.u32 s17, $0x3;
	s23 =	sshll.u32 s20, $0x7;
	s24 =	sshll.u32 s21, $0x7  }
0xf: {  	s5 =	sshrl.u32 s5, $0x3;
	s6 =	sshll.u32 s6, $0x3;
	s9 =	sadd.s32 s14, s2  }
0x10: {  	s15 =	sadd.s32 s15, s2;
	s18 =	sor.u32 s1, s16;
	s25 =	sor.u32 s1, s23  }
0x11: {  	s22 =	smax.u32 s22, $0x1;
	s23 =	simm.s32 $0x40;
	s5 =	sadd.s32 s5, s0  }
0x12: {  	s0 =	sadd.s32 $0x6D400, s0;
	s6 =	sadd.s32 s4, s6;
	s18 =	sshrl.u32 s18, $0x3  }
0x13: {  	s26 =	sshrl.u32 s25, $0x3;
	s25 =	simm.s32 $0xDE00;
	s11 =	sadd.s32 $0x14A00, s5  }
0x14: {  	s13 =	sadd.s32 $0x400, s6;
	s10 =	sadd.s32 $0x800, s6;
	s12 =	sadd.s32 $0xC00, s6  }
0x15: {  	s14 =	sadd.s32 $0x1000, s6;
	s16 =	sadd.s32 $0x32600, s5;
	[dreg:$0x3] =	wrdreg s11  }
0x16: {  	s17 =	sadd.s32 s0, s17;
	s18 =	sadd.s32 s0, s18;
	[dreg:$0x4] =	wrdreg s13  }
0x17: {  	s11 =	sshll.u32 s19, $0x6;
	s13 =	sshll.u32 s20, $0x6;
	s19 =	sshll.u32 s19, $0x7  }
0x18: {  	s20 =	sadd.s32 s0, s26;
	s26 =	simm.s32 $0x80;
	s11 =	sadd.s32 s11, s2  }
0x19: {  	s13 =	sadd.s32 s13, s2;
	s5 =	sor.u32 s1, s19;
	s1 =	sor.u32 s1, s24  }
0x1a: {  	s24 =	simm.s32 $0x3;
	s5 =	sshrl.u32 s5, $0x3;
	s1 =	sshrl.u32 s1, $0x3  }
0x1b: {  	s19 =	sadd.s32 s0, s5;
	s21 =	sadd.s32 s0, s1;
	s0 =	simm.s32 $0x0  }
.LBB2_1:
0x1c: {  	s1 =	rddreg [dreg:$0x3];
	s5 =	simm.s32 $0x4F00  }
0x1d: {  	[tilespmem:s5], [sflag:$0x3] =	stream.linear.gather [hbm4b:s1+s3], $0x4F00, $0x38;
	[tilespmem:$0x19A80] =	vst v63  }
0x1e: {  	_ =	swait.ge [sflag:s24], $0x4F00  }
0x1f: {  	[sflag:s24] =	ssyncset.done $0x0  }
0x20: {  	[sflag:s24] =	ssyncadd.s32 $0xFFFFB100  }
0x21: {  	[tilespmem:s25], [sflag:$0x3] =	stream.linear.gather [hbm4b:s6+s3], $0x2000, $0x38;
	[tilespmem:$0x19A80] =	vst v63  }
0x22: {  	_ =	swait.ge [sflag:s24], $0x2000  }
0x23: {  	[sflag:s24] =	ssyncset.done $0x0  }
0x24: {  	[sflag:s24] =	ssyncadd.s32 $0xFFFFE000  }
0x25: {  	[spmem:s7] =	stream.linear.scatter [tilespmem:s25], [sflag:$0x3], $0x2000, $0x38;
	[tilespmem:$0x19A80] =	vst v63  }
0x26: {  	_ =	swait.ge [sflag:s24], $0x2000  }
0x27: {  	[sflag:s24] =	ssyncset.done $0x0  }
0x28: {  	s5 =	rddreg [dreg:$0x4];
	[sflag:s24] =	ssyncadd.s32 $0xFFFFE000  }
0x29: {  	[tilespmem:s25], [sflag:$0x3] =	stream.linear.gather [hbm4b:s5+s3], $0x2000, $0x38;
	[tilespmem:$0x19A80] =	vst v63  }
0x2a: {  	_ =	swait.ge [sflag:s24], $0x2000  }
0x2b: {  	[sflag:s24] =	ssyncset.done $0x0  }
0x2c: {  	[sflag:s24] =	ssyncadd.s32 $0xFFFFE000  }
0x2d: {  	[spmem:s9] =	stream.linear.scatter [tilespmem:s25], [sflag:$0x3], $0x2000, $0x38;
	[tilespmem:$0x19A80] =	vst v63  }
0x2e: {  	_ =	swait.ge [sflag:s24], $0x2000  }
0x2f: {  	[sflag:s24] =	ssyncset.done $0x0  }
0x30: {  	[sflag:s24] =	ssyncadd.s32 $0xFFFFE000  }
0x31: {  	[tilespmem:s25], [sflag:$0x3] =	stream.linear.gather [hbm4b:s10+s3], $0x2000, $0x38;
	[tilespmem:$0x19A80] =	vst v63  }
0x32: {  	_ =	swait.ge [sflag:s24], $0x2000  }
0x33: {  	[sflag:s24] =	ssyncset.done $0x0  }
0x34: {  	[sflag:s24] =	ssyncadd.s32 $0xFFFFE000  }
0x35: {  	[spmem:s11] =	stream.linear.scatter [tilespmem:s25], [sflag:$0x3], $0x2000, $0x38;
	[tilespmem:$0x19A80] =	vst v63  }
0x36: {  	_ =	swait.ge [sflag:s24], $0x2000  }
0x37: {  	[sflag:s24] =	ssyncset.done $0x0  }
0x38: {  	[sflag:s24] =	ssyncadd.s32 $0xFFFFE000  }
0x39: {  	[tilespmem:s25], [sflag:$0x3] =	stream.linear.gather [hbm4b:s12+s3], $0x2000, $0x38;
	[tilespmem:$0x19A80] =	vst v63  }
0x3a: {  	_ =	swait.ge [sflag:s24], $0x2000  }
0x3b: {  	[sflag:s24] =	ssyncset.done $0x0  }
0x3c: {  	[sflag:s24] =	ssyncadd.s32 $0xFFFFE000  }
0x3d: {  	[spmem:s13] =	stream.linear.scatter [tilespmem:s25], [sflag:$0x3], $0x2000, $0x38;
	[tilespmem:$0x19A80] =	vst v63  }
0x3e: {  	_ =	swait.ge [sflag:s24], $0x2000  }
0x3f: {  	[sflag:s24] =	ssyncset.done $0x0  }
0x40: {  	[sflag:s24] =	ssyncadd.s32 $0xFFFFE000  }
0x41: {  	[tilespmem:s25], [sflag:$0x3] =	stream.linear.gather [hbm4b:s14+s3], $0x1C80, $0x38;
	[tilespmem:$0x19A80] =	vst v63  }
0x42: {  	_ =	swait.ge [sflag:s24], $0x1C80  }
0x43: {  	[sflag:s24] =	ssyncset.done $0x0  }
0x44: {  	[sflag:s24] =	ssyncadd.s32 $0xFFFFE380  }
0x45: {  	[spmem:s15] =	stream.linear.scatter [tilespmem:s25], [sflag:$0x3], $0x1C80, $0x38;
	[tilespmem:$0x19A80] =	vst v63  }
0x46: {  	_ =	swait.ge [sflag:s24], $0x1C80  }
0x47: {  	[sflag:s24] =	ssyncset.done $0x0  }
0x48: {  	[sflag:s24] =	ssyncadd.s32 $0xFFFFE380  }
0x49: {  	[tilespmem:s3], [sflag:$0x3] =	stream.linear.gather [hbm4b:s16+s3], $0x4F00, $0x38;
	[tilespmem:$0x19A80] =	vst v63  }
0x4a: {  	_ =	swait.ge [sflag:s24], $0x4F00  }
0x4b: {  	[sflag:s24] =	ssyncset.done $0x0  }
0x4c: {  	[sflag:s24] =	ssyncadd.s32 $0xFFFFB100  }
0x4d: {  	[bflag:$0x0] =	sbarrier.arrive $0xFFFF  }
0x4e: {  	[tilespmem:s28], [sflag:$0x1] =	stream.indirect.gather [hbm4b:s4+s26], $0x40, s3, s26, $0xb8;
	[tilespmem:$0x19A80] =	vst v63  }
0x4f: {  	_ = 	snop  }
0x50: {  	[tilespmem:s29], [sflag:$0x2] =	stream.indirect.gather [hbm4b:s4+s26], $0x40, s26, s26, $0xb8;
	[tilespmem:$0x19A80] =	vst v63  }
0x51: {  	_ =	swait.ge [sflag:s30], $0x2000  }
0x52: {  	[sflag:s30] =	ssyncset.done $0x0  }
0x53: {  	s8 =	simm.s32 $0x4F00;
	[sflag:s30] =	ssyncadd.s32 $0xFFFFE000  }
0x54: {  	[spmem:s2] =	stream.indirect.scatter.add.f32 [tilespmem:s28], [sflag:$0x3], $0x40, s8, s26, $0xb8;
	[tilespmem:$0x19A80] =	vst v63  }
0x55: {  	_ =	swait.ge [sflag:s24], $0x2000  }
0x56: {  	[sflag:s24] =	ssyncset.done $0x0  }
0x57: {  	s5 =	simm.s32 $0x100;
	[sflag:s24] =	ssyncadd.s32 $0xFFFFE000  }
0x58: {  	[tilespmem:s28], [sflag:$0x1] =	stream.indirect.gather [hbm4b:s4+s26], $0x40, s5, s26, $0xb8;
	[tilespmem:$0x19A80] =	vst v63  }
0x59: {  	_ =	swait.ge [sflag:s31], $0x2000  }
0x5a: {  	[sflag:s31] =	ssyncset.done $0x0  }
0x5b: {  	s8 =	simm.s32 $0x4F80;
	[sflag:s31] =	ssyncadd.s32 $0xFFFFE000  }
0x5c: {  	[spmem:s2] =	stream.indirect.scatter.add.f32 [tilespmem:s29], [sflag:$0x3], $0x40, s8, s26, $0xb8;
	[tilespmem:$0x19A80] =	vst v63  }
0x5d: {  	_ =	swait.ge [sflag:s24], $0x2000  }
0x5e: {  	[sflag:s24] =	ssyncset.done $0x0  }
0x5f: {  	s1 =	simm.s32 $0x400;
	s5 =	simm.s32 $0x180;
	[sflag:s24] =	ssyncadd.s32 $0xFFFFE000  }
.LBB2_2:
0x60: {  	[tilespmem:s29], [sflag:$0x2] =	stream.indirect.gather [hbm4b:s4+s26], $0x40, s5, s26, $0xb8;
	[tilespmem:$0x19A80] =	vst v63  }
0x61: {  	s5 =	smov.u32 s1  }
0x62: {  	p0 =	sne.s32 s1, $0x13400;
	s1 =	sadd.s32 $0x400, s1;
	_ =	swait.ge [sflag:s30], $0x2000  }
0x63: {  	s5 =	sshra.s32 s5, $0x2;
	[sflag:s30] =	ssyncset.done $0x0  }
0x64: {  	s8 =	sadd.s32 $0x4F00, s5;
	[sflag:s30] =	ssyncadd.s32 $0xFFFFE000  }
0x65: {  	[spmem:s2] =	stream.indirect.scatter.add.f32 [tilespmem:s28], [sflag:$0x3], $0x40, s8, s26, $0xb8;
	[tilespmem:$0x19A80] =	vst v63  }
0x66: {  	_ =	swait.ge [sflag:s24], $0x2000  }
0x67: {  	[sflag:s24] =	ssyncset.done $0x0  }
0x68: {  	s8 =	sadd.s32 $0x100, s5;
	[sflag:s24] =	ssyncadd.s32 $0xFFFFE000  }
0x69: {  	[tilespmem:s28], [sflag:$0x1] =	stream.indirect.gather [hbm4b:s4+s26], $0x40, s8, s26, $0xb8;
	[tilespmem:$0x19A80] =	vst v63  }
0x6a: {  	_ =	swait.ge [sflag:s31], $0x2000  }
0x6b: {  	[sflag:s31] =	ssyncset.done $0x0  }
.Ltmp0:
0x6c: {  	s8 =	sadd.s32 $0x4F80, s5;
	[sflag:s31] =	ssyncadd.s32 $0xFFFFE000;
	(pc) =	sbr.rel @p0 .LBB2_2-.Ltmp0, $4  }
0x6d: {  	[spmem:s2] =	stream.indirect.scatter.add.f32 [tilespmem:s29], [sflag:$0x3], $0x40, s8, s26, $0xb8;
	[tilespmem:$0x19A80] =	vst v63  }
0x6e: {  	_ =	swait.ge [sflag:s24], $0x2000  }
0x6f: {  	[sflag:s24] =	ssyncset.done $0x0  }
0x70: {  	s5 =	sadd.s32 $0x180, s5;
	[sflag:s24] =	ssyncadd.s32 $0xFFFFE000  }
0x71: {  	[tilespmem:s29], [sflag:$0x2] =	stream.indirect.gather [hbm4b:s4+s26], $0x40, s5, s26, $0xb8;
	[tilespmem:$0x19A80] =	vst v63  }
0x72: {  	_ =	swait.ge [sflag:s30], $0x2000  }
0x73: {  	[sflag:s30] =	ssyncset.done $0x0  }
0x74: {  	s1 =	simm.s32 $0x9D00;
	[sflag:s30] =	ssyncadd.s32 $0xFFFFE000  }
0x75: {  	[spmem:s2] =	stream.indirect.scatter.add.f32 [tilespmem:s28], [sflag:$0x3], $0x40, s1, s26, $0xb8;
	[tilespmem:$0x19A80] =	vst v63  }
0x76: {  	_ =	swait.ge [sflag:s24], $0x2000  }
0x77: {  	[sflag:s24] =	ssyncset.done $0x0  }
0x78: {  	[sflag:s24] =	ssyncadd.s32 $0xFFFFE000  }
0x79: {  	_ =	swait.ge [sflag:s31], $0x2000  }
0x7a: {  	[sflag:s31] =	ssyncset.done $0x0  }
0x7b: {  	s8 =	simm.s32 $0x9D80;
	[sflag:s31] =	ssyncadd.s32 $0xFFFFE000  }
0x7c: {  	[spmem:s2] =	stream.indirect.scatter.add.f32 [tilespmem:s29], [sflag:$0x3], $0x40, s8, s26, $0xb8;
	[tilespmem:$0x19A80] =	vst v63  }
0x7d: {  	_ =	swait.ge [sflag:s24], $0x2000  }
0x7e: {  	[sflag:s24] =	ssyncset.done $0x0  }
0x7f: {  	[sflag:s24] =	ssyncadd.s32 $0xFFFFE000  }
0x80: {  	[bflag:$0x0] =	sbarrier.arrive $0xFFFF  }
0x81: {  	[tilespmem:s25], [sflag:$0x3] =	stream.linear.gather [spmem:s7], $0x2000, $0x38;
	[tilespmem:$0x19A80] =	vst v63  }
0x82: {  	_ =	swait.ge [sflag:s24], $0x2000  }
0x83: {  	[sflag:s24] =	ssyncset.done $0x0  }
0x84: {  	[sflag:s24] =	ssyncadd.s32 $0xFFFFE000  }
0x85: {  	[hbm4b:s17+s23] =	stream.strided.scatter [tilespmem:s25], [sflag:$0x3], $0x2000, s26, s23, $0x38;
	[tilespmem:$0x19A80] =	vst v63  }
0x86: {  	_ =	swait.ge [sflag:s24], $0x2000  }
0x87: {  	[sflag:s24] =	ssyncset.done $0x0  }
0x88: {  	[sflag:s24] =	ssyncadd.s32 $0xFFFFE000  }
0x89: {  	[tilespmem:s25], [sflag:$0x3] =	stream.linear.gather [spmem:s9], $0x2000, $0x38;
	[tilespmem:$0x19A80] =	vst v63  }
0x8a: {  	_ =	swait.ge [sflag:s24], $0x2000  }
0x8b: {  	[sflag:s24] =	ssyncset.done $0x0  }
0x8c: {  	[sflag:s24] =	ssyncadd.s32 $0xFFFFE000  }
0x8d: {  	[hbm4b:s18+s23] =	stream.strided.scatter [tilespmem:s25], [sflag:$0x3], $0x2000, s26, s23, $0x38;
	[tilespmem:$0x19A80] =	vst v63  }
0x8e: {  	_ =	swait.ge [sflag:s24], $0x2000  }
0x8f: {  	[sflag:s24] =	ssyncset.done $0x0  }
0x90: {  	[sflag:s24] =	ssyncadd.s32 $0xFFFFE000  }
0x91: {  	[tilespmem:s25], [sflag:$0x3] =	stream.linear.gather [spmem:s11], $0x2000, $0x38;
	[tilespmem:$0x19A80] =	vst v63  }
0x92: {  	_ =	swait.ge [sflag:s24], $0x2000  }
0x93: {  	[sflag:s24] =	ssyncset.done $0x0  }
0x94: {  	[sflag:s24] =	ssyncadd.s32 $0xFFFFE000  }
0x95: {  	[hbm4b:s19+s23] =	stream.strided.scatter [tilespmem:s25], [sflag:$0x3], $0x2000, s26, s23, $0x38;
	[tilespmem:$0x19A80] =	vst v63  }
0x96: {  	_ =	swait.ge [sflag:s24], $0x2000  }
0x97: {  	[sflag:s24] =	ssyncset.done $0x0  }
0x98: {  	[sflag:s24] =	ssyncadd.s32 $0xFFFFE000  }
0x99: {  	[tilespmem:s25], [sflag:$0x3] =	stream.linear.gather [spmem:s13], $0x2000, $0x38;
	[tilespmem:$0x19A80] =	vst v63  }
0x9a: {  	_ =	swait.ge [sflag:s24], $0x2000  }
0x9b: {  	[sflag:s24] =	ssyncset.done $0x0  }
0x9c: {  	[sflag:s24] =	ssyncadd.s32 $0xFFFFE000  }
0x9d: {  	[hbm4b:s20+s23] =	stream.strided.scatter [tilespmem:s25], [sflag:$0x3], $0x2000, s26, s23, $0x38;
	[tilespmem:$0x19A80] =	vst v63  }
0x9e: {  	_ =	swait.ge [sflag:s24], $0x2000  }
0x9f: {  	[sflag:s24] =	ssyncset.done $0x0  }
0xa0: {  	[sflag:s24] =	ssyncadd.s32 $0xFFFFE000  }
0xa1: {  	[tilespmem:s25], [sflag:$0x3] =	stream.linear.gather [spmem:s15], $0x1C80, $0x38;
	[tilespmem:$0x19A80] =	vst v63  }
0xa2: {  	s0 =	sadd.s32 $0x1, s0;
	_ =	swait.ge [sflag:s24], $0x1C80  }
0xa3: {  	p0 =	sne.s32 s0, s22;
	[sflag:s24] =	ssyncset.done $0x0  }
.Ltmp1:
0xa4: {  	[sflag:s24] =	ssyncadd.s32 $0xFFFFE380;
	(pc) =	sbr.rel @p0 .LBB2_1-.Ltmp1, $4  }
0xa5: {  	[hbm4b:s21+s23] =	stream.strided.scatter [tilespmem:s25], [sflag:$0x3], $0x1C80, s26, s23, $0x38;
	[tilespmem:$0x19A80] =	vst v63  }
0xa6: {  	_ =	swait.ge [sflag:s24], $0x1C80  }
0xa7: {  	[sflag:s24] =	ssyncset.done $0x0  }
0xa8: {  	[sflag:s24] =	ssyncadd.s32 $0xFFFFE380  }
0xa9: {  	_ =	sfence.sel $0x180000  }
0xaa: {  	[bflag:$0x0] =	sbarrier.arrive $0xFFFF  }
0xab: {  	_ =	strace $0x9000004A  }
0xac: {  	s0 =	stileid.u32;
	[bflag:$0x2] =	sbarrier.arrive $0xFFFF  }
0xad: {  	p0 =	sne.s32 s0, $0x0;
	s0 =	rddreg [dreg:$0x2]  }
0xae: {  	s0 =	sadd.s32 @!p0 $0x100000, s0  }
0xaf: {  	[sflag:s0] =	ssyncadd.tile.s32 @!p0 $0x1;
	_ =	shalt  }
.Lfunc_end2:
_tile_overlayer_lowered:
.L_overlay_start_2:
0xb0: {  	(tag) =	ssettag $0x2  }
0xb1: {  	s0 =	rddreg [dreg:$0x0];
	s2 =	stileid.u32  }
0xb2: {  	s1 =	rddreg [dreg:$0x1];
	p0 =	sne.s32 s2, $0x0  }
0xb3: {  	s3 =	rddreg [dreg:$0x2];
	[bflag:$0x3] =	sbarrier.arrive $0xFFFF;
	s2 =	simm.s32 @!p0 $0x1C03  }
0xb4: {  	[timem:s3], [sflag:s2] =	dma.local @!p0 [hbm:s0], s1  }
0xb5: {  	s0 =	simm.s32 @!p0 $0x3  }
0xb6: {  	_ =	swait.ge @!p0 [sflag:s0], s1  }
0xb7: {  	s1 =	ssub.s32 @!p0 $0x0, s1;
	[sflag:s0] =	ssyncset.done @!p0 $0x0  }
0xb8: {  	[sflag:s0] =	ssyncadd.s32 @!p0 s1  }
0xb9: {  	[bflag:$0x3] =	sbarrier.arrive $0xFFFF  }
0xba: {  	_ =	shalt  }

// kernel: kernel.14.cloned.1.call-start
scs
__scs_entry_jumppad:
0x0: {  	(pc) =	sbr.rel $0x88, $3  }
0x1: {  	(tag) =	ssettag $0x0;
	lr =	simm.s32 $0x1  }
0x2: {  	[smem:$0x3F8B] =	sst lr;
	_ =	strace $0xD0000000  }
0x3: {  	_ = 	snop  }
0x4: {  	_ = 	snop  }
0x5: {  	_ = 	snop  }
0x6: {  	_ = 	snop  }
0x7: {  	_ = 	snop  }
__scs_overlays_trampoline_lowered:
0x8: {  	[smem:$0x3F9A] =	sst s0  }
0x9: {  	[smem:$0x3F9B] =	sst s1  }
0xa: {  	[smem:$0x3F9C] =	sst s2  }
0xb: {  	[smem:$0x3F9D] =	sst s3  }
0xc: {  	[smem:$0x3F9E] =	sst s4  }
0xd: {  	[smem:$0x3F9F] =	sst s5  }
0xe: {  	[smem:$0x3FA0] =	sst s6  }
0xf: {  	[smem:$0x3FA1] =	sst s7  }
0x10: {  	[smem:$0x3FA2] =	sst s8  }
0x11: {  	[smem:$0x3FA3] =	sst s9;
	s0 =	simm.s32 @!p0 $0x0  }
0x12: {  	s1 =	sld [smem:$0x3F89];
	s0 =	simm.s32 @p0 $0x1  }
0x13: {  	[smem:$0x3FA4] =	sst s0;
	s0 =	simm.s32 @!p1 $0x0  }
0x14: {  	s2 =	sld [smem:$0x3F88];
	s0 =	simm.s32 @p1 $0x1  }
0x15: {  	[smem:$0x3FA5] =	sst s0;
	s0 =	simm.s32 @!p2 $0x0  }
0x16: {  	s3 =	sld [smem:$0x3FDB];
	s0 =	simm.s32 @p2 $0x1  }
0x17: {  	s4 =	simm.s32 $0x1BF5;
	[smem:$0x3FA7] =	sst s0  }
0x18: {  	s0 =	sld [smem:$0x3F8A];
	_ =	swait.ge [sflag:s4], $0x0  }
0x19: {  	s7 =	sld [smem:$0x3F8B]  }
0x1a: {  	s8 =	sadd.s32 $0xFFFFE003, lr  }
0x1b: {  	s9 =	sadd.s32 $0xFFFFFEF7, lr;
	s5 =	simm.s32 $0xFFFFFFFF;
	p2 =	slt.u32 s8, $0xFFFFF086  }
0x1c: {  	p1 =	slt.u32 s9, $0xF7A;
	s5 =	simm.s32 @!p2 $0x0  }
0x1d: {  	s5 =	simm.s32 @p1 $0x1;
	p0 =	seq.s32 s7, s2  }
0x1e: {  	s7 =	smul.u32 @!p0 $0xF7A, s2;
	p2 =	seq.s32 @!p0 s5, $0x0  }
0x1f: {  	s9 =	smul.u32 $0xF7A, s1;
	s8 =	simm.s32 @!p0 $0x1BF5;
	p2 =	por !p2, p0  }
0x20: {  	[sflag:s8] =	ssyncset.s32 @!p0 $0xFFFFF086;
	s6 =	sadd.s32 @!p0 s3, s7;
	s7 =	simm.s32 @!p0 $0x108  }
0x21: {  	s3 =	sadd.s32 s3, s9;
	s6 =	sadd.s32 @!p0 $0x88, s6;
	s7 =	simm.s32 @p2 $0x1082  }
0x22: {  	[simem:s7], [sflag:s8] =	dma.local @!p0 [hbm:s6], $0xF7A  }
0x23: {  	s9 =	sor.u32 $0xD0000000, s2;
	s6 =	simm.s32 $0x108;
	_ =	swait.ge @!p0 [sflag:s8], $0x0  }
0x24: {  	s3 =	sadd.s32 $0x88, s3;
	s6 =	simm.s32 @!p1 $0x1082;
	[sflag:s4] =	ssyncset.s32 $0xFFFFF086  }
0x25: {  	[simem:s6], [sflag:s4] =	dma.local [hbm:s3], $0xF7A  }
0x26: {  	[smem:$0x3F8B] =	sst s1;
	(tag) =	ssettag s2;
	_ =	strace s9  }
0x27: {  	s1 =	sld [smem:$0x3F9B]  }
0x28: {  	s2 =	sld [smem:$0x3F9C]  }
0x29: {  	s4 =	sld [smem:$0x3F9E]  }
0x2a: {  	p0 =	seq.s32 s5, $0x0;
	s5 =	sld [smem:$0x3F9F]  }
0x2b: {  	s6 =	sld [smem:$0x3FA0]  }
0x2c: {  	s7 =	sld [smem:$0x3FA1]  }
0x2d: {  	s3 =	simm.s32 $0x108;
	s8 =	sld [smem:$0x3FA2]  }
0x2e: {  	s3 =	simm.s32 @!p0 $0x1082;
	s9 =	sld [smem:$0x3FA3]  }
0x2f: {  	lr =	sadd.s32 s0, s3;
	s0 =	sld [smem:$0x3F9A]  }
0x30: {  	s3 =	sld [smem:$0x3F9D]  }
0x31: {  	[smem:$0x3FA6] =	sst s10  }
0x32: {  	s10 =	sld [smem:$0x3FA4];
	_ =	sdelay $0x3  }
0x33: {  	p0 =	seq.s32 s10, $0x1;
	s10 =	sld [smem:$0x3FA6];
	_ =	sdelay $0x3  }
0x34: {  	[smem:$0x3FA6] =	sst s10  }
0x35: {  	s10 =	sld [smem:$0x3FA5];
	_ =	sdelay $0x3  }
0x36: {  	p1 =	seq.s32 s10, $0x1;
	s10 =	sld [smem:$0x3FA6];
	_ =	sdelay $0x3  }
0x37: {  	[smem:$0x3FA6] =	sst s10  }
0x38: {  	s10 =	sld [smem:$0x3FA7]  }
0x39: {  	_ = 	snop;
	(pc) =	sbr.ind lr, $3  }
0x3a: {  	_ = 	snop  }
0x3b: {  	_ = 	snop  }
0x3c: {  	p2 =	seq.s32 s10, $0x1;
	s10 =	sld [smem:$0x3FA6]  }
0x3d: {  	_ =	shalt  }
0x3e: {  	_ =	shalt  }
0x3f: {  	_ =	shalt  }
0x40: {  	_ =	shalt  }
0x41: {  	_ =	shalt  }
0x42: {  	_ =	shalt  }
0x43: {  	_ =	shalt  }
0x44: {  	_ =	shalt  }
0x45: {  	_ =	shalt  }
0x46: {  	_ =	shalt  }
0x47: {  	_ =	shalt  }
0x48: {  	_ =	shalt  }
0x49: {  	_ =	shalt  }
0x4a: {  	_ =	shalt  }
0x4b: {  	_ =	shalt  }
0x4c: {  	_ =	shalt  }
0x4d: {  	_ =	shalt  }
0x4e: {  	_ =	shalt  }
0x4f: {  	_ =	shalt  }
0x50: {  	_ =	shalt  }
0x51: {  	_ =	shalt  }
0x52: {  	_ =	shalt  }
0x53: {  	_ =	shalt  }
0x54: {  	_ =	shalt  }
0x55: {  	_ =	shalt  }
0x56: {  	_ =	shalt  }
0x57: {  	_ =	shalt  }
0x58: {  	_ =	shalt  }
0x59: {  	_ =	shalt  }
0x5a: {  	_ =	shalt  }
0x5b: {  	_ =	shalt  }
0x5c: {  	_ =	shalt  }
0x5d: {  	_ =	shalt  }
0x5e: {  	_ =	shalt  }
0x5f: {  	_ =	shalt  }
0x60: {  	_ =	shalt  }
0x61: {  	_ =	shalt  }
0x62: {  	_ =	shalt  }
0x63: {  	_ =	shalt  }
0x64: {  	_ =	shalt  }
0x65: {  	_ =	shalt  }
0x66: {  	_ =	shalt  }
0x67: {  	_ =	shalt  }
0x68: {  	_ =	shalt  }
0x69: {  	_ =	shalt  }
0x6a: {  	_ =	shalt  }
0x6b: {  	_ =	shalt  }
0x6c: {  	_ =	shalt  }
0x6d: {  	_ =	shalt  }
0x6e: {  	_ =	shalt  }
0x6f: {  	_ =	shalt  }
0x70: {  	_ =	shalt  }
0x71: {  	_ =	shalt  }
0x72: {  	_ =	shalt  }
0x73: {  	_ =	shalt  }
0x74: {  	_ =	shalt  }
0x75: {  	_ =	shalt  }
0x76: {  	_ =	shalt  }
0x77: {  	_ =	shalt  }
0x78: {  	_ =	shalt  }
0x79: {  	_ =	shalt  }
0x7a: {  	_ =	shalt  }
0x7b: {  	_ =	shalt  }
0x7c: {  	_ =	shalt  }
0x7d: {  	_ =	shalt  }
0x7e: {  	_ =	shalt  }
0x7f: {  	_ =	shalt  }
0x80: {  	_ =	shalt  }
0x81: {  	_ =	shalt  }
0x82: {  	_ =	shalt  }
0x83: {  	_ =	shalt  }
0x84: {  	_ =	shalt  }
0x85: {  	_ =	shalt  }
0x86: {  	_ =	shalt  }
0x87: {  	_ =	shalt  }
.Lfunc_end0:
.L_simem_size_0:
called_computation.2_lowered:
.L_overlay_start_0:
0x88: {  	s2 =	sld [smem:$0x3FD9]  }
0x89: {  	s3 =	sld [smem:$0x3FFE];
	_ =	sdelay $0x1  }
0x8a: {  	s1 =	srdreg.scid  }
0x8b: {  	s0 =	sand.u32 $0x1, s1  }
0x8c: {  	s16 =	sshll.u32 s0, $0xA;
	s2 =	sadd.s32 s3, s2  }
0x8d: {  	s2 =	sadd.s32 s2, s16  }
0x8e: {  	[smem:$0x3FB2] =	sst s2  }
0x8f: {  	_ = 	snop  }
0x90: {  	(tm) =	ssettm $0x1  }
0x91: {  	s17 =	sld [smem:$0x3FFB];
	_ =	sdelay $0x3  }
0x92: {  	_ =	strace s17  }
0x93: {  	s2 =	sld [smem:$0x3FFC];
	_ =	sdelay $0x3  }
0x94: {  	_ =	strace s2  }
0x95: {  	s2 =	sld [smem:$0x3FFD];
	_ =	sdelay $0x3  }
0x96: {  	_ =	strace s2  }
0x97: {  	_ =	strace $0x8FFFFFFF  }
0x98: {  	s18 =	sld [smem:$0x3FDB];
	_ =	sdelay $0x1  }
0x99: {  	s19 =	simm.s32 $_scs_section_size  }
0x9a: {  	s4 =	simm.s32 $_size__tile_overlayer_lowered;
	s5 =	simm.s32 $_tile_overlayer_lowered  }
0x9b: {  	s22 =	simm.s32 $0x1BFF;
	s21 =	sshll.u32 s5, $0x1;
	s2 =	sadd.s32 s19, s18  }
0x9c: {  	s6 =	simm.s32 $0x0;
	s20 =	sshll.u32 s4, $0x1;
	s4 =	sadd.s32 s21, s2  }
0x9d: {  	[timem:s6], [sflag:s22] =	dma.local [hbm:s4], s20  }
0x9e: {  	_ =	swait.ge [sflag:s22], s20  }
0x9f: {  	s3 =	ssub.s32 $0x0, s20;
	[sflag:s22] =	ssyncset.done $0x0  }
0xa0: {  	[sflag:s22] =	ssyncadd.s32 s3;
	_ =	sdelay $0x1  }
0xa1: {  	s23 =	simm.s32 $0x1B8B  }
0xa2: {  	_ =	swait.ge [sflag:s23], $0x1  }
0xa3: {  	[sflag:s23] =	ssyncset.done $0x0  }
0xa4: {  	s25 =	simm.s32 $0x1B8E;
	s24 =	sld [smem:$0x3FFE];
	[sflag:s23] =	ssyncadd.s32 $0xFFFFFFFF  }
0xa5: {  	s26 =	simm.s32 $execute0_lowered;
	[smem:$0x3FD2] =	sst s25  }
0xa6: {  	s4 =	sshll.u32 s26, $0x1;
	_ =	strace $0x8000004C;
	[dreg:$0x1] =	wrdreg $0xFFFFFFFF  }
0xa7: {  	s28 =	simm.s32 $_size_execute0_lowered;
	s2 =	sadd.s32 s2, s4;
	[dreg:$0x0] =	wrdreg $0x0  }
0xa8: {  	s4 =	sshll.u32 s28, $0x1;
	[dreg:$0x2] =	wrdreg s2  }
0xa9: {  	[dreg:$0x3] =	wrdreg s4  }
0xaa: {  	[dreg:$0x4] =	wrdreg $0xC0  }
0xab: {  	_ =	task [dreg:s6], $0x5FFFF  }
0xac: {  	[dreg:$0x1] =	wrdreg $0xFFFFFFFF  }
0xad: {  	[dreg:$0x0] =	wrdreg $0x60  }
0xae: {  	[dreg:$0x2] =	wrdreg s24  }
0xaf: {  	[dreg:$0x3] =	wrdreg $0xFE000  }
0xb0: {  	[dreg:$0x4] =	wrdreg $0x9  }
0xb1: {  	_ =	task.clear_ibuf [dreg:s6], $0x5FFFF;
	_ =	strace $0x9000004C  }
0xb2: {  	s29 =	simm.s32 $0x9;
	_ =	strace $0x8000004E  }
0xb3: {  	_ =	swait.ge [sflag:s29], $0x1  }
0xb4: {  	[sflag:s29] =	ssyncadd.s32 $0xFFFFFFFF  }
0xb5: {  	_ =	strace $0x9000004E  }
0xb6: {  	_ =	sfence  }
0xb7: {  	s30 =	sld [smem:$0x0];
	_ =	sdelay $0x2  }
0xb8: {  	s31 =	sshll.u32 s1, $0xD;
	s1 =	sshrl.u32 s1, $0x2  }
0xb9: {  	s3 =	sand.u32 $0x4000, s31;
	s1 =	sadd.s32 s1, s30  }
0xba: {  	s0 =	sor.u32 s3, s0;
	s1 =	sshll.u32 s1, $0x11  }
0xbb: {  	s0 =	sor.u32 s1, s0  }
0xbc: {  	s0 =	sadd.s32 $0x8F2B, s0  }
0xbd: {  	[sflag:s0] =	ssyncadd.remote.s32 $0x1  }
0xbe: {  	_ =	sfence.sel $0xFFFF  }
0xbf: {  	[dreg:$0x0] =	wrdreg $0xFFFFFFFF;
	(pc) =	sbr.abs _section_cstart, $3  }
0xc0: {  	[dreg:$0x1] =	wrdreg $0xFFFFFFFF  }
0xc1: {  	_ =	task.clear_ibuf [dreg:s6], $0x2FFFF;
	_ =	strace $0x9FFFFFFF  }
0xc2: {  	(tm) =	ssettm $0x7FFFFFFF  }
0xc3: {  	_ =	shalt  }
tec
execute0_lowered:
.L_overlay_start_1:
0x0: {  	(tag) =	ssettag $0x1  }
0x1: {  	s15 =	stileid.u32  }
0x2: {  	s0 =	rddreg [dreg:$0x0];
	s5 =	smul.u32 $0x4F00, s15  }
0x3: {  	s1 =	srdreg.scid;
	s8 =	smul.u32 $0x272, s15  }
0x4: {  	s2 =	rddreg [dreg:$0x1];
	s10 =	smul.u32 $0x27200, s15  }
0x5: {  	s3 =	simm.s32 $0x0;
	s1 =	sand.u32 $0x1, s1;
	s15 =	smul.u32 $0x13900, s15  }
0x6: {  	[smem:$0x7FF] =	sst s3;
	s4 =	smul.u32 $0x4F000, s1  }
0x7: {  	_ =	strace $0x8000004D;
	s6 =	ssub.s32 $0x2, s1;
	s7 =	smul.u32 $0x2720, s1  }
0x8: {  	s1 =	sshll.u32 s1, $0x6;
	s9 =	sshrl.u32 s6, $0x1;
	s28 =	sshrl.u32 s10, $0x2  }
0x9: {  	s29 =	sadd.s32 $0x80, s8;
	s14 =	sadd.s32 $0x100, s8;
	s16 =	sadd.s32 $0x180, s8  }
0xa: {  	s5 =	sadd.s32 s5, s4;
	s4 =	sadd.s32 $0x28600, s0;
	s12 =	ssub.s32 s6, s9  }
0xb: {  	s26 =	sadd.s32 s8, s7;
	s7 =	sadd.s32 s28, s2;
	s18 =	sshll.u32 s29, $0x6  }
0xc: {  	s20 =	sshll.u32 s14, $0x6;
	s21 =	sshll.u32 s16, $0x6;
	s8 =	sadd.s32 $0x200, s8  }
0xd: {  	s10 =	sshll.u32 s29, $0x7;
	s5 =	sshrl.u32 s5, $0x3;
	s6 =	sshll.u32 s26, $0x3  }
0xe: {  	s9 =	sadd.s32 s18, s2;
	s22 =	sshll.u32 s8, $0x6;
	s18 =	sor.u32 s1, s15  }
0xf: {  	s10 =	sor.u32 s1, s10;
	s26 =	sshll.u32 s16, $0x7;
	s8 =	sshll.u32 s8, $0x7  }
0x10: {  	s5 =	sadd.s32 s5, s0;
	s0 =	sadd.s32 $0x109C00, s0;
	s6 =	sadd.s32 s4, s6  }
0x11: {  	s15 =	sadd.s32 s22, s2;
	s23 =	sshrl.u32 s18, $0x3;
	s25 =	sadd.s32 $0x14A00, s5  }
0x12: {  	s10 =	sshrl.u32 s10, $0x3;
	s11 =	sadd.s32 $0x400, s6;
	[dreg:$0x3] =	wrdreg s25  }
0x13: {  	s19 =	sadd.s32 $0x800, s6;
	s13 =	sadd.s32 $0xC00, s6;
	[dreg:$0x4] =	wrdreg s11  }
0x14: {  	s17 =	sadd.s32 $0x1000, s6;
	s24 =	sadd.s32 $0x94600, s5;
	[dreg:$0x5] =	wrdreg s19  }
0x15: {  	s18 =	sadd.s32 s0, s10;
	s16 =	sadd.s32 $0x27600, s6;
	[dreg:$0x6] =	wrdreg s13  }
0x16: {  	s22 =	sadd.s32 $0xA8200, s5;
	s11 =	sadd.s32 s20, s2;
	[dreg:$0x7] =	wrdreg s17  }
0x17: {  	s13 =	sadd.s32 s21, s2;
	[dreg:$0x8] =	wrdreg s24;
	s17 =	sadd.s32 s0, s23  }
0x18: {  	s25 =	sshll.u32 s14, $0x7;
	s14 =	sor.u32 s1, s26;
	[dreg:$0xa] =	wrdreg s16  }
0x19: {  	[dreg:$0xb] =	wrdreg s22;
	s23 =	smax.u32 s12, $0x1;
	s24 =	sadd.s32 $0x27A00, s6  }
0x1a: {  	s26 =	sadd.s32 $0x28200, s6;
	s31 =	smov.u32 s18;
	s12 =	simm.s32 $0x80  }
0x1b: {  	s16 =	simm.s32 $0xBE00;
	s22 =	simm.s32 $0x9D00;
	s10 =	sor.u32 s1, s25  }
0x1c: {  	s1 =	sor.u32 s1, s8;
	s29 =	sshrl.u32 s14, $0x3;
	[dreg:$0xc] =	wrdreg s23  }
0x1d: {  	s14 =	sadd.s32 $0x27200, s6;
	[dreg:$0xd] =	wrdreg s24;
	s25 =	sadd.s32 $0x27E00, s6  }
0x1e: {  	[dreg:$0xf] =	wrdreg s26;
	s30 =	smov.u32 s17;
	s8 =	simm.s32 $0x3  }
0x1f: {  	s23 =	simm.s32 $0x9D80;
	s24 =	simm.s32 $0x40;
	s28 =	sshrl.u32 s10, $0x3  }
0x20: {  	s1 =	sshrl.u32 s1, $0x3;
	s20 =	sadd.s32 s0, s29;
	[dreg:$0x9] =	wrdreg s14  }
0x21: {  	[dreg:$0xe] =	wrdreg s25;
	s29 =	sadd.s32 $0x27200, s18;
	s10 =	simm.s32 $0xDE00  }
0x22: {  	s14 =	simm.s32 $0x9E00;
	s18 =	simm.s32 $0x2;
	s25 =	simm.s32 $0x0  }
0x23: {  	s19 =	sadd.s32 s0, s28;
	s21 =	sadd.s32 s0, s1;
	s28 =	sadd.s32 $0x27200, s17  }
0x24: {  	[dreg:$0x11] =	wrdreg s29;
	s1 =	sadd.s32 $0x27200, s20;
	s17 =	simm.s32 $0x1  }
0x25: {  	[dreg:$0x10] =	wrdreg s28;
	s0 =	sadd.s32 $0x27200, s19;
	s5 =	sadd.s32 $0x27200, s21  }
.LBB2_1:
0x26: {  	s26 =	rddreg [dreg:$0x3];
	s28 =	simm.s32 $0x4F00  }
0x27: {  	[tilespmem:s28], [sflag:$0x3] =	stream.linear.gather [hbm4b:s26+s3], $0x4F00, $0x38;
	[tilespmem:$0x19A80] =	vst v63  }
0x28: {  	_ =	swait.ge [sflag:s8], $0x4F00  }
0x29: {  	[sflag:s8] =	ssyncset.done $0x0  }
0x2a: {  	[sflag:s8] =	ssyncadd.s32 $0xFFFFB100  }
0x2b: {  	[tilespmem:s10], [sflag:$0x3] =	stream.linear.gather [hbm4b:s6+s3], $0x2000, $0x38;
	[tilespmem:$0x19A80] =	vst v63  }
0x2c: {  	_ =	swait.ge [sflag:s8], $0x2000  }
0x2d: {  	[sflag:s8] =	ssyncset.done $0x0  }
0x2e: {  	[sflag:s8] =	ssyncadd.s32 $0xFFFFE000  }
0x2f: {  	[spmem:s7] =	stream.linear.scatter [tilespmem:s10], [sflag:$0x3], $0x2000, $0x38;
	[tilespmem:$0x19A80] =	vst v63  }
0x30: {  	_ =	swait.ge [sflag:s8], $0x2000  }
0x31: {  	[sflag:s8] =	ssyncset.done $0x0  }
0x32: {  	s29 =	rddreg [dreg:$0x4];
	[sflag:s8] =	ssyncadd.s32 $0xFFFFE000  }
0x33: {  	[tilespmem:s10], [sflag:$0x3] =	stream.linear.gather [hbm4b:s29+s3], $0x2000, $0x38;
	[tilespmem:$0x19A80] =	vst v63  }
0x34: {  	_ =	swait.ge [sflag:s8], $0x2000  }
0x35: {  	[sflag:s8] =	ssyncset.done $0x0  }
0x36: {  	[sflag:s8] =	ssyncadd.s32 $0xFFFFE000  }
0x37: {  	[spmem:s9] =	stream.linear.scatter [tilespmem:s10], [sflag:$0x3], $0x2000, $0x38;
	[tilespmem:$0x19A80] =	vst v63  }
0x38: {  	_ =	swait.ge [sflag:s8], $0x2000  }
0x39: {  	[sflag:s8] =	ssyncset.done $0x0  }
0x3a: {  	s29 =	rddreg [dreg:$0x5];
	[sflag:s8] =	ssyncadd.s32 $0xFFFFE000  }
0x3b: {  	[tilespmem:s10], [sflag:$0x3] =	stream.linear.gather [hbm4b:s29+s3], $0x2000, $0x38;
	[tilespmem:$0x19A80] =	vst v63  }
0x3c: {  	_ =	swait.ge [sflag:s8], $0x2000  }
0x3d: {  	[sflag:s8] =	ssyncset.done $0x0  }
0x3e: {  	[sflag:s8] =	ssyncadd.s32 $0xFFFFE000  }
0x3f: {  	[spmem:s11] =	stream.linear.scatter [tilespmem:s10], [sflag:$0x3], $0x2000, $0x38;
	[tilespmem:$0x19A80] =	vst v63  }
0x40: {  	_ =	swait.ge [sflag:s8], $0x2000  }
0x41: {  	[sflag:s8] =	ssyncset.done $0x0  }
0x42: {  	s29 =	rddreg [dreg:$0x6];
	[sflag:s8] =	ssyncadd.s32 $0xFFFFE000  }
0x43: {  	[tilespmem:s10], [sflag:$0x3] =	stream.linear.gather [hbm4b:s29+s3], $0x2000, $0x38;
	[tilespmem:$0x19A80] =	vst v63  }
0x44: {  	_ =	swait.ge [sflag:s8], $0x2000  }
0x45: {  	[sflag:s8] =	ssyncset.done $0x0  }
0x46: {  	[sflag:s8] =	ssyncadd.s32 $0xFFFFE000  }
0x47: {  	[spmem:s13] =	stream.linear.scatter [tilespmem:s10], [sflag:$0x3], $0x2000, $0x38;
	[tilespmem:$0x19A80] =	vst v63  }
0x48: {  	_ =	swait.ge [sflag:s8], $0x2000  }
0x49: {  	[sflag:s8] =	ssyncset.done $0x0  }
0x4a: {  	s29 =	rddreg [dreg:$0x7];
	[sflag:s8] =	ssyncadd.s32 $0xFFFFE000  }
0x4b: {  	[tilespmem:s10], [sflag:$0x3] =	stream.linear.gather [hbm4b:s29+s3], $0x1C80, $0x38;
	[tilespmem:$0x19A80] =	vst v63  }
0x4c: {  	_ =	swait.ge [sflag:s8], $0x1C80  }
0x4d: {  	[sflag:s8] =	ssyncset.done $0x0  }
0x4e: {  	[sflag:s8] =	ssyncadd.s32 $0xFFFFE380  }
0x4f: {  	[spmem:s15] =	stream.linear.scatter [tilespmem:s10], [sflag:$0x3], $0x1C80, $0x38;
	[tilespmem:$0x19A80] =	vst v63  }
0x50: {  	_ =	swait.ge [sflag:s8], $0x1C80  }
0x51: {  	[sflag:s8] =	ssyncset.done $0x0  }
0x52: {  	s29 =	rddreg [dreg:$0x8];
	[sflag:s8] =	ssyncadd.s32 $0xFFFFE380  }
0x53: {  	[tilespmem:s3], [sflag:$0x3] =	stream.linear.gather [hbm4b:s29+s3], $0x4F00, $0x38;
	[tilespmem:$0x19A80] =	vst v63  }
0x54: {  	_ =	swait.ge [sflag:s8], $0x4F00  }
0x55: {  	[sflag:s8] =	ssyncset.done $0x0  }
0x56: {  	[sflag:s8] =	ssyncadd.s32 $0xFFFFB100  }
0x57: {  	[bflag:$0x0] =	sbarrier.arrive $0xFFFF  }
0x58: {  	[tilespmem:s14], [sflag:$0x1] =	stream.indirect.gather [hbm4b:s4+s12], $0x40, s3, s12, $0xb8;
	[tilespmem:$0x19A80] =	vst v63  }
0x59: {  	_ = 	snop  }
0x5a: {  	[tilespmem:s16], [sflag:$0x2] =	stream.indirect.gather [hbm4b:s4+s12], $0x40, s12, s12, $0xb8;
	[tilespmem:$0x19A80] =	vst v63  }
0x5b: {  	_ =	swait.ge [sflag:s17], $0x2000  }
0x5c: {  	[sflag:s17] =	ssyncset.done $0x0  }
0x5d: {  	s29 =	simm.s32 $0x4F00;
	[sflag:s17] =	ssyncadd.s32 $0xFFFFE000  }
0x5e: {  	[spmem:s2] =	stream.indirect.scatter.add.f32 [tilespmem:s14], [sflag:$0x3], $0x40, s29, s12, $0xb8;
	[tilespmem:$0x19A80] =	vst v63  }
0x5f: {  	_ =	swait.ge [sflag:s8], $0x2000  }
0x60: {  	[sflag:s8] =	ssyncset.done $0x0  }
0x61: {  	s29 =	simm.s32 $0x100;
	[sflag:s8] =	ssyncadd.s32 $0xFFFFE000  }
0x62: {  	[tilespmem:s14], [sflag:$0x1] =	stream.indirect.gather [hbm4b:s4+s12], $0x40, s29, s12, $0xb8;
	[tilespmem:$0x19A80] =	vst v63  }
0x63: {  	_ =	swait.ge [sflag:s18], $0x2000  }
0x64: {  	[sflag:s18] =	ssyncset.done $0x0  }
0x65: {  	s29 =	simm.s32 $0x4F80;
	[sflag:s18] =	ssyncadd.s32 $0xFFFFE000  }
0x66: {  	[spmem:s2] =	stream.indirect.scatter.add.f32 [tilespmem:s16], [sflag:$0x3], $0x40, s29, s12, $0xb8;
	[tilespmem:$0x19A80] =	vst v63  }
0x67: {  	_ =	swait.ge [sflag:s8], $0x2000  }
0x68: {  	[sflag:s8] =	ssyncset.done $0x0  }
0x69: {  	s26 =	simm.s32 $0x400;
	s28 =	simm.s32 $0x180;
	[sflag:s8] =	ssyncadd.s32 $0xFFFFE000  }
.LBB2_2:
0x6a: {  	[tilespmem:s16], [sflag:$0x2] =	stream.indirect.gather [hbm4b:s4+s12], $0x40, s28, s12, $0xb8;
	[tilespmem:$0x19A80] =	vst v63  }
0x6b: {  	s28 =	smov.u32 s26  }
0x6c: {  	p0 =	sne.s32 s26, $0x13400;
	s26 =	sadd.s32 $0x400, s26;
	_ =	swait.ge [sflag:s17], $0x2000  }
0x6d: {  	s28 =	sshra.s32 s28, $0x2;
	[sflag:s17] =	ssyncset.done $0x0  }
0x6e: {  	s29 =	sadd.s32 $0x4F00, s28;
	[sflag:s17] =	ssyncadd.s32 $0xFFFFE000  }
0x6f: {  	[spmem:s2] =	stream.indirect.scatter.add.f32 [tilespmem:s14], [sflag:$0x3], $0x40, s29, s12, $0xb8;
	[tilespmem:$0x19A80] =	vst v63  }
0x70: {  	_ =	swait.ge [sflag:s8], $0x2000  }
0x71: {  	[sflag:s8] =	ssyncset.done $0x0  }
0x72: {  	s29 =	sadd.s32 $0x100, s28;
	[sflag:s8] =	ssyncadd.s32 $0xFFFFE000  }
0x73: {  	[tilespmem:s14], [sflag:$0x1] =	stream.indirect.gather [hbm4b:s4+s12], $0x40, s29, s12, $0xb8;
	[tilespmem:$0x19A80] =	vst v63  }
0x74: {  	_ =	swait.ge [sflag:s18], $0x2000  }
0x75: {  	[sflag:s18] =	ssyncset.done $0x0  }
.Ltmp0:
0x76: {  	s29 =	sadd.s32 $0x4F80, s28;
	[sflag:s18] =	ssyncadd.s32 $0xFFFFE000;
	(pc) =	sbr.rel @p0 .LBB2_2-.Ltmp0, $4  }
0x77: {  	[spmem:s2] =	stream.indirect.scatter.add.f32 [tilespmem:s16], [sflag:$0x3], $0x40, s29, s12, $0xb8;
	[tilespmem:$0x19A80] =	vst v63  }
0x78: {  	_ =	swait.ge [sflag:s8], $0x2000  }
0x79: {  	[sflag:s8] =	ssyncset.done $0x0  }
0x7a: {  	s28 =	sadd.s32 $0x180, s28;
	[sflag:s8] =	ssyncadd.s32 $0xFFFFE000  }
0x7b: {  	[tilespmem:s16], [sflag:$0x2] =	stream.indirect.gather [hbm4b:s4+s12], $0x40, s28, s12, $0xb8;
	[tilespmem:$0x19A80] =	vst v63  }
0x7c: {  	_ =	swait.ge [sflag:s17], $0x2000  }
0x7d: {  	[sflag:s17] =	ssyncset.done $0x0  }
0x7e: {  	[sflag:s17] =	ssyncadd.s32 $0xFFFFE000  }
0x7f: {  	[spmem:s2] =	stream.indirect.scatter.add.f32 [tilespmem:s14], [sflag:$0x3], $0x40, s22, s12, $0xb8;
	[tilespmem:$0x19A80] =	vst v63  }
0x80: {  	_ =	swait.ge [sflag:s8], $0x2000  }
0x81: {  	[sflag:s8] =	ssyncset.done $0x0  }
0x82: {  	[sflag:s8] =	ssyncadd.s32 $0xFFFFE000  }
0x83: {  	_ =	swait.ge [sflag:s18], $0x2000  }
0x84: {  	[sflag:s18] =	ssyncset.done $0x0  }
0x85: {  	[sflag:s18] =	ssyncadd.s32 $0xFFFFE000  }
0x86: {  	[spmem:s2] =	stream.indirect.scatter.add.f32 [tilespmem:s16], [sflag:$0x3], $0x40, s23, s12, $0xb8;
	[tilespmem:$0x19A80] =	vst v63  }
0x87: {  	_ =	swait.ge [sflag:s8], $0x2000  }
0x88: {  	[sflag:s8] =	ssyncset.done $0x0  }
0x89: {  	[sflag:s8] =	ssyncadd.s32 $0xFFFFE000  }
0x8a: {  	[bflag:$0x0] =	sbarrier.arrive $0xFFFF  }
0x8b: {  	[tilespmem:s10], [sflag:$0x3] =	stream.linear.gather [spmem:s7], $0x2000, $0x38;
	[tilespmem:$0x19A80] =	vst v63  }
0x8c: {  	_ =	swait.ge [sflag:s8], $0x2000  }
0x8d: {  	[sflag:s8] =	ssyncset.done $0x0  }
0x8e: {  	[sflag:s8] =	ssyncadd.s32 $0xFFFFE000  }
0x8f: {  	[hbm4b:s30+s24] =	stream.strided.scatter [tilespmem:s10], [sflag:$0x3], $0x2000, s12, s24, $0x38;
	[tilespmem:$0x19A80] =	vst v63  }
0x90: {  	_ =	swait.ge [sflag:s8], $0x2000  }
0x91: {  	[sflag:s8] =	ssyncset.done $0x0  }
0x92: {  	[sflag:s8] =	ssyncadd.s32 $0xFFFFE000  }
0x93: {  	[tilespmem:s10], [sflag:$0x3] =	stream.linear.gather [spmem:s9], $0x2000, $0x38;
	[tilespmem:$0x19A80] =	vst v63  }
0x94: {  	_ =	swait.ge [sflag:s8], $0x2000  }
0x95: {  	[sflag:s8] =	ssyncset.done $0x0  }
0x96: {  	[sflag:s8] =	ssyncadd.s32 $0xFFFFE000  }
0x97: {  	[hbm4b:s31+s24] =	stream.strided.scatter [tilespmem:s10], [sflag:$0x3], $0x2000, s12, s24, $0x38;
	[tilespmem:$0x19A80] =	vst v63  }
0x98: {  	_ =	swait.ge [sflag:s8], $0x2000  }
0x99: {  	[sflag:s8] =	ssyncset.done $0x0  }
0x9a: {  	[sflag:s8] =	ssyncadd.s32 $0xFFFFE000  }
0x9b: {  	[tilespmem:s10], [sflag:$0x3] =	stream.linear.gather [spmem:s11], $0x2000, $0x38;
	[tilespmem:$0x19A80] =	vst v63  }
0x9c: {  	_ =	swait.ge [sflag:s8], $0x2000  }
0x9d: {  	[sflag:s8] =	ssyncset.done $0x0  }
0x9e: {  	[sflag:s8] =	ssyncadd.s32 $0xFFFFE000  }
0x9f: {  	[hbm4b:s19+s24] =	stream.strided.scatter [tilespmem:s10], [sflag:$0x3], $0x2000, s12, s24, $0x38;
	[tilespmem:$0x19A80] =	vst v63  }
0xa0: {  	_ =	swait.ge [sflag:s8], $0x2000  }
0xa1: {  	[sflag:s8] =	ssyncset.done $0x0  }
0xa2: {  	[sflag:s8] =	ssyncadd.s32 $0xFFFFE000  }
0xa3: {  	[tilespmem:s10], [sflag:$0x3] =	stream.linear.gather [spmem:s13], $0x2000, $0x38;
	[tilespmem:$0x19A80] =	vst v63  }
0xa4: {  	_ =	swait.ge [sflag:s8], $0x2000  }
0xa5: {  	[sflag:s8] =	ssyncset.done $0x0  }
0xa6: {  	[sflag:s8] =	ssyncadd.s32 $0xFFFFE000  }
0xa7: {  	[hbm4b:s20+s24] =	stream.strided.scatter [tilespmem:s10], [sflag:$0x3], $0x2000, s12, s24, $0x38;
	[tilespmem:$0x19A80] =	vst v63  }
0xa8: {  	_ =	swait.ge [sflag:s8], $0x2000  }
0xa9: {  	[sflag:s8] =	ssyncset.done $0x0  }
0xaa: {  	[sflag:s8] =	ssyncadd.s32 $0xFFFFE000  }
0xab: {  	[tilespmem:s10], [sflag:$0x3] =	stream.linear.gather [spmem:s15], $0x1C80, $0x38;
	[tilespmem:$0x19A80] =	vst v63  }
0xac: {  	_ =	swait.ge [sflag:s8], $0x1C80  }
0xad: {  	[sflag:s8] =	ssyncset.done $0x0  }
0xae: {  	[sflag:s8] =	ssyncadd.s32 $0xFFFFE380  }
0xaf: {  	[hbm4b:s21+s24] =	stream.strided.scatter [tilespmem:s10], [sflag:$0x3], $0x1C80, s12, s24, $0x38;
	[tilespmem:$0x19A80] =	vst v63  }
0xb0: {  	_ =	swait.ge [sflag:s8], $0x1C80  }
0xb1: {  	[sflag:s8] =	ssyncset.done $0x0  }
0xb2: {  	s26 =	simm.s32 $0x0;
	s28 =	rddreg [dreg:$0x9];
	[sflag:s8] =	ssyncadd.s32 $0xFFFFE380  }
0xb3: {  	[tilespmem:s10], [sflag:$0x3] =	stream.linear.gather [hbm4b:s28+s26], $0x2000, $0x38;
	[tilespmem:$0x19A80] =	vst v63  }
0xb4: {  	_ =	swait.ge [sflag:s8], $0x2000  }
0xb5: {  	[sflag:s8] =	ssyncset.done $0x0  }
0xb6: {  	[sflag:s8] =	ssyncadd.s32 $0xFFFFE000  }
0xb7: {  	[spmem:s7] =	stream.linear.scatter [tilespmem:s10], [sflag:$0x3], $0x2000, $0x38;
	[tilespmem:$0x19A80] =	vst v63  }
0xb8: {  	_ =	swait.ge [sflag:s8], $0x2000  }
0xb9: {  	[sflag:s8] =	ssyncset.done $0x0  }
0xba: {  	s28 =	rddreg [dreg:$0xa];
	[sflag:s8] =	ssyncadd.s32 $0xFFFFE000  }
0xbb: {  	[tilespmem:s10], [sflag:$0x3] =	stream.linear.gather [hbm4b:s28+s26], $0x2000, $0x38;
	[tilespmem:$0x19A80] =	vst v63  }
0xbc: {  	_ =	swait.ge [sflag:s8], $0x2000  }
0xbd: {  	[sflag:s8] =	ssyncset.done $0x0  }
0xbe: {  	[sflag:s8] =	ssyncadd.s32 $0xFFFFE000  }
0xbf: {  	[spmem:s9] =	stream.linear.scatter [tilespmem:s10], [sflag:$0x3], $0x2000, $0x38;
	[tilespmem:$0x19A80] =	vst v63  }
0xc0: {  	_ =	swait.ge [sflag:s8], $0x2000  }
0xc1: {  	[sflag:s8] =	ssyncset.done $0x0  }
0xc2: {  	s28 =	rddreg [dreg:$0xd];
	[sflag:s8] =	ssyncadd.s32 $0xFFFFE000  }
0xc3: {  	[tilespmem:s10], [sflag:$0x3] =	stream.linear.gather [hbm4b:s28+s26], $0x2000, $0x38;
	[tilespmem:$0x19A80] =	vst v63  }
0xc4: {  	_ =	swait.ge [sflag:s8], $0x2000  }
0xc5: {  	[sflag:s8] =	ssyncset.done $0x0  }
0xc6: {  	[sflag:s8] =	ssyncadd.s32 $0xFFFFE000  }
0xc7: {  	[spmem:s11] =	stream.linear.scatter [tilespmem:s10], [sflag:$0x3], $0x2000, $0x38;
	[tilespmem:$0x19A80] =	vst v63  }
0xc8: {  	_ =	swait.ge [sflag:s8], $0x2000  }
0xc9: {  	[sflag:s8] =	ssyncset.done $0x0  }
0xca: {  	s28 =	rddreg [dreg:$0xe];
	[sflag:s8] =	ssyncadd.s32 $0xFFFFE000  }
0xcb: {  	[tilespmem:s10], [sflag:$0x3] =	stream.linear.gather [hbm4b:s28+s26], $0x2000, $0x38;
	[tilespmem:$0x19A80] =	vst v63  }
0xcc: {  	_ =	swait.ge [sflag:s8], $0x2000  }
0xcd: {  	[sflag:s8] =	ssyncset.done $0x0  }
0xce: {  	[sflag:s8] =	ssyncadd.s32 $0xFFFFE000  }
0xcf: {  	[spmem:s13] =	stream.linear.scatter [tilespmem:s10], [sflag:$0x3], $0x2000, $0x38;
	[tilespmem:$0x19A80] =	vst v63  }
0xd0: {  	_ =	swait.ge [sflag:s8], $0x2000  }
0xd1: {  	[sflag:s8] =	ssyncset.done $0x0  }
0xd2: {  	s28 =	rddreg [dreg:$0xf];
	[sflag:s8] =	ssyncadd.s32 $0xFFFFE000  }
0xd3: {  	[tilespmem:s10], [sflag:$0x3] =	stream.linear.gather [hbm4b:s28+s26], $0x1C80, $0x38;
	[tilespmem:$0x19A80] =	vst v63  }
0xd4: {  	_ =	swait.ge [sflag:s8], $0x1C80  }
0xd5: {  	[sflag:s8] =	ssyncset.done $0x0  }
0xd6: {  	[sflag:s8] =	ssyncadd.s32 $0xFFFFE380  }
0xd7: {  	[spmem:s15] =	stream.linear.scatter [tilespmem:s10], [sflag:$0x3], $0x1C80, $0x38;
	[tilespmem:$0x19A80] =	vst v63  }
0xd8: {  	_ =	swait.ge [sflag:s8], $0x1C80  }
0xd9: {  	[sflag:s8] =	ssyncset.done $0x0  }
0xda: {  	s28 =	rddreg [dreg:$0xb];
	[sflag:s8] =	ssyncadd.s32 $0xFFFFE380  }
0xdb: {  	[tilespmem:s26], [sflag:$0x3] =	stream.linear.gather [hbm4b:s28+s26], $0x4F00, $0x38;
	[tilespmem:$0x19A80] =	vst v63  }
0xdc: {  	_ =	swait.ge [sflag:s8], $0x4F00  }
0xdd: {  	[sflag:s8] =	ssyncset.done $0x0  }
0xde: {  	[sflag:s8] =	ssyncadd.s32 $0xFFFFB100  }
0xdf: {  	[bflag:$0x0] =	sbarrier.arrive $0xFFFF  }
0xe0: {  	[tilespmem:s14], [sflag:$0x1] =	stream.indirect.gather [hbm4b:s4+s12], $0x40, s26, s12, $0xb8;
	[tilespmem:$0x19A80] =	vst v63  }
0xe1: {  	_ = 	snop  }
0xe2: {  	[tilespmem:s16], [sflag:$0x2] =	stream.indirect.gather [hbm4b:s4+s12], $0x40, s12, s12, $0xb8;
	[tilespmem:$0x19A80] =	vst v63  }
0xe3: {  	_ =	swait.ge [sflag:s17], $0x2000  }
0xe4: {  	[sflag:s17] =	ssyncset.done $0x0  }
0xe5: {  	s29 =	simm.s32 $0x4F00;
	[sflag:s17] =	ssyncadd.s32 $0xFFFFE000  }
0xe6: {  	[spmem:s2] =	stream.indirect.scatter.add.f32 [tilespmem:s14], [sflag:$0x3], $0x40, s29, s12, $0xb8;
	[tilespmem:$0x19A80] =	vst v63  }
0xe7: {  	_ =	swait.ge [sflag:s8], $0x2000  }
0xe8: {  	[sflag:s8] =	ssyncset.done $0x0  }
0xe9: {  	s29 =	simm.s32 $0x100;
	[sflag:s8] =	ssyncadd.s32 $0xFFFFE000  }
0xea: {  	[tilespmem:s14], [sflag:$0x1] =	stream.indirect.gather [hbm4b:s4+s12], $0x40, s29, s12, $0xb8;
	[tilespmem:$0x19A80] =	vst v63  }
0xeb: {  	_ =	swait.ge [sflag:s18], $0x2000  }
0xec: {  	[sflag:s18] =	ssyncset.done $0x0  }
0xed: {  	s29 =	simm.s32 $0x4F80;
	[sflag:s18] =	ssyncadd.s32 $0xFFFFE000  }
0xee: {  	[spmem:s2] =	stream.indirect.scatter.add.f32 [tilespmem:s16], [sflag:$0x3], $0x40, s29, s12, $0xb8;
	[tilespmem:$0x19A80] =	vst v63  }
0xef: {  	_ =	swait.ge [sflag:s8], $0x2000  }
0xf0: {  	[sflag:s8] =	ssyncset.done $0x0  }
0xf1: {  	s28 =	simm.s32 $0x180;
	s26 =	simm.s32 $0x400;
	[sflag:s8] =	ssyncadd.s32 $0xFFFFE000  }
.LBB2_4:
0xf2: {  	[tilespmem:s16], [sflag:$0x2] =	stream.indirect.gather [hbm4b:s4+s12], $0x40, s28, s12, $0xb8;
	[tilespmem:$0x19A80] =	vst v63  }
0xf3: {  	s28 =	smov.u32 s26  }
0xf4: {  	p0 =	sne.s32 s26, $0x13400;
	s26 =	sadd.s32 $0x400, s26;
	_ =	swait.ge [sflag:s17], $0x2000  }
0xf5: {  	s28 =	sshra.s32 s28, $0x2;
	[sflag:s17] =	ssyncset.done $0x0  }
0xf6: {  	s29 =	sadd.s32 $0x4F00, s28;
	[sflag:s17] =	ssyncadd.s32 $0xFFFFE000  }
0xf7: {  	[spmem:s2] =	stream.indirect.scatter.add.f32 [tilespmem:s14], [sflag:$0x3], $0x40, s29, s12, $0xb8;
	[tilespmem:$0x19A80] =	vst v63  }
0xf8: {  	_ =	swait.ge [sflag:s8], $0x2000  }
0xf9: {  	[sflag:s8] =	ssyncset.done $0x0  }
0xfa: {  	s29 =	sadd.s32 $0x100, s28;
	[sflag:s8] =	ssyncadd.s32 $0xFFFFE000  }
0xfb: {  	[tilespmem:s14], [sflag:$0x1] =	stream.indirect.gather [hbm4b:s4+s12], $0x40, s29, s12, $0xb8;
	[tilespmem:$0x19A80] =	vst v63  }
0xfc: {  	_ =	swait.ge [sflag:s18], $0x2000  }
0xfd: {  	[sflag:s18] =	ssyncset.done $0x0  }
.Ltmp1:
0xfe: {  	s29 =	sadd.s32 $0x4F80, s28;
	[sflag:s18] =	ssyncadd.s32 $0xFFFFE000;
	(pc) =	sbr.rel @p0 .LBB2_4-.Ltmp1, $4  }
0xff: {  	[spmem:s2] =	stream.indirect.scatter.add.f32 [tilespmem:s16], [sflag:$0x3], $0x40, s29, s12, $0xb8;
	[tilespmem:$0x19A80] =	vst v63  }
0x100: {  	_ =	swait.ge [sflag:s8], $0x2000  }
0x101: {  	[sflag:s8] =	ssyncset.done $0x0  }
0x102: {  	s28 =	sadd.s32 $0x180, s28;
	[sflag:s8] =	ssyncadd.s32 $0xFFFFE000  }
0x103: {  	[tilespmem:s16], [sflag:$0x2] =	stream.indirect.gather [hbm4b:s4+s12], $0x40, s28, s12, $0xb8;
	[tilespmem:$0x19A80] =	vst v63  }
0x104: {  	_ =	swait.ge [sflag:s17], $0x2000  }
0x105: {  	[sflag:s17] =	ssyncset.done $0x0  }
0x106: {  	[sflag:s17] =	ssyncadd.s32 $0xFFFFE000  }
0x107: {  	[spmem:s2] =	stream.indirect.scatter.add.f32 [tilespmem:s14], [sflag:$0x3], $0x40, s22, s12, $0xb8;
	[tilespmem:$0x19A80] =	vst v63  }
0x108: {  	_ =	swait.ge [sflag:s8], $0x2000  }
0x109: {  	[sflag:s8] =	ssyncset.done $0x0  }
0x10a: {  	[sflag:s8] =	ssyncadd.s32 $0xFFFFE000  }
0x10b: {  	_ =	swait.ge [sflag:s18], $0x2000  }
0x10c: {  	[sflag:s18] =	ssyncset.done $0x0  }
0x10d: {  	[sflag:s18] =	ssyncadd.s32 $0xFFFFE000  }
0x10e: {  	[spmem:s2] =	stream.indirect.scatter.add.f32 [tilespmem:s16], [sflag:$0x3], $0x40, s23, s12, $0xb8;
	[tilespmem:$0x19A80] =	vst v63  }
0x10f: {  	_ =	swait.ge [sflag:s8], $0x2000  }
0x110: {  	[sflag:s8] =	ssyncset.done $0x0  }
0x111: {  	[sflag:s8] =	ssyncadd.s32 $0xFFFFE000  }
0x112: {  	[bflag:$0x0] =	sbarrier.arrive $0xFFFF  }
0x113: {  	[tilespmem:s10], [sflag:$0x3] =	stream.linear.gather [spmem:s7], $0x2000, $0x38;
	[tilespmem:$0x19A80] =	vst v63  }
0x114: {  	_ =	swait.ge [sflag:s8], $0x2000  }
0x115: {  	[sflag:s8] =	ssyncset.done $0x0  }
0x116: {  	s26 =	rddreg [dreg:$0x10];
	[sflag:s8] =	ssyncadd.s32 $0xFFFFE000  }
0x117: {  	[hbm4b:s26+s24] =	stream.strided.scatter [tilespmem:s10], [sflag:$0x3], $0x2000, s12, s24, $0x38;
	[tilespmem:$0x19A80] =	vst v63  }
0x118: {  	_ =	swait.ge [sflag:s8], $0x2000  }
0x119: {  	[sflag:s8] =	ssyncset.done $0x0  }
0x11a: {  	[sflag:s8] =	ssyncadd.s32 $0xFFFFE000  }
0x11b: {  	[tilespmem:s10], [sflag:$0x3] =	stream.linear.gather [spmem:s9], $0x2000, $0x38;
	[tilespmem:$0x19A80] =	vst v63  }
0x11c: {  	_ =	swait.ge [sflag:s8], $0x2000  }
0x11d: {  	[sflag:s8] =	ssyncset.done $0x0  }
0x11e: {  	s28 =	rddreg [dreg:$0x11];
	[sflag:s8] =	ssyncadd.s32 $0xFFFFE000  }
0x11f: {  	[hbm4b:s28+s24] =	stream.strided.scatter [tilespmem:s10], [sflag:$0x3], $0x2000, s12, s24, $0x38;
	[tilespmem:$0x19A80] =	vst v63  }
0x120: {  	_ =	swait.ge [sflag:s8], $0x2000  }
0x121: {  	[sflag:s8] =	ssyncset.done $0x0  }
0x122: {  	[sflag:s8] =	ssyncadd.s32 $0xFFFFE000  }
0x123: {  	[tilespmem:s10], [sflag:$0x3] =	stream.linear.gather [spmem:s11], $0x2000, $0x38;
	[tilespmem:$0x19A80] =	vst v63  }
0x124: {  	_ =	swait.ge [sflag:s8], $0x2000  }
0x125: {  	[sflag:s8] =	ssyncset.done $0x0  }
0x126: {  	[sflag:s8] =	ssyncadd.s32 $0xFFFFE000  }
0x127: {  	[hbm4b:s0+s24] =	stream.strided.scatter [tilespmem:s10], [sflag:$0x3], $0x2000, s12, s24, $0x38;
	[tilespmem:$0x19A80] =	vst v63  }
0x128: {  	_ =	swait.ge [sflag:s8], $0x2000  }
0x129: {  	[sflag:s8] =	ssyncset.done $0x0  }
0x12a: {  	[sflag:s8] =	ssyncadd.s32 $0xFFFFE000  }
0x12b: {  	[tilespmem:s10], [sflag:$0x3] =	stream.linear.gather [spmem:s13], $0x2000, $0x38;
	[tilespmem:$0x19A80] =	vst v63  }
0x12c: {  	_ =	swait.ge [sflag:s8], $0x2000  }
0x12d: {  	[sflag:s8] =	ssyncset.done $0x0  }
0x12e: {  	[sflag:s8] =	ssyncadd.s32 $0xFFFFE000  }
0x12f: {  	[hbm4b:s1+s24] =	stream.strided.scatter [tilespmem:s10], [sflag:$0x3], $0x2000, s12, s24, $0x38;
	[tilespmem:$0x19A80] =	vst v63  }
0x130: {  	_ =	swait.ge [sflag:s8], $0x2000  }
0x131: {  	[sflag:s8] =	ssyncset.done $0x0  }
0x132: {  	[sflag:s8] =	ssyncadd.s32 $0xFFFFE000  }
0x133: {  	[tilespmem:s10], [sflag:$0x3] =	stream.linear.gather [spmem:s15], $0x1C80, $0x38;
	[tilespmem:$0x19A80] =	vst v63  }
0x134: {  	_ =	swait.ge [sflag:s8], $0x1C80  }
0x135: {  	[sflag:s8] =	ssyncset.done $0x0  }
0x136: {  	[sflag:s8] =	ssyncadd.s32 $0xFFFFE380  }
0x137: {  	[hbm4b:s5+s24] =	stream.strided.scatter [tilespmem:s10], [sflag:$0x3], $0x1C80, s12, s24, $0x38;
	[tilespmem:$0x19A80] =	vst v63  }
0x138: {  	_ =	swait.ge [sflag:s8], $0x1C80  }
0x139: {  	s25 =	sadd.s32 $0x1, s25;
	s29 =	rddreg [dreg:$0xc]  }
0x13a: {  	p0 =	sne.s32 s25, s29  }
.Ltmp2:
0x13b: {  	_ = 	snop;
	(pc) =	sbr.rel @p0 .LBB2_1-.Ltmp2, $3  }
0x13c: {  	_ =	sdelay $0x1  }
0x13d: {  	[sflag:s8] =	ssyncset.done $0x0  }
0x13e: {  	[sflag:s8] =	ssyncadd.s32 $0xFFFFE380  }
0x13f: {  	_ =	sfence.sel $0x180000  }
0x140: {  	[bflag:$0x0] =	sbarrier.arrive $0xFFFF  }
0x141: {  	_ =	strace $0x9000004D  }
0x142: {  	s0 =	stileid.u32;
	[bflag:$0x2] =	sbarrier.arrive $0xFFFF  }
0x143: {  	p0 =	sne.s32 s0, $0x0;
	s0 =	rddreg [dreg:$0x2]  }
0x144: {  	s0 =	sadd.s32 @!p0 $0x100000, s0  }
0x145: {  	[sflag:s0] =	ssyncadd.tile.s32 @!p0 $0x1;
	_ =	shalt  }
.Lfunc_end2:
_tile_overlayer_lowered:
.L_overlay_start_2:
0x146: {  	(tag) =	ssettag $0x2  }
0x147: {  	s0 =	rddreg [dreg:$0x0];
	s2 =	stileid.u32  }
0x148: {  	s1 =	rddreg [dreg:$0x1];
	p0 =	sne.s32 s2, $0x0  }
0x149: {  	s3 =	rddreg [dreg:$0x2];
	[bflag:$0x3] =	sbarrier.arrive $0xFFFF;
	s2 =	simm.s32 @!p0 $0x1C03  }
0x14a: {  	[timem:s3], [sflag:s2] =	dma.local @!p0 [hbm:s0], s1  }
0x14b: {  	s0 =	simm.s32 @!p0 $0x3  }
0x14c: {  	_ =	swait.ge @!p0 [sflag:s0], s1  }
0x14d: {  	s1 =	ssub.s32 @!p0 $0x0, s1;
	[sflag:s0] =	ssyncset.done @!p0 $0x0  }
0x14e: {  	[sflag:s0] =	ssyncadd.s32 @!p0 s1  }
0x14f: {  	[bflag:$0x3] =	sbarrier.arrive $0xFFFF  }
0x150: {  	_ =	shalt  }

// kernel: kernel.8.cloned.1.call-start
scs
__scs_entry_jumppad:
0x0: {  	(pc) =	sbr.rel $0x88, $3  }
0x1: {  	(tag) =	ssettag $0x0;
	lr =	simm.s32 $0x1  }
0x2: {  	[smem:$0x3F8B] =	sst lr;
	_ =	strace $0xD0000000  }
0x3: {  	_ = 	snop  }
0x4: {  	_ = 	snop  }
0x5: {  	_ = 	snop  }
0x6: {  	_ = 	snop  }
0x7: {  	_ = 	snop  }
__scs_overlays_trampoline_lowered:
0x8: {  	[smem:$0x3F9A] =	sst s0  }
0x9: {  	[smem:$0x3F9B] =	sst s1  }
0xa: {  	[smem:$0x3F9C] =	sst s2  }
0xb: {  	[smem:$0x3F9D] =	sst s3  }
0xc: {  	[smem:$0x3F9E] =	sst s4  }
0xd: {  	[smem:$0x3F9F] =	sst s5  }
0xe: {  	[smem:$0x3FA0] =	sst s6  }
0xf: {  	[smem:$0x3FA1] =	sst s7  }
0x10: {  	[smem:$0x3FA2] =	sst s8  }
0x11: {  	[smem:$0x3FA3] =	sst s9;
	s0 =	simm.s32 @!p0 $0x0  }
0x12: {  	s1 =	sld [smem:$0x3F89];
	s0 =	simm.s32 @p0 $0x1  }
0x13: {  	[smem:$0x3FA4] =	sst s0;
	s0 =	simm.s32 @!p1 $0x0  }
0x14: {  	s2 =	sld [smem:$0x3F88];
	s0 =	simm.s32 @p1 $0x1  }
0x15: {  	[smem:$0x3FA5] =	sst s0;
	s0 =	simm.s32 @!p2 $0x0  }
0x16: {  	s3 =	sld [smem:$0x3FDB];
	s0 =	simm.s32 @p2 $0x1  }
0x17: {  	s4 =	simm.s32 $0x1BF5;
	[smem:$0x3FA7] =	sst s0  }
0x18: {  	s0 =	sld [smem:$0x3F8A];
	_ =	swait.ge [sflag:s4], $0x0  }
0x19: {  	s7 =	sld [smem:$0x3F8B]  }
0x1a: {  	s8 =	sadd.s32 $0xFFFFE003, lr  }
0x1b: {  	s9 =	sadd.s32 $0xFFFFFEF7, lr;
	s5 =	simm.s32 $0xFFFFFFFF;
	p2 =	slt.u32 s8, $0xFFFFF086  }
0x1c: {  	p1 =	slt.u32 s9, $0xF7A;
	s5 =	simm.s32 @!p2 $0x0  }
0x1d: {  	s5 =	simm.s32 @p1 $0x1;
	p0 =	seq.s32 s7, s2  }
0x1e: {  	s7 =	smul.u32 @!p0 $0xF7A, s2;
	p2 =	seq.s32 @!p0 s5, $0x0  }
0x1f: {  	s9 =	smul.u32 $0xF7A, s1;
	s8 =	simm.s32 @!p0 $0x1BF5;
	p2 =	por !p2, p0  }
0x20: {  	[sflag:s8] =	ssyncset.s32 @!p0 $0xFFFFF086;
	s6 =	sadd.s32 @!p0 s3, s7;
	s7 =	simm.s32 @!p0 $0x108  }
0x21: {  	s3 =	sadd.s32 s3, s9;
	s6 =	sadd.s32 @!p0 $0x88, s6;
	s7 =	simm.s32 @p2 $0x1082  }
0x22: {  	[simem:s7], [sflag:s8] =	dma.local @!p0 [hbm:s6], $0xF7A  }
0x23: {  	s9 =	sor.u32 $0xD0000000, s2;
	s6 =	simm.s32 $0x108;
	_ =	swait.ge @!p0 [sflag:s8], $0x0  }
0x24: {  	s3 =	sadd.s32 $0x88, s3;
	s6 =	simm.s32 @!p1 $0x1082;
	[sflag:s4] =	ssyncset.s32 $0xFFFFF086  }
0x25: {  	[simem:s6], [sflag:s4] =	dma.local [hbm:s3], $0xF7A  }
0x26: {  	[smem:$0x3F8B] =	sst s1;
	(tag) =	ssettag s2;
	_ =	strace s9  }
0x27: {  	s1 =	sld [smem:$0x3F9B]  }
0x28: {  	s2 =	sld [smem:$0x3F9C]  }
0x29: {  	s4 =	sld [smem:$0x3F9E]  }
0x2a: {  	p0 =	seq.s32 s5, $0x0;
	s5 =	sld [smem:$0x3F9F]  }
0x2b: {  	s6 =	sld [smem:$0x3FA0]  }
0x2c: {  	s7 =	sld [smem:$0x3FA1]  }
0x2d: {  	s3 =	simm.s32 $0x108;
	s8 =	sld [smem:$0x3FA2]  }
0x2e: {  	s3 =	simm.s32 @!p0 $0x1082;
	s9 =	sld [smem:$0x3FA3]  }
0x2f: {  	lr =	sadd.s32 s0, s3;
	s0 =	sld [smem:$0x3F9A]  }
0x30: {  	s3 =	sld [smem:$0x3F9D]  }
0x31: {  	[smem:$0x3FA6] =	sst s10  }
0x32: {  	s10 =	sld [smem:$0x3FA4];
	_ =	sdelay $0x3  }
0x33: {  	p0 =	seq.s32 s10, $0x1;
	s10 =	sld [smem:$0x3FA6];
	_ =	sdelay $0x3  }
0x34: {  	[smem:$0x3FA6] =	sst s10  }
0x35: {  	s10 =	sld [smem:$0x3FA5];
	_ =	sdelay $0x3  }
0x36: {  	p1 =	seq.s32 s10, $0x1;
	s10 =	sld [smem:$0x3FA6];
	_ =	sdelay $0x3  }
0x37: {  	[smem:$0x3FA6] =	sst s10  }
0x38: {  	s10 =	sld [smem:$0x3FA7]  }
0x39: {  	_ = 	snop;
	(pc) =	sbr.ind lr, $3  }
0x3a: {  	_ = 	snop  }
0x3b: {  	_ = 	snop  }
0x3c: {  	p2 =	seq.s32 s10, $0x1;
	s10 =	sld [smem:$0x3FA6]  }
0x3d: {  	_ =	shalt  }
0x3e: {  	_ =	shalt  }
0x3f: {  	_ =	shalt  }
0x40: {  	_ =	shalt  }
0x41: {  	_ =	shalt  }
0x42: {  	_ =	shalt  }
0x43: {  	_ =	shalt  }
0x44: {  	_ =	shalt  }
0x45: {  	_ =	shalt  }
0x46: {  	_ =	shalt  }
0x47: {  	_ =	shalt  }
0x48: {  	_ =	shalt  }
0x49: {  	_ =	shalt  }
0x4a: {  	_ =	shalt  }
0x4b: {  	_ =	shalt  }
0x4c: {  	_ =	shalt  }
0x4d: {  	_ =	shalt  }
0x4e: {  	_ =	shalt  }
0x4f: {  	_ =	shalt  }
0x50: {  	_ =	shalt  }
0x51: {  	_ =	shalt  }
0x52: {  	_ =	shalt  }
0x53: {  	_ =	shalt  }
0x54: {  	_ =	shalt  }
0x55: {  	_ =	shalt  }
0x56: {  	_ =	shalt  }
0x57: {  	_ =	shalt  }
0x58: {  	_ =	shalt  }
0x59: {  	_ =	shalt  }
0x5a: {  	_ =	shalt  }
0x5b: {  	_ =	shalt  }
0x5c: {  	_ =	shalt  }
0x5d: {  	_ =	shalt  }
0x5e: {  	_ =	shalt  }
0x5f: {  	_ =	shalt  }
0x60: {  	_ =	shalt  }
0x61: {  	_ =	shalt  }
0x62: {  	_ =	shalt  }
0x63: {  	_ =	shalt  }
0x64: {  	_ =	shalt  }
0x65: {  	_ =	shalt  }
0x66: {  	_ =	shalt  }
0x67: {  	_ =	shalt  }
0x68: {  	_ =	shalt  }
0x69: {  	_ =	shalt  }
0x6a: {  	_ =	shalt  }
0x6b: {  	_ =	shalt  }
0x6c: {  	_ =	shalt  }
0x6d: {  	_ =	shalt  }
0x6e: {  	_ =	shalt  }
0x6f: {  	_ =	shalt  }
0x70: {  	_ =	shalt  }
0x71: {  	_ =	shalt  }
0x72: {  	_ =	shalt  }
0x73: {  	_ =	shalt  }
0x74: {  	_ =	shalt  }
0x75: {  	_ =	shalt  }
0x76: {  	_ =	shalt  }
0x77: {  	_ =	shalt  }
0x78: {  	_ =	shalt  }
0x79: {  	_ =	shalt  }
0x7a: {  	_ =	shalt  }
0x7b: {  	_ =	shalt  }
0x7c: {  	_ =	shalt  }
0x7d: {  	_ =	shalt  }
0x7e: {  	_ =	shalt  }
0x7f: {  	_ =	shalt  }
0x80: {  	_ =	shalt  }
0x81: {  	_ =	shalt  }
0x82: {  	_ =	shalt  }
0x83: {  	_ =	shalt  }
0x84: {  	_ =	shalt  }
0x85: {  	_ =	shalt  }
0x86: {  	_ =	shalt  }
0x87: {  	_ =	shalt  }
.Lfunc_end0:
.L_simem_size_0:
called_computation_lowered:
.L_overlay_start_0:
0x88: {  	s2 =	sld [smem:$0x3FD9]  }
0x89: {  	s3 =	sld [smem:$0x3FFE];
	_ =	sdelay $0x1  }
0x8a: {  	s1 =	srdreg.scid  }
0x8b: {  	s0 =	sand.u32 $0x1, s1  }
0x8c: {  	s16 =	sshll.u32 s0, $0xA;
	s2 =	sadd.s32 s3, s2  }
0x8d: {  	s2 =	sadd.s32 s2, s16  }
0x8e: {  	[smem:$0x3FB2] =	sst s2  }
0x8f: {  	_ = 	snop  }
0x90: {  	(tm) =	ssettm $0x1  }
0x91: {  	s17 =	sld [smem:$0x3FFB];
	_ =	sdelay $0x3  }
0x92: {  	_ =	strace s17  }
0x93: {  	s2 =	sld [smem:$0x3FFC];
	_ =	sdelay $0x3  }
0x94: {  	_ =	strace s2  }
0x95: {  	s2 =	sld [smem:$0x3FFD];
	_ =	sdelay $0x3  }
0x96: {  	_ =	strace s2  }
0x97: {  	_ =	strace $0x8FFFFFFF  }
0x98: {  	s18 =	sld [smem:$0x3FDB];
	_ =	sdelay $0x1  }
0x99: {  	s19 =	simm.s32 $_scs_section_size  }
0x9a: {  	s4 =	simm.s32 $_size__tile_overlayer_lowered;
	s5 =	simm.s32 $_tile_overlayer_lowered  }
0x9b: {  	s22 =	simm.s32 $0x1BFF;
	s21 =	sshll.u32 s5, $0x1;
	s2 =	sadd.s32 s19, s18  }
0x9c: {  	s6 =	simm.s32 $0x0;
	s20 =	sshll.u32 s4, $0x1;
	s4 =	sadd.s32 s21, s2  }
0x9d: {  	[timem:s6], [sflag:s22] =	dma.local [hbm:s4], s20  }
0x9e: {  	_ =	swait.ge [sflag:s22], s20  }
0x9f: {  	s3 =	ssub.s32 $0x0, s20;
	[sflag:s22] =	ssyncset.done $0x0  }
0xa0: {  	[sflag:s22] =	ssyncadd.s32 s3;
	_ =	sdelay $0x1  }
0xa1: {  	s23 =	simm.s32 $0x1B8B  }
0xa2: {  	_ =	swait.ge [sflag:s23], $0x1  }
0xa3: {  	[sflag:s23] =	ssyncset.done $0x0  }
0xa4: {  	s25 =	simm.s32 $0x1B8E;
	s24 =	sld [smem:$0x3FFE];
	[sflag:s23] =	ssyncadd.s32 $0xFFFFFFFF  }
0xa5: {  	s26 =	simm.s32 $execute0_lowered;
	[smem:$0x3FD2] =	sst s25  }
0xa6: {  	s4 =	sshll.u32 s26, $0x1;
	_ =	strace $0x80000046;
	[dreg:$0x1] =	wrdreg $0xFFFFFFFF  }
0xa7: {  	s28 =	simm.s32 $_size_execute0_lowered;
	s2 =	sadd.s32 s2, s4;
	[dreg:$0x0] =	wrdreg $0x0  }
0xa8: {  	s4 =	sshll.u32 s28, $0x1;
	[dreg:$0x2] =	wrdreg s2  }
0xa9: {  	[dreg:$0x3] =	wrdreg s4  }
0xaa: {  	[dreg:$0x4] =	wrdreg $0xC0  }
0xab: {  	_ =	task [dreg:s6], $0x5FFFF  }
0xac: {  	[dreg:$0x1] =	wrdreg $0xFFFFFFFF  }
0xad: {  	[dreg:$0x0] =	wrdreg $0x60  }
0xae: {  	[dreg:$0x2] =	wrdreg s24  }
0xaf: {  	[dreg:$0x3] =	wrdreg $0xF3200  }
0xb0: {  	[dreg:$0x4] =	wrdreg $0x9  }
0xb1: {  	_ =	task.clear_ibuf [dreg:s6], $0x5FFFF;
	_ =	strace $0x90000046  }
0xb2: {  	s29 =	simm.s32 $0x9;
	_ =	strace $0x80000048  }
0xb3: {  	_ =	swait.ge [sflag:s29], $0x1  }
0xb4: {  	[sflag:s29] =	ssyncadd.s32 $0xFFFFFFFF  }
0xb5: {  	_ =	strace $0x90000048  }
0xb6: {  	_ =	sfence  }
0xb7: {  	s30 =	sld [smem:$0x0];
	_ =	sdelay $0x2  }
0xb8: {  	s31 =	sshll.u32 s1, $0xD;
	s1 =	sshrl.u32 s1, $0x2  }
0xb9: {  	s3 =	sand.u32 $0x4000, s31;
	s1 =	sadd.s32 s1, s30  }
0xba: {  	s0 =	sor.u32 s3, s0;
	s1 =	sshll.u32 s1, $0x11  }
0xbb: {  	s0 =	sor.u32 s1, s0  }
0xbc: {  	s0 =	sadd.s32 $0x8F2B, s0  }
0xbd: {  	[sflag:s0] =	ssyncadd.remote.s32 $0x1  }
0xbe: {  	_ =	sfence.sel $0xFFFF  }
0xbf: {  	[dreg:$0x0] =	wrdreg $0xFFFFFFFF;
	(pc) =	sbr.abs _section_cstart, $3  }
0xc0: {  	[dreg:$0x1] =	wrdreg $0xFFFFFFFF  }
0xc1: {  	_ =	task.clear_ibuf [dreg:s6], $0x2FFFF;
	_ =	strace $0x9FFFFFFF  }
0xc2: {  	(tm) =	ssettm $0x7FFFFFFF  }
0xc3: {  	_ =	shalt  }
tec
execute0_lowered:
.L_overlay_start_1:
0x0: {  	(tag) =	ssettag $0x1  }
0x1: {  	s0 =	srdreg.scid;
	s5 =	rddreg [dreg:$0x0]  }
0x2: {  	s2 =	rddreg [dreg:$0x1];
	s3 =	simm.s32 $0x0;
	s11 =	simm.s32 $0x80  }
0x3: {  	s12 =	simm.s32 $0x2780;
	s4 =	sand.u32 $0x1, s0;
	s0 =	stileid.u32  }
0x4: {  	[smem:$0x7FF] =	sst s3;
	s1 =	sshll.u32 s4, $0x4;
	s7 =	smul.u32 $0x9C80, s0  }
0x5: {  	s8 =	smul.u32 $0x27200, s4;
	s4 =	ssub.s32 $0x2, s4;
	s1 =	sor.u32 s0, s1  }
0x6: {  	p0 =	sgt.u32 s0, $0x3;
	s9 =	sshrl.u32 s4, $0x1;
	s6 =	smul.u32 $0x4F0, s1  }
0x7: {  	s1 =	rddreg [dreg:$0x2];
	_ =	strace $0x80000047;
	s8 =	sadd.s32 s7, s8  }
0x8: {  	s10 =	sshrl.u32 s7, $0x2;
	s9 =	ssub.s32 s4, s9;
	s8 =	sshrl.u32 s8, $0x3  }
0x9: {  	s4 =	sadd.s32 s10, s2;
	s10 =	simm.s32 $0x1;
	s6 =	sadd.s32 s6, s5  }
0xa: {  	s8 =	sadd.s32 s8, s5;
	s5 =	sadd.s32 $0xE00, s6;
	s6 =	sadd.s32 s7, s2  }
0xb: {  	v0 =	vimm.f32 $1.000000000e+00;
	v1 =	vimm.f32 $0.0e+00;
	s7 =	sadd.s32 $0xAC00, s8;
	s8 =	smax.u32 s9, $0x1;
	s9 =	simm.s32 $0x2F80  }
.LBB2_1:
0xc: {  	s13 =	simm.s32 $0x0  }
.LBB2_2:
0xd: {  	p1 =	sne.s32 s13, $0x1FC0  }
.Ltmp0:
0xe: {  	_ = 	snop;
	(pc) =	sbr.rel @p1 .LBB2_2-.Ltmp0, $3  }
0xf: {  	_ =	sdelay $0x1  }
0x10: {  	s14 =	sshra.s32 s13, $0x2  }
0x11: {  	s13 =	sadd.s32 $0x40, s13;
	[tilespmem:s14+$0x2780] =	vst v0  }
0x12: {  	s13 =	simm.s32 $0x40;
	s14 =	simm.s32 $0x0  }
.LBB2_4:
0x13: {  	p1 =	sne.s32 s13, $0x9C40;
	[tilespmem:s14+$0x2F80] =	vst v1;
	s14 =	smov.u32 s13;
	s13 =	sadd.s32 $0x40, s13  }
.Ltmp1:
0x14: {  	(pc) =	sbr.rel @p1 .LBB2_4-.Ltmp1, $2  }
0x15: {  	_ =	sdelay $0x2  }
0x16: {  	s14 =	sshra.s32 s14, $0x2  }
0x17: {  	[tilespmem:s14+$0x2F80] =	vst v1  }
0x18: {  	[spmem:s4] =	stream.linear.scatter [tilespmem:s9], [sflag:$0x1], $0x2720, $0x38;
	[tilespmem:$0x11A40] =	vst v63  }
0x19: {  	_ =	swait.ge [sflag:s10], $0x2720  }
0x1a: {  	[sflag:s10] =	ssyncset.done $0x0  }
0x1b: {  	s13 =	simm.s32 $0x0;
	[sflag:s10] =	ssyncadd.s32 $0xFFFFD8E0  }
0x1c: {  	[tilespmem:s13], [sflag:$0x1] =	stream.linear.gather [hbm4b:s5+s13], $0x2780, $0x38;
	[tilespmem:$0x11A40] =	vst v63  }
0x1d: {  	_ =	swait.ge [sflag:s10], $0x2780  }
0x1e: {  	[sflag:s10] =	ssyncset.done $0x0  }
0x1f: {  	[sflag:s10] =	ssyncadd.s32 $0xFFFFD880  }
0x20: {  	s31 =	simm.s32 $0x0;
	[bflag:$0x0] =	sbarrier.arrive $0xFFFF  }
0x21: {  	[spmem:s2] =	stream.indirect.scatter.add.f32 [tilespmem:s12], [sflag:$0x1], $0x10, s31, s11, $0xb8;
	[tilespmem:$0x11A40] =	vst v63  }
0x22: {  	_ =	swait.ge [sflag:s10], $0x800  }
0x23: {  	s13 =	simm.s32 $0x200;
	[sflag:s10] =	ssyncset.done $0x0  }
.LBB2_6:
0x24: {  	s14 =	sshra.s32 s13, $0x2;
	[sflag:s10] =	ssyncadd.s32 $0xFFFFF800;
	p1 =	sne.s32 s13, $0x9C00  }
0x25: {  	[spmem:s2] =	stream.indirect.scatter.add.f32 [tilespmem:s12], [sflag:$0x1], $0x10, s14, s11, $0xb8;
	[tilespmem:$0x11A40] =	vst v63  }
.Ltmp2:
0x26: {  	_ = 	snop;
	(pc) =	sbr.rel @p1 .LBB2_6-.Ltmp2, $4  }
0x27: {  	_ = 	snop  }
0x28: {  	s13 =	sadd.s32 $0x200, s13  }
0x29: {  	_ =	swait.ge [sflag:s10], $0x800  }
0x2a: {  	[sflag:s10] =	ssyncset.done $0x0  }
0x2b: {  	[sflag:s10] =	ssyncadd.s32 $0xFFFFF800  }
0x2c: {  	s13 =	simm.s32 @!p0 $0x56A0;
	s14 =	simm.s32 @!p0 $0x1;
	[bflag:$0x0] =	sbarrier.arrive $0xFFFF  }
0x2d: {  	[tilespmem:s13], [sflag:$0x1] =	stream.linear.gather @!p0 [spmem:s6], $0x9C80, $0x38;
	[tilespmem:$0x11A40] =	vst v63  }
0x2e: {  	s3 =	sadd.s32 $0x1, s3;
	_ =	swait.ge @!p0 [sflag:s14], $0x9C80  }
0x2f: {  	p1 =	sne.s32 s3, s8;
	[sflag:s14] =	ssyncset.done @!p0 $0x0  }
.Ltmp3:
0x30: {  	s15 =	simm.s32 @!p0 $0x0;
	[sflag:s14] =	ssyncadd.s32 @!p0 $0xFFFF6380;
	(pc) =	sbr.rel @p1 .LBB2_1-.Ltmp3, $4  }
0x31: {  	[hbm4b:s7+s15] =	stream.linear.scatter @!p0 [tilespmem:s13], [sflag:$0x1], $0x9C80, $0x38;
	[tilespmem:$0x11A40] =	vst v63  }
0x32: {  	_ =	swait.ge @!p0 [sflag:s14], $0x9C80  }
0x33: {  	[sflag:s14] =	ssyncset.done @!p0 $0x0  }
0x34: {  	[sflag:s14] =	ssyncadd.s32 @!p0 $0xFFFF6380  }
0x35: {  	_ =	sfence.sel $0x180000  }
0x36: {  	[bflag:$0x0] =	sbarrier.arrive $0xFFFF  }
0x37: {  	p0 =	sne.s32 s0, $0x0;
	_ =	strace $0x90000047  }
0x38: {  	s0 =	sadd.s32 @!p0 $0x100000, s1;
	[bflag:$0x2] =	sbarrier.arrive $0xFFFF  }
0x39: {  	[sflag:s0] =	ssyncadd.tile.s32 @!p0 $0x1;
	_ =	shalt  }
.Lfunc_end2:
_tile_overlayer_lowered:
.L_overlay_start_2:
0x3a: {  	(tag) =	ssettag $0x2  }
0x3b: {  	s0 =	rddreg [dreg:$0x0];
	s2 =	stileid.u32  }
0x3c: {  	s1 =	rddreg [dreg:$0x1];
	p0 =	sne.s32 s2, $0x0  }
0x3d: {  	s3 =	rddreg [dreg:$0x2];
	[bflag:$0x3] =	sbarrier.arrive $0xFFFF;
	s2 =	simm.s32 @!p0 $0x1C01  }
0x3e: {  	[timem:s3], [sflag:s2] =	dma.local @!p0 [hbm:s0], s1  }
0x3f: {  	s0 =	simm.s32 @!p0 $0x1  }
0x40: {  	_ =	swait.ge @!p0 [sflag:s0], s1  }
0x41: {  	s1 =	ssub.s32 @!p0 $0x0, s1;
	[sflag:s0] =	ssyncset.done @!p0 $0x0  }
0x42: {  	[sflag:s0] =	ssyncadd.s32 @!p0 s1  }
0x43: {  	[bflag:$0x3] =	sbarrier.arrive $0xFFFF  }
0x44: {  	_ =	shalt  }

</sc_bundles>
